<compile_context>
chip_gen: v7x
topology: tpu7x:2x2x1
jax: 0.10.2.dev20260603
libtpu: 0.0.44.dev20260713+nightly
codegen_flags: <defaults>
</compile_context>

<pallas_src>
import functools

import jax
import jax.numpy as jnp
from jax import lax
from jax.experimental import pallas as pl
from jax.experimental.pallas import tpu as pltpu
from jax.experimental.pallas import tpu_sc as plsc

N = 10000
D = 128
E = 320000
NC = 2
NS = 16
NW = NC * NS
N_PAD = 10240
CHUNK = 128
E_PAD = 327680
EDGES_PER_TILE = E_PAD // NW
CHUNKS_PER_TILE = EDGES_PER_TILE // CHUNK
ROWS_PER_TILE = N_PAD // NS


def _mesh():
    return plsc.VectorSubcoreMesh(core_axis_name="c", subcore_axis_name="s")


_HGRP = 8


def _sc_degree(dst_p2, ones1, zeros1):

    @functools.partial(
        pl.kernel,
        out_type=jax.ShapeDtypeStruct((NC * N_PAD,), jnp.float32),
        mesh=_mesh(),
        scratch_types=[
            pltpu.VMEM((CHUNKS_PER_TILE, CHUNK), jnp.int32),
            pltpu.VMEM((CHUNK,), jnp.float32),
            pltpu.VMEM_SHARED((N_PAD,), jnp.float32),
            pltpu.SemaphoreType.DMA,
        ],
    )
    def k(dst_hbm, ones_hbm, z_hbm, out_hbm, dst_v, ones_v, acc_sh, sem):
        c = lax.axis_index("c")
        s = lax.axis_index("s")
        w = c * NS + s
        row0 = s * ROWS_PER_TILE
        pltpu.sync_copy(z_hbm.at[pl.ds(row0, ROWS_PER_TILE)],
                        acc_sh.at[pl.ds(row0, ROWS_PER_TILE)])
        pltpu.sync_copy(ones_hbm, ones_v)
        pltpu.sync_copy(dst_hbm.at[pl.ds(w * CHUNKS_PER_TILE, CHUNKS_PER_TILE)],
                        dst_v)
        plsc.subcore_barrier()

        @pl.loop(0, CHUNKS_PER_TILE // _HGRP)
        def _(g):
            base = g * _HGRP
            hs = [pltpu.async_copy(ones_v, acc_sh.at[dst_v.at[base + b]],
                                   sem, add=True)
                  for b in range(_HGRP)]
            for h in hs:
                h.wait()

        plsc.subcore_barrier()
        pltpu.sync_copy(acc_sh.at[pl.ds(row0, ROWS_PER_TILE)],
                        out_hbm.at[pl.ds(c * N_PAD + row0, ROWS_PER_TILE)])

    return k(dst_p2, ones1, zeros1)


_NBUF = 2
_GSPLIT = 1
_SB_CHUNKS = 8
_SB = 10


def _sc_propagate(u, src_p2, dst_p2, zerosD):

    @functools.partial(
        pl.kernel,
        out_type=jax.ShapeDtypeStruct((NC, N_PAD, D), jnp.float32),
        mesh=_mesh(),
        scratch_types=[
            pltpu.VMEM((2, _SB_CHUNKS, CHUNK), jnp.int32),
            pltpu.VMEM((2, _SB_CHUNKS, CHUNK), jnp.int32),
            pltpu.VMEM((_NBUF, CHUNK, D), jnp.float32),
            pltpu.VMEM_SHARED((N_PAD, D), jnp.float32),
            pltpu.SemaphoreType.DMA,
            pltpu.SemaphoreType.DMA,
            pltpu.SemaphoreType.DMA,
        ],
    )
    def k(u_hbm, src_hbm, dst_hbm, z_hbm, out_hbm,
          src_v, dst_v, rows_v, acc_sh, sem_g, sem_s, sem_i):
        c = lax.axis_index("c")
        s = lax.axis_index("s")
        w = c * NS + s
        row0 = s * ROWS_PER_TILE
        pltpu.sync_copy(z_hbm.at[pl.ds(row0, ROWS_PER_TILE)],
                        acc_sh.at[pl.ds(row0, ROWS_PER_TILE)])
        chunk0 = w * CHUNKS_PER_TILE
        pltpu.sync_copy(src_hbm.at[pl.ds(chunk0, _SB_CHUNKS)], src_v.at[0])
        pltpu.sync_copy(dst_hbm.at[pl.ds(chunk0, _SB_CHUNKS)], dst_v.at[0])
        plsc.subcore_barrier()

        def process(buf):
            @pl.loop(0, _SB_CHUNKS // _NBUF)
            def _(g):
                base = g * _NBUF
                gh = []
                for b in range(_NBUF):
                    for h2 in range(_GSPLIT):
                        gw = CHUNK // _GSPLIT
                        gh.append(pltpu.async_copy(
                            u_hbm.at[src_v.at[buf, base + b, pl.ds(h2 * gw, gw)]],
                            rows_v.at[b, pl.ds(h2 * gw, gw)],
                            sem_g))
                sh = []
                for b in range(_NBUF):
                    for h2 in range(_GSPLIT):
                        gh[b * _GSPLIT + h2].wait()
                    sh.append(pltpu.async_copy(rows_v.at[b],
                                               acc_sh.at[dst_v.at[buf, base + b]],
                                               sem_s, add=True))
                for h in sh:
                    h.wait()

        @pl.loop(0, _SB // 2)
        def _(p):
            cb_odd = chunk0 + (2 * p + 1) * _SB_CHUNKS
            ihb = [pltpu.async_copy(src_hbm.at[pl.ds(cb_odd, _SB_CHUNKS)],
                                    src_v.at[1], sem_i),
                   pltpu.async_copy(dst_hbm.at[pl.ds(cb_odd, _SB_CHUNKS)],
                                    dst_v.at[1], sem_i)]
            process(0)
            for h in ihb:
                h.wait()
            nxt = chunk0 + jnp.where(p < _SB // 2 - 1, 2 * p + 2, 0) * _SB_CHUNKS
            iha = [pltpu.async_copy(src_hbm.at[pl.ds(nxt, _SB_CHUNKS)],
                                    src_v.at[0], sem_i),
                   pltpu.async_copy(dst_hbm.at[pl.ds(nxt, _SB_CHUNKS)],
                                    dst_v.at[0], sem_i)]
            process(1)
            for h in iha:
                h.wait()

        plsc.subcore_barrier()
        pltpu.sync_copy(acc_sh.at[pl.ds(row0, ROWS_PER_TILE)],
                        out_hbm.at[c, pl.ds(row0, ROWS_PER_TILE)])

    return k(u, src_p2, dst_p2, zerosD)


_BR = 1024


def _tc_mm(h, W):

    def k(h_ref, w_ref, o_ref):
        o_ref[...] = jnp.dot(h_ref[...], w_ref[...],
                             preferred_element_type=jnp.float32)

    return pl.pallas_call(
        k,
        grid=(N_PAD // _BR,),
        in_specs=[
            pl.BlockSpec((_BR, D), lambda i: (i, 0)),
            pl.BlockSpec((D, D), lambda i: (0, 0)),
        ],
        out_specs=pl.BlockSpec((_BR, D), lambda i: (i, 0)),
        out_shape=jax.ShapeDtypeStruct((N_PAD, D), jnp.float32),
    )(h, W)


def _tc_rsqrt_scale(hist, t):

    def k(hist_ref, t_ref, r_ref, u_ref):
        deg = hist_ref[0] + hist_ref[1] + 1.0
        r = lax.rsqrt(deg)
        r_col = r[:, None]
        r_ref[...] = r_col
        u_ref[...] = r_col * t_ref[...]

    return pl.pallas_call(
        k,
        grid=(N_PAD // _BR,),
        in_specs=[
            pl.BlockSpec((NC, _BR), lambda i: (0, i)),
            pl.BlockSpec((_BR, D), lambda i: (i, 0)),
        ],
        out_specs=[
            pl.BlockSpec((_BR, 1), lambda i: (i, 0)),
            pl.BlockSpec((_BR, D), lambda i: (i, 0)),
        ],
        out_shape=[
            jax.ShapeDtypeStruct((N_PAD, 1), jnp.float32),
            jax.ShapeDtypeStruct((N_PAD, D), jnp.float32),
        ],
    )(hist.reshape(NC, N_PAD), t)


def _tc_combine_mm(S, u, r, b, Wn):

    def k(s_ref, u_ref, r_ref, b_ref, w_ref, h_ref, un_ref):
        t = s_ref[0] + s_ref[1] + u_ref[...]
        h = jnp.maximum(r_ref[...] * t + b_ref[...], 0.0)
        h_ref[...] = h
        un_ref[...] = r_ref[...] * jnp.dot(h, w_ref[...],
                                           preferred_element_type=jnp.float32)

    return pl.pallas_call(
        k,
        grid=(N_PAD // _BR,),
        in_specs=[
            pl.BlockSpec((NC, _BR, D), lambda i: (0, i, 0)),
            pl.BlockSpec((_BR, D), lambda i: (i, 0)),
            pl.BlockSpec((_BR, 1), lambda i: (i, 0)),
            pl.BlockSpec((1, D), lambda i: (0, 0)),
            pl.BlockSpec((D, D), lambda i: (0, 0)),
        ],
        out_specs=[
            pl.BlockSpec((_BR, D), lambda i: (i, 0)),
            pl.BlockSpec((_BR, D), lambda i: (i, 0)),
        ],
        out_shape=[
            jax.ShapeDtypeStruct((N_PAD, D), jnp.float32),
            jax.ShapeDtypeStruct((N_PAD, D), jnp.float32),
        ],
    )(S, u, r, b, Wn)


def _tc_final_fused(S3, u3, r, b3, h1, h2, Wo, bo):
    n_cls = Wo.shape[1]

    def k(s_ref, u_ref, r_ref, b_ref, h1_ref, h2_ref, wo_ref, bo_ref, o_ref):
        t = s_ref[0] + s_ref[1] + u_ref[...]
        h3 = jnp.maximum(r_ref[...] * t + b_ref[...], 0.0)
        acc = jnp.dot(h1_ref[...], wo_ref[0:D, :],
                      preferred_element_type=jnp.float32)
        acc = acc + jnp.dot(h2_ref[...], wo_ref[D:2 * D, :],
                            preferred_element_type=jnp.float32)
        acc = acc + jnp.dot(h3, wo_ref[2 * D:3 * D, :],
                            preferred_element_type=jnp.float32)
        o_ref[...] = acc + bo_ref[...]

    return pl.pallas_call(
        k,
        grid=(N_PAD // _BR,),
        in_specs=[
            pl.BlockSpec((NC, _BR, D), lambda i: (0, i, 0)),
            pl.BlockSpec((_BR, D), lambda i: (i, 0)),
            pl.BlockSpec((_BR, 1), lambda i: (i, 0)),
            pl.BlockSpec((1, D), lambda i: (0, 0)),
            pl.BlockSpec((_BR, D), lambda i: (i, 0)),
            pl.BlockSpec((_BR, D), lambda i: (i, 0)),
            pl.BlockSpec((3 * D, n_cls), lambda i: (0, 0)),
            pl.BlockSpec((1, n_cls), lambda i: (0, 0)),
        ],
        out_specs=pl.BlockSpec((_BR, n_cls), lambda i: (i, 0)),
        out_shape=jax.ShapeDtypeStruct((N_PAD, n_cls), jnp.float32),
    )(S3, u3, r, b3, h1, h2, Wo, bo)


def kernel(x, edge_index, W1, b1, W2, b2, W3, b3, Wo, bo):
    src = edge_index[0].astype(jnp.int32)
    dst = edge_index[1].astype(jnp.int32)
    pad = N + (jnp.arange(E_PAD - E, dtype=jnp.int32) % (N_PAD - N))
    src_p = jnp.concatenate([src, pad]).reshape(E_PAD // CHUNK, CHUNK)
    dst_p = jnp.concatenate([dst, pad]).reshape(E_PAD // CHUNK, CHUNK)
    ones1 = jnp.ones((CHUNK,), jnp.float32)
    zeros1 = jnp.zeros((N_PAD,), jnp.float32)
    zerosD = jnp.zeros((N_PAD, D), jnp.float32)
    x_p = jnp.zeros((N_PAD, D), jnp.float32).at[:N].set(x)

    hist = _sc_degree(dst_p, ones1, zeros1)
    t1 = _tc_mm(x_p, W1)
    r, u1 = _tc_rsqrt_scale(hist, t1)

    S1 = _sc_propagate(u1, src_p, dst_p, zerosD)
    h1, u2 = _tc_combine_mm(S1, u1, r, b1.reshape(1, D), W2)
    S2 = _sc_propagate(u2, src_p, dst_p, zerosD)
    h2, u3 = _tc_combine_mm(S2, u2, r, b2.reshape(1, D), W3)
    S3 = _sc_propagate(u3, src_p, dst_p, zerosD)
    out = _tc_final_fused(S3, u3, r, b3.reshape(1, D), h1, h2,
                          Wo, bo.reshape(1, -1))
    return out[:N]

# --- scband reference (transcript-rebuilt; emitter-appended) ---
"""Pipeline reference for scband-jknet-7662221656815 (READ-ONLY COPY).

The authoritative reference and input builder live on the scoring server;
editing this copy changes nothing except your own understanding.
"""

import jax, jax.numpy as jnp
import numpy as np

N_NODES = 10000
N_EDGES = 320000
D_IN = 128
D_HID = 128
N_CLASSES = 40
N_LAYERS = 3


def setup_inputs(seed: int = 0) -> dict:
    key = jax.random.key(seed)
    ks = jax.random.split(key, 12)
    x = jax.random.normal(ks[0], (N_NODES, D_IN), dtype=jnp.float32)
    edge_index = jax.random.randint(ks[1], (2, N_EDGES), 0, N_NODES, dtype=jnp.int64)
    # GCNConv-style glorot weights + zero bias per layer
    def glorot(k, fan_in, fan_out):
        limit = np.sqrt(6.0 / (fan_in + fan_out))
        return jax.random.uniform(k, (fan_in, fan_out), dtype=jnp.float32, minval=-limit, maxval=limit)
    W1 = glorot(ks[2], D_IN, D_HID)
    b1 = jnp.zeros((D_HID,), dtype=jnp.float32)
    W2 = glorot(ks[3], D_HID, D_HID)
    b2 = jnp.zeros((D_HID,), dtype=jnp.float32)
    W3 = glorot(ks[4], D_HID, D_HID)
    b3 = jnp.zeros((D_HID,), dtype=jnp.float32)
    Wo = glorot(ks[5], N_LAYERS * D_HID, N_CLASSES)
    bo = jnp.zeros((N_CLASSES,), dtype=jnp.float32)
    return {"x": x, "edge_index": edge_index, "W1": W1, "b1": b1, "W2": W2, "b2": b2, "W3": W3, "b3": b3, "Wo": Wo, "bo": bo}


def reference(x, edge_index, W1, b1, W2, b2, W3, b3, Wo, bo):
    N = x.shape[0]
    # GCN normalization with added self-loops (PyG GCNConv default)
    loop = jnp.arange(N, dtype=edge_index.dtype)
    src = jnp.concatenate([edge_index[0], loop])
    dst = jnp.concatenate([edge_index[1], loop])
    deg = jnp.zeros((N,), dtype=x.dtype).at[dst].add(1.0)
    dinv = jnp.where(deg > 0, deg ** -0.5, 0.0)
    norm = dinv[src] * dinv[dst]

    def gcn_conv(h, W, b):
        h = h @ W                       # transform first
        msg = h[src] * norm[:, None]    # gather + edge-scale
        out = jnp.zeros((N, W.shape[1]), dtype=h.dtype).at[dst].add(msg)  # scatter-add
        return out + b

    activations = []
    h = x
    for W, b in ((W1, b1), (W2, b2), (W3, b3)):
        h = gcn_conv(h, W, b)
        h = jax.nn.relu(h)  # dropout p=0.0 is identity
        activations.append(h)
    cat = jnp.concatenate(activations, axis=1)  # JK 'cat' aggregation
    return cat @ Wo + bo

if __name__ == "__main__":
    import jax
    _d = setup_inputs()
    print(jax.jit(kernel)(*tuple(_d.values())))

</pallas_src>

<mosaic_0001>
#map = affine_map<(d0, d1) -> (0, 0)>
#map1 = affine_map<(d0, d1) -> (0, 0, 0)>
module attributes {stable_mosaic.version = 14 : i64} {
  func.func @k(%arg0: i32, %arg1: i32, %arg2: memref<10240x128xf32, #tpu.memory_space<hbm>>, %arg3: memref<2560x128xi32, #tpu.memory_space<hbm>>, %arg4: memref<2560x128xi32, #tpu.memory_space<hbm>>, %arg5: memref<10240x128xf32, #tpu.memory_space<hbm>>, %arg6: memref<2x10240x128xf32, #tpu.memory_space<hbm>>, %arg7: memref<2x8x128xi32, #tpu.memory_space<vmem>>, %arg8: memref<2x8x128xi32, #tpu.memory_space<vmem>>, %arg9: memref<2x128x128xf32, #tpu.memory_space<vmem>>, %arg10: memref<10240x128xf32, #tpu.memory_space<vmem_shared>>, %arg11: memref<!tpu.dma_semaphore, #tpu.memory_space<semaphore_mem>>, %arg12: memref<!tpu.dma_semaphore, #tpu.memory_space<semaphore_mem>>, %arg13: memref<!tpu.dma_semaphore, #tpu.memory_space<semaphore_mem>>) attributes {dimension_semantics = [#tpu.dimension_semantics<core_parallel>, #tpu.dimension_semantics<subcore_parallel>], iteration_bounds = array<i64: 2, 16>, scalar_prefetch = 0 : i64, scratch_operands = 7 : i64, tpu.core_type = #tpu.core_type<sc_vector_subcore>, window_params = [{transform_indices = #map}, {transform_indices = #map}, {transform_indices = #map}, {transform_indices = #map}, {transform_indices = #map1}]} {
    %mul3A = arith.constant 16 : i32
    %mul3A_0 = arith.muli %arg0, %mul3A : i32
    %add3A = arith.addi %mul3A_0, %arg1 : i32
    %mul3A_1 = arith.constant 640 : i32
    %mul3A_2 = arith.muli %arg1, %mul3A_1 : i32
    "tpu.region"() ({
      %run_scoped3A_11 = tpu.sem_alloc : memref<!tpu.dma_semaphore, #tpu.memory_space<semaphore_mem>>
      %dma_start3A = arith.constant 0 : i32
      %dma_start3A_12 = tpu.memref_slice %arg10[%mul3A_2, %dma_start3A] : memref<10240x128xf32, #tpu.memory_space<vmem_shared>> -> memref<640x128xf32, #tpu.memory_space<vmem_shared>>
      %dma_start3A_13 = arith.constant 0 : i32
      %dma_start3A_14 = tpu.memref_slice %arg5[%mul3A_2, %dma_start3A_13] : memref<10240x128xf32, #tpu.memory_space<hbm>> -> memref<640x128xf32, #tpu.memory_space<hbm>>
      tpu.enqueue_dma source(%dma_start3A_14 : memref<640x128xf32, #tpu.memory_space<hbm>>) target(%dma_start3A_12 : memref<640x128xf32, #tpu.memory_space<vmem_shared>>) target_semaphore(%run_scoped3A_11 : memref<!tpu.dma_semaphore, #tpu.memory_space<semaphore_mem>>)
      %dma_wait3A = arith.constant 0 : i32
      %dma_wait3A_15 = tpu.memref_slice %arg10[%mul3A_2, %dma_wait3A] : memref<10240x128xf32, #tpu.memory_space<vmem_shared>> -> memref<640x128xf32, #tpu.memory_space<vmem_shared>>
      %dma_wait3A_16 = arith.constant 0 : i32
      %dma_wait3A_17 = tpu.memref_slice %arg5[%mul3A_2, %dma_wait3A_16] : memref<10240x128xf32, #tpu.memory_space<hbm>> -> memref<640x128xf32, #tpu.memory_space<hbm>>
      tpu.wait_dma2 semaphore(%run_scoped3A_11 : memref<!tpu.dma_semaphore, #tpu.memory_space<semaphore_mem>>) src(%dma_wait3A_17 : memref<640x128xf32, #tpu.memory_space<hbm>>) dst(%dma_wait3A_15 : memref<640x128xf32, #tpu.memory_space<vmem_shared>>)
      tpu.yield
    }) : () -> ()
    %mul3A_3 = arith.constant 80 : i32
    %mul3A_4 = arith.muli %add3A, %mul3A_3 : i32
    %run_scoped3A = arith.constant 0 : i32
    "tpu.region"() ({
      %run_scoped3A_11 = tpu.sem_alloc : memref<!tpu.dma_semaphore, #tpu.memory_space<semaphore_mem>>
      %dma_start3A = arith.constant 0 : i32
      %dma_start3A_12 = arith.constant 0 : i32
      %dma_start3A_13 = tpu.memref_slice %arg7[%run_scoped3A, %dma_start3A, %dma_start3A_12] : memref<2x8x128xi32, #tpu.memory_space<vmem>> -> memref<1x8x128xi32, #tpu.memory_space<vmem>>
      %dma_start3A_14 = tpu.memref_squeeze %dma_start3A_13 : memref<1x8x128xi32, #tpu.memory_space<vmem>> -> memref<8x128xi32, #tpu.memory_space<vmem>>
      %dma_start3A_15 = arith.constant 0 : i32
      %dma_start3A_16 = tpu.memref_slice %arg3[%mul3A_4, %dma_start3A_15] : memref<2560x128xi32, #tpu.memory_space<hbm>> -> memref<8x128xi32, #tpu.memory_space<hbm>>
      %dma_start3A_17 = arith.constant 0 : i32
      %dma_start3A_18 = arith.constant 0 : i32
      %dma_start3A_19 = tpu.memref_slice %arg7[%run_scoped3A, %dma_start3A_17, %dma_start3A_18] : memref<2x8x128xi32, #tpu.memory_space<vmem>> -> memref<1x8x128xi32, #tpu.memory_space<vmem>>
      %dma_start3A_20 = tpu.memref_squeeze %dma_start3A_19 : memref<1x8x128xi32, #tpu.memory_space<vmem>> -> memref<8x128xi32, #tpu.memory_space<vmem>>
      %dma_start3A_21 = arith.constant 0 : i32
      %dma_start3A_22 = tpu.memref_slice %arg3[%mul3A_4, %dma_start3A_21] : memref<2560x128xi32, #tpu.memory_space<hbm>> -> memref<8x128xi32, #tpu.memory_space<hbm>>
      tpu.enqueue_dma source(%dma_start3A_22 : memref<8x128xi32, #tpu.memory_space<hbm>>) target(%dma_start3A_20 : memref<8x128xi32, #tpu.memory_space<vmem>>) target_semaphore(%run_scoped3A_11 : memref<!tpu.dma_semaphore, #tpu.memory_space<semaphore_mem>>)
      %dma_wait3A = arith.constant 0 : i32
      %dma_wait3A_23 = arith.constant 0 : i32
      %dma_wait3A_24 = tpu.memref_slice %arg7[%run_scoped3A, %dma_wait3A, %dma_wait3A_23] : memref<2x8x128xi32, #tpu.memory_space<vmem>> -> memref<1x8x128xi32, #tpu.memory_space<vmem>>
      %dma_wait3A_25 = tpu.memref_squeeze %dma_wait3A_24 : memref<1x8x128xi32, #tpu.memory_space<vmem>> -> memref<8x128xi32, #tpu.memory_space<vmem>>
      %dma_wait3A_26 = arith.constant 0 : i32
      %dma_wait3A_27 = tpu.memref_slice %arg3[%mul3A_4, %dma_wait3A_26] : memref<2560x128xi32, #tpu.memory_space<hbm>> -> memref<8x128xi32, #tpu.memory_space<hbm>>
      %dma_wait3A_28 = arith.constant 0 : i32
      %dma_wait3A_29 = arith.constant 0 : i32
      %dma_wait3A_30 = tpu.memref_slice %arg7[%run_scoped3A, %dma_wait3A_28, %dma_wait3A_29] : memref<2x8x128xi32, #tpu.memory_space<vmem>> -> memref<1x8x128xi32, #tpu.memory_space<vmem>>
      %dma_wait3A_31 = tpu.memref_squeeze %dma_wait3A_30 : memref<1x8x128xi32, #tpu.memory_space<vmem>> -> memref<8x128xi32, #tpu.memory_space<vmem>>
      %dma_wait3A_32 = arith.constant 0 : i32
      %dma_wait3A_33 = tpu.memref_slice %arg3[%mul3A_4, %dma_wait3A_32] : memref<2560x128xi32, #tpu.memory_space<hbm>> -> memref<8x128xi32, #tpu.memory_space<hbm>>
      tpu.wait_dma2 semaphore(%run_scoped3A_11 : memref<!tpu.dma_semaphore, #tpu.memory_space<semaphore_mem>>) src(%dma_wait3A_33 : memref<8x128xi32, #tpu.memory_space<hbm>>) dst(%dma_wait3A_31 : memref<8x128xi32, #tpu.memory_space<vmem>>)
      tpu.yield
    }) : () -> ()
    %run_scoped3A_5 = arith.constant 0 : i32
    "tpu.region"() ({
      %run_scoped3A_11 = tpu.sem_alloc : memref<!tpu.dma_semaphore, #tpu.memory_space<semaphore_mem>>
      %dma_start3A = arith.constant 0 : i32
      %dma_start3A_12 = arith.constant 0 : i32
      %dma_start3A_13 = tpu.memref_slice %arg8[%run_scoped3A_5, %dma_start3A, %dma_start3A_12] : memref<2x8x128xi32, #tpu.memory_space<vmem>> -> memref<1x8x128xi32, #tpu.memory_space<vmem>>
      %dma_start3A_14 = tpu.memref_squeeze %dma_start3A_13 : memref<1x8x128xi32, #tpu.memory_space<vmem>> -> memref<8x128xi32, #tpu.memory_space<vmem>>
      %dma_start3A_15 = arith.constant 0 : i32
      %dma_start3A_16 = tpu.memref_slice %arg4[%mul3A_4, %dma_start3A_15] : memref<2560x128xi32, #tpu.memory_space<hbm>> -> memref<8x128xi32, #tpu.memory_space<hbm>>
      %dma_start3A_17 = arith.constant 0 : i32
      %dma_start3A_18 = arith.constant 0 : i32
      %dma_start3A_19 = tpu.memref_slice %arg8[%run_scoped3A_5, %dma_start3A_17, %dma_start3A_18] : memref<2x8x128xi32, #tpu.memory_space<vmem>> -> memref<1x8x128xi32, #tpu.memory_space<vmem>>
      %dma_start3A_20 = tpu.memref_squeeze %dma_start3A_19 : memref<1x8x128xi32, #tpu.memory_space<vmem>> -> memref<8x128xi32, #tpu.memory_space<vmem>>
      %dma_start3A_21 = arith.constant 0 : i32
      %dma_start3A_22 = tpu.memref_slice %arg4[%mul3A_4, %dma_start3A_21] : memref<2560x128xi32, #tpu.memory_space<hbm>> -> memref<8x128xi32, #tpu.memory_space<hbm>>
      tpu.enqueue_dma source(%dma_start3A_22 : memref<8x128xi32, #tpu.memory_space<hbm>>) target(%dma_start3A_20 : memref<8x128xi32, #tpu.memory_space<vmem>>) target_semaphore(%run_scoped3A_11 : memref<!tpu.dma_semaphore, #tpu.memory_space<semaphore_mem>>)
      %dma_wait3A = arith.constant 0 : i32
      %dma_wait3A_23 = arith.constant 0 : i32
      %dma_wait3A_24 = tpu.memref_slice %arg8[%run_scoped3A_5, %dma_wait3A, %dma_wait3A_23] : memref<2x8x128xi32, #tpu.memory_space<vmem>> -> memref<1x8x128xi32, #tpu.memory_space<vmem>>
      %dma_wait3A_25 = tpu.memref_squeeze %dma_wait3A_24 : memref<1x8x128xi32, #tpu.memory_space<vmem>> -> memref<8x128xi32, #tpu.memory_space<vmem>>
      %dma_wait3A_26 = arith.constant 0 : i32
      %dma_wait3A_27 = tpu.memref_slice %arg4[%mul3A_4, %dma_wait3A_26] : memref<2560x128xi32, #tpu.memory_space<hbm>> -> memref<8x128xi32, #tpu.memory_space<hbm>>
      %dma_wait3A_28 = arith.constant 0 : i32
      %dma_wait3A_29 = arith.constant 0 : i32
      %dma_wait3A_30 = tpu.memref_slice %arg8[%run_scoped3A_5, %dma_wait3A_28, %dma_wait3A_29] : memref<2x8x128xi32, #tpu.memory_space<vmem>> -> memref<1x8x128xi32, #tpu.memory_space<vmem>>
      %dma_wait3A_31 = tpu.memref_squeeze %dma_wait3A_30 : memref<1x8x128xi32, #tpu.memory_space<vmem>> -> memref<8x128xi32, #tpu.memory_space<vmem>>
      %dma_wait3A_32 = arith.constant 0 : i32
      %dma_wait3A_33 = tpu.memref_slice %arg4[%mul3A_4, %dma_wait3A_32] : memref<2560x128xi32, #tpu.memory_space<hbm>> -> memref<8x128xi32, #tpu.memory_space<hbm>>
      tpu.wait_dma2 semaphore(%run_scoped3A_11 : memref<!tpu.dma_semaphore, #tpu.memory_space<semaphore_mem>>) src(%dma_wait3A_33 : memref<8x128xi32, #tpu.memory_space<hbm>>) dst(%dma_wait3A_31 : memref<8x128xi32, #tpu.memory_space<vmem>>)
      tpu.yield
    }) : () -> ()
    %barrier3A = arith.constant 0 : index
    tpu.barrier barrier_id(%barrier3A)
    %scan3A = arith.constant 0 : i32
    %scan3A_6 = arith.constant 5 : i32
    %scan3A_7 = arith.addi %scan3A, %scan3A_6 : i32
    %scan3A_8 = arith.constant 1 : i32
    scf.for %scan3A_11 = %scan3A to %scan3A_7 step %scan3A_8  : i32 {
      %mul3A_12 = arith.constant 1 : i32
      %mul3A_13 = arith.muli %scan3A_11, %mul3A_12 : i32
      %add3A_14 = arith.constant 0 : i32
      %add3A_15 = arith.addi %add3A_14, %mul3A_13 : i32
      %mul3A_16 = arith.constant 2 : i32
      %mul3A_17 = arith.muli %mul3A_16, %add3A_15 : i32
      %add3A_18 = arith.constant 1 : i32
      %add3A_19 = arith.addi %mul3A_17, %add3A_18 : i32
      %mul3A_20 = arith.constant 8 : i32
      %mul3A_21 = arith.muli %add3A_19, %mul3A_20 : i32
      %add3A_22 = arith.addi %mul3A_4, %mul3A_21 : i32
      %dma_start3A = arith.constant 1 : i32
      %dma_start3A_23 = arith.constant 0 : i32
      %dma_start3A_24 = arith.constant 0 : i32
      %dma_start3A_25 = tpu.memref_slice %arg7[%dma_start3A, %dma_start3A_23, %dma_start3A_24] : memref<2x8x128xi32, #tpu.memory_space<vmem>> -> memref<1x8x128xi32, #tpu.memory_space<vmem>>
      %dma_start3A_26 = tpu.memref_squeeze %dma_start3A_25 : memref<1x8x128xi32, #tpu.memory_space<vmem>> -> memref<8x128xi32, #tpu.memory_space<vmem>>
      %dma_start3A_27 = arith.constant 0 : i32
      %dma_start3A_28 = tpu.memref_slice %arg3[%add3A_22, %dma_start3A_27] : memref<2560x128xi32, #tpu.memory_space<hbm>> -> memref<8x128xi32, #tpu.memory_space<hbm>>
      %dma_start3A_29 = arith.constant 0 : i32
      %dma_start3A_30 = arith.constant 0 : i32
      %dma_start3A_31 = tpu.memref_slice %arg7[%dma_start3A, %dma_start3A_29, %dma_start3A_30] : memref<2x8x128xi32, #tpu.memory_space<vmem>> -> memref<1x8x128xi32, #tpu.memory_space<vmem>>
      %dma_start3A_32 = tpu.memref_squeeze %dma_start3A_31 : memref<1x8x128xi32, #tpu.memory_space<vmem>> -> memref<8x128xi32, #tpu.memory_space<vmem>>
      %dma_start3A_33 = arith.constant 0 : i32
      %dma_start3A_34 = tpu.memref_slice %arg3[%add3A_22, %dma_start3A_33] : memref<2560x128xi32, #tpu.memory_space<hbm>> -> memref<8x128xi32, #tpu.memory_space<hbm>>
      tpu.enqueue_dma source(%dma_start3A_34 : memref<8x128xi32, #tpu.memory_space<hbm>>) target(%dma_start3A_32 : memref<8x128xi32, #tpu.memory_space<vmem>>) target_semaphore(%arg13 : memref<!tpu.dma_semaphore, #tpu.memory_space<semaphore_mem>>)
      %dma_start3A_35 = arith.constant 1 : i32
      %dma_start3A_36 = arith.constant 0 : i32
      %dma_start3A_37 = arith.constant 0 : i32
      %dma_start3A_38 = tpu.memref_slice %arg8[%dma_start3A_35, %dma_start3A_36, %dma_start3A_37] : memref<2x8x128xi32, #tpu.memory_space<vmem>> -> memref<1x8x128xi32, #tpu.memory_space<vmem>>
      %dma_start3A_39 = tpu.memref_squeeze %dma_start3A_38 : memref<1x8x128xi32, #tpu.memory_space<vmem>> -> memref<8x128xi32, #tpu.memory_space<vmem>>
      %dma_start3A_40 = arith.constant 0 : i32
      %dma_start3A_41 = tpu.memref_slice %arg4[%add3A_22, %dma_start3A_40] : memref<2560x128xi32, #tpu.memory_space<hbm>> -> memref<8x128xi32, #tpu.memory_space<hbm>>
      %dma_start3A_42 = arith.constant 0 : i32
      %dma_start3A_43 = arith.constant 0 : i32
      %dma_start3A_44 = tpu.memref_slice %arg8[%dma_start3A_35, %dma_start3A_42, %dma_start3A_43] : memref<2x8x128xi32, #tpu.memory_space<vmem>> -> memref<1x8x128xi32, #tpu.memory_space<vmem>>
      %dma_start3A_45 = tpu.memref_squeeze %dma_start3A_44 : memref<1x8x128xi32, #tpu.memory_space<vmem>> -> memref<8x128xi32, #tpu.memory_space<vmem>>
      %dma_start3A_46 = arith.constant 0 : i32
      %dma_start3A_47 = tpu.memref_slice %arg4[%add3A_22, %dma_start3A_46] : memref<2560x128xi32, #tpu.memory_space<hbm>> -> memref<8x128xi32, #tpu.memory_space<hbm>>
      tpu.enqueue_dma source(%dma_start3A_47 : memref<8x128xi32, #tpu.memory_space<hbm>>) target(%dma_start3A_45 : memref<8x128xi32, #tpu.memory_space<vmem>>) target_semaphore(%arg13 : memref<!tpu.dma_semaphore, #tpu.memory_space<semaphore_mem>>)
      %scan3A_48 = arith.constant 0 : i32
      %scan3A_49 = arith.constant 4 : i32
      %scan3A_50 = arith.addi %scan3A_48, %scan3A_49 : i32
      %scan3A_51 = arith.constant 1 : i32
      scf.for %scan3A_143 = %scan3A_48 to %scan3A_50 step %scan3A_51  : i32 {
        %mul3A_144 = arith.constant 1 : i32
        %mul3A_145 = arith.muli %scan3A_143, %mul3A_144 : i32
        %add3A_146 = arith.constant 0 : i32
        %add3A_147 = arith.addi %add3A_146, %mul3A_145 : i32
        %mul3A_148 = arith.constant 2 : i32
        %mul3A_149 = arith.muli %add3A_147, %mul3A_148 : i32
        %add3A_150 = arith.constant 0 : i32
        %add3A_151 = arith.addi %mul3A_149, %add3A_150 : i32
        %dma_start3A_152 = arith.constant 0 : i32
        %dma_start3A_153 = arith.constant 0 : i32
        %dma_start3A_154 = arith.constant 0 : i32
        %dma_start3A_155 = arith.constant 0 : i32
        %dma_start3A_156 = tpu.memref_slice %arg9[%dma_start3A_153, %dma_start3A_154, %dma_start3A_155] : memref<2x128x128xf32, #tpu.memory_space<vmem>> -> memref<1x128x128xf32, #tpu.memory_space<vmem>>
        %dma_start3A_157 = tpu.memref_squeeze %dma_start3A_156 : memref<1x128x128xf32, #tpu.memory_space<vmem>> -> memref<128x128xf32, #tpu.memory_space<vmem>>
        %dma_start3A_158 = arith.constant 0 : i32
        %dma_start3A_159 = tpu.memref_slice %arg7[%dma_start3A_152, %add3A_151, %dma_start3A_158] : memref<2x8x128xi32, #tpu.memory_space<vmem>> -> memref<1x1x128xi32, #tpu.memory_space<vmem>>
        %dma_start3A_160 = tpu.memref_squeeze %dma_start3A_159 : memref<1x1x128xi32, #tpu.memory_space<vmem>> -> memref<128xi32, #tpu.memory_space<vmem>>
        %dma_start3A_161 = arith.constant 0 : i32
        %dma_start3A_162 = arith.constant 0 : i32
        %dma_start3A_163 = tpu.memref_slice %arg2[%dma_start3A_161, %dma_start3A_162] : memref<10240x128xf32, #tpu.memory_space<hbm>> -> memref<10240x128xf32, #tpu.memory_space<hbm>>
        tpu.enqueue_indirect_dma source(%dma_start3A_163 : memref<10240x128xf32, #tpu.memory_space<hbm>>) target(%dma_start3A_157 : memref<128x128xf32, #tpu.memory_space<vmem>>) offsets(%dma_start3A_160 : memref<128xi32, #tpu.memory_space<vmem>>) semaphore(%arg11 : memref<!tpu.dma_semaphore, #tpu.memory_space<semaphore_mem>>)
        %add3A_164 = arith.constant 1 : i32
        %add3A_165 = arith.addi %mul3A_149, %add3A_164 : i32
        %dma_start3A_166 = arith.constant 0 : i32
        %dma_start3A_167 = arith.constant 1 : i32
        %dma_start3A_168 = arith.constant 0 : i32
        %dma_start3A_169 = arith.constant 0 : i32
        %dma_start3A_170 = tpu.memref_slice %arg9[%dma_start3A_167, %dma_start3A_168, %dma_start3A_169] : memref<2x128x128xf32, #tpu.memory_space<vmem>> -> memref<1x128x128xf32, #tpu.memory_space<vmem>>
        %dma_start3A_171 = tpu.memref_squeeze %dma_start3A_170 : memref<1x128x128xf32, #tpu.memory_space<vmem>> -> memref<128x128xf32, #tpu.memory_space<vmem>>
        %dma_start3A_172 = arith.constant 0 : i32
        %dma_start3A_173 = tpu.memref_slice %arg7[%dma_start3A_166, %add3A_165, %dma_start3A_172] : memref<2x8x128xi32, #tpu.memory_space<vmem>> -> memref<1x1x128xi32, #tpu.memory_space<vmem>>
        %dma_start3A_174 = tpu.memref_squeeze %dma_start3A_173 : memref<1x1x128xi32, #tpu.memory_space<vmem>> -> memref<128xi32, #tpu.memory_space<vmem>>
        %dma_start3A_175 = arith.constant 0 : i32
        %dma_start3A_176 = arith.constant 0 : i32
        %dma_start3A_177 = tpu.memref_slice %arg2[%dma_start3A_175, %dma_start3A_176] : memref<10240x128xf32, #tpu.memory_space<hbm>> -> memref<10240x128xf32, #tpu.memory_space<hbm>>
        tpu.enqueue_indirect_dma source(%dma_start3A_177 : memref<10240x128xf32, #tpu.memory_space<hbm>>) target(%dma_start3A_171 : memref<128x128xf32, #tpu.memory_space<vmem>>) offsets(%dma_start3A_174 : memref<128xi32, #tpu.memory_space<vmem>>) semaphore(%arg11 : memref<!tpu.dma_semaphore, #tpu.memory_space<semaphore_mem>>)
        %dma_wait3A_178 = arith.constant 0 : i32
        %dma_wait3A_179 = arith.constant 0 : i32
        %dma_wait3A_180 = arith.constant 0 : i32
        %dma_wait3A_181 = arith.constant 0 : i32
        %dma_wait3A_182 = tpu.memref_slice %arg9[%dma_wait3A_179, %dma_wait3A_180, %dma_wait3A_181] : memref<2x128x128xf32, #tpu.memory_space<vmem>> -> memref<1x128x128xf32, #tpu.memory_space<vmem>>
        %dma_wait3A_183 = tpu.memref_squeeze %dma_wait3A_182 : memref<1x128x128xf32, #tpu.memory_space<vmem>> -> memref<128x128xf32, #tpu.memory_space<vmem>>
        %dma_wait3A_184 = arith.constant 0 : i32
        %dma_wait3A_185 = tpu.memref_slice %arg7[%dma_wait3A_178, %add3A_151, %dma_wait3A_184] : memref<2x8x128xi32, #tpu.memory_space<vmem>> -> memref<1x1x128xi32, #tpu.memory_space<vmem>>
        %dma_wait3A_186 = tpu.memref_squeeze %dma_wait3A_185 : memref<1x1x128xi32, #tpu.memory_space<vmem>> -> memref<128xi32, #tpu.memory_space<vmem>>
        %dma_wait3A_187 = arith.constant 0 : i32
        %dma_wait3A_188 = arith.constant 0 : i32
        %dma_wait3A_189 = tpu.memref_slice %arg2[%dma_wait3A_187, %dma_wait3A_188] : memref<10240x128xf32, #tpu.memory_space<hbm>> -> memref<10240x128xf32, #tpu.memory_space<hbm>>
        tpu.wait_indirect_dma semaphore(%arg11 : memref<!tpu.dma_semaphore, #tpu.memory_space<semaphore_mem>>) src(%dma_wait3A_189 : memref<10240x128xf32, #tpu.memory_space<hbm>>) dst(%dma_wait3A_183 : memref<128x128xf32, #tpu.memory_space<vmem>>)
        %add3A_190 = arith.constant 0 : i32
        %add3A_191 = arith.addi %mul3A_149, %add3A_190 : i32
        %dma_start3A_192 = arith.constant 0 : i32
        %dma_start3A_193 = arith.constant 0 : i32
        %dma_start3A_194 = arith.constant 0 : i32
        %dma_start3A_195 = arith.constant 0 : i32
        %dma_start3A_196 = tpu.memref_slice %arg9[%dma_start3A_192, %dma_start3A_194, %dma_start3A_195] : memref<2x128x128xf32, #tpu.memory_space<vmem>> -> memref<1x128x128xf32, #tpu.memory_space<vmem>>
        %dma_start3A_197 = tpu.memref_squeeze %dma_start3A_196 : memref<1x128x128xf32, #tpu.memory_space<vmem>> -> memref<128x128xf32, #tpu.memory_space<vmem>>
        %dma_start3A_198 = arith.constant 0 : i32
        %dma_start3A_199 = tpu.memref_slice %arg8[%dma_start3A_193, %add3A_191, %dma_start3A_198] : memref<2x8x128xi32, #tpu.memory_space<vmem>> -> memref<1x1x128xi32, #tpu.memory_space<vmem>>
        %dma_start3A_200 = tpu.memref_squeeze %dma_start3A_199 : memref<1x1x128xi32, #tpu.memory_space<vmem>> -> memref<128xi32, #tpu.memory_space<vmem>>
        %dma_start3A_201 = arith.constant 0 : i32
        %dma_start3A_202 = arith.constant 0 : i32
        %dma_start3A_203 = tpu.memref_slice %arg10[%dma_start3A_201, %dma_start3A_202] : memref<10240x128xf32, #tpu.memory_space<vmem_shared>> -> memref<10240x128xf32, #tpu.memory_space<vmem_shared>>
        tpu.enqueue_indirect_dma source(%dma_start3A_197 : memref<128x128xf32, #tpu.memory_space<vmem>>) target(%dma_start3A_203 : memref<10240x128xf32, #tpu.memory_space<vmem_shared>>) offsets(%dma_start3A_200 : memref<128xi32, #tpu.memory_space<vmem>>) semaphore(%arg12 : memref<!tpu.dma_semaphore, #tpu.memory_space<semaphore_mem>>) {add = true}
        %dma_wait3A_204 = arith.constant 0 : i32
        %dma_wait3A_205 = arith.constant 1 : i32
        %dma_wait3A_206 = arith.constant 0 : i32
        %dma_wait3A_207 = arith.constant 0 : i32
        %dma_wait3A_208 = tpu.memref_slice %arg9[%dma_wait3A_205, %dma_wait3A_206, %dma_wait3A_207] : memref<2x128x128xf32, #tpu.memory_space<vmem>> -> memref<1x128x128xf32, #tpu.memory_space<vmem>>
        %dma_wait3A_209 = tpu.memref_squeeze %dma_wait3A_208 : memref<1x128x128xf32, #tpu.memory_space<vmem>> -> memref<128x128xf32, #tpu.memory_space<vmem>>
        %dma_wait3A_210 = arith.constant 0 : i32
        %dma_wait3A_211 = tpu.memref_slice %arg7[%dma_wait3A_204, %add3A_165, %dma_wait3A_210] : memref<2x8x128xi32, #tpu.memory_space<vmem>> -> memref<1x1x128xi32, #tpu.memory_space<vmem>>
        %dma_wait3A_212 = tpu.memref_squeeze %dma_wait3A_211 : memref<1x1x128xi32, #tpu.memory_space<vmem>> -> memref<128xi32, #tpu.memory_space<vmem>>
        %dma_wait3A_213 = arith.constant 0 : i32
        %dma_wait3A_214 = arith.constant 0 : i32
        %dma_wait3A_215 = tpu.memref_slice %arg2[%dma_wait3A_213, %dma_wait3A_214] : memref<10240x128xf32, #tpu.memory_space<hbm>> -> memref<10240x128xf32, #tpu.memory_space<hbm>>
        tpu.wait_indirect_dma semaphore(%arg11 : memref<!tpu.dma_semaphore, #tpu.memory_space<semaphore_mem>>) src(%dma_wait3A_215 : memref<10240x128xf32, #tpu.memory_space<hbm>>) dst(%dma_wait3A_209 : memref<128x128xf32, #tpu.memory_space<vmem>>)
        %add3A_216 = arith.constant 1 : i32
        %add3A_217 = arith.addi %mul3A_149, %add3A_216 : i32
        %dma_start3A_218 = arith.constant 1 : i32
        %dma_start3A_219 = arith.constant 0 : i32
        %dma_start3A_220 = arith.constant 0 : i32
        %dma_start3A_221 = arith.constant 0 : i32
        %dma_start3A_222 = tpu.memref_slice %arg9[%dma_start3A_218, %dma_start3A_220, %dma_start3A_221] : memref<2x128x128xf32, #tpu.memory_space<vmem>> -> memref<1x128x128xf32, #tpu.memory_space<vmem>>
        %dma_start3A_223 = tpu.memref_squeeze %dma_start3A_222 : memref<1x128x128xf32, #tpu.memory_space<vmem>> -> memref<128x128xf32, #tpu.memory_space<vmem>>
        %dma_start3A_224 = arith.constant 0 : i32
        %dma_start3A_225 = tpu.memref_slice %arg8[%dma_start3A_219, %add3A_217, %dma_start3A_224] : memref<2x8x128xi32, #tpu.memory_space<vmem>> -> memref<1x1x128xi32, #tpu.memory_space<vmem>>
        %dma_start3A_226 = tpu.memref_squeeze %dma_start3A_225 : memref<1x1x128xi32, #tpu.memory_space<vmem>> -> memref<128xi32, #tpu.memory_space<vmem>>
        %dma_start3A_227 = arith.constant 0 : i32
        %dma_start3A_228 = arith.constant 0 : i32
        %dma_start3A_229 = tpu.memref_slice %arg10[%dma_start3A_227, %dma_start3A_228] : memref<10240x128xf32, #tpu.memory_space<vmem_shared>> -> memref<10240x128xf32, #tpu.memory_space<vmem_shared>>
        tpu.enqueue_indirect_dma source(%dma_start3A_223 : memref<128x128xf32, #tpu.memory_space<vmem>>) target(%dma_start3A_229 : memref<10240x128xf32, #tpu.memory_space<vmem_shared>>) offsets(%dma_start3A_226 : memref<128xi32, #tpu.memory_space<vmem>>) semaphore(%arg12 : memref<!tpu.dma_semaphore, #tpu.memory_space<semaphore_mem>>) {add = true}
        %dma_wait3A_230 = arith.constant 0 : i32
        %dma_wait3A_231 = arith.constant 0 : i32
        %dma_wait3A_232 = arith.constant 0 : i32
        %dma_wait3A_233 = arith.constant 0 : i32
        %dma_wait3A_234 = tpu.memref_slice %arg9[%dma_wait3A_230, %dma_wait3A_232, %dma_wait3A_233] : memref<2x128x128xf32, #tpu.memory_space<vmem>> -> memref<1x128x128xf32, #tpu.memory_space<vmem>>
        %dma_wait3A_235 = tpu.memref_squeeze %dma_wait3A_234 : memref<1x128x128xf32, #tpu.memory_space<vmem>> -> memref<128x128xf32, #tpu.memory_space<vmem>>
        %dma_wait3A_236 = arith.constant 0 : i32
        %dma_wait3A_237 = tpu.memref_slice %arg8[%dma_wait3A_231, %add3A_191, %dma_wait3A_236] : memref<2x8x128xi32, #tpu.memory_space<vmem>> -> memref<1x1x128xi32, #tpu.memory_space<vmem>>
        %dma_wait3A_238 = tpu.memref_squeeze %dma_wait3A_237 : memref<1x1x128xi32, #tpu.memory_space<vmem>> -> memref<128xi32, #tpu.memory_space<vmem>>
        %dma_wait3A_239 = arith.constant 0 : i32
        %dma_wait3A_240 = arith.constant 0 : i32
        %dma_wait3A_241 = tpu.memref_slice %arg10[%dma_wait3A_239, %dma_wait3A_240] : memref<10240x128xf32, #tpu.memory_space<vmem_shared>> -> memref<10240x128xf32, #tpu.memory_space<vmem_shared>>
        tpu.wait_indirect_dma semaphore(%arg12 : memref<!tpu.dma_semaphore, #tpu.memory_space<semaphore_mem>>) src(%dma_wait3A_235 : memref<128x128xf32, #tpu.memory_space<vmem>>) dst(%dma_wait3A_241 : memref<10240x128xf32, #tpu.memory_space<vmem_shared>>)
        %dma_wait3A_242 = arith.constant 1 : i32
        %dma_wait3A_243 = arith.constant 0 : i32
        %dma_wait3A_244 = arith.constant 0 : i32
        %dma_wait3A_245 = arith.constant 0 : i32
        %dma_wait3A_246 = tpu.memref_slice %arg9[%dma_wait3A_242, %dma_wait3A_244, %dma_wait3A_245] : memref<2x128x128xf32, #tpu.memory_space<vmem>> -> memref<1x128x128xf32, #tpu.memory_space<vmem>>
        %dma_wait3A_247 = tpu.memref_squeeze %dma_wait3A_246 : memref<1x128x128xf32, #tpu.memory_space<vmem>> -> memref<128x128xf32, #tpu.memory_space<vmem>>
        %dma_wait3A_248 = arith.constant 0 : i32
        %dma_wait3A_249 = tpu.memref_slice %arg8[%dma_wait3A_243, %add3A_217, %dma_wait3A_248] : memref<2x8x128xi32, #tpu.memory_space<vmem>> -> memref<1x1x128xi32, #tpu.memory_space<vmem>>
        %dma_wait3A_250 = tpu.memref_squeeze %dma_wait3A_249 : memref<1x1x128xi32, #tpu.memory_space<vmem>> -> memref<128xi32, #tpu.memory_space<vmem>>
        %dma_wait3A_251 = arith.constant 0 : i32
        %dma_wait3A_252 = arith.constant 0 : i32
        %dma_wait3A_253 = tpu.memref_slice %arg10[%dma_wait3A_251, %dma_wait3A_252] : memref<10240x128xf32, #tpu.memory_space<vmem_shared>> -> memref<10240x128xf32, #tpu.memory_space<vmem_shared>>
        tpu.wait_indirect_dma semaphore(%arg12 : memref<!tpu.dma_semaphore, #tpu.memory_space<semaphore_mem>>) src(%dma_wait3A_247 : memref<128x128xf32, #tpu.memory_space<vmem>>) dst(%dma_wait3A_253 : memref<10240x128xf32, #tpu.memory_space<vmem_shared>>)
      }
      %scan3A_52 = arith.constant 4 : i32
      %dma_wait3A = arith.constant 1 : i32
      %dma_wait3A_53 = arith.constant 0 : i32
      %dma_wait3A_54 = arith.constant 0 : i32
      %dma_wait3A_55 = tpu.memref_slice %arg7[%dma_wait3A, %dma_wait3A_53, %dma_wait3A_54] : memref<2x8x128xi32, #tpu.memory_space<vmem>> -> memref<1x8x128xi32, #tpu.memory_space<vmem>>
      %dma_wait3A_56 = tpu.memref_squeeze %dma_wait3A_55 : memref<1x8x128xi32, #tpu.memory_space<vmem>> -> memref<8x128xi32, #tpu.memory_space<vmem>>
      %dma_wait3A_57 = arith.constant 0 : i32
      %dma_wait3A_58 = tpu.memref_slice %arg3[%add3A_22, %dma_wait3A_57] : memref<2560x128xi32, #tpu.memory_space<hbm>> -> memref<8x128xi32, #tpu.memory_space<hbm>>
      %dma_wait3A_59 = arith.constant 0 : i32
      %dma_wait3A_60 = arith.constant 0 : i32
      %dma_wait3A_61 = tpu.memref_slice %arg7[%dma_wait3A, %dma_wait3A_59, %dma_wait3A_60] : memref<2x8x128xi32, #tpu.memory_space<vmem>> -> memref<1x8x128xi32, #tpu.memory_space<vmem>>
      %dma_wait3A_62 = tpu.memref_squeeze %dma_wait3A_61 : memref<1x8x128xi32, #tpu.memory_space<vmem>> -> memref<8x128xi32, #tpu.memory_space<vmem>>
      %dma_wait3A_63 = arith.constant 0 : i32
      %dma_wait3A_64 = tpu.memref_slice %arg3[%add3A_22, %dma_wait3A_63] : memref<2560x128xi32, #tpu.memory_space<hbm>> -> memref<8x128xi32, #tpu.memory_space<hbm>>
      tpu.wait_dma2 semaphore(%arg13 : memref<!tpu.dma_semaphore, #tpu.memory_space<semaphore_mem>>) src(%dma_wait3A_64 : memref<8x128xi32, #tpu.memory_space<hbm>>) dst(%dma_wait3A_62 : memref<8x128xi32, #tpu.memory_space<vmem>>)
      %dma_wait3A_65 = arith.constant 1 : i32
      %dma_wait3A_66 = arith.constant 0 : i32
      %dma_wait3A_67 = arith.constant 0 : i32
      %dma_wait3A_68 = tpu.memref_slice %arg8[%dma_wait3A_65, %dma_wait3A_66, %dma_wait3A_67] : memref<2x8x128xi32, #tpu.memory_space<vmem>> -> memref<1x8x128xi32, #tpu.memory_space<vmem>>
      %dma_wait3A_69 = tpu.memref_squeeze %dma_wait3A_68 : memref<1x8x128xi32, #tpu.memory_space<vmem>> -> memref<8x128xi32, #tpu.memory_space<vmem>>
      %dma_wait3A_70 = arith.constant 0 : i32
      %dma_wait3A_71 = tpu.memref_slice %arg4[%add3A_22, %dma_wait3A_70] : memref<2560x128xi32, #tpu.memory_space<hbm>> -> memref<8x128xi32, #tpu.memory_space<hbm>>
      %dma_wait3A_72 = arith.constant 0 : i32
      %dma_wait3A_73 = arith.constant 0 : i32
      %dma_wait3A_74 = tpu.memref_slice %arg8[%dma_wait3A_65, %dma_wait3A_72, %dma_wait3A_73] : memref<2x8x128xi32, #tpu.memory_space<vmem>> -> memref<1x8x128xi32, #tpu.memory_space<vmem>>
      %dma_wait3A_75 = tpu.memref_squeeze %dma_wait3A_74 : memref<1x8x128xi32, #tpu.memory_space<vmem>> -> memref<8x128xi32, #tpu.memory_space<vmem>>
      %dma_wait3A_76 = arith.constant 0 : i32
      %dma_wait3A_77 = tpu.memref_slice %arg4[%add3A_22, %dma_wait3A_76] : memref<2560x128xi32, #tpu.memory_space<hbm>> -> memref<8x128xi32, #tpu.memory_space<hbm>>
      tpu.wait_dma2 semaphore(%arg13 : memref<!tpu.dma_semaphore, #tpu.memory_space<semaphore_mem>>) src(%dma_wait3A_77 : memref<8x128xi32, #tpu.memory_space<hbm>>) dst(%dma_wait3A_75 : memref<8x128xi32, #tpu.memory_space<vmem>>)
      %lt3A = arith.constant 4 : i32
      %lt3A_78 = arith.cmpi slt, %add3A_15, %lt3A : i32
      %mul3A_79 = arith.constant 2 : i32
      %mul3A_80 = arith.muli %mul3A_79, %add3A_15 : i32
      %add3A_81 = arith.constant 2 : i32
      %add3A_82 = arith.addi %mul3A_80, %add3A_81 : i32
      %jit3A = arith.constant 0 : i32
      %select_n3A = arith.select %lt3A_78, %add3A_82, %jit3A : i32
      %mul3A_83 = arith.constant 8 : i32
      %mul3A_84 = arith.muli %select_n3A, %mul3A_83 : i32
      %add3A_85 = arith.addi %mul3A_4, %mul3A_84 : i32
      %dma_start3A_86 = arith.constant 0 : i32
      %dma_start3A_87 = arith.constant 0 : i32
      %dma_start3A_88 = arith.constant 0 : i32
      %dma_start3A_89 = tpu.memref_slice %arg7[%dma_start3A_86, %dma_start3A_87, %dma_start3A_88] : memref<2x8x128xi32, #tpu.memory_space<vmem>> -> memref<1x8x128xi32, #tpu.memory_space<vmem>>
      %dma_start3A_90 = tpu.memref_squeeze %dma_start3A_89 : memref<1x8x128xi32, #tpu.memory_space<vmem>> -> memref<8x128xi32, #tpu.memory_space<vmem>>
      %dma_start3A_91 = arith.constant 0 : i32
      %dma_start3A_92 = tpu.memref_slice %arg3[%add3A_85, %dma_start3A_91] : memref<2560x128xi32, #tpu.memory_space<hbm>> -> memref<8x128xi32, #tpu.memory_space<hbm>>
      %dma_start3A_93 = arith.constant 0 : i32
      %dma_start3A_94 = arith.constant 0 : i32
      %dma_start3A_95 = tpu.memref_slice %arg7[%dma_start3A_86, %dma_start3A_93, %dma_start3A_94] : memref<2x8x128xi32, #tpu.memory_space<vmem>> -> memref<1x8x128xi32, #tpu.memory_space<vmem>>
      %dma_start3A_96 = tpu.memref_squeeze %dma_start3A_95 : memref<1x8x128xi32, #tpu.memory_space<vmem>> -> memref<8x128xi32, #tpu.memory_space<vmem>>
      %dma_start3A_97 = arith.constant 0 : i32
      %dma_start3A_98 = tpu.memref_slice %arg3[%add3A_85, %dma_start3A_97] : memref<2560x128xi32, #tpu.memory_space<hbm>> -> memref<8x128xi32, #tpu.memory_space<hbm>>
      tpu.enqueue_dma source(%dma_start3A_98 : memref<8x128xi32, #tpu.memory_space<hbm>>) target(%dma_start3A_96 : memref<8x128xi32, #tpu.memory_space<vmem>>) target_semaphore(%arg13 : memref<!tpu.dma_semaphore, #tpu.memory_space<semaphore_mem>>)
      %dma_start3A_99 = arith.constant 0 : i32
      %dma_start3A_100 = arith.constant 0 : i32
      %dma_start3A_101 = arith.constant 0 : i32
      %dma_start3A_102 = tpu.memref_slice %arg8[%dma_start3A_99, %dma_start3A_100, %dma_start3A_101] : memref<2x8x128xi32, #tpu.memory_space<vmem>> -> memref<1x8x128xi32, #tpu.memory_space<vmem>>
      %dma_start3A_103 = tpu.memref_squeeze %dma_start3A_102 : memref<1x8x128xi32, #tpu.memory_space<vmem>> -> memref<8x128xi32, #tpu.memory_space<vmem>>
      %dma_start3A_104 = arith.constant 0 : i32
      %dma_start3A_105 = tpu.memref_slice %arg4[%add3A_85, %dma_start3A_104] : memref<2560x128xi32, #tpu.memory_space<hbm>> -> memref<8x128xi32, #tpu.memory_space<hbm>>
      %dma_start3A_106 = arith.constant 0 : i32
      %dma_start3A_107 = arith.constant 0 : i32
      %dma_start3A_108 = tpu.memref_slice %arg8[%dma_start3A_99, %dma_start3A_106, %dma_start3A_107] : memref<2x8x128xi32, #tpu.memory_space<vmem>> -> memref<1x8x128xi32, #tpu.memory_space<vmem>>
      %dma_start3A_109 = tpu.memref_squeeze %dma_start3A_108 : memref<1x8x128xi32, #tpu.memory_space<vmem>> -> memref<8x128xi32, #tpu.memory_space<vmem>>
      %dma_start3A_110 = arith.constant 0 : i32
      %dma_start3A_111 = tpu.memref_slice %arg4[%add3A_85, %dma_start3A_110] : memref<2560x128xi32, #tpu.memory_space<hbm>> -> memref<8x128xi32, #tpu.memory_space<hbm>>
      tpu.enqueue_dma source(%dma_start3A_111 : memref<8x128xi32, #tpu.memory_space<hbm>>) target(%dma_start3A_109 : memref<8x128xi32, #tpu.memory_space<vmem>>) target_semaphore(%arg13 : memref<!tpu.dma_semaphore, #tpu.memory_space<semaphore_mem>>)
      %scan3A_112 = arith.constant 0 : i32
      %scan3A_113 = arith.constant 4 : i32
      %scan3A_114 = arith.addi %scan3A_112, %scan3A_113 : i32
      %scan3A_115 = arith.constant 1 : i32
      scf.for %scan3A_143 = %scan3A_112 to %scan3A_114 step %scan3A_115  : i32 {
        %mul3A_144 = arith.constant 1 : i32
        %mul3A_145 = arith.muli %scan3A_143, %mul3A_144 : i32
        %add3A_146 = arith.constant 0 : i32
        %add3A_147 = arith.addi %add3A_146, %mul3A_145 : i32
        %mul3A_148 = arith.constant 2 : i32
        %mul3A_149 = arith.muli %add3A_147, %mul3A_148 : i32
        %add3A_150 = arith.constant 0 : i32
        %add3A_151 = arith.addi %mul3A_149, %add3A_150 : i32
        %dma_start3A_152 = arith.constant 1 : i32
        %dma_start3A_153 = arith.constant 0 : i32
        %dma_start3A_154 = arith.constant 0 : i32
        %dma_start3A_155 = arith.constant 0 : i32
        %dma_start3A_156 = tpu.memref_slice %arg9[%dma_start3A_153, %dma_start3A_154, %dma_start3A_155] : memref<2x128x128xf32, #tpu.memory_space<vmem>> -> memref<1x128x128xf32, #tpu.memory_space<vmem>>
        %dma_start3A_157 = tpu.memref_squeeze %dma_start3A_156 : memref<1x128x128xf32, #tpu.memory_space<vmem>> -> memref<128x128xf32, #tpu.memory_space<vmem>>
        %dma_start3A_158 = arith.constant 0 : i32
        %dma_start3A_159 = tpu.memref_slice %arg7[%dma_start3A_152, %add3A_151, %dma_start3A_158] : memref<2x8x128xi32, #tpu.memory_space<vmem>> -> memref<1x1x128xi32, #tpu.memory_space<vmem>>
        %dma_start3A_160 = tpu.memref_squeeze %dma_start3A_159 : memref<1x1x128xi32, #tpu.memory_space<vmem>> -> memref<128xi32, #tpu.memory_space<vmem>>
        %dma_start3A_161 = arith.constant 0 : i32
        %dma_start3A_162 = arith.constant 0 : i32
        %dma_start3A_163 = tpu.memref_slice %arg2[%dma_start3A_161, %dma_start3A_162] : memref<10240x128xf32, #tpu.memory_space<hbm>> -> memref<10240x128xf32, #tpu.memory_space<hbm>>
        tpu.enqueue_indirect_dma source(%dma_start3A_163 : memref<10240x128xf32, #tpu.memory_space<hbm>>) target(%dma_start3A_157 : memref<128x128xf32, #tpu.memory_space<vmem>>) offsets(%dma_start3A_160 : memref<128xi32, #tpu.memory_space<vmem>>) semaphore(%arg11 : memref<!tpu.dma_semaphore, #tpu.memory_space<semaphore_mem>>)
        %add3A_164 = arith.constant 1 : i32
        %add3A_165 = arith.addi %mul3A_149, %add3A_164 : i32
        %dma_start3A_166 = arith.constant 1 : i32
        %dma_start3A_167 = arith.constant 1 : i32
        %dma_start3A_168 = arith.constant 0 : i32
        %dma_start3A_169 = arith.constant 0 : i32
        %dma_start3A_170 = tpu.memref_slice %arg9[%dma_start3A_167, %dma_start3A_168, %dma_start3A_169] : memref<2x128x128xf32, #tpu.memory_space<vmem>> -> memref<1x128x128xf32, #tpu.memory_space<vmem>>
        %dma_start3A_171 = tpu.memref_squeeze %dma_start3A_170 : memref<1x128x128xf32, #tpu.memory_space<vmem>> -> memref<128x128xf32, #tpu.memory_space<vmem>>
        %dma_start3A_172 = arith.constant 0 : i32
        %dma_start3A_173 = tpu.memref_slice %arg7[%dma_start3A_166, %add3A_165, %dma_start3A_172] : memref<2x8x128xi32, #tpu.memory_space<vmem>> -> memref<1x1x128xi32, #tpu.memory_space<vmem>>
        %dma_start3A_174 = tpu.memref_squeeze %dma_start3A_173 : memref<1x1x128xi32, #tpu.memory_space<vmem>> -> memref<128xi32, #tpu.memory_space<vmem>>
        %dma_start3A_175 = arith.constant 0 : i32
        %dma_start3A_176 = arith.constant 0 : i32
        %dma_start3A_177 = tpu.memref_slice %arg2[%dma_start3A_175, %dma_start3A_176] : memref<10240x128xf32, #tpu.memory_space<hbm>> -> memref<10240x128xf32, #tpu.memory_space<hbm>>
        tpu.enqueue_indirect_dma source(%dma_start3A_177 : memref<10240x128xf32, #tpu.memory_space<hbm>>) target(%dma_start3A_171 : memref<128x128xf32, #tpu.memory_space<vmem>>) offsets(%dma_start3A_174 : memref<128xi32, #tpu.memory_space<vmem>>) semaphore(%arg11 : memref<!tpu.dma_semaphore, #tpu.memory_space<semaphore_mem>>)
        %dma_wait3A_178 = arith.constant 1 : i32
        %dma_wait3A_179 = arith.constant 0 : i32
        %dma_wait3A_180 = arith.constant 0 : i32
        %dma_wait3A_181 = arith.constant 0 : i32
        %dma_wait3A_182 = tpu.memref_slice %arg9[%dma_wait3A_179, %dma_wait3A_180, %dma_wait3A_181] : memref<2x128x128xf32, #tpu.memory_space<vmem>> -> memref<1x128x128xf32, #tpu.memory_space<vmem>>
        %dma_wait3A_183 = tpu.memref_squeeze %dma_wait3A_182 : memref<1x128x128xf32, #tpu.memory_space<vmem>> -> memref<128x128xf32, #tpu.memory_space<vmem>>
        %dma_wait3A_184 = arith.constant 0 : i32
        %dma_wait3A_185 = tpu.memref_slice %arg7[%dma_wait3A_178, %add3A_151, %dma_wait3A_184] : memref<2x8x128xi32, #tpu.memory_space<vmem>> -> memref<1x1x128xi32, #tpu.memory_space<vmem>>
        %dma_wait3A_186 = tpu.memref_squeeze %dma_wait3A_185 : memref<1x1x128xi32, #tpu.memory_space<vmem>> -> memref<128xi32, #tpu.memory_space<vmem>>
        %dma_wait3A_187 = arith.constant 0 : i32
        %dma_wait3A_188 = arith.constant 0 : i32
        %dma_wait3A_189 = tpu.memref_slice %arg2[%dma_wait3A_187, %dma_wait3A_188] : memref<10240x128xf32, #tpu.memory_space<hbm>> -> memref<10240x128xf32, #tpu.memory_space<hbm>>
        tpu.wait_indirect_dma semaphore(%arg11 : memref<!tpu.dma_semaphore, #tpu.memory_space<semaphore_mem>>) src(%dma_wait3A_189 : memref<10240x128xf32, #tpu.memory_space<hbm>>) dst(%dma_wait3A_183 : memref<128x128xf32, #tpu.memory_space<vmem>>)
        %add3A_190 = arith.constant 0 : i32
        %add3A_191 = arith.addi %mul3A_149, %add3A_190 : i32
        %dma_start3A_192 = arith.constant 0 : i32
        %dma_start3A_193 = arith.constant 1 : i32
        %dma_start3A_194 = arith.constant 0 : i32
        %dma_start3A_195 = arith.constant 0 : i32
        %dma_start3A_196 = tpu.memref_slice %arg9[%dma_start3A_192, %dma_start3A_194, %dma_start3A_195] : memref<2x128x128xf32, #tpu.memory_space<vmem>> -> memref<1x128x128xf32, #tpu.memory_space<vmem>>
        %dma_start3A_197 = tpu.memref_squeeze %dma_start3A_196 : memref<1x128x128xf32, #tpu.memory_space<vmem>> -> memref<128x128xf32, #tpu.memory_space<vmem>>
        %dma_start3A_198 = arith.constant 0 : i32
        %dma_start3A_199 = tpu.memref_slice %arg8[%dma_start3A_193, %add3A_191, %dma_start3A_198] : memref<2x8x128xi32, #tpu.memory_space<vmem>> -> memref<1x1x128xi32, #tpu.memory_space<vmem>>
        %dma_start3A_200 = tpu.memref_squeeze %dma_start3A_199 : memref<1x1x128xi32, #tpu.memory_space<vmem>> -> memref<128xi32, #tpu.memory_space<vmem>>
        %dma_start3A_201 = arith.constant 0 : i32
        %dma_start3A_202 = arith.constant 0 : i32
        %dma_start3A_203 = tpu.memref_slice %arg10[%dma_start3A_201, %dma_start3A_202] : memref<10240x128xf32, #tpu.memory_space<vmem_shared>> -> memref<10240x128xf32, #tpu.memory_space<vmem_shared>>
        tpu.enqueue_indirect_dma source(%dma_start3A_197 : memref<128x128xf32, #tpu.memory_space<vmem>>) target(%dma_start3A_203 : memref<10240x128xf32, #tpu.memory_space<vmem_shared>>) offsets(%dma_start3A_200 : memref<128xi32, #tpu.memory_space<vmem>>) semaphore(%arg12 : memref<!tpu.dma_semaphore, #tpu.memory_space<semaphore_mem>>) {add = true}
        %dma_wait3A_204 = arith.constant 1 : i32
        %dma_wait3A_205 = arith.constant 1 : i32
        %dma_wait3A_206 = arith.constant 0 : i32
        %dma_wait3A_207 = arith.constant 0 : i32
        %dma_wait3A_208 = tpu.memref_slice %arg9[%dma_wait3A_205, %dma_wait3A_206, %dma_wait3A_207] : memref<2x128x128xf32, #tpu.memory_space<vmem>> -> memref<1x128x128xf32, #tpu.memory_space<vmem>>
        %dma_wait3A_209 = tpu.memref_squeeze %dma_wait3A_208 : memref<1x128x128xf32, #tpu.memory_space<vmem>> -> memref<128x128xf32, #tpu.memory_space<vmem>>
        %dma_wait3A_210 = arith.constant 0 : i32
        %dma_wait3A_211 = tpu.memref_slice %arg7[%dma_wait3A_204, %add3A_165, %dma_wait3A_210] : memref<2x8x128xi32, #tpu.memory_space<vmem>> -> memref<1x1x128xi32, #tpu.memory_space<vmem>>
        %dma_wait3A_212 = tpu.memref_squeeze %dma_wait3A_211 : memref<1x1x128xi32, #tpu.memory_space<vmem>> -> memref<128xi32, #tpu.memory_space<vmem>>
        %dma_wait3A_213 = arith.constant 0 : i32
        %dma_wait3A_214 = arith.constant 0 : i32
        %dma_wait3A_215 = tpu.memref_slice %arg2[%dma_wait3A_213, %dma_wait3A_214] : memref<10240x128xf32, #tpu.memory_space<hbm>> -> memref<10240x128xf32, #tpu.memory_space<hbm>>
        tpu.wait_indirect_dma semaphore(%arg11 : memref<!tpu.dma_semaphore, #tpu.memory_space<semaphore_mem>>) src(%dma_wait3A_215 : memref<10240x128xf32, #tpu.memory_space<hbm>>) dst(%dma_wait3A_209 : memref<128x128xf32, #tpu.memory_space<vmem>>)
        %add3A_216 = arith.constant 1 : i32
        %add3A_217 = arith.addi %mul3A_149, %add3A_216 : i32
        %dma_start3A_218 = arith.constant 1 : i32
        %dma_start3A_219 = arith.constant 1 : i32
        %dma_start3A_220 = arith.constant 0 : i32
        %dma_start3A_221 = arith.constant 0 : i32
        %dma_start3A_222 = tpu.memref_slice %arg9[%dma_start3A_218, %dma_start3A_220, %dma_start3A_221] : memref<2x128x128xf32, #tpu.memory_space<vmem>> -> memref<1x128x128xf32, #tpu.memory_space<vmem>>
        %dma_start3A_223 = tpu.memref_squeeze %dma_start3A_222 : memref<1x128x128xf32, #tpu.memory_space<vmem>> -> memref<128x128xf32, #tpu.memory_space<vmem>>
        %dma_start3A_224 = arith.constant 0 : i32
        %dma_start3A_225 = tpu.memref_slice %arg8[%dma_start3A_219, %add3A_217, %dma_start3A_224] : memref<2x8x128xi32, #tpu.memory_space<vmem>> -> memref<1x1x128xi32, #tpu.memory_space<vmem>>
        %dma_start3A_226 = tpu.memref_squeeze %dma_start3A_225 : memref<1x1x128xi32, #tpu.memory_space<vmem>> -> memref<128xi32, #tpu.memory_space<vmem>>
        %dma_start3A_227 = arith.constant 0 : i32
        %dma_start3A_228 = arith.constant 0 : i32
        %dma_start3A_229 = tpu.memref_slice %arg10[%dma_start3A_227, %dma_start3A_228] : memref<10240x128xf32, #tpu.memory_space<vmem_shared>> -> memref<10240x128xf32, #tpu.memory_space<vmem_shared>>
        tpu.enqueue_indirect_dma source(%dma_start3A_223 : memref<128x128xf32, #tpu.memory_space<vmem>>) target(%dma_start3A_229 : memref<10240x128xf32, #tpu.memory_space<vmem_shared>>) offsets(%dma_start3A_226 : memref<128xi32, #tpu.memory_space<vmem>>) semaphore(%arg12 : memref<!tpu.dma_semaphore, #tpu.memory_space<semaphore_mem>>) {add = true}
        %dma_wait3A_230 = arith.constant 0 : i32
        %dma_wait3A_231 = arith.constant 1 : i32
        %dma_wait3A_232 = arith.constant 0 : i32
        %dma_wait3A_233 = arith.constant 0 : i32
        %dma_wait3A_234 = tpu.memref_slice %arg9[%dma_wait3A_230, %dma_wait3A_232, %dma_wait3A_233] : memref<2x128x128xf32, #tpu.memory_space<vmem>> -> memref<1x128x128xf32, #tpu.memory_space<vmem>>
        %dma_wait3A_235 = tpu.memref_squeeze %dma_wait3A_234 : memref<1x128x128xf32, #tpu.memory_space<vmem>> -> memref<128x128xf32, #tpu.memory_space<vmem>>
        %dma_wait3A_236 = arith.constant 0 : i32
        %dma_wait3A_237 = tpu.memref_slice %arg8[%dma_wait3A_231, %add3A_191, %dma_wait3A_236] : memref<2x8x128xi32, #tpu.memory_space<vmem>> -> memref<1x1x128xi32, #tpu.memory_space<vmem>>
        %dma_wait3A_238 = tpu.memref_squeeze %dma_wait3A_237 : memref<1x1x128xi32, #tpu.memory_space<vmem>> -> memref<128xi32, #tpu.memory_space<vmem>>
        %dma_wait3A_239 = arith.constant 0 : i32
        %dma_wait3A_240 = arith.constant 0 : i32
        %dma_wait3A_241 = tpu.memref_slice %arg10[%dma_wait3A_239, %dma_wait3A_240] : memref<10240x128xf32, #tpu.memory_space<vmem_shared>> -> memref<10240x128xf32, #tpu.memory_space<vmem_shared>>
        tpu.wait_indirect_dma semaphore(%arg12 : memref<!tpu.dma_semaphore, #tpu.memory_space<semaphore_mem>>) src(%dma_wait3A_235 : memref<128x128xf32, #tpu.memory_space<vmem>>) dst(%dma_wait3A_241 : memref<10240x128xf32, #tpu.memory_space<vmem_shared>>)
        %dma_wait3A_242 = arith.constant 1 : i32
        %dma_wait3A_243 = arith.constant 1 : i32
        %dma_wait3A_244 = arith.constant 0 : i32
        %dma_wait3A_245 = arith.constant 0 : i32
        %dma_wait3A_246 = tpu.memref_slice %arg9[%dma_wait3A_242, %dma_wait3A_244, %dma_wait3A_245] : memref<2x128x128xf32, #tpu.memory_space<vmem>> -> memref<1x128x128xf32, #tpu.memory_space<vmem>>
        %dma_wait3A_247 = tpu.memref_squeeze %dma_wait3A_246 : memref<1x128x128xf32, #tpu.memory_space<vmem>> -> memref<128x128xf32, #tpu.memory_space<vmem>>
        %dma_wait3A_248 = arith.constant 0 : i32
        %dma_wait3A_249 = tpu.memref_slice %arg8[%dma_wait3A_243, %add3A_217, %dma_wait3A_248] : memref<2x8x128xi32, #tpu.memory_space<vmem>> -> memref<1x1x128xi32, #tpu.memory_space<vmem>>
        %dma_wait3A_250 = tpu.memref_squeeze %dma_wait3A_249 : memref<1x1x128xi32, #tpu.memory_space<vmem>> -> memref<128xi32, #tpu.memory_space<vmem>>
        %dma_wait3A_251 = arith.constant 0 : i32
        %dma_wait3A_252 = arith.constant 0 : i32
        %dma_wait3A_253 = tpu.memref_slice %arg10[%dma_wait3A_251, %dma_wait3A_252] : memref<10240x128xf32, #tpu.memory_space<vmem_shared>> -> memref<10240x128xf32, #tpu.memory_space<vmem_shared>>
        tpu.wait_indirect_dma semaphore(%arg12 : memref<!tpu.dma_semaphore, #tpu.memory_space<semaphore_mem>>) src(%dma_wait3A_247 : memref<128x128xf32, #tpu.memory_space<vmem>>) dst(%dma_wait3A_253 : memref<10240x128xf32, #tpu.memory_space<vmem_shared>>)
      }
      %scan3A_116 = arith.constant 4 : i32
      %dma_wait3A_117 = arith.constant 0 : i32
      %dma_wait3A_118 = arith.constant 0 : i32
      %dma_wait3A_119 = arith.constant 0 : i32
      %dma_wait3A_120 = tpu.memref_slice %arg7[%dma_wait3A_117, %dma_wait3A_118, %dma_wait3A_119] : memref<2x8x128xi32, #tpu.memory_space<vmem>> -> memref<1x8x128xi32, #tpu.memory_space<vmem>>
      %dma_wait3A_121 = tpu.memref_squeeze %dma_wait3A_120 : memref<1x8x128xi32, #tpu.memory_space<vmem>> -> memref<8x128xi32, #tpu.memory_space<vmem>>
      %dma_wait3A_122 = arith.constant 0 : i32
      %dma_wait3A_123 = tpu.memref_slice %arg3[%add3A_85, %dma_wait3A_122] : memref<2560x128xi32, #tpu.memory_space<hbm>> -> memref<8x128xi32, #tpu.memory_space<hbm>>
      %dma_wait3A_124 = arith.constant 0 : i32
      %dma_wait3A_125 = arith.constant 0 : i32
      %dma_wait3A_126 = tpu.memref_slice %arg7[%dma_wait3A_117, %dma_wait3A_124, %dma_wait3A_125] : memref<2x8x128xi32, #tpu.memory_space<vmem>> -> memref<1x8x128xi32, #tpu.memory_space<vmem>>
      %dma_wait3A_127 = tpu.memref_squeeze %dma_wait3A_126 : memref<1x8x128xi32, #tpu.memory_space<vmem>> -> memref<8x128xi32, #tpu.memory_space<vmem>>
      %dma_wait3A_128 = arith.constant 0 : i32
      %dma_wait3A_129 = tpu.memref_slice %arg3[%add3A_85, %dma_wait3A_128] : memref<2560x128xi32, #tpu.memory_space<hbm>> -> memref<8x128xi32, #tpu.memory_space<hbm>>
      tpu.wait_dma2 semaphore(%arg13 : memref<!tpu.dma_semaphore, #tpu.memory_space<semaphore_mem>>) src(%dma_wait3A_129 : memref<8x128xi32, #tpu.memory_space<hbm>>) dst(%dma_wait3A_127 : memref<8x128xi32, #tpu.memory_space<vmem>>)
      %dma_wait3A_130 = arith.constant 0 : i32
      %dma_wait3A_131 = arith.constant 0 : i32
      %dma_wait3A_132 = arith.constant 0 : i32
      %dma_wait3A_133 = tpu.memref_slice %arg8[%dma_wait3A_130, %dma_wait3A_131, %dma_wait3A_132] : memref<2x8x128xi32, #tpu.memory_space<vmem>> -> memref<1x8x128xi32, #tpu.memory_space<vmem>>
      %dma_wait3A_134 = tpu.memref_squeeze %dma_wait3A_133 : memref<1x8x128xi32, #tpu.memory_space<vmem>> -> memref<8x128xi32, #tpu.memory_space<vmem>>
      %dma_wait3A_135 = arith.constant 0 : i32
      %dma_wait3A_136 = tpu.memref_slice %arg4[%add3A_85, %dma_wait3A_135] : memref<2560x128xi32, #tpu.memory_space<hbm>> -> memref<8x128xi32, #tpu.memory_space<hbm>>
      %dma_wait3A_137 = arith.constant 0 : i32
      %dma_wait3A_138 = arith.constant 0 : i32
      %dma_wait3A_139 = tpu.memref_slice %arg8[%dma_wait3A_130, %dma_wait3A_137, %dma_wait3A_138] : memref<2x8x128xi32, #tpu.memory_space<vmem>> -> memref<1x8x128xi32, #tpu.memory_space<vmem>>
      %dma_wait3A_140 = tpu.memref_squeeze %dma_wait3A_139 : memref<1x8x128xi32, #tpu.memory_space<vmem>> -> memref<8x128xi32, #tpu.memory_space<vmem>>
      %dma_wait3A_141 = arith.constant 0 : i32
      %dma_wait3A_142 = tpu.memref_slice %arg4[%add3A_85, %dma_wait3A_141] : memref<2560x128xi32, #tpu.memory_space<hbm>> -> memref<8x128xi32, #tpu.memory_space<hbm>>
      tpu.wait_dma2 semaphore(%arg13 : memref<!tpu.dma_semaphore, #tpu.memory_space<semaphore_mem>>) src(%dma_wait3A_142 : memref<8x128xi32, #tpu.memory_space<hbm>>) dst(%dma_wait3A_140 : memref<8x128xi32, #tpu.memory_space<vmem>>)
    }
    %scan3A_9 = arith.constant 5 : i32
    %barrier3A_10 = arith.constant 0 : index
    tpu.barrier barrier_id(%barrier3A_10)
    "tpu.region"() ({
      %run_scoped3A_11 = tpu.sem_alloc : memref<!tpu.dma_semaphore, #tpu.memory_space<semaphore_mem>>
      %dma_start3A = arith.constant 0 : i32
      %dma_start3A_12 = tpu.memref_slice %arg6[%arg0, %mul3A_2, %dma_start3A] : memref<2x10240x128xf32, #tpu.memory_space<hbm>> -> memref<1x640x128xf32, #tpu.memory_space<hbm>>
      %dma_start3A_13 = tpu.memref_squeeze %dma_start3A_12 : memref<1x640x128xf32, #tpu.memory_space<hbm>> -> memref<640x128xf32, #tpu.memory_space<hbm>>
      %dma_start3A_14 = arith.constant 0 : i32
      %dma_start3A_15 = tpu.memref_slice %arg10[%mul3A_2, %dma_start3A_14] : memref<10240x128xf32, #tpu.memory_space<vmem_shared>> -> memref<640x128xf32, #tpu.memory_space<vmem_shared>>
      tpu.enqueue_dma source(%dma_start3A_15 : memref<640x128xf32, #tpu.memory_space<vmem_shared>>) target(%dma_start3A_13 : memref<640x128xf32, #tpu.memory_space<hbm>>) target_semaphore(%run_scoped3A_11 : memref<!tpu.dma_semaphore, #tpu.memory_space<semaphore_mem>>)
      %dma_wait3A = arith.constant 0 : i32
      %dma_wait3A_16 = tpu.memref_slice %arg6[%arg0, %mul3A_2, %dma_wait3A] : memref<2x10240x128xf32, #tpu.memory_space<hbm>> -> memref<1x640x128xf32, #tpu.memory_space<hbm>>
      %dma_wait3A_17 = tpu.memref_squeeze %dma_wait3A_16 : memref<1x640x128xf32, #tpu.memory_space<hbm>> -> memref<640x128xf32, #tpu.memory_space<hbm>>
      %dma_wait3A_18 = arith.constant 0 : i32
      %dma_wait3A_19 = tpu.memref_slice %arg10[%mul3A_2, %dma_wait3A_18] : memref<10240x128xf32, #tpu.memory_space<vmem_shared>> -> memref<640x128xf32, #tpu.memory_space<vmem_shared>>
      tpu.wait_dma2 semaphore(%run_scoped3A_11 : memref<!tpu.dma_semaphore, #tpu.memory_space<semaphore_mem>>) src(%dma_wait3A_19 : memref<640x128xf32, #tpu.memory_space<vmem_shared>>) dst(%dma_wait3A_17 : memref<640x128xf32, #tpu.memory_space<hbm>>)
      tpu.yield
    }) : () -> ()
    return
  }
}

#map = affine_map<(d0, d1) -> (0, 0)>
#map1 = affine_map<(d0, d1) -> (0, 0, 0)>
module attributes {stable_mosaic.version = 14 : i64} {
  func.func @k(%arg0: i32, %arg1: i32, %arg2: memref<10240x128xf32, #tpu.memory_space<hbm>>, %arg3: memref<2560x128xi32, #tpu.memory_space<hbm>>, %arg4: memref<2560x128xi32, #tpu.memory_space<hbm>>, %arg5: memref<10240x128xf32, #tpu.memory_space<hbm>>, %arg6: memref<2x10240x128xf32, #tpu.memory_space<hbm>>, %arg7: memref<2x8x128xi32, #tpu.memory_space<vmem>>, %arg8: memref<2x8x128xi32, #tpu.memory_space<vmem>>, %arg9: memref<2x128x128xf32, #tpu.memory_space<vmem>>, %arg10: memref<10240x128xf32, #tpu.memory_space<vmem_shared>>, %arg11: memref<!tpu.dma_semaphore, #tpu.memory_space<semaphore_mem>>, %arg12: memref<!tpu.dma_semaphore, #tpu.memory_space<semaphore_mem>>, %arg13: memref<!tpu.dma_semaphore, #tpu.memory_space<semaphore_mem>>) attributes {dimension_semantics = [#tpu.dimension_semantics<core_parallel>, #tpu.dimension_semantics<subcore_parallel>], iteration_bounds = array<i64: 2, 16>, scalar_prefetch = 0 : i64, scratch_operands = 7 : i64, tpu.core_type = #tpu.core_type<sc_vector_subcore>, window_params = [{transform_indices = #map}, {transform_indices = #map}, {transform_indices = #map}, {transform_indices = #map}, {transform_indices = #map1}]} {
    %mul3A = arith.constant 16 : i32
    %mul3A_0 = arith.muli %arg0, %mul3A : i32
    %add3A = arith.addi %mul3A_0, %arg1 : i32
    %mul3A_1 = arith.constant 640 : i32
    %mul3A_2 = arith.muli %arg1, %mul3A_1 : i32
    "tpu.region"() ({
      %run_scoped3A_11 = tpu.sem_alloc : memref<!tpu.dma_semaphore, #tpu.memory_space<semaphore_mem>>
      %dma_start3A = arith.constant 0 : i32
      %dma_start3A_12 = tpu.memref_slice %arg10[%mul3A_2, %dma_start3A] : memref<10240x128xf32, #tpu.memory_space<vmem_shared>> -> memref<640x128xf32, #tpu.memory_space<vmem_shared>>
      %dma_start3A_13 = arith.constant 0 : i32
      %dma_start3A_14 = tpu.memref_slice %arg5[%mul3A_2, %dma_start3A_13] : memref<10240x128xf32, #tpu.memory_space<hbm>> -> memref<640x128xf32, #tpu.memory_space<hbm>>
      tpu.enqueue_dma source(%dma_start3A_14 : memref<640x128xf32, #tpu.memory_space<hbm>>) target(%dma_start3A_12 : memref<640x128xf32, #tpu.memory_space<vmem_shared>>) target_semaphore(%run_scoped3A_11 : memref<!tpu.dma_semaphore, #tpu.memory_space<semaphore_mem>>)
      %dma_wait3A = arith.constant 0 : i32
      %dma_wait3A_15 = tpu.memref_slice %arg10[%mul3A_2, %dma_wait3A] : memref<10240x128xf32, #tpu.memory_space<vmem_shared>> -> memref<640x128xf32, #tpu.memory_space<vmem_shared>>
      %dma_wait3A_16 = arith.constant 0 : i32
      %dma_wait3A_17 = tpu.memref_slice %arg5[%mul3A_2, %dma_wait3A_16] : memref<10240x128xf32, #tpu.memory_space<hbm>> -> memref<640x128xf32, #tpu.memory_space<hbm>>
      tpu.wait_dma2 semaphore(%run_scoped3A_11 : memref<!tpu.dma_semaphore, #tpu.memory_space<semaphore_mem>>) src(%dma_wait3A_17 : memref<640x128xf32, #tpu.memory_space<hbm>>) dst(%dma_wait3A_15 : memref<640x128xf32, #tpu.memory_space<vmem_shared>>)
      tpu.yield
    }) : () -> ()
    %mul3A_3 = arith.constant 80 : i32
    %mul3A_4 = arith.muli %add3A, %mul3A_3 : i32
    %run_scoped3A = arith.constant 0 : i32
    "tpu.region"() ({
      %run_scoped3A_11 = tpu.sem_alloc : memref<!tpu.dma_semaphore, #tpu.memory_space<semaphore_mem>>
      %dma_start3A = arith.constant 0 : i32
      %dma_start3A_12 = arith.constant 0 : i32
      %dma_start3A_13 = tpu.memref_slice %arg7[%run_scoped3A, %dma_start3A, %dma_start3A_12] : memref<2x8x128xi32, #tpu.memory_space<vmem>> -> memref<1x8x128xi32, #tpu.memory_space<vmem>>
      %dma_start3A_14 = tpu.memref_squeeze %dma_start3A_13 : memref<1x8x128xi32, #tpu.memory_space<vmem>> -> memref<8x128xi32, #tpu.memory_space<vmem>>
      %dma_start3A_15 = arith.constant 0 : i32
      %dma_start3A_16 = tpu.memref_slice %arg3[%mul3A_4, %dma_start3A_15] : memref<2560x128xi32, #tpu.memory_space<hbm>> -> memref<8x128xi32, #tpu.memory_space<hbm>>
      %dma_start3A_17 = arith.constant 0 : i32
      %dma_start3A_18 = arith.constant 0 : i32
      %dma_start3A_19 = tpu.memref_slice %arg7[%run_scoped3A, %dma_start3A_17, %dma_start3A_18] : memref<2x8x128xi32, #tpu.memory_space<vmem>> -> memref<1x8x128xi32, #tpu.memory_space<vmem>>
      %dma_start3A_20 = tpu.memref_squeeze %dma_start3A_19 : memref<1x8x128xi32, #tpu.memory_space<vmem>> -> memref<8x128xi32, #tpu.memory_space<vmem>>
      %dma_start3A_21 = arith.constant 0 : i32
      %dma_start3A_22 = tpu.memref_slice %arg3[%mul3A_4, %dma_start3A_21] : memref<2560x128xi32, #tpu.memory_space<hbm>> -> memref<8x128xi32, #tpu.memory_space<hbm>>
      tpu.enqueue_dma source(%dma_start3A_22 : memref<8x128xi32, #tpu.memory_space<hbm>>) target(%dma_start3A_20 : memref<8x128xi32, #tpu.memory_space<vmem>>) target_semaphore(%run_scoped3A_11 : memref<!tpu.dma_semaphore, #tpu.memory_space<semaphore_mem>>)
      %dma_wait3A = arith.constant 0 : i32
      %dma_wait3A_23 = arith.constant 0 : i32
      %dma_wait3A_24 = tpu.memref_slice %arg7[%run_scoped3A, %dma_wait3A, %dma_wait3A_23] : memref<2x8x128xi32, #tpu.memory_space<vmem>> -> memref<1x8x128xi32, #tpu.memory_space<vmem>>
      %dma_wait3A_25 = tpu.memref_squeeze %dma_wait3A_24 : memref<1x8x128xi32, #tpu.memory_space<vmem>> -> memref<8x128xi32, #tpu.memory_space<vmem>>
      %dma_wait3A_26 = arith.constant 0 : i32
      %dma_wait3A_27 = tpu.memref_slice %arg3[%mul3A_4, %dma_wait3A_26] : memref<2560x128xi32, #tpu.memory_space<hbm>> -> memref<8x128xi32, #tpu.memory_space<hbm>>
      %dma_wait3A_28 = arith.constant 0 : i32
      %dma_wait3A_29 = arith.constant 0 : i32
      %dma_wait3A_30 = tpu.memref_slice %arg7[%run_scoped3A, %dma_wait3A_28, %dma_wait3A_29] : memref<2x8x128xi32, #tpu.memory_space<vmem>> -> memref<1x8x128xi32, #tpu.memory_space<vmem>>
      %dma_wait3A_31 = tpu.memref_squeeze %dma_wait3A_30 : memref<1x8x128xi32, #tpu.memory_space<vmem>> -> memref<8x128xi32, #tpu.memory_space<vmem>>
      %dma_wait3A_32 = arith.constant 0 : i32
      %dma_wait3A_33 = tpu.memref_slice %arg3[%mul3A_4, %dma_wait3A_32] : memref<2560x128xi32, #tpu.memory_space<hbm>> -> memref<8x128xi32, #tpu.memory_space<hbm>>
      tpu.wait_dma2 semaphore(%run_scoped3A_11 : memref<!tpu.dma_semaphore, #tpu.memory_space<semaphore_mem>>) src(%dma_wait3A_33 : memref<8x128xi32, #tpu.memory_space<hbm>>) dst(%dma_wait3A_31 : memref<8x128xi32, #tpu.memory_space<vmem>>)
      tpu.yield
    }) : () -> ()
    %run_scoped3A_5 = arith.constant 0 : i32
    "tpu.region"() ({
      %run_scoped3A_11 = tpu.sem_alloc : memref<!tpu.dma_semaphore, #tpu.memory_space<semaphore_mem>>
      %dma_start3A = arith.constant 0 : i32
      %dma_start3A_12 = arith.constant 0 : i32
      %dma_start3A_13 = tpu.memref_slice %arg8[%run_scoped3A_5, %dma_start3A, %dma_start3A_12] : memref<2x8x128xi32, #tpu.memory_space<vmem>> -> memref<1x8x128xi32, #tpu.memory_space<vmem>>
      %dma_start3A_14 = tpu.memref_squeeze %dma_start3A_13 : memref<1x8x128xi32, #tpu.memory_space<vmem>> -> memref<8x128xi32, #tpu.memory_space<vmem>>
      %dma_start3A_15 = arith.constant 0 : i32
      %dma_start3A_16 = tpu.memref_slice %arg4[%mul3A_4, %dma_start3A_15] : memref<2560x128xi32, #tpu.memory_space<hbm>> -> memref<8x128xi32, #tpu.memory_space<hbm>>
      %dma_start3A_17 = arith.constant 0 : i32
      %dma_start3A_18 = arith.constant 0 : i32
      %dma_start3A_19 = tpu.memref_slice %arg8[%run_scoped3A_5, %dma_start3A_17, %dma_start3A_18] : memref<2x8x128xi32, #tpu.memory_space<vmem>> -> memref<1x8x128xi32, #tpu.memory_space<vmem>>
      %dma_start3A_20 = tpu.memref_squeeze %dma_start3A_19 : memref<1x8x128xi32, #tpu.memory_space<vmem>> -> memref<8x128xi32, #tpu.memory_space<vmem>>
      %dma_start3A_21 = arith.constant 0 : i32
      %dma_start3A_22 = tpu.memref_slice %arg4[%mul3A_4, %dma_start3A_21] : memref<2560x128xi32, #tpu.memory_space<hbm>> -> memref<8x128xi32, #tpu.memory_space<hbm>>
      tpu.enqueue_dma source(%dma_start3A_22 : memref<8x128xi32, #tpu.memory_space<hbm>>) target(%dma_start3A_20 : memref<8x128xi32, #tpu.memory_space<vmem>>) target_semaphore(%run_scoped3A_11 : memref<!tpu.dma_semaphore, #tpu.memory_space<semaphore_mem>>)
      %dma_wait3A = arith.constant 0 : i32
      %dma_wait3A_23 = arith.constant 0 : i32
      %dma_wait3A_24 = tpu.memref_slice %arg8[%run_scoped3A_5, %dma_wait3A, %dma_wait3A_23] : memref<2x8x128xi32, #tpu.memory_space<vmem>> -> memref<1x8x128xi32, #tpu.memory_space<vmem>>
      %dma_wait3A_25 = tpu.memref_squeeze %dma_wait3A_24 : memref<1x8x128xi32, #tpu.memory_space<vmem>> -> memref<8x128xi32, #tpu.memory_space<vmem>>
      %dma_wait3A_26 = arith.constant 0 : i32
      %dma_wait3A_27 = tpu.memref_slice %arg4[%mul3A_4, %dma_wait3A_26] : memref<2560x128xi32, #tpu.memory_space<hbm>> -> memref<8x128xi32, #tpu.memory_space<hbm>>
      %dma_wait3A_28 = arith.constant 0 : i32
      %dma_wait3A_29 = arith.constant 0 : i32
      %dma_wait3A_30 = tpu.memref_slice %arg8[%run_scoped3A_5, %dma_wait3A_28, %dma_wait3A_29] : memref<2x8x128xi32, #tpu.memory_space<vmem>> -> memref<1x8x128xi32, #tpu.memory_space<vmem>>
      %dma_wait3A_31 = tpu.memref_squeeze %dma_wait3A_30 : memref<1x8x128xi32, #tpu.memory_space<vmem>> -> memref<8x128xi32, #tpu.memory_space<vmem>>
      %dma_wait3A_32 = arith.constant 0 : i32
      %dma_wait3A_33 = tpu.memref_slice %arg4[%mul3A_4, %dma_wait3A_32] : memref<2560x128xi32, #tpu.memory_space<hbm>> -> memref<8x128xi32, #tpu.memory_space<hbm>>
      tpu.wait_dma2 semaphore(%run_scoped3A_11 : memref<!tpu.dma_semaphore, #tpu.memory_space<semaphore_mem>>) src(%dma_wait3A_33 : memref<8x128xi32, #tpu.memory_space<hbm>>) dst(%dma_wait3A_31 : memref<8x128xi32, #tpu.memory_space<vmem>>)
      tpu.yield
    }) : () -> ()
    %barrier3A = arith.constant 0 : index
    tpu.barrier barrier_id(%barrier3A)
    %scan3A = arith.constant 0 : i32
    %scan3A_6 = arith.constant 5 : i32
    %scan3A_7 = arith.addi %scan3A, %scan3A_6 : i32
    %scan3A_8 = arith.constant 1 : i32
    scf.for %scan3A_11 = %scan3A to %scan3A_7 step %scan3A_8  : i32 {
      %mul3A_12 = arith.constant 1 : i32
      %mul3A_13 = arith.muli %scan3A_11, %mul3A_12 : i32
      %add3A_14 = arith.constant 0 : i32
      %add3A_15 = arith.addi %add3A_14, %mul3A_13 : i32
      %mul3A_16 = arith.constant 2 : i32
      %mul3A_17 = arith.muli %mul3A_16, %add3A_15 : i32
      %add3A_18 = arith.constant 1 : i32
      %add3A_19 = arith.addi %mul3A_17, %add3A_18 : i32
      %mul3A_20 = arith.constant 8 : i32
      %mul3A_21 = arith.muli %add3A_19, %mul3A_20 : i32
      %add3A_22 = arith.addi %mul3A_4, %mul3A_21 : i32
      %dma_start3A = arith.constant 1 : i32
      %dma_start3A_23 = arith.constant 0 : i32
      %dma_start3A_24 = arith.constant 0 : i32
      %dma_start3A_25 = tpu.memref_slice %arg7[%dma_start3A, %dma_start3A_23, %dma_start3A_24] : memref<2x8x128xi32, #tpu.memory_space<vmem>> -> memref<1x8x128xi32, #tpu.memory_space<vmem>>
      %dma_start3A_26 = tpu.memref_squeeze %dma_start3A_25 : memref<1x8x128xi32, #tpu.memory_space<vmem>> -> memref<8x128xi32, #tpu.memory_space<vmem>>
      %dma_start3A_27 = arith.constant 0 : i32
      %dma_start3A_28 = tpu.memref_slice %arg3[%add3A_22, %dma_start3A_27] : memref<2560x128xi32, #tpu.memory_space<hbm>> -> memref<8x128xi32, #tpu.memory_space<hbm>>
      %dma_start3A_29 = arith.constant 0 : i32
      %dma_start3A_30 = arith.constant 0 : i32
      %dma_start3A_31 = tpu.memref_slice %arg7[%dma_start3A, %dma_start3A_29, %dma_start3A_30] : memref<2x8x128xi32, #tpu.memory_space<vmem>> -> memref<1x8x128xi32, #tpu.memory_space<vmem>>
      %dma_start3A_32 = tpu.memref_squeeze %dma_start3A_31 : memref<1x8x128xi32, #tpu.memory_space<vmem>> -> memref<8x128xi32, #tpu.memory_space<vmem>>
      %dma_start3A_33 = arith.constant 0 : i32
      %dma_start3A_34 = tpu.memref_slice %arg3[%add3A_22, %dma_start3A_33] : memref<2560x128xi32, #tpu.memory_space<hbm>> -> memref<8x128xi32, #tpu.memory_space<hbm>>
      tpu.enqueue_dma source(%dma_start3A_34 : memref<8x128xi32, #tpu.memory_space<hbm>>) target(%dma_start3A_32 : memref<8x128xi32, #tpu.memory_space<vmem>>) target_semaphore(%arg13 : memref<!tpu.dma_semaphore, #tpu.memory_space<semaphore_mem>>)
      %dma_start3A_35 = arith.constant 1 : i32
      %dma_start3A_36 = arith.constant 0 : i32
      %dma_start3A_37 = arith.constant 0 : i32
      %dma_start3A_38 = tpu.memref_slice %arg8[%dma_start3A_35, %dma_start3A_36, %dma_start3A_37] : memref<2x8x128xi32, #tpu.memory_space<vmem>> -> memref<1x8x128xi32, #tpu.memory_space<vmem>>
      %dma_start3A_39 = tpu.memref_squeeze %dma_start3A_38 : memref<1x8x128xi32, #tpu.memory_space<vmem>> -> memref<8x128xi32, #tpu.memory_space<vmem>>
      %dma_start3A_40 = arith.constant 0 : i32
      %dma_start3A_41 = tpu.memref_slice %arg4[%add3A_22, %dma_start3A_40] : memref<2560x128xi32, #tpu.memory_space<hbm>> -> memref<8x128xi32, #tpu.memory_space<hbm>>
      %dma_start3A_42 = arith.constant 0 : i32
      %dma_start3A_43 = arith.constant 0 : i32
      %dma_start3A_44 = tpu.memref_slice %arg8[%dma_start3A_35, %dma_start3A_42, %dma_start3A_43] : memref<2x8x128xi32, #tpu.memory_space<vmem>> -> memref<1x8x128xi32, #tpu.memory_space<vmem>>
      %dma_start3A_45 = tpu.memref_squeeze %dma_start3A_44 : memref<1x8x128xi32, #tpu.memory_space<vmem>> -> memref<8x128xi32, #tpu.memory_space<vmem>>
      %dma_start3A_46 = arith.constant 0 : i32
      %dma_start3A_47 = tpu.memref_slice %arg4[%add3A_22, %dma_start3A_46] : memref<2560x128xi32, #tpu.memory_space<hbm>> -> memref<8x128xi32, #tpu.memory_space<hbm>>
      tpu.enqueue_dma source(%dma_start3A_47 : memref<8x128xi32, #tpu.memory_space<hbm>>) target(%dma_start3A_45 : memref<8x128xi32, #tpu.memory_space<vmem>>) target_semaphore(%arg13 : memref<!tpu.dma_semaphore, #tpu.memory_space<semaphore_mem>>)
      %scan3A_48 = arith.constant 0 : i32
      %scan3A_49 = arith.constant 4 : i32
      %scan3A_50 = arith.addi %scan3A_48, %scan3A_49 : i32
      %scan3A_51 = arith.constant 1 : i32
      scf.for %scan3A_143 = %scan3A_48 to %scan3A_50 step %scan3A_51  : i32 {
        %mul3A_144 = arith.constant 1 : i32
        %mul3A_145 = arith.muli %scan3A_143, %mul3A_144 : i32
        %add3A_146 = arith.constant 0 : i32
        %add3A_147 = arith.addi %add3A_146, %mul3A_145 : i32
        %mul3A_148 = arith.constant 2 : i32
        %mul3A_149 = arith.muli %add3A_147, %mul3A_148 : i32
        %add3A_150 = arith.constant 0 : i32
        %add3A_151 = arith.addi %mul3A_149, %add3A_150 : i32
        %dma_start3A_152 = arith.constant 0 : i32
        %dma_start3A_153 = arith.constant 0 : i32
        %dma_start3A_154 = arith.constant 0 : i32
        %dma_start3A_155 = arith.constant 0 : i32
        %dma_start3A_156 = tpu.memref_slice %arg9[%dma_start3A_153, %dma_start3A_154, %dma_start3A_155] : memref<2x128x128xf32, #tpu.memory_space<vmem>> -> memref<1x128x128xf32, #tpu.memory_space<vmem>>
        %dma_start3A_157 = tpu.memref_squeeze %dma_start3A_156 : memref<1x128x128xf32, #tpu.memory_space<vmem>> -> memref<128x128xf32, #tpu.memory_space<vmem>>
        %dma_start3A_158 = arith.constant 0 : i32
        %dma_start3A_159 = tpu.memref_slice %arg7[%dma_start3A_152, %add3A_151, %dma_start3A_158] : memref<2x8x128xi32, #tpu.memory_space<vmem>> -> memref<1x1x128xi32, #tpu.memory_space<vmem>>
        %dma_start3A_160 = tpu.memref_squeeze %dma_start3A_159 : memref<1x1x128xi32, #tpu.memory_space<vmem>> -> memref<128xi32, #tpu.memory_space<vmem>>
        %dma_start3A_161 = arith.constant 0 : i32
        %dma_start3A_162 = arith.constant 0 : i32
        %dma_start3A_163 = tpu.memref_slice %arg2[%dma_start3A_161, %dma_start3A_162] : memref<10240x128xf32, #tpu.memory_space<hbm>> -> memref<10240x128xf32, #tpu.memory_space<hbm>>
        tpu.enqueue_indirect_dma source(%dma_start3A_163 : memref<10240x128xf32, #tpu.memory_space<hbm>>) target(%dma_start3A_157 : memref<128x128xf32, #tpu.memory_space<vmem>>) offsets(%dma_start3A_160 : memref<128xi32, #tpu.memory_space<vmem>>) semaphore(%arg11 : memref<!tpu.dma_semaphore, #tpu.memory_space<semaphore_mem>>)
        %add3A_164 = arith.constant 1 : i32
        %add3A_165 = arith.addi %mul3A_149, %add3A_164 : i32
        %dma_start3A_166 = arith.constant 0 : i32
        %dma_start3A_167 = arith.constant 1 : i32
        %dma_start3A_168 = arith.constant 0 : i32
        %dma_start3A_169 = arith.constant 0 : i32
        %dma_start3A_170 = tpu.memref_slice %arg9[%dma_start3A_167, %dma_start3A_168, %dma_start3A_169] : memref<2x128x128xf32, #tpu.memory_space<vmem>> -> memref<1x128x128xf32, #tpu.memory_space<vmem>>
        %dma_start3A_171 = tpu.memref_squeeze %dma_start3A_170 : memref<1x128x128xf32, #tpu.memory_space<vmem>> -> memref<128x128xf32, #tpu.memory_space<vmem>>
        %dma_start3A_172 = arith.constant 0 : i32
        %dma_start3A_173 = tpu.memref_slice %arg7[%dma_start3A_166, %add3A_165, %dma_start3A_172] : memref<2x8x128xi32, #tpu.memory_space<vmem>> -> memref<1x1x128xi32, #tpu.memory_space<vmem>>
        %dma_start3A_174 = tpu.memref_squeeze %dma_start3A_173 : memref<1x1x128xi32, #tpu.memory_space<vmem>> -> memref<128xi32, #tpu.memory_space<vmem>>
        %dma_start3A_175 = arith.constant 0 : i32
        %dma_start3A_176 = arith.constant 0 : i32
        %dma_start3A_177 = tpu.memref_slice %arg2[%dma_start3A_175, %dma_start3A_176] : memref<10240x128xf32, #tpu.memory_space<hbm>> -> memref<10240x128xf32, #tpu.memory_space<hbm>>
        tpu.enqueue_indirect_dma source(%dma_start3A_177 : memref<10240x128xf32, #tpu.memory_space<hbm>>) target(%dma_start3A_171 : memref<128x128xf32, #tpu.memory_space<vmem>>) offsets(%dma_start3A_174 : memref<128xi32, #tpu.memory_space<vmem>>) semaphore(%arg11 : memref<!tpu.dma_semaphore, #tpu.memory_space<semaphore_mem>>)
        %dma_wait3A_178 = arith.constant 0 : i32
        %dma_wait3A_179 = arith.constant 0 : i32
        %dma_wait3A_180 = arith.constant 0 : i32
        %dma_wait3A_181 = arith.constant 0 : i32
        %dma_wait3A_182 = tpu.memref_slice %arg9[%dma_wait3A_179, %dma_wait3A_180, %dma_wait3A_181] : memref<2x128x128xf32, #tpu.memory_space<vmem>> -> memref<1x128x128xf32, #tpu.memory_space<vmem>>
        %dma_wait3A_183 = tpu.memref_squeeze %dma_wait3A_182 : memref<1x128x128xf32, #tpu.memory_space<vmem>> -> memref<128x128xf32, #tpu.memory_space<vmem>>
        %dma_wait3A_184 = arith.constant 0 : i32
        %dma_wait3A_185 = tpu.memref_slice %arg7[%dma_wait3A_178, %add3A_151, %dma_wait3A_184] : memref<2x8x128xi32, #tpu.memory_space<vmem>> -> memref<1x1x128xi32, #tpu.memory_space<vmem>>
        %dma_wait3A_186 = tpu.memref_squeeze %dma_wait3A_185 : memref<1x1x128xi32, #tpu.memory_space<vmem>> -> memref<128xi32, #tpu.memory_space<vmem>>
        %dma_wait3A_187 = arith.constant 0 : i32
        %dma_wait3A_188 = arith.constant 0 : i32
        %dma_wait3A_189 = tpu.memref_slice %arg2[%dma_wait3A_187, %dma_wait3A_188] : memref<10240x128xf32, #tpu.memory_space<hbm>> -> memref<10240x128xf32, #tpu.memory_space<hbm>>
        tpu.wait_indirect_dma semaphore(%arg11 : memref<!tpu.dma_semaphore, #tpu.memory_space<semaphore_mem>>) src(%dma_wait3A_189 : memref<10240x128xf32, #tpu.memory_space<hbm>>) dst(%dma_wait3A_183 : memref<128x128xf32, #tpu.memory_space<vmem>>)
        %add3A_190 = arith.constant 0 : i32
        %add3A_191 = arith.addi %mul3A_149, %add3A_190 : i32
        %dma_start3A_192 = arith.constant 0 : i32
        %dma_start3A_193 = arith.constant 0 : i32
        %dma_start3A_194 = arith.constant 0 : i32
        %dma_start3A_195 = arith.constant 0 : i32
        %dma_start3A_196 = tpu.memref_slice %arg9[%dma_start3A_192, %dma_start3A_194, %dma_start3A_195] : memref<2x128x128xf32, #tpu.memory_space<vmem>> -> memref<1x128x128xf32, #tpu.memory_space<vmem>>
        %dma_start3A_197 = tpu.memref_squeeze %dma_start3A_196 : memref<1x128x128xf32, #tpu.memory_space<vmem>> -> memref<128x128xf32, #tpu.memory_space<vmem>>
        %dma_start3A_198 = arith.constant 0 : i32
        %dma_start3A_199 = tpu.memref_slice %arg8[%dma_start3A_193, %add3A_191, %dma_start3A_198] : memref<2x8x128xi32, #tpu.memory_space<vmem>> -> memref<1x1x128xi32, #tpu.memory_space<vmem>>
        %dma_start3A_200 = tpu.memref_squeeze %dma_start3A_199 : memref<1x1x128xi32, #tpu.memory_space<vmem>> -> memref<128xi32, #tpu.memory_space<vmem>>
        %dma_start3A_201 = arith.constant 0 : i32
        %dma_start3A_202 = arith.constant 0 : i32
        %dma_start3A_203 = tpu.memref_slice %arg10[%dma_start3A_201, %dma_start3A_202] : memref<10240x128xf32, #tpu.memory_space<vmem_shared>> -> memref<10240x128xf32, #tpu.memory_space<vmem_shared>>
        tpu.enqueue_indirect_dma source(%dma_start3A_197 : memref<128x128xf32, #tpu.memory_space<vmem>>) target(%dma_start3A_203 : memref<10240x128xf32, #tpu.memory_space<vmem_shared>>) offsets(%dma_start3A_200 : memref<128xi32, #tpu.memory_space<vmem>>) semaphore(%arg12 : memref<!tpu.dma_semaphore, #tpu.memory_space<semaphore_mem>>) {add = true}
        %dma_wait3A_204 = arith.constant 0 : i32
        %dma_wait3A_205 = arith.constant 1 : i32
        %dma_wait3A_206 = arith.constant 0 : i32
        %dma_wait3A_207 = arith.constant 0 : i32
        %dma_wait3A_208 = tpu.memref_slice %arg9[%dma_wait3A_205, %dma_wait3A_206, %dma_wait3A_207] : memref<2x128x128xf32, #tpu.memory_space<vmem>> -> memref<1x128x128xf32, #tpu.memory_space<vmem>>
        %dma_wait3A_209 = tpu.memref_squeeze %dma_wait3A_208 : memref<1x128x128xf32, #tpu.memory_space<vmem>> -> memref<128x128xf32, #tpu.memory_space<vmem>>
        %dma_wait3A_210 = arith.constant 0 : i32
        %dma_wait3A_211 = tpu.memref_slice %arg7[%dma_wait3A_204, %add3A_165, %dma_wait3A_210] : memref<2x8x128xi32, #tpu.memory_space<vmem>> -> memref<1x1x128xi32, #tpu.memory_space<vmem>>
        %dma_wait3A_212 = tpu.memref_squeeze %dma_wait3A_211 : memref<1x1x128xi32, #tpu.memory_space<vmem>> -> memref<128xi32, #tpu.memory_space<vmem>>
        %dma_wait3A_213 = arith.constant 0 : i32
        %dma_wait3A_214 = arith.constant 0 : i32
        %dma_wait3A_215 = tpu.memref_slice %arg2[%dma_wait3A_213, %dma_wait3A_214] : memref<10240x128xf32, #tpu.memory_space<hbm>> -> memref<10240x128xf32, #tpu.memory_space<hbm>>
        tpu.wait_indirect_dma semaphore(%arg11 : memref<!tpu.dma_semaphore, #tpu.memory_space<semaphore_mem>>) src(%dma_wait3A_215 : memref<10240x128xf32, #tpu.memory_space<hbm>>) dst(%dma_wait3A_209 : memref<128x128xf32, #tpu.memory_space<vmem>>)
        %add3A_216 = arith.constant 1 : i32
        %add3A_217 = arith.addi %mul3A_149, %add3A_216 : i32
        %dma_start3A_218 = arith.constant 1 : i32
        %dma_start3A_219 = arith.constant 0 : i32
        %dma_start3A_220 = arith.constant 0 : i32
        %dma_start3A_221 = arith.constant 0 : i32
        %dma_start3A_222 = tpu.memref_slice %arg9[%dma_start3A_218, %dma_start3A_220, %dma_start3A_221] : memref<2x128x128xf32, #tpu.memory_space<vmem>> -> memref<1x128x128xf32, #tpu.memory_space<vmem>>
        %dma_start3A_223 = tpu.memref_squeeze %dma_start3A_222 : memref<1x128x128xf32, #tpu.memory_space<vmem>> -> memref<128x128xf32, #tpu.memory_space<vmem>>
        %dma_start3A_224 = arith.constant 0 : i32
        %dma_start3A_225 = tpu.memref_slice %arg8[%dma_start3A_219, %add3A_217, %dma_start3A_224] : memref<2x8x128xi32, #tpu.memory_space<vmem>> -> memref<1x1x128xi32, #tpu.memory_space<vmem>>
        %dma_start3A_226 = tpu.memref_squeeze %dma_start3A_225 : memref<1x1x128xi32, #tpu.memory_space<vmem>> -> memref<128xi32, #tpu.memory_space<vmem>>
        %dma_start3A_227 = arith.constant 0 : i32
        %dma_start3A_228 = arith.constant 0 : i32
        %dma_start3A_229 = tpu.memref_slice %arg10[%dma_start3A_227, %dma_start3A_228] : memref<10240x128xf32, #tpu.memory_space<vmem_shared>> -> memref<10240x128xf32, #tpu.memory_space<vmem_shared>>
        tpu.enqueue_indirect_dma source(%dma_start3A_223 : memref<128x128xf32, #tpu.memory_space<vmem>>) target(%dma_start3A_229 : memref<10240x128xf32, #tpu.memory_space<vmem_shared>>) offsets(%dma_start3A_226 : memref<128xi32, #tpu.memory_space<vmem>>) semaphore(%arg12 : memref<!tpu.dma_semaphore, #tpu.memory_space<semaphore_mem>>) {add = true}
        %dma_wait3A_230 = arith.constant 0 : i32
        %dma_wait3A_231 = arith.constant 0 : i32
        %dma_wait3A_232 = arith.constant 0 : i32
        %dma_wait3A_233 = arith.constant 0 : i32
        %dma_wait3A_234 = tpu.memref_slice %arg9[%dma_wait3A_230, %dma_wait3A_232, %dma_wait3A_233] : memref<2x128x128xf32, #tpu.memory_space<vmem>> -> memref<1x128x128xf32, #tpu.memory_space<vmem>>
        %dma_wait3A_235 = tpu.memref_squeeze %dma_wait3A_234 : memref<1x128x128xf32, #tpu.memory_space<vmem>> -> memref<128x128xf32, #tpu.memory_space<vmem>>
        %dma_wait3A_236 = arith.constant 0 : i32
        %dma_wait3A_237 = tpu.memref_slice %arg8[%dma_wait3A_231, %add3A_191, %dma_wait3A_236] : memref<2x8x128xi32, #tpu.memory_space<vmem>> -> memref<1x1x128xi32, #tpu.memory_space<vmem>>
        %dma_wait3A_238 = tpu.memref_squeeze %dma_wait3A_237 : memref<1x1x128xi32, #tpu.memory_space<vmem>> -> memref<128xi32, #tpu.memory_space<vmem>>
        %dma_wait3A_239 = arith.constant 0 : i32
        %dma_wait3A_240 = arith.constant 0 : i32
        %dma_wait3A_241 = tpu.memref_slice %arg10[%dma_wait3A_239, %dma_wait3A_240] : memref<10240x128xf32, #tpu.memory_space<vmem_shared>> -> memref<10240x128xf32, #tpu.memory_space<vmem_shared>>
        tpu.wait_indirect_dma semaphore(%arg12 : memref<!tpu.dma_semaphore, #tpu.memory_space<semaphore_mem>>) src(%dma_wait3A_235 : memref<128x128xf32, #tpu.memory_space<vmem>>) dst(%dma_wait3A_241 : memref<10240x128xf32, #tpu.memory_space<vmem_shared>>)
        %dma_wait3A_242 = arith.constant 1 : i32
        %dma_wait3A_243 = arith.constant 0 : i32
        %dma_wait3A_244 = arith.constant 0 : i32
        %dma_wait3A_245 = arith.constant 0 : i32
        %dma_wait3A_246 = tpu.memref_slice %arg9[%dma_wait3A_242, %dma_wait3A_244, %dma_wait3A_245] : memref<2x128x128xf32, #tpu.memory_space<vmem>> -> memref<1x128x128xf32, #tpu.memory_space<vmem>>
        %dma_wait3A_247 = tpu.memref_squeeze %dma_wait3A_246 : memref<1x128x128xf32, #tpu.memory_space<vmem>> -> memref<128x128xf32, #tpu.memory_space<vmem>>
        %dma_wait3A_248 = arith.constant 0 : i32
        %dma_wait3A_249 = tpu.memref_slice %arg8[%dma_wait3A_243, %add3A_217, %dma_wait3A_248] : memref<2x8x128xi32, #tpu.memory_space<vmem>> -> memref<1x1x128xi32, #tpu.memory_space<vmem>>
        %dma_wait3A_250 = tpu.memref_squeeze %dma_wait3A_249 : memref<1x1x128xi32, #tpu.memory_space<vmem>> -> memref<128xi32, #tpu.memory_space<vmem>>
        %dma_wait3A_251 = arith.constant 0 : i32
        %dma_wait3A_252 = arith.constant 0 : i32
        %dma_wait3A_253 = tpu.memref_slice %arg10[%dma_wait3A_251, %dma_wait3A_252] : memref<10240x128xf32, #tpu.memory_space<vmem_shared>> -> memref<10240x128xf32, #tpu.memory_space<vmem_shared>>
        tpu.wait_indirect_dma semaphore(%arg12 : memref<!tpu.dma_semaphore, #tpu.memory_space<semaphore_mem>>) src(%dma_wait3A_247 : memref<128x128xf32, #tpu.memory_space<vmem>>) dst(%dma_wait3A_253 : memref<10240x128xf32, #tpu.memory_space<vmem_shared>>)
      }
      %scan3A_52 = arith.constant 4 : i32
      %dma_wait3A = arith.constant 1 : i32
      %dma_wait3A_53 = arith.constant 0 : i32
      %dma_wait3A_54 = arith.constant 0 : i32
      %dma_wait3A_55 = tpu.memref_slice %arg7[%dma_wait3A, %dma_wait3A_53, %dma_wait3A_54] : memref<2x8x128xi32, #tpu.memory_space<vmem>> -> memref<1x8x128xi32, #tpu.memory_space<vmem>>
      %dma_wait3A_56 = tpu.memref_squeeze %dma_wait3A_55 : memref<1x8x128xi32, #tpu.memory_space<vmem>> -> memref<8x128xi32, #tpu.memory_space<vmem>>
      %dma_wait3A_57 = arith.constant 0 : i32
      %dma_wait3A_58 = tpu.memref_slice %arg3[%add3A_22, %dma_wait3A_57] : memref<2560x128xi32, #tpu.memory_space<hbm>> -> memref<8x128xi32, #tpu.memory_space<hbm>>
      %dma_wait3A_59 = arith.constant 0 : i32
      %dma_wait3A_60 = arith.constant 0 : i32
      %dma_wait3A_61 = tpu.memref_slice %arg7[%dma_wait3A, %dma_wait3A_59, %dma_wait3A_60] : memref<2x8x128xi32, #tpu.memory_space<vmem>> -> memref<1x8x128xi32, #tpu.memory_space<vmem>>
      %dma_wait3A_62 = tpu.memref_squeeze %dma_wait3A_61 : memref<1x8x128xi32, #tpu.memory_space<vmem>> -> memref<8x128xi32, #tpu.memory_space<vmem>>
      %dma_wait3A_63 = arith.constant 0 : i32
      %dma_wait3A_64 = tpu.memref_slice %arg3[%add3A_22, %dma_wait3A_63] : memref<2560x128xi32, #tpu.memory_space<hbm>> -> memref<8x128xi32, #tpu.memory_space<hbm>>
      tpu.wait_dma2 semaphore(%arg13 : memref<!tpu.dma_semaphore, #tpu.memory_space<semaphore_mem>>) src(%dma_wait3A_64 : memref<8x128xi32, #tpu.memory_space<hbm>>) dst(%dma_wait3A_62 : memref<8x128xi32, #tpu.memory_space<vmem>>)
      %dma_wait3A_65 = arith.constant 1 : i32
      %dma_wait3A_66 = arith.constant 0 : i32
      %dma_wait3A_67 = arith.constant 0 : i32
      %dma_wait3A_68 = tpu.memref_slice %arg8[%dma_wait3A_65, %dma_wait3A_66, %dma_wait3A_67] : memref<2x8x128xi32, #tpu.memory_space<vmem>> -> memref<1x8x128xi32, #tpu.memory_space<vmem>>
      %dma_wait3A_69 = tpu.memref_squeeze %dma_wait3A_68 : memref<1x8x128xi32, #tpu.memory_space<vmem>> -> memref<8x128xi32, #tpu.memory_space<vmem>>
      %dma_wait3A_70 = arith.constant 0 : i32
      %dma_wait3A_71 = tpu.memref_slice %arg4[%add3A_22, %dma_wait3A_70] : memref<2560x128xi32, #tpu.memory_space<hbm>> -> memref<8x128xi32, #tpu.memory_space<hbm>>
      %dma_wait3A_72 = arith.constant 0 : i32
      %dma_wait3A_73 = arith.constant 0 : i32
      %dma_wait3A_74 = tpu.memref_slice %arg8[%dma_wait3A_65, %dma_wait3A_72, %dma_wait3A_73] : memref<2x8x128xi32, #tpu.memory_space<vmem>> -> memref<1x8x128xi32, #tpu.memory_space<vmem>>
      %dma_wait3A_75 = tpu.memref_squeeze %dma_wait3A_74 : memref<1x8x128xi32, #tpu.memory_space<vmem>> -> memref<8x128xi32, #tpu.memory_space<vmem>>
      %dma_wait3A_76 = arith.constant 0 : i32
      %dma_wait3A_77 = tpu.memref_slice %arg4[%add3A_22, %dma_wait3A_76] : memref<2560x128xi32, #tpu.memory_space<hbm>> -> memref<8x128xi32, #tpu.memory_space<hbm>>
      tpu.wait_dma2 semaphore(%arg13 : memref<!tpu.dma_semaphore, #tpu.memory_space<semaphore_mem>>) src(%dma_wait3A_77 : memref<8x128xi32, #tpu.memory_space<hbm>>) dst(%dma_wait3A_75 : memref<8x128xi32, #tpu.memory_space<vmem>>)
      %lt3A = arith.constant 4 : i32
      %lt3A_78 = arith.cmpi slt, %add3A_15, %lt3A : i32
      %mul3A_79 = arith.constant 2 : i32
      %mul3A_80 = arith.muli %mul3A_79, %add3A_15 : i32
      %add3A_81 = arith.constant 2 : i32
      %add3A_82 = arith.addi %mul3A_80, %add3A_81 : i32
      %jit3A = arith.constant 0 : i32
      %select_n3A = arith.select %lt3A_78, %add3A_82, %jit3A : i32
      %mul3A_83 = arith.constant 8 : i32
      %mul3A_84 = arith.muli %select_n3A, %mul3A_83 : i32
      %add3A_85 = arith.addi %mul3A_4, %mul3A_84 : i32
      %dma_start3A_86 = arith.constant 0 : i32
      %dma_start3A_87 = arith.constant 0 : i32
      %dma_start3A_88 = arith.constant 0 : i32
      %dma_start3A_89 = tpu.memref_slice %arg7[%dma_start3A_86, %dma_start3A_87, %dma_start3A_88] : memref<2x8x128xi32, #tpu.memory_space<vmem>> -> memref<1x8x128xi32, #tpu.memory_space<vmem>>
      %dma_start3A_90 = tpu.memref_squeeze %dma_start3A_89 : memref<1x8x128xi32, #tpu.memory_space<vmem>> -> memref<8x128xi32, #tpu.memory_space<vmem>>
      %dma_start3A_91 = arith.constant 0 : i32
      %dma_start3A_92 = tpu.memref_slice %arg3[%add3A_85, %dma_start3A_91] : memref<2560x128xi32, #tpu.memory_space<hbm>> -> memref<8x128xi32, #tpu.memory_space<hbm>>
      %dma_start3A_93 = arith.constant 0 : i32
      %dma_start3A_94 = arith.constant 0 : i32
      %dma_start3A_95 = tpu.memref_slice %arg7[%dma_start3A_86, %dma_start3A_93, %dma_start3A_94] : memref<2x8x128xi32, #tpu.memory_space<vmem>> -> memref<1x8x128xi32, #tpu.memory_space<vmem>>
      %dma_start3A_96 = tpu.memref_squeeze %dma_start3A_95 : memref<1x8x128xi32, #tpu.memory_space<vmem>> -> memref<8x128xi32, #tpu.memory_space<vmem>>
      %dma_start3A_97 = arith.constant 0 : i32
      %dma_start3A_98 = tpu.memref_slice %arg3[%add3A_85, %dma_start3A_97] : memref<2560x128xi32, #tpu.memory_space<hbm>> -> memref<8x128xi32, #tpu.memory_space<hbm>>
      tpu.enqueue_dma source(%dma_start3A_98 : memref<8x128xi32, #tpu.memory_space<hbm>>) target(%dma_start3A_96 : memref<8x128xi32, #tpu.memory_space<vmem>>) target_semaphore(%arg13 : memref<!tpu.dma_semaphore, #tpu.memory_space<semaphore_mem>>)
      %dma_start3A_99 = arith.constant 0 : i32
      %dma_start3A_100 = arith.constant 0 : i32
      %dma_start3A_101 = arith.constant 0 : i32
      %dma_start3A_102 = tpu.memref_slice %arg8[%dma_start3A_99, %dma_start3A_100, %dma_start3A_101] : memref<2x8x128xi32, #tpu.memory_space<vmem>> -> memref<1x8x128xi32, #tpu.memory_space<vmem>>
      %dma_start3A_103 = tpu.memref_squeeze %dma_start3A_102 : memref<1x8x128xi32, #tpu.memory_space<vmem>> -> memref<8x128xi32, #tpu.memory_space<vmem>>
      %dma_start3A_104 = arith.constant 0 : i32
      %dma_start3A_105 = tpu.memref_slice %arg4[%add3A_85, %dma_start3A_104] : memref<2560x128xi32, #tpu.memory_space<hbm>> -> memref<8x128xi32, #tpu.memory_space<hbm>>
      %dma_start3A_106 = arith.constant 0 : i32
      %dma_start3A_107 = arith.constant 0 : i32
      %dma_start3A_108 = tpu.memref_slice %arg8[%dma_start3A_99, %dma_start3A_106, %dma_start3A_107] : memref<2x8x128xi32, #tpu.memory_space<vmem>> -> memref<1x8x128xi32, #tpu.memory_space<vmem>>
      %dma_start3A_109 = tpu.memref_squeeze %dma_start3A_108 : memref<1x8x128xi32, #tpu.memory_space<vmem>> -> memref<8x128xi32, #tpu.memory_space<vmem>>
      %dma_start3A_110 = arith.constant 0 : i32
      %dma_start3A_111 = tpu.memref_slice %arg4[%add3A_85, %dma_start3A_110] : memref<2560x128xi32, #tpu.memory_space<hbm>> -> memref<8x128xi32, #tpu.memory_space<hbm>>
      tpu.enqueue_dma source(%dma_start3A_111 : memref<8x128xi32, #tpu.memory_space<hbm>>) target(%dma_start3A_109 : memref<8x128xi32, #tpu.memory_space<vmem>>) target_semaphore(%arg13 : memref<!tpu.dma_semaphore, #tpu.memory_space<semaphore_mem>>)
      %scan3A_112 = arith.constant 0 : i32
      %scan3A_113 = arith.constant 4 : i32
      %scan3A_114 = arith.addi %scan3A_112, %scan3A_113 : i32
      %scan3A_115 = arith.constant 1 : i32
      scf.for %scan3A_143 = %scan3A_112 to %scan3A_114 step %scan3A_115  : i32 {
        %mul3A_144 = arith.constant 1 : i32
        %mul3A_145 = arith.muli %scan3A_143, %mul3A_144 : i32
        %add3A_146 = arith.constant 0 : i32
        %add3A_147 = arith.addi %add3A_146, %mul3A_145 : i32
        %mul3A_148 = arith.constant 2 : i32
        %mul3A_149 = arith.muli %add3A_147, %mul3A_148 : i32
        %add3A_150 = arith.constant 0 : i32
        %add3A_151 = arith.addi %mul3A_149, %add3A_150 : i32
        %dma_start3A_152 = arith.constant 1 : i32
        %dma_start3A_153 = arith.constant 0 : i32
        %dma_start3A_154 = arith.constant 0 : i32
        %dma_start3A_155 = arith.constant 0 : i32
        %dma_start3A_156 = tpu.memref_slice %arg9[%dma_start3A_153, %dma_start3A_154, %dma_start3A_155] : memref<2x128x128xf32, #tpu.memory_space<vmem>> -> memref<1x128x128xf32, #tpu.memory_space<vmem>>
        %dma_start3A_157 = tpu.memref_squeeze %dma_start3A_156 : memref<1x128x128xf32, #tpu.memory_space<vmem>> -> memref<128x128xf32, #tpu.memory_space<vmem>>
        %dma_start3A_158 = arith.constant 0 : i32
        %dma_start3A_159 = tpu.memref_slice %arg7[%dma_start3A_152, %add3A_151, %dma_start3A_158] : memref<2x8x128xi32, #tpu.memory_space<vmem>> -> memref<1x1x128xi32, #tpu.memory_space<vmem>>
        %dma_start3A_160 = tpu.memref_squeeze %dma_start3A_159 : memref<1x1x128xi32, #tpu.memory_space<vmem>> -> memref<128xi32, #tpu.memory_space<vmem>>
        %dma_start3A_161 = arith.constant 0 : i32
        %dma_start3A_162 = arith.constant 0 : i32
        %dma_start3A_163 = tpu.memref_slice %arg2[%dma_start3A_161, %dma_start3A_162] : memref<10240x128xf32, #tpu.memory_space<hbm>> -> memref<10240x128xf32, #tpu.memory_space<hbm>>
        tpu.enqueue_indirect_dma source(%dma_start3A_163 : memref<10240x128xf32, #tpu.memory_space<hbm>>) target(%dma_start3A_157 : memref<128x128xf32, #tpu.memory_space<vmem>>) offsets(%dma_start3A_160 : memref<128xi32, #tpu.memory_space<vmem>>) semaphore(%arg11 : memref<!tpu.dma_semaphore, #tpu.memory_space<semaphore_mem>>)
        %add3A_164 = arith.constant 1 : i32
        %add3A_165 = arith.addi %mul3A_149, %add3A_164 : i32
        %dma_start3A_166 = arith.constant 1 : i32
        %dma_start3A_167 = arith.constant 1 : i32
        %dma_start3A_168 = arith.constant 0 : i32
        %dma_start3A_169 = arith.constant 0 : i32
        %dma_start3A_170 = tpu.memref_slice %arg9[%dma_start3A_167, %dma_start3A_168, %dma_start3A_169] : memref<2x128x128xf32, #tpu.memory_space<vmem>> -> memref<1x128x128xf32, #tpu.memory_space<vmem>>
        %dma_start3A_171 = tpu.memref_squeeze %dma_start3A_170 : memref<1x128x128xf32, #tpu.memory_space<vmem>> -> memref<128x128xf32, #tpu.memory_space<vmem>>
        %dma_start3A_172 = arith.constant 0 : i32
        %dma_start3A_173 = tpu.memref_slice %arg7[%dma_start3A_166, %add3A_165, %dma_start3A_172] : memref<2x8x128xi32, #tpu.memory_space<vmem>> -> memref<1x1x128xi32, #tpu.memory_space<vmem>>
        %dma_start3A_174 = tpu.memref_squeeze %dma_start3A_173 : memref<1x1x128xi32, #tpu.memory_space<vmem>> -> memref<128xi32, #tpu.memory_space<vmem>>
        %dma_start3A_175 = arith.constant 0 : i32
        %dma_start3A_176 = arith.constant 0 : i32
        %dma_start3A_177 = tpu.memref_slice %arg2[%dma_start3A_175, %dma_start3A_176] : memref<10240x128xf32, #tpu.memory_space<hbm>> -> memref<10240x128xf32, #tpu.memory_space<hbm>>
        tpu.enqueue_indirect_dma source(%dma_start3A_177 : memref<10240x128xf32, #tpu.memory_space<hbm>>) target(%dma_start3A_171 : memref<128x128xf32, #tpu.memory_space<vmem>>) offsets(%dma_start3A_174 : memref<128xi32, #tpu.memory_space<vmem>>) semaphore(%arg11 : memref<!tpu.dma_semaphore, #tpu.memory_space<semaphore_mem>>)
        %dma_wait3A_178 = arith.constant 1 : i32
        %dma_wait3A_179 = arith.constant 0 : i32
        %dma_wait3A_180 = arith.constant 0 : i32
        %dma_wait3A_181 = arith.constant 0 : i32
        %dma_wait3A_182 = tpu.memref_slice %arg9[%dma_wait3A_179, %dma_wait3A_180, %dma_wait3A_181] : memref<2x128x128xf32, #tpu.memory_space<vmem>> -> memref<1x128x128xf32, #tpu.memory_space<vmem>>
        %dma_wait3A_183 = tpu.memref_squeeze %dma_wait3A_182 : memref<1x128x128xf32, #tpu.memory_space<vmem>> -> memref<128x128xf32, #tpu.memory_space<vmem>>
        %dma_wait3A_184 = arith.constant 0 : i32
        %dma_wait3A_185 = tpu.memref_slice %arg7[%dma_wait3A_178, %add3A_151, %dma_wait3A_184] : memref<2x8x128xi32, #tpu.memory_space<vmem>> -> memref<1x1x128xi32, #tpu.memory_space<vmem>>
        %dma_wait3A_186 = tpu.memref_squeeze %dma_wait3A_185 : memref<1x1x128xi32, #tpu.memory_space<vmem>> -> memref<128xi32, #tpu.memory_space<vmem>>
        %dma_wait3A_187 = arith.constant 0 : i32
        %dma_wait3A_188 = arith.constant 0 : i32
        %dma_wait3A_189 = tpu.memref_slice %arg2[%dma_wait3A_187, %dma_wait3A_188] : memref<10240x128xf32, #tpu.memory_space<hbm>> -> memref<10240x128xf32, #tpu.memory_space<hbm>>
        tpu.wait_indirect_dma semaphore(%arg11 : memref<!tpu.dma_semaphore, #tpu.memory_space<semaphore_mem>>) src(%dma_wait3A_189 : memref<10240x128xf32, #tpu.memory_space<hbm>>) dst(%dma_wait3A_183 : memref<128x128xf32, #tpu.memory_space<vmem>>)
        %add3A_190 = arith.constant 0 : i32
        %add3A_191 = arith.addi %mul3A_149, %add3A_190 : i32
        %dma_start3A_192 = arith.constant 0 : i32
        %dma_start3A_193 = arith.constant 1 : i32
        %dma_start3A_194 = arith.constant 0 : i32
        %dma_start3A_195 = arith.constant 0 : i32
        %dma_start3A_196 = tpu.memref_slice %arg9[%dma_start3A_192, %dma_start3A_194, %dma_start3A_195] : memref<2x128x128xf32, #tpu.memory_space<vmem>> -> memref<1x128x128xf32, #tpu.memory_space<vmem>>
        %dma_start3A_197 = tpu.memref_squeeze %dma_start3A_196 : memref<1x128x128xf32, #tpu.memory_space<vmem>> -> memref<128x128xf32, #tpu.memory_space<vmem>>
        %dma_start3A_198 = arith.constant 0 : i32
        %dma_start3A_199 = tpu.memref_slice %arg8[%dma_start3A_193, %add3A_191, %dma_start3A_198] : memref<2x8x128xi32, #tpu.memory_space<vmem>> -> memref<1x1x128xi32, #tpu.memory_space<vmem>>
        %dma_start3A_200 = tpu.memref_squeeze %dma_start3A_199 : memref<1x1x128xi32, #tpu.memory_space<vmem>> -> memref<128xi32, #tpu.memory_space<vmem>>
        %dma_start3A_201 = arith.constant 0 : i32
        %dma_start3A_202 = arith.constant 0 : i32
        %dma_start3A_203 = tpu.memref_slice %arg10[%dma_start3A_201, %dma_start3A_202] : memref<10240x128xf32, #tpu.memory_space<vmem_shared>> -> memref<10240x128xf32, #tpu.memory_space<vmem_shared>>
        tpu.enqueue_indirect_dma source(%dma_start3A_197 : memref<128x128xf32, #tpu.memory_space<vmem>>) target(%dma_start3A_203 : memref<10240x128xf32, #tpu.memory_space<vmem_shared>>) offsets(%dma_start3A_200 : memref<128xi32, #tpu.memory_space<vmem>>) semaphore(%arg12 : memref<!tpu.dma_semaphore, #tpu.memory_space<semaphore_mem>>) {add = true}
        %dma_wait3A_204 = arith.constant 1 : i32
        %dma_wait3A_205 = arith.constant 1 : i32
        %dma_wait3A_206 = arith.constant 0 : i32
        %dma_wait3A_207 = arith.constant 0 : i32
        %dma_wait3A_208 = tpu.memref_slice %arg9[%dma_wait3A_205, %dma_wait3A_206, %dma_wait3A_207] : memref<2x128x128xf32, #tpu.memory_space<vmem>> -> memref<1x128x128xf32, #tpu.memory_space<vmem>>
        %dma_wait3A_209 = tpu.memref_squeeze %dma_wait3A_208 : memref<1x128x128xf32, #tpu.memory_space<vmem>> -> memref<128x128xf32, #tpu.memory_space<vmem>>
        %dma_wait3A_210 = arith.constant 0 : i32
        %dma_wait3A_211 = tpu.memref_slice %arg7[%dma_wait3A_204, %add3A_165, %dma_wait3A_210] : memref<2x8x128xi32, #tpu.memory_space<vmem>> -> memref<1x1x128xi32, #tpu.memory_space<vmem>>
        %dma_wait3A_212 = tpu.memref_squeeze %dma_wait3A_211 : memref<1x1x128xi32, #tpu.memory_space<vmem>> -> memref<128xi32, #tpu.memory_space<vmem>>
        %dma_wait3A_213 = arith.constant 0 : i32
        %dma_wait3A_214 = arith.constant 0 : i32
        %dma_wait3A_215 = tpu.memref_slice %arg2[%dma_wait3A_213, %dma_wait3A_214] : memref<10240x128xf32, #tpu.memory_space<hbm>> -> memref<10240x128xf32, #tpu.memory_space<hbm>>
        tpu.wait_indirect_dma semaphore(%arg11 : memref<!tpu.dma_semaphore, #tpu.memory_space<semaphore_mem>>) src(%dma_wait3A_215 : memref<10240x128xf32, #tpu.memory_space<hbm>>) dst(%dma_wait3A_209 : memref<128x128xf32, #tpu.memory_space<vmem>>)
        %add3A_216 = arith.constant 1 : i32
        %add3A_217 = arith.addi %mul3A_149, %add3A_216 : i32
        %dma_start3A_218 = arith.constant 1 : i32
        %dma_start3A_219 = arith.constant 1 : i32
        %dma_start3A_220 = arith.constant 0 : i32
        %dma_start3A_221 = arith.constant 0 : i32
        %dma_start3A_222 = tpu.memref_slice %arg9[%dma_start3A_218, %dma_start3A_220, %dma_start3A_221] : memref<2x128x128xf32, #tpu.memory_space<vmem>> -> memref<1x128x128xf32, #tpu.memory_space<vmem>>
        %dma_start3A_223 = tpu.memref_squeeze %dma_start3A_222 : memref<1x128x128xf32, #tpu.memory_space<vmem>> -> memref<128x128xf32, #tpu.memory_space<vmem>>
        %dma_start3A_224 = arith.constant 0 : i32
        %dma_start3A_225 = tpu.memref_slice %arg8[%dma_start3A_219, %add3A_217, %dma_start3A_224] : memref<2x8x128xi32, #tpu.memory_space<vmem>> -> memref<1x1x128xi32, #tpu.memory_space<vmem>>
        %dma_start3A_226 = tpu.memref_squeeze %dma_start3A_225 : memref<1x1x128xi32, #tpu.memory_space<vmem>> -> memref<128xi32, #tpu.memory_space<vmem>>
        %dma_start3A_227 = arith.constant 0 : i32
        %dma_start3A_228 = arith.constant 0 : i32
        %dma_start3A_229 = tpu.memref_slice %arg10[%dma_start3A_227, %dma_start3A_228] : memref<10240x128xf32, #tpu.memory_space<vmem_shared>> -> memref<10240x128xf32, #tpu.memory_space<vmem_shared>>
        tpu.enqueue_indirect_dma source(%dma_start3A_223 : memref<128x128xf32, #tpu.memory_space<vmem>>) target(%dma_start3A_229 : memref<10240x128xf32, #tpu.memory_space<vmem_shared>>) offsets(%dma_start3A_226 : memref<128xi32, #tpu.memory_space<vmem>>) semaphore(%arg12 : memref<!tpu.dma_semaphore, #tpu.memory_space<semaphore_mem>>) {add = true}
        %dma_wait3A_230 = arith.constant 0 : i32
        %dma_wait3A_231 = arith.constant 1 : i32
        %dma_wait3A_232 = arith.constant 0 : i32
        %dma_wait3A_233 = arith.constant 0 : i32
        %dma_wait3A_234 = tpu.memref_slice %arg9[%dma_wait3A_230, %dma_wait3A_232, %dma_wait3A_233] : memref<2x128x128xf32, #tpu.memory_space<vmem>> -> memref<1x128x128xf32, #tpu.memory_space<vmem>>
        %dma_wait3A_235 = tpu.memref_squeeze %dma_wait3A_234 : memref<1x128x128xf32, #tpu.memory_space<vmem>> -> memref<128x128xf32, #tpu.memory_space<vmem>>
        %dma_wait3A_236 = arith.constant 0 : i32
        %dma_wait3A_237 = tpu.memref_slice %arg8[%dma_wait3A_231, %add3A_191, %dma_wait3A_236] : memref<2x8x128xi32, #tpu.memory_space<vmem>> -> memref<1x1x128xi32, #tpu.memory_space<vmem>>
        %dma_wait3A_238 = tpu.memref_squeeze %dma_wait3A_237 : memref<1x1x128xi32, #tpu.memory_space<vmem>> -> memref<128xi32, #tpu.memory_space<vmem>>
        %dma_wait3A_239 = arith.constant 0 : i32
        %dma_wait3A_240 = arith.constant 0 : i32
        %dma_wait3A_241 = tpu.memref_slice %arg10[%dma_wait3A_239, %dma_wait3A_240] : memref<10240x128xf32, #tpu.memory_space<vmem_shared>> -> memref<10240x128xf32, #tpu.memory_space<vmem_shared>>
        tpu.wait_indirect_dma semaphore(%arg12 : memref<!tpu.dma_semaphore, #tpu.memory_space<semaphore_mem>>) src(%dma_wait3A_235 : memref<128x128xf32, #tpu.memory_space<vmem>>) dst(%dma_wait3A_241 : memref<10240x128xf32, #tpu.memory_space<vmem_shared>>)
        %dma_wait3A_242 = arith.constant 1 : i32
        %dma_wait3A_243 = arith.constant 1 : i32
        %dma_wait3A_244 = arith.constant 0 : i32
        %dma_wait3A_245 = arith.constant 0 : i32
        %dma_wait3A_246 = tpu.memref_slice %arg9[%dma_wait3A_242, %dma_wait3A_244, %dma_wait3A_245] : memref<2x128x128xf32, #tpu.memory_space<vmem>> -> memref<1x128x128xf32, #tpu.memory_space<vmem>>
        %dma_wait3A_247 = tpu.memref_squeeze %dma_wait3A_246 : memref<1x128x128xf32, #tpu.memory_space<vmem>> -> memref<128x128xf32, #tpu.memory_space<vmem>>
        %dma_wait3A_248 = arith.constant 0 : i32
        %dma_wait3A_249 = tpu.memref_slice %arg8[%dma_wait3A_243, %add3A_217, %dma_wait3A_248] : memref<2x8x128xi32, #tpu.memory_space<vmem>> -> memref<1x1x128xi32, #tpu.memory_space<vmem>>
        %dma_wait3A_250 = tpu.memref_squeeze %dma_wait3A_249 : memref<1x1x128xi32, #tpu.memory_space<vmem>> -> memref<128xi32, #tpu.memory_space<vmem>>
        %dma_wait3A_251 = arith.constant 0 : i32
        %dma_wait3A_252 = arith.constant 0 : i32
        %dma_wait3A_253 = tpu.memref_slice %arg10[%dma_wait3A_251, %dma_wait3A_252] : memref<10240x128xf32, #tpu.memory_space<vmem_shared>> -> memref<10240x128xf32, #tpu.memory_space<vmem_shared>>
        tpu.wait_indirect_dma semaphore(%arg12 : memref<!tpu.dma_semaphore, #tpu.memory_space<semaphore_mem>>) src(%dma_wait3A_247 : memref<128x128xf32, #tpu.memory_space<vmem>>) dst(%dma_wait3A_253 : memref<10240x128xf32, #tpu.memory_space<vmem_shared>>)
      }
      %scan3A_116 = arith.constant 4 : i32
      %dma_wait3A_117 = arith.constant 0 : i32
      %dma_wait3A_118 = arith.constant 0 : i32
      %dma_wait3A_119 = arith.constant 0 : i32
      %dma_wait3A_120 = tpu.memref_slice %arg7[%dma_wait3A_117, %dma_wait3A_118, %dma_wait3A_119] : memref<2x8x128xi32, #tpu.memory_space<vmem>> -> memref<1x8x128xi32, #tpu.memory_space<vmem>>
      %dma_wait3A_121 = tpu.memref_squeeze %dma_wait3A_120 : memref<1x8x128xi32, #tpu.memory_space<vmem>> -> memref<8x128xi32, #tpu.memory_space<vmem>>
      %dma_wait3A_122 = arith.constant 0 : i32
      %dma_wait3A_123 = tpu.memref_slice %arg3[%add3A_85, %dma_wait3A_122] : memref<2560x128xi32, #tpu.memory_space<hbm>> -> memref<8x128xi32, #tpu.memory_space<hbm>>
      %dma_wait3A_124 = arith.constant 0 : i32
      %dma_wait3A_125 = arith.constant 0 : i32
      %dma_wait3A_126 = tpu.memref_slice %arg7[%dma_wait3A_117, %dma_wait3A_124, %dma_wait3A_125] : memref<2x8x128xi32, #tpu.memory_space<vmem>> -> memref<1x8x128xi32, #tpu.memory_space<vmem>>
      %dma_wait3A_127 = tpu.memref_squeeze %dma_wait3A_126 : memref<1x8x128xi32, #tpu.memory_space<vmem>> -> memref<8x128xi32, #tpu.memory_space<vmem>>
      %dma_wait3A_128 = arith.constant 0 : i32
      %dma_wait3A_129 = tpu.memref_slice %arg3[%add3A_85, %dma_wait3A_128] : memref<2560x128xi32, #tpu.memory_space<hbm>> -> memref<8x128xi32, #tpu.memory_space<hbm>>
      tpu.wait_dma2 semaphore(%arg13 : memref<!tpu.dma_semaphore, #tpu.memory_space<semaphore_mem>>) src(%dma_wait3A_129 : memref<8x128xi32, #tpu.memory_space<hbm>>) dst(%dma_wait3A_127 : memref<8x128xi32, #tpu.memory_space<vmem>>)
      %dma_wait3A_130 = arith.constant 0 : i32
      %dma_wait3A_131 = arith.constant 0 : i32
      %dma_wait3A_132 = arith.constant 0 : i32
      %dma_wait3A_133 = tpu.memref_slice %arg8[%dma_wait3A_130, %dma_wait3A_131, %dma_wait3A_132] : memref<2x8x128xi32, #tpu.memory_space<vmem>> -> memref<1x8x128xi32, #tpu.memory_space<vmem>>
      %dma_wait3A_134 = tpu.memref_squeeze %dma_wait3A_133 : memref<1x8x128xi32, #tpu.memory_space<vmem>> -> memref<8x128xi32, #tpu.memory_space<vmem>>
      %dma_wait3A_135 = arith.constant 0 : i32
      %dma_wait3A_136 = tpu.memref_slice %arg4[%add3A_85, %dma_wait3A_135] : memref<2560x128xi32, #tpu.memory_space<hbm>> -> memref<8x128xi32, #tpu.memory_space<hbm>>
      %dma_wait3A_137 = arith.constant 0 : i32
      %dma_wait3A_138 = arith.constant 0 : i32
      %dma_wait3A_139 = tpu.memref_slice %arg8[%dma_wait3A_130, %dma_wait3A_137, %dma_wait3A_138] : memref<2x8x128xi32, #tpu.memory_space<vmem>> -> memref<1x8x128xi32, #tpu.memory_space<vmem>>
      %dma_wait3A_140 = tpu.memref_squeeze %dma_wait3A_139 : memref<1x8x128xi32, #tpu.memory_space<vmem>> -> memref<8x128xi32, #tpu.memory_space<vmem>>
      %dma_wait3A_141 = arith.constant 0 : i32
      %dma_wait3A_142 = tpu.memref_slice %arg4[%add3A_85, %dma_wait3A_141] : memref<2560x128xi32, #tpu.memory_space<hbm>> -> memref<8x128xi32, #tpu.memory_space<hbm>>
      tpu.wait_dma2 semaphore(%arg13 : memref<!tpu.dma_semaphore, #tpu.memory_space<semaphore_mem>>) src(%dma_wait3A_142 : memref<8x128xi32, #tpu.memory_space<hbm>>) dst(%dma_wait3A_140 : memref<8x128xi32, #tpu.memory_space<vmem>>)
    }
    %scan3A_9 = arith.constant 5 : i32
    %barrier3A_10 = arith.constant 0 : index
    tpu.barrier barrier_id(%barrier3A_10)
    "tpu.region"() ({
      %run_scoped3A_11 = tpu.sem_alloc : memref<!tpu.dma_semaphore, #tpu.memory_space<semaphore_mem>>
      %dma_start3A = arith.constant 0 : i32
      %dma_start3A_12 = tpu.memref_slice %arg6[%arg0, %mul3A_2, %dma_start3A] : memref<2x10240x128xf32, #tpu.memory_space<hbm>> -> memref<1x640x128xf32, #tpu.memory_space<hbm>>
      %dma_start3A_13 = tpu.memref_squeeze %dma_start3A_12 : memref<1x640x128xf32, #tpu.memory_space<hbm>> -> memref<640x128xf32, #tpu.memory_space<hbm>>
      %dma_start3A_14 = arith.constant 0 : i32
      %dma_start3A_15 = tpu.memref_slice %arg10[%mul3A_2, %dma_start3A_14] : memref<10240x128xf32, #tpu.memory_space<vmem_shared>> -> memref<640x128xf32, #tpu.memory_space<vmem_shared>>
      tpu.enqueue_dma source(%dma_start3A_15 : memref<640x128xf32, #tpu.memory_space<vmem_shared>>) target(%dma_start3A_13 : memref<640x128xf32, #tpu.memory_space<hbm>>) target_semaphore(%run_scoped3A_11 : memref<!tpu.dma_semaphore, #tpu.memory_space<semaphore_mem>>)
      %dma_wait3A = arith.constant 0 : i32
      %dma_wait3A_16 = tpu.memref_slice %arg6[%arg0, %mul3A_2, %dma_wait3A] : memref<2x10240x128xf32, #tpu.memory_space<hbm>> -> memref<1x640x128xf32, #tpu.memory_space<hbm>>
      %dma_wait3A_17 = tpu.memref_squeeze %dma_wait3A_16 : memref<1x640x128xf32, #tpu.memory_space<hbm>> -> memref<640x128xf32, #tpu.memory_space<hbm>>
      %dma_wait3A_18 = arith.constant 0 : i32
      %dma_wait3A_19 = tpu.memref_slice %arg10[%mul3A_2, %dma_wait3A_18] : memref<10240x128xf32, #tpu.memory_space<vmem_shared>> -> memref<640x128xf32, #tpu.memory_space<vmem_shared>>
      tpu.wait_dma2 semaphore(%run_scoped3A_11 : memref<!tpu.dma_semaphore, #tpu.memory_space<semaphore_mem>>) src(%dma_wait3A_19 : memref<640x128xf32, #tpu.memory_space<vmem_shared>>) dst(%dma_wait3A_17 : memref<640x128xf32, #tpu.memory_space<hbm>>)
      tpu.yield
    }) : () -> ()
    return
  }
}

#map = affine_map<(d0, d1) -> (0, 0)>
#map1 = affine_map<(d0, d1) -> (0)>
module attributes {stable_mosaic.version = 14 : i64} {
  func.func @k(%arg0: i32, %arg1: i32, %arg2: memref<2560x128xi32, #tpu.memory_space<hbm>>, %arg3: memref<128xf32, #tpu.memory_space<hbm>>, %arg4: memref<10240xf32, #tpu.memory_space<hbm>>, %arg5: memref<20480xf32, #tpu.memory_space<hbm>>, %arg6: memref<80x128xi32, #tpu.memory_space<vmem>>, %arg7: memref<128xf32, #tpu.memory_space<vmem>>, %arg8: memref<10240xf32, #tpu.memory_space<vmem_shared>>, %arg9: memref<!tpu.dma_semaphore, #tpu.memory_space<semaphore_mem>>) attributes {dimension_semantics = [#tpu.dimension_semantics<core_parallel>, #tpu.dimension_semantics<subcore_parallel>], iteration_bounds = array<i64: 2, 16>, scalar_prefetch = 0 : i64, scratch_operands = 4 : i64, tpu.core_type = #tpu.core_type<sc_vector_subcore>, window_params = [{transform_indices = #map}, {transform_indices = #map1}, {transform_indices = #map1}, {transform_indices = #map1}]} {
    %mul3A = arith.constant 16 : i32
    %mul3A_0 = arith.muli %arg0, %mul3A : i32
    %add3A = arith.addi %mul3A_0, %arg1 : i32
    %mul3A_1 = arith.constant 640 : i32
    %mul3A_2 = arith.muli %arg1, %mul3A_1 : i32
    "tpu.region"() ({
      %run_scoped3A = tpu.sem_alloc : memref<!tpu.dma_semaphore, #tpu.memory_space<semaphore_mem>>
      %dma_start3A = tpu.memref_slice %arg8[%mul3A_2] : memref<10240xf32, #tpu.memory_space<vmem_shared>> -> memref<640xf32, #tpu.memory_space<vmem_shared>>
      %dma_start3A_13 = tpu.memref_slice %arg4[%mul3A_2] : memref<10240xf32, #tpu.memory_space<hbm>> -> memref<640xf32, #tpu.memory_space<hbm>>
      tpu.enqueue_dma source(%dma_start3A_13 : memref<640xf32, #tpu.memory_space<hbm>>) target(%dma_start3A : memref<640xf32, #tpu.memory_space<vmem_shared>>) target_semaphore(%run_scoped3A : memref<!tpu.dma_semaphore, #tpu.memory_space<semaphore_mem>>)
      %dma_wait3A = tpu.memref_slice %arg8[%mul3A_2] : memref<10240xf32, #tpu.memory_space<vmem_shared>> -> memref<640xf32, #tpu.memory_space<vmem_shared>>
      %dma_wait3A_14 = tpu.memref_slice %arg4[%mul3A_2] : memref<10240xf32, #tpu.memory_space<hbm>> -> memref<640xf32, #tpu.memory_space<hbm>>
      tpu.wait_dma2 semaphore(%run_scoped3A : memref<!tpu.dma_semaphore, #tpu.memory_space<semaphore_mem>>) src(%dma_wait3A_14 : memref<640xf32, #tpu.memory_space<hbm>>) dst(%dma_wait3A : memref<640xf32, #tpu.memory_space<vmem_shared>>)
      tpu.yield
    }) : () -> ()
    "tpu.region"() ({
      %run_scoped3A = tpu.sem_alloc : memref<!tpu.dma_semaphore, #tpu.memory_space<semaphore_mem>>
      tpu.enqueue_dma source(%arg3 : memref<128xf32, #tpu.memory_space<hbm>>) target(%arg7 : memref<128xf32, #tpu.memory_space<vmem>>) target_semaphore(%run_scoped3A : memref<!tpu.dma_semaphore, #tpu.memory_space<semaphore_mem>>)
      tpu.wait_dma2 semaphore(%run_scoped3A : memref<!tpu.dma_semaphore, #tpu.memory_space<semaphore_mem>>) src(%arg3 : memref<128xf32, #tpu.memory_space<hbm>>) dst(%arg7 : memref<128xf32, #tpu.memory_space<vmem>>)
      tpu.yield
    }) : () -> ()
    %mul3A_3 = arith.constant 80 : i32
    %mul3A_4 = arith.muli %add3A, %mul3A_3 : i32
    "tpu.region"() ({
      %run_scoped3A = tpu.sem_alloc : memref<!tpu.dma_semaphore, #tpu.memory_space<semaphore_mem>>
      %dma_start3A = arith.constant 0 : i32
      %dma_start3A_13 = tpu.memref_slice %arg2[%mul3A_4, %dma_start3A] : memref<2560x128xi32, #tpu.memory_space<hbm>> -> memref<80x128xi32, #tpu.memory_space<hbm>>
      %dma_start3A_14 = arith.constant 0 : i32
      %dma_start3A_15 = tpu.memref_slice %arg2[%mul3A_4, %dma_start3A_14] : memref<2560x128xi32, #tpu.memory_space<hbm>> -> memref<80x128xi32, #tpu.memory_space<hbm>>
      tpu.enqueue_dma source(%dma_start3A_15 : memref<80x128xi32, #tpu.memory_space<hbm>>) target(%arg6 : memref<80x128xi32, #tpu.memory_space<vmem>>) target_semaphore(%run_scoped3A : memref<!tpu.dma_semaphore, #tpu.memory_space<semaphore_mem>>)
      %dma_wait3A = arith.constant 0 : i32
      %dma_wait3A_16 = tpu.memref_slice %arg2[%mul3A_4, %dma_wait3A] : memref<2560x128xi32, #tpu.memory_space<hbm>> -> memref<80x128xi32, #tpu.memory_space<hbm>>
      %dma_wait3A_17 = arith.constant 0 : i32
      %dma_wait3A_18 = tpu.memref_slice %arg2[%mul3A_4, %dma_wait3A_17] : memref<2560x128xi32, #tpu.memory_space<hbm>> -> memref<80x128xi32, #tpu.memory_space<hbm>>
      tpu.wait_dma2 semaphore(%run_scoped3A : memref<!tpu.dma_semaphore, #tpu.memory_space<semaphore_mem>>) src(%dma_wait3A_18 : memref<80x128xi32, #tpu.memory_space<hbm>>) dst(%arg6 : memref<80x128xi32, #tpu.memory_space<vmem>>)
      tpu.yield
    }) : () -> ()
    %barrier3A = arith.constant 0 : index
    tpu.barrier barrier_id(%barrier3A)
    %scan3A = arith.constant 0 : i32
    %scan3A_5 = arith.constant 10 : i32
    %scan3A_6 = arith.addi %scan3A, %scan3A_5 : i32
    %scan3A_7 = arith.constant 1 : i32
    scf.for %scan3A_13 = %scan3A to %scan3A_6 step %scan3A_7  : i32 {
      %mul3A_14 = arith.constant 1 : i32
      %mul3A_15 = arith.muli %scan3A_13, %mul3A_14 : i32
      %add3A_16 = arith.constant 0 : i32
      %add3A_17 = arith.addi %add3A_16, %mul3A_15 : i32
      %mul3A_18 = arith.constant 8 : i32
      %mul3A_19 = arith.muli %add3A_17, %mul3A_18 : i32
      %add3A_20 = arith.constant 0 : i32
      %add3A_21 = arith.addi %mul3A_19, %add3A_20 : i32
      %dma_start3A = arith.constant 0 : i32
      %dma_start3A_22 = tpu.memref_slice %arg6[%add3A_21, %dma_start3A] : memref<80x128xi32, #tpu.memory_space<vmem>> -> memref<1x128xi32, #tpu.memory_space<vmem>>
      %dma_start3A_23 = tpu.memref_squeeze %dma_start3A_22 : memref<1x128xi32, #tpu.memory_space<vmem>> -> memref<128xi32, #tpu.memory_space<vmem>>
      %dma_start3A_24 = arith.constant 0 : i32
      %dma_start3A_25 = tpu.memref_slice %arg8[%dma_start3A_24] : memref<10240xf32, #tpu.memory_space<vmem_shared>> -> memref<10240xf32, #tpu.memory_space<vmem_shared>>
      tpu.enqueue_indirect_dma source(%arg7 : memref<128xf32, #tpu.memory_space<vmem>>) target(%dma_start3A_25 : memref<10240xf32, #tpu.memory_space<vmem_shared>>) offsets(%dma_start3A_23 : memref<128xi32, #tpu.memory_space<vmem>>) semaphore(%arg9 : memref<!tpu.dma_semaphore, #tpu.memory_space<semaphore_mem>>) {add = true}
      %add3A_26 = arith.constant 1 : i32
      %add3A_27 = arith.addi %mul3A_19, %add3A_26 : i32
      %dma_start3A_28 = arith.constant 0 : i32
      %dma_start3A_29 = tpu.memref_slice %arg6[%add3A_27, %dma_start3A_28] : memref<80x128xi32, #tpu.memory_space<vmem>> -> memref<1x128xi32, #tpu.memory_space<vmem>>
      %dma_start3A_30 = tpu.memref_squeeze %dma_start3A_29 : memref<1x128xi32, #tpu.memory_space<vmem>> -> memref<128xi32, #tpu.memory_space<vmem>>
      %dma_start3A_31 = arith.constant 0 : i32
      %dma_start3A_32 = tpu.memref_slice %arg8[%dma_start3A_31] : memref<10240xf32, #tpu.memory_space<vmem_shared>> -> memref<10240xf32, #tpu.memory_space<vmem_shared>>
      tpu.enqueue_indirect_dma source(%arg7 : memref<128xf32, #tpu.memory_space<vmem>>) target(%dma_start3A_32 : memref<10240xf32, #tpu.memory_space<vmem_shared>>) offsets(%dma_start3A_30 : memref<128xi32, #tpu.memory_space<vmem>>) semaphore(%arg9 : memref<!tpu.dma_semaphore, #tpu.memory_space<semaphore_mem>>) {add = true}
      %add3A_33 = arith.constant 2 : i32
      %add3A_34 = arith.addi %mul3A_19, %add3A_33 : i32
      %dma_start3A_35 = arith.constant 0 : i32
      %dma_start3A_36 = tpu.memref_slice %arg6[%add3A_34, %dma_start3A_35] : memref<80x128xi32, #tpu.memory_space<vmem>> -> memref<1x128xi32, #tpu.memory_space<vmem>>
      %dma_start3A_37 = tpu.memref_squeeze %dma_start3A_36 : memref<1x128xi32, #tpu.memory_space<vmem>> -> memref<128xi32, #tpu.memory_space<vmem>>
      %dma_start3A_38 = arith.constant 0 : i32
      %dma_start3A_39 = tpu.memref_slice %arg8[%dma_start3A_38] : memref<10240xf32, #tpu.memory_space<vmem_shared>> -> memref<10240xf32, #tpu.memory_space<vmem_shared>>
      tpu.enqueue_indirect_dma source(%arg7 : memref<128xf32, #tpu.memory_space<vmem>>) target(%dma_start3A_39 : memref<10240xf32, #tpu.memory_space<vmem_shared>>) offsets(%dma_start3A_37 : memref<128xi32, #tpu.memory_space<vmem>>) semaphore(%arg9 : memref<!tpu.dma_semaphore, #tpu.memory_space<semaphore_mem>>) {add = true}
      %add3A_40 = arith.constant 3 : i32
      %add3A_41 = arith.addi %mul3A_19, %add3A_40 : i32
      %dma_start3A_42 = arith.constant 0 : i32
      %dma_start3A_43 = tpu.memref_slice %arg6[%add3A_41, %dma_start3A_42] : memref<80x128xi32, #tpu.memory_space<vmem>> -> memref<1x128xi32, #tpu.memory_space<vmem>>
      %dma_start3A_44 = tpu.memref_squeeze %dma_start3A_43 : memref<1x128xi32, #tpu.memory_space<vmem>> -> memref<128xi32, #tpu.memory_space<vmem>>
      %dma_start3A_45 = arith.constant 0 : i32
      %dma_start3A_46 = tpu.memref_slice %arg8[%dma_start3A_45] : memref<10240xf32, #tpu.memory_space<vmem_shared>> -> memref<10240xf32, #tpu.memory_space<vmem_shared>>
      tpu.enqueue_indirect_dma source(%arg7 : memref<128xf32, #tpu.memory_space<vmem>>) target(%dma_start3A_46 : memref<10240xf32, #tpu.memory_space<vmem_shared>>) offsets(%dma_start3A_44 : memref<128xi32, #tpu.memory_space<vmem>>) semaphore(%arg9 : memref<!tpu.dma_semaphore, #tpu.memory_space<semaphore_mem>>) {add = true}
      %add3A_47 = arith.constant 4 : i32
      %add3A_48 = arith.addi %mul3A_19, %add3A_47 : i32
      %dma_start3A_49 = arith.constant 0 : i32
      %dma_start3A_50 = tpu.memref_slice %arg6[%add3A_48, %dma_start3A_49] : memref<80x128xi32, #tpu.memory_space<vmem>> -> memref<1x128xi32, #tpu.memory_space<vmem>>
      %dma_start3A_51 = tpu.memref_squeeze %dma_start3A_50 : memref<1x128xi32, #tpu.memory_space<vmem>> -> memref<128xi32, #tpu.memory_space<vmem>>
      %dma_start3A_52 = arith.constant 0 : i32
      %dma_start3A_53 = tpu.memref_slice %arg8[%dma_start3A_52] : memref<10240xf32, #tpu.memory_space<vmem_shared>> -> memref<10240xf32, #tpu.memory_space<vmem_shared>>
      tpu.enqueue_indirect_dma source(%arg7 : memref<128xf32, #tpu.memory_space<vmem>>) target(%dma_start3A_53 : memref<10240xf32, #tpu.memory_space<vmem_shared>>) offsets(%dma_start3A_51 : memref<128xi32, #tpu.memory_space<vmem>>) semaphore(%arg9 : memref<!tpu.dma_semaphore, #tpu.memory_space<semaphore_mem>>) {add = true}
      %add3A_54 = arith.constant 5 : i32
      %add3A_55 = arith.addi %mul3A_19, %add3A_54 : i32
      %dma_start3A_56 = arith.constant 0 : i32
      %dma_start3A_57 = tpu.memref_slice %arg6[%add3A_55, %dma_start3A_56] : memref<80x128xi32, #tpu.memory_space<vmem>> -> memref<1x128xi32, #tpu.memory_space<vmem>>
      %dma_start3A_58 = tpu.memref_squeeze %dma_start3A_57 : memref<1x128xi32, #tpu.memory_space<vmem>> -> memref<128xi32, #tpu.memory_space<vmem>>
      %dma_start3A_59 = arith.constant 0 : i32
      %dma_start3A_60 = tpu.memref_slice %arg8[%dma_start3A_59] : memref<10240xf32, #tpu.memory_space<vmem_shared>> -> memref<10240xf32, #tpu.memory_space<vmem_shared>>
      tpu.enqueue_indirect_dma source(%arg7 : memref<128xf32, #tpu.memory_space<vmem>>) target(%dma_start3A_60 : memref<10240xf32, #tpu.memory_space<vmem_shared>>) offsets(%dma_start3A_58 : memref<128xi32, #tpu.memory_space<vmem>>) semaphore(%arg9 : memref<!tpu.dma_semaphore, #tpu.memory_space<semaphore_mem>>) {add = true}
      %add3A_61 = arith.constant 6 : i32
      %add3A_62 = arith.addi %mul3A_19, %add3A_61 : i32
      %dma_start3A_63 = arith.constant 0 : i32
      %dma_start3A_64 = tpu.memref_slice %arg6[%add3A_62, %dma_start3A_63] : memref<80x128xi32, #tpu.memory_space<vmem>> -> memref<1x128xi32, #tpu.memory_space<vmem>>
      %dma_start3A_65 = tpu.memref_squeeze %dma_start3A_64 : memref<1x128xi32, #tpu.memory_space<vmem>> -> memref<128xi32, #tpu.memory_space<vmem>>
      %dma_start3A_66 = arith.constant 0 : i32
      %dma_start3A_67 = tpu.memref_slice %arg8[%dma_start3A_66] : memref<10240xf32, #tpu.memory_space<vmem_shared>> -> memref<10240xf32, #tpu.memory_space<vmem_shared>>
      tpu.enqueue_indirect_dma source(%arg7 : memref<128xf32, #tpu.memory_space<vmem>>) target(%dma_start3A_67 : memref<10240xf32, #tpu.memory_space<vmem_shared>>) offsets(%dma_start3A_65 : memref<128xi32, #tpu.memory_space<vmem>>) semaphore(%arg9 : memref<!tpu.dma_semaphore, #tpu.memory_space<semaphore_mem>>) {add = true}
      %add3A_68 = arith.constant 7 : i32
      %add3A_69 = arith.addi %mul3A_19, %add3A_68 : i32
      %dma_start3A_70 = arith.constant 0 : i32
      %dma_start3A_71 = tpu.memref_slice %arg6[%add3A_69, %dma_start3A_70] : memref<80x128xi32, #tpu.memory_space<vmem>> -> memref<1x128xi32, #tpu.memory_space<vmem>>
      %dma_start3A_72 = tpu.memref_squeeze %dma_start3A_71 : memref<1x128xi32, #tpu.memory_space<vmem>> -> memref<128xi32, #tpu.memory_space<vmem>>
      %dma_start3A_73 = arith.constant 0 : i32
      %dma_start3A_74 = tpu.memref_slice %arg8[%dma_start3A_73] : memref<10240xf32, #tpu.memory_space<vmem_shared>> -> memref<10240xf32, #tpu.memory_space<vmem_shared>>
      tpu.enqueue_indirect_dma source(%arg7 : memref<128xf32, #tpu.memory_space<vmem>>) target(%dma_start3A_74 : memref<10240xf32, #tpu.memory_space<vmem_shared>>) offsets(%dma_start3A_72 : memref<128xi32, #tpu.memory_space<vmem>>) semaphore(%arg9 : memref<!tpu.dma_semaphore, #tpu.memory_space<semaphore_mem>>) {add = true}
      %dma_wait3A = arith.constant 0 : i32
      %dma_wait3A_75 = tpu.memref_slice %arg6[%add3A_21, %dma_wait3A] : memref<80x128xi32, #tpu.memory_space<vmem>> -> memref<1x128xi32, #tpu.memory_space<vmem>>
      %dma_wait3A_76 = tpu.memref_squeeze %dma_wait3A_75 : memref<1x128xi32, #tpu.memory_space<vmem>> -> memref<128xi32, #tpu.memory_space<vmem>>
      %dma_wait3A_77 = arith.constant 0 : i32
      %dma_wait3A_78 = tpu.memref_slice %arg8[%dma_wait3A_77] : memref<10240xf32, #tpu.memory_space<vmem_shared>> -> memref<10240xf32, #tpu.memory_space<vmem_shared>>
      tpu.wait_indirect_dma semaphore(%arg9 : memref<!tpu.dma_semaphore, #tpu.memory_space<semaphore_mem>>) src(%arg7 : memref<128xf32, #tpu.memory_space<vmem>>) dst(%dma_wait3A_78 : memref<10240xf32, #tpu.memory_space<vmem_shared>>)
      %dma_wait3A_79 = arith.constant 0 : i32
      %dma_wait3A_80 = tpu.memref_slice %arg6[%add3A_27, %dma_wait3A_79] : memref<80x128xi32, #tpu.memory_space<vmem>> -> memref<1x128xi32, #tpu.memory_space<vmem>>
      %dma_wait3A_81 = tpu.memref_squeeze %dma_wait3A_80 : memref<1x128xi32, #tpu.memory_space<vmem>> -> memref<128xi32, #tpu.memory_space<vmem>>
      %dma_wait3A_82 = arith.constant 0 : i32
      %dma_wait3A_83 = tpu.memref_slice %arg8[%dma_wait3A_82] : memref<10240xf32, #tpu.memory_space<vmem_shared>> -> memref<10240xf32, #tpu.memory_space<vmem_shared>>
      tpu.wait_indirect_dma semaphore(%arg9 : memref<!tpu.dma_semaphore, #tpu.memory_space<semaphore_mem>>) src(%arg7 : memref<128xf32, #tpu.memory_space<vmem>>) dst(%dma_wait3A_83 : memref<10240xf32, #tpu.memory_space<vmem_shared>>)
      %dma_wait3A_84 = arith.constant 0 : i32
      %dma_wait3A_85 = tpu.memref_slice %arg6[%add3A_34, %dma_wait3A_84] : memref<80x128xi32, #tpu.memory_space<vmem>> -> memref<1x128xi32, #tpu.memory_space<vmem>>
      %dma_wait3A_86 = tpu.memref_squeeze %dma_wait3A_85 : memref<1x128xi32, #tpu.memory_space<vmem>> -> memref<128xi32, #tpu.memory_space<vmem>>
      %dma_wait3A_87 = arith.constant 0 : i32
      %dma_wait3A_88 = tpu.memref_slice %arg8[%dma_wait3A_87] : memref<10240xf32, #tpu.memory_space<vmem_shared>> -> memref<10240xf32, #tpu.memory_space<vmem_shared>>
      tpu.wait_indirect_dma semaphore(%arg9 : memref<!tpu.dma_semaphore, #tpu.memory_space<semaphore_mem>>) src(%arg7 : memref<128xf32, #tpu.memory_space<vmem>>) dst(%dma_wait3A_88 : memref<10240xf32, #tpu.memory_space<vmem_shared>>)
      %dma_wait3A_89 = arith.constant 0 : i32
      %dma_wait3A_90 = tpu.memref_slice %arg6[%add3A_41, %dma_wait3A_89] : memref<80x128xi32, #tpu.memory_space<vmem>> -> memref<1x128xi32, #tpu.memory_space<vmem>>
      %dma_wait3A_91 = tpu.memref_squeeze %dma_wait3A_90 : memref<1x128xi32, #tpu.memory_space<vmem>> -> memref<128xi32, #tpu.memory_space<vmem>>
      %dma_wait3A_92 = arith.constant 0 : i32
      %dma_wait3A_93 = tpu.memref_slice %arg8[%dma_wait3A_92] : memref<10240xf32, #tpu.memory_space<vmem_shared>> -> memref<10240xf32, #tpu.memory_space<vmem_shared>>
      tpu.wait_indirect_dma semaphore(%arg9 : memref<!tpu.dma_semaphore, #tpu.memory_space<semaphore_mem>>) src(%arg7 : memref<128xf32, #tpu.memory_space<vmem>>) dst(%dma_wait3A_93 : memref<10240xf32, #tpu.memory_space<vmem_shared>>)
      %dma_wait3A_94 = arith.constant 0 : i32
      %dma_wait3A_95 = tpu.memref_slice %arg6[%add3A_48, %dma_wait3A_94] : memref<80x128xi32, #tpu.memory_space<vmem>> -> memref<1x128xi32, #tpu.memory_space<vmem>>
      %dma_wait3A_96 = tpu.memref_squeeze %dma_wait3A_95 : memref<1x128xi32, #tpu.memory_space<vmem>> -> memref<128xi32, #tpu.memory_space<vmem>>
      %dma_wait3A_97 = arith.constant 0 : i32
      %dma_wait3A_98 = tpu.memref_slice %arg8[%dma_wait3A_97] : memref<10240xf32, #tpu.memory_space<vmem_shared>> -> memref<10240xf32, #tpu.memory_space<vmem_shared>>
      tpu.wait_indirect_dma semaphore(%arg9 : memref<!tpu.dma_semaphore, #tpu.memory_space<semaphore_mem>>) src(%arg7 : memref<128xf32, #tpu.memory_space<vmem>>) dst(%dma_wait3A_98 : memref<10240xf32, #tpu.memory_space<vmem_shared>>)
      %dma_wait3A_99 = arith.constant 0 : i32
      %dma_wait3A_100 = tpu.memref_slice %arg6[%add3A_55, %dma_wait3A_99] : memref<80x128xi32, #tpu.memory_space<vmem>> -> memref<1x128xi32, #tpu.memory_space<vmem>>
      %dma_wait3A_101 = tpu.memref_squeeze %dma_wait3A_100 : memref<1x128xi32, #tpu.memory_space<vmem>> -> memref<128xi32, #tpu.memory_space<vmem>>
      %dma_wait3A_102 = arith.constant 0 : i32
      %dma_wait3A_103 = tpu.memref_slice %arg8[%dma_wait3A_102] : memref<10240xf32, #tpu.memory_space<vmem_shared>> -> memref<10240xf32, #tpu.memory_space<vmem_shared>>
      tpu.wait_indirect_dma semaphore(%arg9 : memref<!tpu.dma_semaphore, #tpu.memory_space<semaphore_mem>>) src(%arg7 : memref<128xf32, #tpu.memory_space<vmem>>) dst(%dma_wait3A_103 : memref<10240xf32, #tpu.memory_space<vmem_shared>>)
      %dma_wait3A_104 = arith.constant 0 : i32
      %dma_wait3A_105 = tpu.memref_slice %arg6[%add3A_62, %dma_wait3A_104] : memref<80x128xi32, #tpu.memory_space<vmem>> -> memref<1x128xi32, #tpu.memory_space<vmem>>
      %dma_wait3A_106 = tpu.memref_squeeze %dma_wait3A_105 : memref<1x128xi32, #tpu.memory_space<vmem>> -> memref<128xi32, #tpu.memory_space<vmem>>
      %dma_wait3A_107 = arith.constant 0 : i32
      %dma_wait3A_108 = tpu.memref_slice %arg8[%dma_wait3A_107] : memref<10240xf32, #tpu.memory_space<vmem_shared>> -> memref<10240xf32, #tpu.memory_space<vmem_shared>>
      tpu.wait_indirect_dma semaphore(%arg9 : memref<!tpu.dma_semaphore, #tpu.memory_space<semaphore_mem>>) src(%arg7 : memref<128xf32, #tpu.memory_space<vmem>>) dst(%dma_wait3A_108 : memref<10240xf32, #tpu.memory_space<vmem_shared>>)
      %dma_wait3A_109 = arith.constant 0 : i32
      %dma_wait3A_110 = tpu.memref_slice %arg6[%add3A_69, %dma_wait3A_109] : memref<80x128xi32, #tpu.memory_space<vmem>> -> memref<1x128xi32, #tpu.memory_space<vmem>>
      %dma_wait3A_111 = tpu.memref_squeeze %dma_wait3A_110 : memref<1x128xi32, #tpu.memory_space<vmem>> -> memref<128xi32, #tpu.memory_space<vmem>>
      %dma_wait3A_112 = arith.constant 0 : i32
      %dma_wait3A_113 = tpu.memref_slice %arg8[%dma_wait3A_112] : memref<10240xf32, #tpu.memory_space<vmem_shared>> -> memref<10240xf32, #tpu.memory_space<vmem_shared>>
      tpu.wait_indirect_dma semaphore(%arg9 : memref<!tpu.dma_semaphore, #tpu.memory_space<semaphore_mem>>) src(%arg7 : memref<128xf32, #tpu.memory_space<vmem>>) dst(%dma_wait3A_113 : memref<10240xf32, #tpu.memory_space<vmem_shared>>)
    }
    %scan3A_8 = arith.constant 10 : i32
    %barrier3A_9 = arith.constant 0 : index
    tpu.barrier barrier_id(%barrier3A_9)
    %mul3A_10 = arith.constant 10240 : i32
    %mul3A_11 = arith.muli %arg0, %mul3A_10 : i32
    %add3A_12 = arith.addi %mul3A_11, %mul3A_2 : i32
    "tpu.region"() ({
      %run_scoped3A = tpu.sem_alloc : memref<!tpu.dma_semaphore, #tpu.memory_space<semaphore_mem>>
      %dma_start3A = tpu.memref_slice %arg5[%add3A_12] : memref<20480xf32, #tpu.memory_space<hbm>> -> memref<640xf32, #tpu.memory_space<hbm>>
      %dma_start3A_13 = tpu.memref_slice %arg8[%mul3A_2] : memref<10240xf32, #tpu.memory_space<vmem_shared>> -> memref<640xf32, #tpu.memory_space<vmem_shared>>
      tpu.enqueue_dma source(%dma_start3A_13 : memref<640xf32, #tpu.memory_space<vmem_shared>>) target(%dma_start3A : memref<640xf32, #tpu.memory_space<hbm>>) target_semaphore(%run_scoped3A : memref<!tpu.dma_semaphore, #tpu.memory_space<semaphore_mem>>)
      %dma_wait3A = tpu.memref_slice %arg5[%add3A_12] : memref<20480xf32, #tpu.memory_space<hbm>> -> memref<640xf32, #tpu.memory_space<hbm>>
      %dma_wait3A_14 = tpu.memref_slice %arg8[%mul3A_2] : memref<10240xf32, #tpu.memory_space<vmem_shared>> -> memref<640xf32, #tpu.memory_space<vmem_shared>>
      tpu.wait_dma2 semaphore(%run_scoped3A : memref<!tpu.dma_semaphore, #tpu.memory_space<semaphore_mem>>) src(%dma_wait3A_14 : memref<640xf32, #tpu.memory_space<vmem_shared>>) dst(%dma_wait3A : memref<640xf32, #tpu.memory_space<hbm>>)
      tpu.yield
    }) : () -> ()
    return
  }
}

#map = affine_map<(d0, d1) -> (0, 0)>
#map1 = affine_map<(d0, d1) -> (0, 0, 0)>
module attributes {stable_mosaic.version = 14 : i64} {
  func.func @k(%arg0: i32, %arg1: i32, %arg2: memref<10240x128xf32, #tpu.memory_space<hbm>>, %arg3: memref<2560x128xi32, #tpu.memory_space<hbm>>, %arg4: memref<2560x128xi32, #tpu.memory_space<hbm>>, %arg5: memref<10240x128xf32, #tpu.memory_space<hbm>>, %arg6: memref<2x10240x128xf32, #tpu.memory_space<hbm>>, %arg7: memref<2x8x128xi32, #tpu.memory_space<vmem>>, %arg8: memref<2x8x128xi32, #tpu.memory_space<vmem>>, %arg9: memref<2x128x128xf32, #tpu.memory_space<vmem>>, %arg10: memref<10240x128xf32, #tpu.memory_space<vmem_shared>>, %arg11: memref<!tpu.dma_semaphore, #tpu.memory_space<semaphore_mem>>, %arg12: memref<!tpu.dma_semaphore, #tpu.memory_space<semaphore_mem>>, %arg13: memref<!tpu.dma_semaphore, #tpu.memory_space<semaphore_mem>>) attributes {dimension_semantics = [#tpu.dimension_semantics<core_parallel>, #tpu.dimension_semantics<subcore_parallel>], iteration_bounds = array<i64: 2, 16>, scalar_prefetch = 0 : i64, scratch_operands = 7 : i64, tpu.core_type = #tpu.core_type<sc_vector_subcore>, window_params = [{transform_indices = #map}, {transform_indices = #map}, {transform_indices = #map}, {transform_indices = #map}, {transform_indices = #map1}]} {
    %mul3A = arith.constant 16 : i32
    %mul3A_0 = arith.muli %arg0, %mul3A : i32
    %add3A = arith.addi %mul3A_0, %arg1 : i32
    %mul3A_1 = arith.constant 640 : i32
    %mul3A_2 = arith.muli %arg1, %mul3A_1 : i32
    "tpu.region"() ({
      %run_scoped3A_11 = tpu.sem_alloc : memref<!tpu.dma_semaphore, #tpu.memory_space<semaphore_mem>>
      %dma_start3A = arith.constant 0 : i32
      %dma_start3A_12 = tpu.memref_slice %arg10[%mul3A_2, %dma_start3A] : memref<10240x128xf32, #tpu.memory_space<vmem_shared>> -> memref<640x128xf32, #tpu.memory_space<vmem_shared>>
      %dma_start3A_13 = arith.constant 0 : i32
      %dma_start3A_14 = tpu.memref_slice %arg5[%mul3A_2, %dma_start3A_13] : memref<10240x128xf32, #tpu.memory_space<hbm>> -> memref<640x128xf32, #tpu.memory_space<hbm>>
      tpu.enqueue_dma source(%dma_start3A_14 : memref<640x128xf32, #tpu.memory_space<hbm>>) target(%dma_start3A_12 : memref<640x128xf32, #tpu.memory_space<vmem_shared>>) target_semaphore(%run_scoped3A_11 : memref<!tpu.dma_semaphore, #tpu.memory_space<semaphore_mem>>)
      %dma_wait3A = arith.constant 0 : i32
      %dma_wait3A_15 = tpu.memref_slice %arg10[%mul3A_2, %dma_wait3A] : memref<10240x128xf32, #tpu.memory_space<vmem_shared>> -> memref<640x128xf32, #tpu.memory_space<vmem_shared>>
      %dma_wait3A_16 = arith.constant 0 : i32
      %dma_wait3A_17 = tpu.memref_slice %arg5[%mul3A_2, %dma_wait3A_16] : memref<10240x128xf32, #tpu.memory_space<hbm>> -> memref<640x128xf32, #tpu.memory_space<hbm>>
      tpu.wait_dma2 semaphore(%run_scoped3A_11 : memref<!tpu.dma_semaphore, #tpu.memory_space<semaphore_mem>>) src(%dma_wait3A_17 : memref<640x128xf32, #tpu.memory_space<hbm>>) dst(%dma_wait3A_15 : memref<640x128xf32, #tpu.memory_space<vmem_shared>>)
      tpu.yield
    }) : () -> ()
    %mul3A_3 = arith.constant 80 : i32
    %mul3A_4 = arith.muli %add3A, %mul3A_3 : i32
    %run_scoped3A = arith.constant 0 : i32
    "tpu.region"() ({
      %run_scoped3A_11 = tpu.sem_alloc : memref<!tpu.dma_semaphore, #tpu.memory_space<semaphore_mem>>
      %dma_start3A = arith.constant 0 : i32
      %dma_start3A_12 = arith.constant 0 : i32
      %dma_start3A_13 = tpu.memref_slice %arg7[%run_scoped3A, %dma_start3A, %dma_start3A_12] : memref<2x8x128xi32, #tpu.memory_space<vmem>> -> memref<1x8x128xi32, #tpu.memory_space<vmem>>
      %dma_start3A_14 = tpu.memref_squeeze %dma_start3A_13 : memref<1x8x128xi32, #tpu.memory_space<vmem>> -> memref<8x128xi32, #tpu.memory_space<vmem>>
      %dma_start3A_15 = arith.constant 0 : i32
      %dma_start3A_16 = tpu.memref_slice %arg3[%mul3A_4, %dma_start3A_15] : memref<2560x128xi32, #tpu.memory_space<hbm>> -> memref<8x128xi32, #tpu.memory_space<hbm>>
      %dma_start3A_17 = arith.constant 0 : i32
      %dma_start3A_18 = arith.constant 0 : i32
      %dma_start3A_19 = tpu.memref_slice %arg7[%run_scoped3A, %dma_start3A_17, %dma_start3A_18] : memref<2x8x128xi32, #tpu.memory_space<vmem>> -> memref<1x8x128xi32, #tpu.memory_space<vmem>>
      %dma_start3A_20 = tpu.memref_squeeze %dma_start3A_19 : memref<1x8x128xi32, #tpu.memory_space<vmem>> -> memref<8x128xi32, #tpu.memory_space<vmem>>
      %dma_start3A_21 = arith.constant 0 : i32
      %dma_start3A_22 = tpu.memref_slice %arg3[%mul3A_4, %dma_start3A_21] : memref<2560x128xi32, #tpu.memory_space<hbm>> -> memref<8x128xi32, #tpu.memory_space<hbm>>
      tpu.enqueue_dma source(%dma_start3A_22 : memref<8x128xi32, #tpu.memory_space<hbm>>) target(%dma_start3A_20 : memref<8x128xi32, #tpu.memory_space<vmem>>) target_semaphore(%run_scoped3A_11 : memref<!tpu.dma_semaphore, #tpu.memory_space<semaphore_mem>>)
      %dma_wait3A = arith.constant 0 : i32
      %dma_wait3A_23 = arith.constant 0 : i32
      %dma_wait3A_24 = tpu.memref_slice %arg7[%run_scoped3A, %dma_wait3A, %dma_wait3A_23] : memref<2x8x128xi32, #tpu.memory_space<vmem>> -> memref<1x8x128xi32, #tpu.memory_space<vmem>>
      %dma_wait3A_25 = tpu.memref_squeeze %dma_wait3A_24 : memref<1x8x128xi32, #tpu.memory_space<vmem>> -> memref<8x128xi32, #tpu.memory_space<vmem>>
      %dma_wait3A_26 = arith.constant 0 : i32
      %dma_wait3A_27 = tpu.memref_slice %arg3[%mul3A_4, %dma_wait3A_26] : memref<2560x128xi32, #tpu.memory_space<hbm>> -> memref<8x128xi32, #tpu.memory_space<hbm>>
      %dma_wait3A_28 = arith.constant 0 : i32
      %dma_wait3A_29 = arith.constant 0 : i32
      %dma_wait3A_30 = tpu.memref_slice %arg7[%run_scoped3A, %dma_wait3A_28, %dma_wait3A_29] : memref<2x8x128xi32, #tpu.memory_space<vmem>> -> memref<1x8x128xi32, #tpu.memory_space<vmem>>
      %dma_wait3A_31 = tpu.memref_squeeze %dma_wait3A_30 : memref<1x8x128xi32, #tpu.memory_space<vmem>> -> memref<8x128xi32, #tpu.memory_space<vmem>>
      %dma_wait3A_32 = arith.constant 0 : i32
      %dma_wait3A_33 = tpu.memref_slice %arg3[%mul3A_4, %dma_wait3A_32] : memref<2560x128xi32, #tpu.memory_space<hbm>> -> memref<8x128xi32, #tpu.memory_space<hbm>>
      tpu.wait_dma2 semaphore(%run_scoped3A_11 : memref<!tpu.dma_semaphore, #tpu.memory_space<semaphore_mem>>) src(%dma_wait3A_33 : memref<8x128xi32, #tpu.memory_space<hbm>>) dst(%dma_wait3A_31 : memref<8x128xi32, #tpu.memory_space<vmem>>)
      tpu.yield
    }) : () -> ()
    %run_scoped3A_5 = arith.constant 0 : i32
    "tpu.region"() ({
      %run_scoped3A_11 = tpu.sem_alloc : memref<!tpu.dma_semaphore, #tpu.memory_space<semaphore_mem>>
      %dma_start3A = arith.constant 0 : i32
      %dma_start3A_12 = arith.constant 0 : i32
      %dma_start3A_13 = tpu.memref_slice %arg8[%run_scoped3A_5, %dma_start3A, %dma_start3A_12] : memref<2x8x128xi32, #tpu.memory_space<vmem>> -> memref<1x8x128xi32, #tpu.memory_space<vmem>>
      %dma_start3A_14 = tpu.memref_squeeze %dma_start3A_13 : memref<1x8x128xi32, #tpu.memory_space<vmem>> -> memref<8x128xi32, #tpu.memory_space<vmem>>
      %dma_start3A_15 = arith.constant 0 : i32
      %dma_start3A_16 = tpu.memref_slice %arg4[%mul3A_4, %dma_start3A_15] : memref<2560x128xi32, #tpu.memory_space<hbm>> -> memref<8x128xi32, #tpu.memory_space<hbm>>
      %dma_start3A_17 = arith.constant 0 : i32
      %dma_start3A_18 = arith.constant 0 : i32
      %dma_start3A_19 = tpu.memref_slice %arg8[%run_scoped3A_5, %dma_start3A_17, %dma_start3A_18] : memref<2x8x128xi32, #tpu.memory_space<vmem>> -> memref<1x8x128xi32, #tpu.memory_space<vmem>>
      %dma_start3A_20 = tpu.memref_squeeze %dma_start3A_19 : memref<1x8x128xi32, #tpu.memory_space<vmem>> -> memref<8x128xi32, #tpu.memory_space<vmem>>
      %dma_start3A_21 = arith.constant 0 : i32
      %dma_start3A_22 = tpu.memref_slice %arg4[%mul3A_4, %dma_start3A_21] : memref<2560x128xi32, #tpu.memory_space<hbm>> -> memref<8x128xi32, #tpu.memory_space<hbm>>
      tpu.enqueue_dma source(%dma_start3A_22 : memref<8x128xi32, #tpu.memory_space<hbm>>) target(%dma_start3A_20 : memref<8x128xi32, #tpu.memory_space<vmem>>) target_semaphore(%run_scoped3A_11 : memref<!tpu.dma_semaphore, #tpu.memory_space<semaphore_mem>>)
      %dma_wait3A = arith.constant 0 : i32
      %dma_wait3A_23 = arith.constant 0 : i32
      %dma_wait3A_24 = tpu.memref_slice %arg8[%run_scoped3A_5, %dma_wait3A, %dma_wait3A_23] : memref<2x8x128xi32, #tpu.memory_space<vmem>> -> memref<1x8x128xi32, #tpu.memory_space<vmem>>
      %dma_wait3A_25 = tpu.memref_squeeze %dma_wait3A_24 : memref<1x8x128xi32, #tpu.memory_space<vmem>> -> memref<8x128xi32, #tpu.memory_space<vmem>>
      %dma_wait3A_26 = arith.constant 0 : i32
      %dma_wait3A_27 = tpu.memref_slice %arg4[%mul3A_4, %dma_wait3A_26] : memref<2560x128xi32, #tpu.memory_space<hbm>> -> memref<8x128xi32, #tpu.memory_space<hbm>>
      %dma_wait3A_28 = arith.constant 0 : i32
      %dma_wait3A_29 = arith.constant 0 : i32
      %dma_wait3A_30 = tpu.memref_slice %arg8[%run_scoped3A_5, %dma_wait3A_28, %dma_wait3A_29] : memref<2x8x128xi32, #tpu.memory_space<vmem>> -> memref<1x8x128xi32, #tpu.memory_space<vmem>>
      %dma_wait3A_31 = tpu.memref_squeeze %dma_wait3A_30 : memref<1x8x128xi32, #tpu.memory_space<vmem>> -> memref<8x128xi32, #tpu.memory_space<vmem>>
      %dma_wait3A_32 = arith.constant 0 : i32
      %dma_wait3A_33 = tpu.memref_slice %arg4[%mul3A_4, %dma_wait3A_32] : memref<2560x128xi32, #tpu.memory_space<hbm>> -> memref<8x128xi32, #tpu.memory_space<hbm>>
      tpu.wait_dma2 semaphore(%run_scoped3A_11 : memref<!tpu.dma_semaphore, #tpu.memory_space<semaphore_mem>>) src(%dma_wait3A_33 : memref<8x128xi32, #tpu.memory_space<hbm>>) dst(%dma_wait3A_31 : memref<8x128xi32, #tpu.memory_space<vmem>>)
      tpu.yield
    }) : () -> ()
    %barrier3A = arith.constant 0 : index
    tpu.barrier barrier_id(%barrier3A)
    %scan3A = arith.constant 0 : i32
    %scan3A_6 = arith.constant 5 : i32
    %scan3A_7 = arith.addi %scan3A, %scan3A_6 : i32
    %scan3A_8 = arith.constant 1 : i32
    scf.for %scan3A_11 = %scan3A to %scan3A_7 step %scan3A_8  : i32 {
      %mul3A_12 = arith.constant 1 : i32
      %mul3A_13 = arith.muli %scan3A_11, %mul3A_12 : i32
      %add3A_14 = arith.constant 0 : i32
      %add3A_15 = arith.addi %add3A_14, %mul3A_13 : i32
      %mul3A_16 = arith.constant 2 : i32
      %mul3A_17 = arith.muli %mul3A_16, %add3A_15 : i32
      %add3A_18 = arith.constant 1 : i32
      %add3A_19 = arith.addi %mul3A_17, %add3A_18 : i32
      %mul3A_20 = arith.constant 8 : i32
      %mul3A_21 = arith.muli %add3A_19, %mul3A_20 : i32
      %add3A_22 = arith.addi %mul3A_4, %mul3A_21 : i32
      %dma_start3A = arith.constant 1 : i32
      %dma_start3A_23 = arith.constant 0 : i32
      %dma_start3A_24 = arith.constant 0 : i32
      %dma_start3A_25 = tpu.memref_slice %arg7[%dma_start3A, %dma_start3A_23, %dma_start3A_24] : memref<2x8x128xi32, #tpu.memory_space<vmem>> -> memref<1x8x128xi32, #tpu.memory_space<vmem>>
      %dma_start3A_26 = tpu.memref_squeeze %dma_start3A_25 : memref<1x8x128xi32, #tpu.memory_space<vmem>> -> memref<8x128xi32, #tpu.memory_space<vmem>>
      %dma_start3A_27 = arith.constant 0 : i32
      %dma_start3A_28 = tpu.memref_slice %arg3[%add3A_22, %dma_start3A_27] : memref<2560x128xi32, #tpu.memory_space<hbm>> -> memref<8x128xi32, #tpu.memory_space<hbm>>
      %dma_start3A_29 = arith.constant 0 : i32
      %dma_start3A_30 = arith.constant 0 : i32
      %dma_start3A_31 = tpu.memref_slice %arg7[%dma_start3A, %dma_start3A_29, %dma_start3A_30] : memref<2x8x128xi32, #tpu.memory_space<vmem>> -> memref<1x8x128xi32, #tpu.memory_space<vmem>>
      %dma_start3A_32 = tpu.memref_squeeze %dma_start3A_31 : memref<1x8x128xi32, #tpu.memory_space<vmem>> -> memref<8x128xi32, #tpu.memory_space<vmem>>
      %dma_start3A_33 = arith.constant 0 : i32
      %dma_start3A_34 = tpu.memref_slice %arg3[%add3A_22, %dma_start3A_33] : memref<2560x128xi32, #tpu.memory_space<hbm>> -> memref<8x128xi32, #tpu.memory_space<hbm>>
      tpu.enqueue_dma source(%dma_start3A_34 : memref<8x128xi32, #tpu.memory_space<hbm>>) target(%dma_start3A_32 : memref<8x128xi32, #tpu.memory_space<vmem>>) target_semaphore(%arg13 : memref<!tpu.dma_semaphore, #tpu.memory_space<semaphore_mem>>)
      %dma_start3A_35 = arith.constant 1 : i32
      %dma_start3A_36 = arith.constant 0 : i32
      %dma_start3A_37 = arith.constant 0 : i32
      %dma_start3A_38 = tpu.memref_slice %arg8[%dma_start3A_35, %dma_start3A_36, %dma_start3A_37] : memref<2x8x128xi32, #tpu.memory_space<vmem>> -> memref<1x8x128xi32, #tpu.memory_space<vmem>>
      %dma_start3A_39 = tpu.memref_squeeze %dma_start3A_38 : memref<1x8x128xi32, #tpu.memory_space<vmem>> -> memref<8x128xi32, #tpu.memory_space<vmem>>
      %dma_start3A_40 = arith.constant 0 : i32
      %dma_start3A_41 = tpu.memref_slice %arg4[%add3A_22, %dma_start3A_40] : memref<2560x128xi32, #tpu.memory_space<hbm>> -> memref<8x128xi32, #tpu.memory_space<hbm>>
      %dma_start3A_42 = arith.constant 0 : i32
      %dma_start3A_43 = arith.constant 0 : i32
      %dma_start3A_44 = tpu.memref_slice %arg8[%dma_start3A_35, %dma_start3A_42, %dma_start3A_43] : memref<2x8x128xi32, #tpu.memory_space<vmem>> -> memref<1x8x128xi32, #tpu.memory_space<vmem>>
      %dma_start3A_45 = tpu.memref_squeeze %dma_start3A_44 : memref<1x8x128xi32, #tpu.memory_space<vmem>> -> memref<8x128xi32, #tpu.memory_space<vmem>>
      %dma_start3A_46 = arith.constant 0 : i32
      %dma_start3A_47 = tpu.memref_slice %arg4[%add3A_22, %dma_start3A_46] : memref<2560x128xi32, #tpu.memory_space<hbm>> -> memref<8x128xi32, #tpu.memory_space<hbm>>
      tpu.enqueue_dma source(%dma_start3A_47 : memref<8x128xi32, #tpu.memory_space<hbm>>) target(%dma_start3A_45 : memref<8x128xi32, #tpu.memory_space<vmem>>) target_semaphore(%arg13 : memref<!tpu.dma_semaphore, #tpu.memory_space<semaphore_mem>>)
      %scan3A_48 = arith.constant 0 : i32
      %scan3A_49 = arith.constant 4 : i32
      %scan3A_50 = arith.addi %scan3A_48, %scan3A_49 : i32
      %scan3A_51 = arith.constant 1 : i32
      scf.for %scan3A_143 = %scan3A_48 to %scan3A_50 step %scan3A_51  : i32 {
        %mul3A_144 = arith.constant 1 : i32
        %mul3A_145 = arith.muli %scan3A_143, %mul3A_144 : i32
        %add3A_146 = arith.constant 0 : i32
        %add3A_147 = arith.addi %add3A_146, %mul3A_145 : i32
        %mul3A_148 = arith.constant 2 : i32
        %mul3A_149 = arith.muli %add3A_147, %mul3A_148 : i32
        %add3A_150 = arith.constant 0 : i32
        %add3A_151 = arith.addi %mul3A_149, %add3A_150 : i32
        %dma_start3A_152 = arith.constant 0 : i32
        %dma_start3A_153 = arith.constant 0 : i32
        %dma_start3A_154 = arith.constant 0 : i32
        %dma_start3A_155 = arith.constant 0 : i32
        %dma_start3A_156 = tpu.memref_slice %arg9[%dma_start3A_153, %dma_start3A_154, %dma_start3A_155] : memref<2x128x128xf32, #tpu.memory_space<vmem>> -> memref<1x128x128xf32, #tpu.memory_space<vmem>>
        %dma_start3A_157 = tpu.memref_squeeze %dma_start3A_156 : memref<1x128x128xf32, #tpu.memory_space<vmem>> -> memref<128x128xf32, #tpu.memory_space<vmem>>
        %dma_start3A_158 = arith.constant 0 : i32
        %dma_start3A_159 = tpu.memref_slice %arg7[%dma_start3A_152, %add3A_151, %dma_start3A_158] : memref<2x8x128xi32, #tpu.memory_space<vmem>> -> memref<1x1x128xi32, #tpu.memory_space<vmem>>
        %dma_start3A_160 = tpu.memref_squeeze %dma_start3A_159 : memref<1x1x128xi32, #tpu.memory_space<vmem>> -> memref<128xi32, #tpu.memory_space<vmem>>
        %dma_start3A_161 = arith.constant 0 : i32
        %dma_start3A_162 = arith.constant 0 : i32
        %dma_start3A_163 = tpu.memref_slice %arg2[%dma_start3A_161, %dma_start3A_162] : memref<10240x128xf32, #tpu.memory_space<hbm>> -> memref<10240x128xf32, #tpu.memory_space<hbm>>
        tpu.enqueue_indirect_dma source(%dma_start3A_163 : memref<10240x128xf32, #tpu.memory_space<hbm>>) target(%dma_start3A_157 : memref<128x128xf32, #tpu.memory_space<vmem>>) offsets(%dma_start3A_160 : memref<128xi32, #tpu.memory_space<vmem>>) semaphore(%arg11 : memref<!tpu.dma_semaphore, #tpu.memory_space<semaphore_mem>>)
        %add3A_164 = arith.constant 1 : i32
        %add3A_165 = arith.addi %mul3A_149, %add3A_164 : i32
        %dma_start3A_166 = arith.constant 0 : i32
        %dma_start3A_167 = arith.constant 1 : i32
        %dma_start3A_168 = arith.constant 0 : i32
        %dma_start3A_169 = arith.constant 0 : i32
        %dma_start3A_170 = tpu.memref_slice %arg9[%dma_start3A_167, %dma_start3A_168, %dma_start3A_169] : memref<2x128x128xf32, #tpu.memory_space<vmem>> -> memref<1x128x128xf32, #tpu.memory_space<vmem>>
        %dma_start3A_171 = tpu.memref_squeeze %dma_start3A_170 : memref<1x128x128xf32, #tpu.memory_space<vmem>> -> memref<128x128xf32, #tpu.memory_space<vmem>>
        %dma_start3A_172 = arith.constant 0 : i32
        %dma_start3A_173 = tpu.memref_slice %arg7[%dma_start3A_166, %add3A_165, %dma_start3A_172] : memref<2x8x128xi32, #tpu.memory_space<vmem>> -> memref<1x1x128xi32, #tpu.memory_space<vmem>>
        %dma_start3A_174 = tpu.memref_squeeze %dma_start3A_173 : memref<1x1x128xi32, #tpu.memory_space<vmem>> -> memref<128xi32, #tpu.memory_space<vmem>>
        %dma_start3A_175 = arith.constant 0 : i32
        %dma_start3A_176 = arith.constant 0 : i32
        %dma_start3A_177 = tpu.memref_slice %arg2[%dma_start3A_175, %dma_start3A_176] : memref<10240x128xf32, #tpu.memory_space<hbm>> -> memref<10240x128xf32, #tpu.memory_space<hbm>>
        tpu.enqueue_indirect_dma source(%dma_start3A_177 : memref<10240x128xf32, #tpu.memory_space<hbm>>) target(%dma_start3A_171 : memref<128x128xf32, #tpu.memory_space<vmem>>) offsets(%dma_start3A_174 : memref<128xi32, #tpu.memory_space<vmem>>) semaphore(%arg11 : memref<!tpu.dma_semaphore, #tpu.memory_space<semaphore_mem>>)
        %dma_wait3A_178 = arith.constant 0 : i32
        %dma_wait3A_179 = arith.constant 0 : i32
        %dma_wait3A_180 = arith.constant 0 : i32
        %dma_wait3A_181 = arith.constant 0 : i32
        %dma_wait3A_182 = tpu.memref_slice %arg9[%dma_wait3A_179, %dma_wait3A_180, %dma_wait3A_181] : memref<2x128x128xf32, #tpu.memory_space<vmem>> -> memref<1x128x128xf32, #tpu.memory_space<vmem>>
        %dma_wait3A_183 = tpu.memref_squeeze %dma_wait3A_182 : memref<1x128x128xf32, #tpu.memory_space<vmem>> -> memref<128x128xf32, #tpu.memory_space<vmem>>
        %dma_wait3A_184 = arith.constant 0 : i32
        %dma_wait3A_185 = tpu.memref_slice %arg7[%dma_wait3A_178, %add3A_151, %dma_wait3A_184] : memref<2x8x128xi32, #tpu.memory_space<vmem>> -> memref<1x1x128xi32, #tpu.memory_space<vmem>>
        %dma_wait3A_186 = tpu.memref_squeeze %dma_wait3A_185 : memref<1x1x128xi32, #tpu.memory_space<vmem>> -> memref<128xi32, #tpu.memory_space<vmem>>
        %dma_wait3A_187 = arith.constant 0 : i32
        %dma_wait3A_188 = arith.constant 0 : i32
        %dma_wait3A_189 = tpu.memref_slice %arg2[%dma_wait3A_187, %dma_wait3A_188] : memref<10240x128xf32, #tpu.memory_space<hbm>> -> memref<10240x128xf32, #tpu.memory_space<hbm>>
        tpu.wait_indirect_dma semaphore(%arg11 : memref<!tpu.dma_semaphore, #tpu.memory_space<semaphore_mem>>) src(%dma_wait3A_189 : memref<10240x128xf32, #tpu.memory_space<hbm>>) dst(%dma_wait3A_183 : memref<128x128xf32, #tpu.memory_space<vmem>>)
        %add3A_190 = arith.constant 0 : i32
        %add3A_191 = arith.addi %mul3A_149, %add3A_190 : i32
        %dma_start3A_192 = arith.constant 0 : i32
        %dma_start3A_193 = arith.constant 0 : i32
        %dma_start3A_194 = arith.constant 0 : i32
        %dma_start3A_195 = arith.constant 0 : i32
        %dma_start3A_196 = tpu.memref_slice %arg9[%dma_start3A_192, %dma_start3A_194, %dma_start3A_195] : memref<2x128x128xf32, #tpu.memory_space<vmem>> -> memref<1x128x128xf32, #tpu.memory_space<vmem>>
        %dma_start3A_197 = tpu.memref_squeeze %dma_start3A_196 : memref<1x128x128xf32, #tpu.memory_space<vmem>> -> memref<128x128xf32, #tpu.memory_space<vmem>>
        %dma_start3A_198 = arith.constant 0 : i32
        %dma_start3A_199 = tpu.memref_slice %arg8[%dma_start3A_193, %add3A_191, %dma_start3A_198] : memref<2x8x128xi32, #tpu.memory_space<vmem>> -> memref<1x1x128xi32, #tpu.memory_space<vmem>>
        %dma_start3A_200 = tpu.memref_squeeze %dma_start3A_199 : memref<1x1x128xi32, #tpu.memory_space<vmem>> -> memref<128xi32, #tpu.memory_space<vmem>>
        %dma_start3A_201 = arith.constant 0 : i32
        %dma_start3A_202 = arith.constant 0 : i32
        %dma_start3A_203 = tpu.memref_slice %arg10[%dma_start3A_201, %dma_start3A_202] : memref<10240x128xf32, #tpu.memory_space<vmem_shared>> -> memref<10240x128xf32, #tpu.memory_space<vmem_shared>>
        tpu.enqueue_indirect_dma source(%dma_start3A_197 : memref<128x128xf32, #tpu.memory_space<vmem>>) target(%dma_start3A_203 : memref<10240x128xf32, #tpu.memory_space<vmem_shared>>) offsets(%dma_start3A_200 : memref<128xi32, #tpu.memory_space<vmem>>) semaphore(%arg12 : memref<!tpu.dma_semaphore, #tpu.memory_space<semaphore_mem>>) {add = true}
        %dma_wait3A_204 = arith.constant 0 : i32
        %dma_wait3A_205 = arith.constant 1 : i32
        %dma_wait3A_206 = arith.constant 0 : i32
        %dma_wait3A_207 = arith.constant 0 : i32
        %dma_wait3A_208 = tpu.memref_slice %arg9[%dma_wait3A_205, %dma_wait3A_206, %dma_wait3A_207] : memref<2x128x128xf32, #tpu.memory_space<vmem>> -> memref<1x128x128xf32, #tpu.memory_space<vmem>>
        %dma_wait3A_209 = tpu.memref_squeeze %dma_wait3A_208 : memref<1x128x128xf32, #tpu.memory_space<vmem>> -> memref<128x128xf32, #tpu.memory_space<vmem>>
        %dma_wait3A_210 = arith.constant 0 : i32
        %dma_wait3A_211 = tpu.memref_slice %arg7[%dma_wait3A_204, %add3A_165, %dma_wait3A_210] : memref<2x8x128xi32, #tpu.memory_space<vmem>> -> memref<1x1x128xi32, #tpu.memory_space<vmem>>
        %dma_wait3A_212 = tpu.memref_squeeze %dma_wait3A_211 : memref<1x1x128xi32, #tpu.memory_space<vmem>> -> memref<128xi32, #tpu.memory_space<vmem>>
        %dma_wait3A_213 = arith.constant 0 : i32
        %dma_wait3A_214 = arith.constant 0 : i32
        %dma_wait3A_215 = tpu.memref_slice %arg2[%dma_wait3A_213, %dma_wait3A_214] : memref<10240x128xf32, #tpu.memory_space<hbm>> -> memref<10240x128xf32, #tpu.memory_space<hbm>>
        tpu.wait_indirect_dma semaphore(%arg11 : memref<!tpu.dma_semaphore, #tpu.memory_space<semaphore_mem>>) src(%dma_wait3A_215 : memref<10240x128xf32, #tpu.memory_space<hbm>>) dst(%dma_wait3A_209 : memref<128x128xf32, #tpu.memory_space<vmem>>)
        %add3A_216 = arith.constant 1 : i32
        %add3A_217 = arith.addi %mul3A_149, %add3A_216 : i32
        %dma_start3A_218 = arith.constant 1 : i32
        %dma_start3A_219 = arith.constant 0 : i32
        %dma_start3A_220 = arith.constant 0 : i32
        %dma_start3A_221 = arith.constant 0 : i32
        %dma_start3A_222 = tpu.memref_slice %arg9[%dma_start3A_218, %dma_start3A_220, %dma_start3A_221] : memref<2x128x128xf32, #tpu.memory_space<vmem>> -> memref<1x128x128xf32, #tpu.memory_space<vmem>>
        %dma_start3A_223 = tpu.memref_squeeze %dma_start3A_222 : memref<1x128x128xf32, #tpu.memory_space<vmem>> -> memref<128x128xf32, #tpu.memory_space<vmem>>
        %dma_start3A_224 = arith.constant 0 : i32
        %dma_start3A_225 = tpu.memref_slice %arg8[%dma_start3A_219, %add3A_217, %dma_start3A_224] : memref<2x8x128xi32, #tpu.memory_space<vmem>> -> memref<1x1x128xi32, #tpu.memory_space<vmem>>
        %dma_start3A_226 = tpu.memref_squeeze %dma_start3A_225 : memref<1x1x128xi32, #tpu.memory_space<vmem>> -> memref<128xi32, #tpu.memory_space<vmem>>
        %dma_start3A_227 = arith.constant 0 : i32
        %dma_start3A_228 = arith.constant 0 : i32
        %dma_start3A_229 = tpu.memref_slice %arg10[%dma_start3A_227, %dma_start3A_228] : memref<10240x128xf32, #tpu.memory_space<vmem_shared>> -> memref<10240x128xf32, #tpu.memory_space<vmem_shared>>
        tpu.enqueue_indirect_dma source(%dma_start3A_223 : memref<128x128xf32, #tpu.memory_space<vmem>>) target(%dma_start3A_229 : memref<10240x128xf32, #tpu.memory_space<vmem_shared>>) offsets(%dma_start3A_226 : memref<128xi32, #tpu.memory_space<vmem>>) semaphore(%arg12 : memref<!tpu.dma_semaphore, #tpu.memory_space<semaphore_mem>>) {add = true}
        %dma_wait3A_230 = arith.constant 0 : i32
        %dma_wait3A_231 = arith.constant 0 : i32
        %dma_wait3A_232 = arith.constant 0 : i32
        %dma_wait3A_233 = arith.constant 0 : i32
        %dma_wait3A_234 = tpu.memref_slice %arg9[%dma_wait3A_230, %dma_wait3A_232, %dma_wait3A_233] : memref<2x128x128xf32, #tpu.memory_space<vmem>> -> memref<1x128x128xf32, #tpu.memory_space<vmem>>
        %dma_wait3A_235 = tpu.memref_squeeze %dma_wait3A_234 : memref<1x128x128xf32, #tpu.memory_space<vmem>> -> memref<128x128xf32, #tpu.memory_space<vmem>>
        %dma_wait3A_236 = arith.constant 0 : i32
        %dma_wait3A_237 = tpu.memref_slice %arg8[%dma_wait3A_231, %add3A_191, %dma_wait3A_236] : memref<2x8x128xi32, #tpu.memory_space<vmem>> -> memref<1x1x128xi32, #tpu.memory_space<vmem>>
        %dma_wait3A_238 = tpu.memref_squeeze %dma_wait3A_237 : memref<1x1x128xi32, #tpu.memory_space<vmem>> -> memref<128xi32, #tpu.memory_space<vmem>>
        %dma_wait3A_239 = arith.constant 0 : i32
        %dma_wait3A_240 = arith.constant 0 : i32
        %dma_wait3A_241 = tpu.memref_slice %arg10[%dma_wait3A_239, %dma_wait3A_240] : memref<10240x128xf32, #tpu.memory_space<vmem_shared>> -> memref<10240x128xf32, #tpu.memory_space<vmem_shared>>
        tpu.wait_indirect_dma semaphore(%arg12 : memref<!tpu.dma_semaphore, #tpu.memory_space<semaphore_mem>>) src(%dma_wait3A_235 : memref<128x128xf32, #tpu.memory_space<vmem>>) dst(%dma_wait3A_241 : memref<10240x128xf32, #tpu.memory_space<vmem_shared>>)
        %dma_wait3A_242 = arith.constant 1 : i32
        %dma_wait3A_243 = arith.constant 0 : i32
        %dma_wait3A_244 = arith.constant 0 : i32
        %dma_wait3A_245 = arith.constant 0 : i32
        %dma_wait3A_246 = tpu.memref_slice %arg9[%dma_wait3A_242, %dma_wait3A_244, %dma_wait3A_245] : memref<2x128x128xf32, #tpu.memory_space<vmem>> -> memref<1x128x128xf32, #tpu.memory_space<vmem>>
        %dma_wait3A_247 = tpu.memref_squeeze %dma_wait3A_246 : memref<1x128x128xf32, #tpu.memory_space<vmem>> -> memref<128x128xf32, #tpu.memory_space<vmem>>
        %dma_wait3A_248 = arith.constant 0 : i32
        %dma_wait3A_249 = tpu.memref_slice %arg8[%dma_wait3A_243, %add3A_217, %dma_wait3A_248] : memref<2x8x128xi32, #tpu.memory_space<vmem>> -> memref<1x1x128xi32, #tpu.memory_space<vmem>>
        %dma_wait3A_250 = tpu.memref_squeeze %dma_wait3A_249 : memref<1x1x128xi32, #tpu.memory_space<vmem>> -> memref<128xi32, #tpu.memory_space<vmem>>
        %dma_wait3A_251 = arith.constant 0 : i32
        %dma_wait3A_252 = arith.constant 0 : i32
        %dma_wait3A_253 = tpu.memref_slice %arg10[%dma_wait3A_251, %dma_wait3A_252] : memref<10240x128xf32, #tpu.memory_space<vmem_shared>> -> memref<10240x128xf32, #tpu.memory_space<vmem_shared>>
        tpu.wait_indirect_dma semaphore(%arg12 : memref<!tpu.dma_semaphore, #tpu.memory_space<semaphore_mem>>) src(%dma_wait3A_247 : memref<128x128xf32, #tpu.memory_space<vmem>>) dst(%dma_wait3A_253 : memref<10240x128xf32, #tpu.memory_space<vmem_shared>>)
      }
      %scan3A_52 = arith.constant 4 : i32
      %dma_wait3A = arith.constant 1 : i32
      %dma_wait3A_53 = arith.constant 0 : i32
      %dma_wait3A_54 = arith.constant 0 : i32
      %dma_wait3A_55 = tpu.memref_slice %arg7[%dma_wait3A, %dma_wait3A_53, %dma_wait3A_54] : memref<2x8x128xi32, #tpu.memory_space<vmem>> -> memref<1x8x128xi32, #tpu.memory_space<vmem>>
      %dma_wait3A_56 = tpu.memref_squeeze %dma_wait3A_55 : memref<1x8x128xi32, #tpu.memory_space<vmem>> -> memref<8x128xi32, #tpu.memory_space<vmem>>
      %dma_wait3A_57 = arith.constant 0 : i32
      %dma_wait3A_58 = tpu.memref_slice %arg3[%add3A_22, %dma_wait3A_57] : memref<2560x128xi32, #tpu.memory_space<hbm>> -> memref<8x128xi32, #tpu.memory_space<hbm>>
      %dma_wait3A_59 = arith.constant 0 : i32
      %dma_wait3A_60 = arith.constant 0 : i32
      %dma_wait3A_61 = tpu.memref_slice %arg7[%dma_wait3A, %dma_wait3A_59, %dma_wait3A_60] : memref<2x8x128xi32, #tpu.memory_space<vmem>> -> memref<1x8x128xi32, #tpu.memory_space<vmem>>
      %dma_wait3A_62 = tpu.memref_squeeze %dma_wait3A_61 : memref<1x8x128xi32, #tpu.memory_space<vmem>> -> memref<8x128xi32, #tpu.memory_space<vmem>>
      %dma_wait3A_63 = arith.constant 0 : i32
      %dma_wait3A_64 = tpu.memref_slice %arg3[%add3A_22, %dma_wait3A_63] : memref<2560x128xi32, #tpu.memory_space<hbm>> -> memref<8x128xi32, #tpu.memory_space<hbm>>
      tpu.wait_dma2 semaphore(%arg13 : memref<!tpu.dma_semaphore, #tpu.memory_space<semaphore_mem>>) src(%dma_wait3A_64 : memref<8x128xi32, #tpu.memory_space<hbm>>) dst(%dma_wait3A_62 : memref<8x128xi32, #tpu.memory_space<vmem>>)
      %dma_wait3A_65 = arith.constant 1 : i32
      %dma_wait3A_66 = arith.constant 0 : i32
      %dma_wait3A_67 = arith.constant 0 : i32
      %dma_wait3A_68 = tpu.memref_slice %arg8[%dma_wait3A_65, %dma_wait3A_66, %dma_wait3A_67] : memref<2x8x128xi32, #tpu.memory_space<vmem>> -> memref<1x8x128xi32, #tpu.memory_space<vmem>>
      %dma_wait3A_69 = tpu.memref_squeeze %dma_wait3A_68 : memref<1x8x128xi32, #tpu.memory_space<vmem>> -> memref<8x128xi32, #tpu.memory_space<vmem>>
      %dma_wait3A_70 = arith.constant 0 : i32
      %dma_wait3A_71 = tpu.memref_slice %arg4[%add3A_22, %dma_wait3A_70] : memref<2560x128xi32, #tpu.memory_space<hbm>> -> memref<8x128xi32, #tpu.memory_space<hbm>>
      %dma_wait3A_72 = arith.constant 0 : i32
      %dma_wait3A_73 = arith.constant 0 : i32
      %dma_wait3A_74 = tpu.memref_slice %arg8[%dma_wait3A_65, %dma_wait3A_72, %dma_wait3A_73] : memref<2x8x128xi32, #tpu.memory_space<vmem>> -> memref<1x8x128xi32, #tpu.memory_space<vmem>>
      %dma_wait3A_75 = tpu.memref_squeeze %dma_wait3A_74 : memref<1x8x128xi32, #tpu.memory_space<vmem>> -> memref<8x128xi32, #tpu.memory_space<vmem>>
      %dma_wait3A_76 = arith.constant 0 : i32
      %dma_wait3A_77 = tpu.memref_slice %arg4[%add3A_22, %dma_wait3A_76] : memref<2560x128xi32, #tpu.memory_space<hbm>> -> memref<8x128xi32, #tpu.memory_space<hbm>>
      tpu.wait_dma2 semaphore(%arg13 : memref<!tpu.dma_semaphore, #tpu.memory_space<semaphore_mem>>) src(%dma_wait3A_77 : memref<8x128xi32, #tpu.memory_space<hbm>>) dst(%dma_wait3A_75 : memref<8x128xi32, #tpu.memory_space<vmem>>)
      %lt3A = arith.constant 4 : i32
      %lt3A_78 = arith.cmpi slt, %add3A_15, %lt3A : i32
      %mul3A_79 = arith.constant 2 : i32
      %mul3A_80 = arith.muli %mul3A_79, %add3A_15 : i32
      %add3A_81 = arith.constant 2 : i32
      %add3A_82 = arith.addi %mul3A_80, %add3A_81 : i32
      %jit3A = arith.constant 0 : i32
      %select_n3A = arith.select %lt3A_78, %add3A_82, %jit3A : i32
      %mul3A_83 = arith.constant 8 : i32
      %mul3A_84 = arith.muli %select_n3A, %mul3A_83 : i32
      %add3A_85 = arith.addi %mul3A_4, %mul3A_84 : i32
      %dma_start3A_86 = arith.constant 0 : i32
      %dma_start3A_87 = arith.constant 0 : i32
      %dma_start3A_88 = arith.constant 0 : i32
      %dma_start3A_89 = tpu.memref_slice %arg7[%dma_start3A_86, %dma_start3A_87, %dma_start3A_88] : memref<2x8x128xi32, #tpu.memory_space<vmem>> -> memref<1x8x128xi32, #tpu.memory_space<vmem>>
      %dma_start3A_90 = tpu.memref_squeeze %dma_start3A_89 : memref<1x8x128xi32, #tpu.memory_space<vmem>> -> memref<8x128xi32, #tpu.memory_space<vmem>>
      %dma_start3A_91 = arith.constant 0 : i32
      %dma_start3A_92 = tpu.memref_slice %arg3[%add3A_85, %dma_start3A_91] : memref<2560x128xi32, #tpu.memory_space<hbm>> -> memref<8x128xi32, #tpu.memory_space<hbm>>
      %dma_start3A_93 = arith.constant 0 : i32
      %dma_start3A_94 = arith.constant 0 : i32
      %dma_start3A_95 = tpu.memref_slice %arg7[%dma_start3A_86, %dma_start3A_93, %dma_start3A_94] : memref<2x8x128xi32, #tpu.memory_space<vmem>> -> memref<1x8x128xi32, #tpu.memory_space<vmem>>
      %dma_start3A_96 = tpu.memref_squeeze %dma_start3A_95 : memref<1x8x128xi32, #tpu.memory_space<vmem>> -> memref<8x128xi32, #tpu.memory_space<vmem>>
      %dma_start3A_97 = arith.constant 0 : i32
      %dma_start3A_98 = tpu.memref_slice %arg3[%add3A_85, %dma_start3A_97] : memref<2560x128xi32, #tpu.memory_space<hbm>> -> memref<8x128xi32, #tpu.memory_space<hbm>>
      tpu.enqueue_dma source(%dma_start3A_98 : memref<8x128xi32, #tpu.memory_space<hbm>>) target(%dma_start3A_96 : memref<8x128xi32, #tpu.memory_space<vmem>>) target_semaphore(%arg13 : memref<!tpu.dma_semaphore, #tpu.memory_space<semaphore_mem>>)
      %dma_start3A_99 = arith.constant 0 : i32
      %dma_start3A_100 = arith.constant 0 : i32
      %dma_start3A_101 = arith.constant 0 : i32
      %dma_start3A_102 = tpu.memref_slice %arg8[%dma_start3A_99, %dma_start3A_100, %dma_start3A_101] : memref<2x8x128xi32, #tpu.memory_space<vmem>> -> memref<1x8x128xi32, #tpu.memory_space<vmem>>
      %dma_start3A_103 = tpu.memref_squeeze %dma_start3A_102 : memref<1x8x128xi32, #tpu.memory_space<vmem>> -> memref<8x128xi32, #tpu.memory_space<vmem>>
      %dma_start3A_104 = arith.constant 0 : i32
      %dma_start3A_105 = tpu.memref_slice %arg4[%add3A_85, %dma_start3A_104] : memref<2560x128xi32, #tpu.memory_space<hbm>> -> memref<8x128xi32, #tpu.memory_space<hbm>>
      %dma_start3A_106 = arith.constant 0 : i32
      %dma_start3A_107 = arith.constant 0 : i32
      %dma_start3A_108 = tpu.memref_slice %arg8[%dma_start3A_99, %dma_start3A_106, %dma_start3A_107] : memref<2x8x128xi32, #tpu.memory_space<vmem>> -> memref<1x8x128xi32, #tpu.memory_space<vmem>>
      %dma_start3A_109 = tpu.memref_squeeze %dma_start3A_108 : memref<1x8x128xi32, #tpu.memory_space<vmem>> -> memref<8x128xi32, #tpu.memory_space<vmem>>
      %dma_start3A_110 = arith.constant 0 : i32
      %dma_start3A_111 = tpu.memref_slice %arg4[%add3A_85, %dma_start3A_110] : memref<2560x128xi32, #tpu.memory_space<hbm>> -> memref<8x128xi32, #tpu.memory_space<hbm>>
      tpu.enqueue_dma source(%dma_start3A_111 : memref<8x128xi32, #tpu.memory_space<hbm>>) target(%dma_start3A_109 : memref<8x128xi32, #tpu.memory_space<vmem>>) target_semaphore(%arg13 : memref<!tpu.dma_semaphore, #tpu.memory_space<semaphore_mem>>)
      %scan3A_112 = arith.constant 0 : i32
      %scan3A_113 = arith.constant 4 : i32
      %scan3A_114 = arith.addi %scan3A_112, %scan3A_113 : i32
      %scan3A_115 = arith.constant 1 : i32
      scf.for %scan3A_143 = %scan3A_112 to %scan3A_114 step %scan3A_115  : i32 {
        %mul3A_144 = arith.constant 1 : i32
        %mul3A_145 = arith.muli %scan3A_143, %mul3A_144 : i32
        %add3A_146 = arith.constant 0 : i32
        %add3A_147 = arith.addi %add3A_146, %mul3A_145 : i32
        %mul3A_148 = arith.constant 2 : i32
        %mul3A_149 = arith.muli %add3A_147, %mul3A_148 : i32
        %add3A_150 = arith.constant 0 : i32
        %add3A_151 = arith.addi %mul3A_149, %add3A_150 : i32
        %dma_start3A_152 = arith.constant 1 : i32
        %dma_start3A_153 = arith.constant 0 : i32
        %dma_start3A_154 = arith.constant 0 : i32
        %dma_start3A_155 = arith.constant 0 : i32
        %dma_start3A_156 = tpu.memref_slice %arg9[%dma_start3A_153, %dma_start3A_154, %dma_start3A_155] : memref<2x128x128xf32, #tpu.memory_space<vmem>> -> memref<1x128x128xf32, #tpu.memory_space<vmem>>
        %dma_start3A_157 = tpu.memref_squeeze %dma_start3A_156 : memref<1x128x128xf32, #tpu.memory_space<vmem>> -> memref<128x128xf32, #tpu.memory_space<vmem>>
        %dma_start3A_158 = arith.constant 0 : i32
        %dma_start3A_159 = tpu.memref_slice %arg7[%dma_start3A_152, %add3A_151, %dma_start3A_158] : memref<2x8x128xi32, #tpu.memory_space<vmem>> -> memref<1x1x128xi32, #tpu.memory_space<vmem>>
        %dma_start3A_160 = tpu.memref_squeeze %dma_start3A_159 : memref<1x1x128xi32, #tpu.memory_space<vmem>> -> memref<128xi32, #tpu.memory_space<vmem>>
        %dma_start3A_161 = arith.constant 0 : i32
        %dma_start3A_162 = arith.constant 0 : i32
        %dma_start3A_163 = tpu.memref_slice %arg2[%dma_start3A_161, %dma_start3A_162] : memref<10240x128xf32, #tpu.memory_space<hbm>> -> memref<10240x128xf32, #tpu.memory_space<hbm>>
        tpu.enqueue_indirect_dma source(%dma_start3A_163 : memref<10240x128xf32, #tpu.memory_space<hbm>>) target(%dma_start3A_157 : memref<128x128xf32, #tpu.memory_space<vmem>>) offsets(%dma_start3A_160 : memref<128xi32, #tpu.memory_space<vmem>>) semaphore(%arg11 : memref<!tpu.dma_semaphore, #tpu.memory_space<semaphore_mem>>)
        %add3A_164 = arith.constant 1 : i32
        %add3A_165 = arith.addi %mul3A_149, %add3A_164 : i32
        %dma_start3A_166 = arith.constant 1 : i32
        %dma_start3A_167 = arith.constant 1 : i32
        %dma_start3A_168 = arith.constant 0 : i32
        %dma_start3A_169 = arith.constant 0 : i32
        %dma_start3A_170 = tpu.memref_slice %arg9[%dma_start3A_167, %dma_start3A_168, %dma_start3A_169] : memref<2x128x128xf32, #tpu.memory_space<vmem>> -> memref<1x128x128xf32, #tpu.memory_space<vmem>>
        %dma_start3A_171 = tpu.memref_squeeze %dma_start3A_170 : memref<1x128x128xf32, #tpu.memory_space<vmem>> -> memref<128x128xf32, #tpu.memory_space<vmem>>
        %dma_start3A_172 = arith.constant 0 : i32
        %dma_start3A_173 = tpu.memref_slice %arg7[%dma_start3A_166, %add3A_165, %dma_start3A_172] : memref<2x8x128xi32, #tpu.memory_space<vmem>> -> memref<1x1x128xi32, #tpu.memory_space<vmem>>
        %dma_start3A_174 = tpu.memref_squeeze %dma_start3A_173 : memref<1x1x128xi32, #tpu.memory_space<vmem>> -> memref<128xi32, #tpu.memory_space<vmem>>
        %dma_start3A_175 = arith.constant 0 : i32
        %dma_start3A_176 = arith.constant 0 : i32
        %dma_start3A_177 = tpu.memref_slice %arg2[%dma_start3A_175, %dma_start3A_176] : memref<10240x128xf32, #tpu.memory_space<hbm>> -> memref<10240x128xf32, #tpu.memory_space<hbm>>
        tpu.enqueue_indirect_dma source(%dma_start3A_177 : memref<10240x128xf32, #tpu.memory_space<hbm>>) target(%dma_start3A_171 : memref<128x128xf32, #tpu.memory_space<vmem>>) offsets(%dma_start3A_174 : memref<128xi32, #tpu.memory_space<vmem>>) semaphore(%arg11 : memref<!tpu.dma_semaphore, #tpu.memory_space<semaphore_mem>>)
        %dma_wait3A_178 = arith.constant 1 : i32
        %dma_wait3A_179 = arith.constant 0 : i32
        %dma_wait3A_180 = arith.constant 0 : i32
        %dma_wait3A_181 = arith.constant 0 : i32
        %dma_wait3A_182 = tpu.memref_slice %arg9[%dma_wait3A_179, %dma_wait3A_180, %dma_wait3A_181] : memref<2x128x128xf32, #tpu.memory_space<vmem>> -> memref<1x128x128xf32, #tpu.memory_space<vmem>>
        %dma_wait3A_183 = tpu.memref_squeeze %dma_wait3A_182 : memref<1x128x128xf32, #tpu.memory_space<vmem>> -> memref<128x128xf32, #tpu.memory_space<vmem>>
        %dma_wait3A_184 = arith.constant 0 : i32
        %dma_wait3A_185 = tpu.memref_slice %arg7[%dma_wait3A_178, %add3A_151, %dma_wait3A_184] : memref<2x8x128xi32, #tpu.memory_space<vmem>> -> memref<1x1x128xi32, #tpu.memory_space<vmem>>
        %dma_wait3A_186 = tpu.memref_squeeze %dma_wait3A_185 : memref<1x1x128xi32, #tpu.memory_space<vmem>> -> memref<128xi32, #tpu.memory_space<vmem>>
        %dma_wait3A_187 = arith.constant 0 : i32
        %dma_wait3A_188 = arith.constant 0 : i32
        %dma_wait3A_189 = tpu.memref_slice %arg2[%dma_wait3A_187, %dma_wait3A_188] : memref<10240x128xf32, #tpu.memory_space<hbm>> -> memref<10240x128xf32, #tpu.memory_space<hbm>>
        tpu.wait_indirect_dma semaphore(%arg11 : memref<!tpu.dma_semaphore, #tpu.memory_space<semaphore_mem>>) src(%dma_wait3A_189 : memref<10240x128xf32, #tpu.memory_space<hbm>>) dst(%dma_wait3A_183 : memref<128x128xf32, #tpu.memory_space<vmem>>)
        %add3A_190 = arith.constant 0 : i32
        %add3A_191 = arith.addi %mul3A_149, %add3A_190 : i32
        %dma_start3A_192 = arith.constant 0 : i32
        %dma_start3A_193 = arith.constant 1 : i32
        %dma_start3A_194 = arith.constant 0 : i32
        %dma_start3A_195 = arith.constant 0 : i32
        %dma_start3A_196 = tpu.memref_slice %arg9[%dma_start3A_192, %dma_start3A_194, %dma_start3A_195] : memref<2x128x128xf32, #tpu.memory_space<vmem>> -> memref<1x128x128xf32, #tpu.memory_space<vmem>>
        %dma_start3A_197 = tpu.memref_squeeze %dma_start3A_196 : memref<1x128x128xf32, #tpu.memory_space<vmem>> -> memref<128x128xf32, #tpu.memory_space<vmem>>
        %dma_start3A_198 = arith.constant 0 : i32
        %dma_start3A_199 = tpu.memref_slice %arg8[%dma_start3A_193, %add3A_191, %dma_start3A_198] : memref<2x8x128xi32, #tpu.memory_space<vmem>> -> memref<1x1x128xi32, #tpu.memory_space<vmem>>
        %dma_start3A_200 = tpu.memref_squeeze %dma_start3A_199 : memref<1x1x128xi32, #tpu.memory_space<vmem>> -> memref<128xi32, #tpu.memory_space<vmem>>
        %dma_start3A_201 = arith.constant 0 : i32
        %dma_start3A_202 = arith.constant 0 : i32
        %dma_start3A_203 = tpu.memref_slice %arg10[%dma_start3A_201, %dma_start3A_202] : memref<10240x128xf32, #tpu.memory_space<vmem_shared>> -> memref<10240x128xf32, #tpu.memory_space<vmem_shared>>
        tpu.enqueue_indirect_dma source(%dma_start3A_197 : memref<128x128xf32, #tpu.memory_space<vmem>>) target(%dma_start3A_203 : memref<10240x128xf32, #tpu.memory_space<vmem_shared>>) offsets(%dma_start3A_200 : memref<128xi32, #tpu.memory_space<vmem>>) semaphore(%arg12 : memref<!tpu.dma_semaphore, #tpu.memory_space<semaphore_mem>>) {add = true}
        %dma_wait3A_204 = arith.constant 1 : i32
        %dma_wait3A_205 = arith.constant 1 : i32
        %dma_wait3A_206 = arith.constant 0 : i32
        %dma_wait3A_207 = arith.constant 0 : i32
        %dma_wait3A_208 = tpu.memref_slice %arg9[%dma_wait3A_205, %dma_wait3A_206, %dma_wait3A_207] : memref<2x128x128xf32, #tpu.memory_space<vmem>> -> memref<1x128x128xf32, #tpu.memory_space<vmem>>
        %dma_wait3A_209 = tpu.memref_squeeze %dma_wait3A_208 : memref<1x128x128xf32, #tpu.memory_space<vmem>> -> memref<128x128xf32, #tpu.memory_space<vmem>>
        %dma_wait3A_210 = arith.constant 0 : i32
        %dma_wait3A_211 = tpu.memref_slice %arg7[%dma_wait3A_204, %add3A_165, %dma_wait3A_210] : memref<2x8x128xi32, #tpu.memory_space<vmem>> -> memref<1x1x128xi32, #tpu.memory_space<vmem>>
        %dma_wait3A_212 = tpu.memref_squeeze %dma_wait3A_211 : memref<1x1x128xi32, #tpu.memory_space<vmem>> -> memref<128xi32, #tpu.memory_space<vmem>>
        %dma_wait3A_213 = arith.constant 0 : i32
        %dma_wait3A_214 = arith.constant 0 : i32
        %dma_wait3A_215 = tpu.memref_slice %arg2[%dma_wait3A_213, %dma_wait3A_214] : memref<10240x128xf32, #tpu.memory_space<hbm>> -> memref<10240x128xf32, #tpu.memory_space<hbm>>
        tpu.wait_indirect_dma semaphore(%arg11 : memref<!tpu.dma_semaphore, #tpu.memory_space<semaphore_mem>>) src(%dma_wait3A_215 : memref<10240x128xf32, #tpu.memory_space<hbm>>) dst(%dma_wait3A_209 : memref<128x128xf32, #tpu.memory_space<vmem>>)
        %add3A_216 = arith.constant 1 : i32
        %add3A_217 = arith.addi %mul3A_149, %add3A_216 : i32
        %dma_start3A_218 = arith.constant 1 : i32
        %dma_start3A_219 = arith.constant 1 : i32
        %dma_start3A_220 = arith.constant 0 : i32
        %dma_start3A_221 = arith.constant 0 : i32
        %dma_start3A_222 = tpu.memref_slice %arg9[%dma_start3A_218, %dma_start3A_220, %dma_start3A_221] : memref<2x128x128xf32, #tpu.memory_space<vmem>> -> memref<1x128x128xf32, #tpu.memory_space<vmem>>
        %dma_start3A_223 = tpu.memref_squeeze %dma_start3A_222 : memref<1x128x128xf32, #tpu.memory_space<vmem>> -> memref<128x128xf32, #tpu.memory_space<vmem>>
        %dma_start3A_224 = arith.constant 0 : i32
        %dma_start3A_225 = tpu.memref_slice %arg8[%dma_start3A_219, %add3A_217, %dma_start3A_224] : memref<2x8x128xi32, #tpu.memory_space<vmem>> -> memref<1x1x128xi32, #tpu.memory_space<vmem>>
        %dma_start3A_226 = tpu.memref_squeeze %dma_start3A_225 : memref<1x1x128xi32, #tpu.memory_space<vmem>> -> memref<128xi32, #tpu.memory_space<vmem>>
        %dma_start3A_227 = arith.constant 0 : i32
        %dma_start3A_228 = arith.constant 0 : i32
        %dma_start3A_229 = tpu.memref_slice %arg10[%dma_start3A_227, %dma_start3A_228] : memref<10240x128xf32, #tpu.memory_space<vmem_shared>> -> memref<10240x128xf32, #tpu.memory_space<vmem_shared>>
        tpu.enqueue_indirect_dma source(%dma_start3A_223 : memref<128x128xf32, #tpu.memory_space<vmem>>) target(%dma_start3A_229 : memref<10240x128xf32, #tpu.memory_space<vmem_shared>>) offsets(%dma_start3A_226 : memref<128xi32, #tpu.memory_space<vmem>>) semaphore(%arg12 : memref<!tpu.dma_semaphore, #tpu.memory_space<semaphore_mem>>) {add = true}
        %dma_wait3A_230 = arith.constant 0 : i32
        %dma_wait3A_231 = arith.constant 1 : i32
        %dma_wait3A_232 = arith.constant 0 : i32
        %dma_wait3A_233 = arith.constant 0 : i32
        %dma_wait3A_234 = tpu.memref_slice %arg9[%dma_wait3A_230, %dma_wait3A_232, %dma_wait3A_233] : memref<2x128x128xf32, #tpu.memory_space<vmem>> -> memref<1x128x128xf32, #tpu.memory_space<vmem>>
        %dma_wait3A_235 = tpu.memref_squeeze %dma_wait3A_234 : memref<1x128x128xf32, #tpu.memory_space<vmem>> -> memref<128x128xf32, #tpu.memory_space<vmem>>
        %dma_wait3A_236 = arith.constant 0 : i32
        %dma_wait3A_237 = tpu.memref_slice %arg8[%dma_wait3A_231, %add3A_191, %dma_wait3A_236] : memref<2x8x128xi32, #tpu.memory_space<vmem>> -> memref<1x1x128xi32, #tpu.memory_space<vmem>>
        %dma_wait3A_238 = tpu.memref_squeeze %dma_wait3A_237 : memref<1x1x128xi32, #tpu.memory_space<vmem>> -> memref<128xi32, #tpu.memory_space<vmem>>
        %dma_wait3A_239 = arith.constant 0 : i32
        %dma_wait3A_240 = arith.constant 0 : i32
        %dma_wait3A_241 = tpu.memref_slice %arg10[%dma_wait3A_239, %dma_wait3A_240] : memref<10240x128xf32, #tpu.memory_space<vmem_shared>> -> memref<10240x128xf32, #tpu.memory_space<vmem_shared>>
        tpu.wait_indirect_dma semaphore(%arg12 : memref<!tpu.dma_semaphore, #tpu.memory_space<semaphore_mem>>) src(%dma_wait3A_235 : memref<128x128xf32, #tpu.memory_space<vmem>>) dst(%dma_wait3A_241 : memref<10240x128xf32, #tpu.memory_space<vmem_shared>>)
        %dma_wait3A_242 = arith.constant 1 : i32
        %dma_wait3A_243 = arith.constant 1 : i32
        %dma_wait3A_244 = arith.constant 0 : i32
        %dma_wait3A_245 = arith.constant 0 : i32
        %dma_wait3A_246 = tpu.memref_slice %arg9[%dma_wait3A_242, %dma_wait3A_244, %dma_wait3A_245] : memref<2x128x128xf32, #tpu.memory_space<vmem>> -> memref<1x128x128xf32, #tpu.memory_space<vmem>>
        %dma_wait3A_247 = tpu.memref_squeeze %dma_wait3A_246 : memref<1x128x128xf32, #tpu.memory_space<vmem>> -> memref<128x128xf32, #tpu.memory_space<vmem>>
        %dma_wait3A_248 = arith.constant 0 : i32
        %dma_wait3A_249 = tpu.memref_slice %arg8[%dma_wait3A_243, %add3A_217, %dma_wait3A_248] : memref<2x8x128xi32, #tpu.memory_space<vmem>> -> memref<1x1x128xi32, #tpu.memory_space<vmem>>
        %dma_wait3A_250 = tpu.memref_squeeze %dma_wait3A_249 : memref<1x1x128xi32, #tpu.memory_space<vmem>> -> memref<128xi32, #tpu.memory_space<vmem>>
        %dma_wait3A_251 = arith.constant 0 : i32
        %dma_wait3A_252 = arith.constant 0 : i32
        %dma_wait3A_253 = tpu.memref_slice %arg10[%dma_wait3A_251, %dma_wait3A_252] : memref<10240x128xf32, #tpu.memory_space<vmem_shared>> -> memref<10240x128xf32, #tpu.memory_space<vmem_shared>>
        tpu.wait_indirect_dma semaphore(%arg12 : memref<!tpu.dma_semaphore, #tpu.memory_space<semaphore_mem>>) src(%dma_wait3A_247 : memref<128x128xf32, #tpu.memory_space<vmem>>) dst(%dma_wait3A_253 : memref<10240x128xf32, #tpu.memory_space<vmem_shared>>)
      }
      %scan3A_116 = arith.constant 4 : i32
      %dma_wait3A_117 = arith.constant 0 : i32
      %dma_wait3A_118 = arith.constant 0 : i32
      %dma_wait3A_119 = arith.constant 0 : i32
      %dma_wait3A_120 = tpu.memref_slice %arg7[%dma_wait3A_117, %dma_wait3A_118, %dma_wait3A_119] : memref<2x8x128xi32, #tpu.memory_space<vmem>> -> memref<1x8x128xi32, #tpu.memory_space<vmem>>
      %dma_wait3A_121 = tpu.memref_squeeze %dma_wait3A_120 : memref<1x8x128xi32, #tpu.memory_space<vmem>> -> memref<8x128xi32, #tpu.memory_space<vmem>>
      %dma_wait3A_122 = arith.constant 0 : i32
      %dma_wait3A_123 = tpu.memref_slice %arg3[%add3A_85, %dma_wait3A_122] : memref<2560x128xi32, #tpu.memory_space<hbm>> -> memref<8x128xi32, #tpu.memory_space<hbm>>
      %dma_wait3A_124 = arith.constant 0 : i32
      %dma_wait3A_125 = arith.constant 0 : i32
      %dma_wait3A_126 = tpu.memref_slice %arg7[%dma_wait3A_117, %dma_wait3A_124, %dma_wait3A_125] : memref<2x8x128xi32, #tpu.memory_space<vmem>> -> memref<1x8x128xi32, #tpu.memory_space<vmem>>
      %dma_wait3A_127 = tpu.memref_squeeze %dma_wait3A_126 : memref<1x8x128xi32, #tpu.memory_space<vmem>> -> memref<8x128xi32, #tpu.memory_space<vmem>>
      %dma_wait3A_128 = arith.constant 0 : i32
      %dma_wait3A_129 = tpu.memref_slice %arg3[%add3A_85, %dma_wait3A_128] : memref<2560x128xi32, #tpu.memory_space<hbm>> -> memref<8x128xi32, #tpu.memory_space<hbm>>
      tpu.wait_dma2 semaphore(%arg13 : memref<!tpu.dma_semaphore, #tpu.memory_space<semaphore_mem>>) src(%dma_wait3A_129 : memref<8x128xi32, #tpu.memory_space<hbm>>) dst(%dma_wait3A_127 : memref<8x128xi32, #tpu.memory_space<vmem>>)
      %dma_wait3A_130 = arith.constant 0 : i32
      %dma_wait3A_131 = arith.constant 0 : i32
      %dma_wait3A_132 = arith.constant 0 : i32
      %dma_wait3A_133 = tpu.memref_slice %arg8[%dma_wait3A_130, %dma_wait3A_131, %dma_wait3A_132] : memref<2x8x128xi32, #tpu.memory_space<vmem>> -> memref<1x8x128xi32, #tpu.memory_space<vmem>>
      %dma_wait3A_134 = tpu.memref_squeeze %dma_wait3A_133 : memref<1x8x128xi32, #tpu.memory_space<vmem>> -> memref<8x128xi32, #tpu.memory_space<vmem>>
      %dma_wait3A_135 = arith.constant 0 : i32
      %dma_wait3A_136 = tpu.memref_slice %arg4[%add3A_85, %dma_wait3A_135] : memref<2560x128xi32, #tpu.memory_space<hbm>> -> memref<8x128xi32, #tpu.memory_space<hbm>>
      %dma_wait3A_137 = arith.constant 0 : i32
      %dma_wait3A_138 = arith.constant 0 : i32
      %dma_wait3A_139 = tpu.memref_slice %arg8[%dma_wait3A_130, %dma_wait3A_137, %dma_wait3A_138] : memref<2x8x128xi32, #tpu.memory_space<vmem>> -> memref<1x8x128xi32, #tpu.memory_space<vmem>>
      %dma_wait3A_140 = tpu.memref_squeeze %dma_wait3A_139 : memref<1x8x128xi32, #tpu.memory_space<vmem>> -> memref<8x128xi32, #tpu.memory_space<vmem>>
      %dma_wait3A_141 = arith.constant 0 : i32
      %dma_wait3A_142 = tpu.memref_slice %arg4[%add3A_85, %dma_wait3A_141] : memref<2560x128xi32, #tpu.memory_space<hbm>> -> memref<8x128xi32, #tpu.memory_space<hbm>>
      tpu.wait_dma2 semaphore(%arg13 : memref<!tpu.dma_semaphore, #tpu.memory_space<semaphore_mem>>) src(%dma_wait3A_142 : memref<8x128xi32, #tpu.memory_space<hbm>>) dst(%dma_wait3A_140 : memref<8x128xi32, #tpu.memory_space<vmem>>)
    }
    %scan3A_9 = arith.constant 5 : i32
    %barrier3A_10 = arith.constant 0 : index
    tpu.barrier barrier_id(%barrier3A_10)
    "tpu.region"() ({
      %run_scoped3A_11 = tpu.sem_alloc : memref<!tpu.dma_semaphore, #tpu.memory_space<semaphore_mem>>
      %dma_start3A = arith.constant 0 : i32
      %dma_start3A_12 = tpu.memref_slice %arg6[%arg0, %mul3A_2, %dma_start3A] : memref<2x10240x128xf32, #tpu.memory_space<hbm>> -> memref<1x640x128xf32, #tpu.memory_space<hbm>>
      %dma_start3A_13 = tpu.memref_squeeze %dma_start3A_12 : memref<1x640x128xf32, #tpu.memory_space<hbm>> -> memref<640x128xf32, #tpu.memory_space<hbm>>
      %dma_start3A_14 = arith.constant 0 : i32
      %dma_start3A_15 = tpu.memref_slice %arg10[%mul3A_2, %dma_start3A_14] : memref<10240x128xf32, #tpu.memory_space<vmem_shared>> -> memref<640x128xf32, #tpu.memory_space<vmem_shared>>
      tpu.enqueue_dma source(%dma_start3A_15 : memref<640x128xf32, #tpu.memory_space<vmem_shared>>) target(%dma_start3A_13 : memref<640x128xf32, #tpu.memory_space<hbm>>) target_semaphore(%run_scoped3A_11 : memref<!tpu.dma_semaphore, #tpu.memory_space<semaphore_mem>>)
      %dma_wait3A = arith.constant 0 : i32
      %dma_wait3A_16 = tpu.memref_slice %arg6[%arg0, %mul3A_2, %dma_wait3A] : memref<2x10240x128xf32, #tpu.memory_space<hbm>> -> memref<1x640x128xf32, #tpu.memory_space<hbm>>
      %dma_wait3A_17 = tpu.memref_squeeze %dma_wait3A_16 : memref<1x640x128xf32, #tpu.memory_space<hbm>> -> memref<640x128xf32, #tpu.memory_space<hbm>>
      %dma_wait3A_18 = arith.constant 0 : i32
      %dma_wait3A_19 = tpu.memref_slice %arg10[%mul3A_2, %dma_wait3A_18] : memref<10240x128xf32, #tpu.memory_space<vmem_shared>> -> memref<640x128xf32, #tpu.memory_space<vmem_shared>>
      tpu.wait_dma2 semaphore(%run_scoped3A_11 : memref<!tpu.dma_semaphore, #tpu.memory_space<semaphore_mem>>) src(%dma_wait3A_19 : memref<640x128xf32, #tpu.memory_space<vmem_shared>>) dst(%dma_wait3A_17 : memref<640x128xf32, #tpu.memory_space<hbm>>)
      tpu.yield
    }) : () -> ()
    return
  }
}

module attributes {stable_mosaic.version = 14 : i64} {
  func.func @k(%arg0: i32, %arg1: memref<1024x128xf32, #tpu.memory_space<vmem>>, %arg2: memref<128x128xf32, #tpu.memory_space<vmem>>, %arg3: memref<1024x128xf32, #tpu.memory_space<vmem>>) attributes {dimension_semantics = [#tpu.dimension_semantics<arbitrary>], iteration_bounds = array<i64: 10>, scalar_prefetch = 0 : i64, scratch_operands = 0 : i64, tpu.core_type = #tpu.core_type<tc>, window_params = [{transform_indices = @transform_0, window_bounds = array<i64: 1024, 128>}, {pipeline_mode = #tpu.pipeline_mode<synchronous>, transform_indices = @transform_1, window_bounds = array<i64: 128, 128>}, {transform_indices = @transform_2, window_bounds = array<i64: 1024, 128>}]} {
    %get3A = arith.constant 0 : index
    %get3A_0 = arith.constant 0 : index
    %get3A_1 = vector.load %arg1[%get3A, %get3A_0] : memref<1024x128xf32, #tpu.memory_space<vmem>>, vector<1024x128xf32>
    %get3A_2 = arith.constant 0 : index
    %get3A_3 = arith.constant 0 : index
    %get3A_4 = vector.load %arg2[%get3A_2, %get3A_3] : memref<128x128xf32, #tpu.memory_space<vmem>>, vector<128x128xf32>
    %dot_general3A = arith.constant dense<0.000000e+00> : vector<1024x128xf32>
    %dot_general3A_5 = tpu.matmul %get3A_1, %get3A_4, %dot_general3A {dimension_numbers = #tpu.dot_dimension_numbers<[1], [0], [0], [1], [0, 0, 1, 1], [], []>, transpose_lhs_hint = false} : vector<1024x128xf32>, vector<128x128xf32>, vector<1024x128xf32> -> vector<1024x128xf32>
    %swap3A = arith.constant 0 : index
    %swap3A_6 = arith.constant 0 : index
    %swap3A_7 = vector.load %arg3[%swap3A, %swap3A_6] : memref<1024x128xf32, #tpu.memory_space<vmem>>, vector<1024x128xf32>
    tpu.vector_store %arg3[%swap3A, %swap3A_6], %dot_general3A_5 {strides = array<i32>} : memref<1024x128xf32, #tpu.memory_space<vmem>>, vector<1024x128xf32>,
    return
  }
  func.func @transform_0(%arg0: i32) -> (i32, i32) {
    %c0_i32 = arith.constant 0 : i32
    %c0_i32_0 = arith.constant 0 : i32
    return %arg0, %c0_i32 : i32, i32
  }
  func.func @transform_1(%arg0: i32) -> (i32, i32) {
    %c0_i32 = arith.constant 0 : i32
    %c0_i32_0 = arith.constant 0 : i32
    %c0_i32_1 = arith.constant 0 : i32
    return %c0_i32, %c0_i32_0 : i32, i32
  }
  func.func @transform_2(%arg0: i32) -> (i32, i32) {
    %c0_i32 = arith.constant 0 : i32
    %c0_i32_0 = arith.constant 0 : i32
    return %arg0, %c0_i32 : i32, i32
  }
}

module attributes {stable_mosaic.version = 14 : i64} {
  func.func @k(%arg0: i32, %arg1: memref<2x1024xf32, #tpu.memory_space<vmem>>, %arg2: memref<1024x128xf32, #tpu.memory_space<vmem>>, %arg3: memref<1024x1xf32, #tpu.memory_space<vmem>>, %arg4: memref<1024x128xf32, #tpu.memory_space<vmem>>) attributes {dimension_semantics = [#tpu.dimension_semantics<arbitrary>], iteration_bounds = array<i64: 10>, scalar_prefetch = 0 : i64, scratch_operands = 0 : i64, tpu.core_type = #tpu.core_type<tc>, window_params = [{transform_indices = @transform_0, window_bounds = array<i64: 2, 1024>}, {transform_indices = @transform_1, window_bounds = array<i64: 1024, 128>}, {transform_indices = @transform_2, window_bounds = array<i64: 1024, 1>}, {transform_indices = @transform_3, window_bounds = array<i64: 1024, 128>}]} {
    %get3A = arith.constant 0 : index
    %get3A_0 = arith.constant 0 : index
    %get3A_1 = vector.load %arg1[%get3A, %get3A_0] : memref<2x1024xf32, #tpu.memory_space<vmem>>, vector<1x1024xf32>
    %get3A_2 = vector.shape_cast %get3A_1 : vector<1x1024xf32> to vector<1024xf32>
    %get3A_3 = arith.constant 1 : index
    %get3A_4 = arith.constant 0 : index
    %get3A_5 = vector.load %arg1[%get3A_3, %get3A_4] : memref<2x1024xf32, #tpu.memory_space<vmem>>, vector<1x1024xf32>
    %get3A_6 = vector.shape_cast %get3A_5 : vector<1x1024xf32> to vector<1024xf32>
    %add3A = arith.addf %get3A_2, %get3A_6 : vector<1024xf32>
    %add3A_7 = arith.constant 1.000000e+00 : f32
    %add3A_8 = vector.broadcast %add3A_7 : f32 to vector<1024xf32>
    %add3A_9 = arith.addf %add3A, %add3A_8 : vector<1024xf32>
    %rsqrt3A = math.rsqrt %add3A_9 : vector<1024xf32>
    %broadcast_in_dim3A = vector.shape_cast %rsqrt3A : vector<1024xf32> to vector<1024x1xf32>
    %swap3A = arith.constant 0 : index
    %swap3A_10 = arith.constant 0 : index
    %swap3A_11 = vector.load %arg3[%swap3A, %swap3A_10] : memref<1024x1xf32, #tpu.memory_space<vmem>>, vector<1024x1xf32>
    tpu.vector_store %arg3[%swap3A, %swap3A_10], %broadcast_in_dim3A {strides = array<i32>} : memref<1024x1xf32, #tpu.memory_space<vmem>>, vector<1024x1xf32>,
    %get3A_12 = arith.constant 0 : index
    %get3A_13 = arith.constant 0 : index
    %get3A_14 = vector.load %arg2[%get3A_12, %get3A_13] : memref<1024x128xf32, #tpu.memory_space<vmem>>, vector<1024x128xf32>
    %mul3A = vector.broadcast %broadcast_in_dim3A : vector<1024x1xf32> to vector<1024x128xf32>
    %mul3A_15 = arith.mulf %mul3A, %get3A_14 : vector<1024x128xf32>
    %swap3A_16 = arith.constant 0 : index
    %swap3A_17 = arith.constant 0 : index
    %swap3A_18 = vector.load %arg4[%swap3A_16, %swap3A_17] : memref<1024x128xf32, #tpu.memory_space<vmem>>, vector<1024x128xf32>
    tpu.vector_store %arg4[%swap3A_16, %swap3A_17], %mul3A_15 {strides = array<i32>} : memref<1024x128xf32, #tpu.memory_space<vmem>>, vector<1024x128xf32>,
    return
  }
  func.func @transform_0(%arg0: i32) -> (i32, i32) {
    %c0_i32 = arith.constant 0 : i32
    %c0_i32_0 = arith.constant 0 : i32
    return %c0_i32, %arg0 : i32, i32
  }
  func.func @transform_1(%arg0: i32) -> (i32, i32) {
    %c0_i32 = arith.constant 0 : i32
    %c0_i32_0 = arith.constant 0 : i32
    return %arg0, %c0_i32 : i32, i32
  }
  func.func @transform_2(%arg0: i32) -> (i32, i32) {
    %c0_i32 = arith.constant 0 : i32
    %c0_i32_0 = arith.constant 0 : i32
    return %arg0, %c0_i32 : i32, i32
  }
  func.func @transform_3(%arg0: i32) -> (i32, i32) {
    %c0_i32 = arith.constant 0 : i32
    %c0_i32_0 = arith.constant 0 : i32
    return %arg0, %c0_i32 : i32, i32
  }
}

module attributes {stable_mosaic.version = 14 : i64} {
  func.func @k(%arg0: i32, %arg1: memref<2x1024x128xf32, #tpu.memory_space<vmem>>, %arg2: memref<1024x128xf32, #tpu.memory_space<vmem>>, %arg3: memref<1024x1xf32, #tpu.memory_space<vmem>>, %arg4: memref<1x128xf32, #tpu.memory_space<vmem>>, %arg5: memref<128x128xf32, #tpu.memory_space<vmem>>, %arg6: memref<1024x128xf32, #tpu.memory_space<vmem>>, %arg7: memref<1024x128xf32, #tpu.memory_space<vmem>>) attributes {dimension_semantics = [#tpu.dimension_semantics<arbitrary>], iteration_bounds = array<i64: 10>, scalar_prefetch = 0 : i64, scratch_operands = 0 : i64, tpu.core_type = #tpu.core_type<tc>, window_params = [{transform_indices = @transform_0, window_bounds = array<i64: 2, 1024, 128>}, {transform_indices = @transform_1, window_bounds = array<i64: 1024, 128>}, {transform_indices = @transform_2, window_bounds = array<i64: 1024, 1>}, {pipeline_mode = #tpu.pipeline_mode<synchronous>, transform_indices = @transform_3, window_bounds = array<i64: 1, 128>}, {pipeline_mode = #tpu.pipeline_mode<synchronous>, transform_indices = @transform_4, window_bounds = array<i64: 128, 128>}, {transform_indices = @transform_5, window_bounds = array<i64: 1024, 128>}, {transform_indices = @transform_6, window_bounds = array<i64: 1024, 128>}]} {
    %get3A = arith.constant 0 : index
    %get3A_0 = arith.constant 0 : index
    %get3A_1 = arith.constant 0 : index
    %get3A_2 = vector.load %arg1[%get3A, %get3A_0, %get3A_1] : memref<2x1024x128xf32, #tpu.memory_space<vmem>>, vector<1x1024x128xf32>
    %get3A_3 = vector.shape_cast %get3A_2 : vector<1x1024x128xf32> to vector<1024x128xf32>
    %get3A_4 = arith.constant 1 : index
    %get3A_5 = arith.constant 0 : index
    %get3A_6 = arith.constant 0 : index
    %get3A_7 = vector.load %arg1[%get3A_4, %get3A_5, %get3A_6] : memref<2x1024x128xf32, #tpu.memory_space<vmem>>, vector<1x1024x128xf32>
    %get3A_8 = vector.shape_cast %get3A_7 : vector<1x1024x128xf32> to vector<1024x128xf32>
    %add3A = arith.addf %get3A_3, %get3A_8 : vector<1024x128xf32>
    %get3A_9 = arith.constant 0 : index
    %get3A_10 = arith.constant 0 : index
    %get3A_11 = vector.load %arg2[%get3A_9, %get3A_10] : memref<1024x128xf32, #tpu.memory_space<vmem>>, vector<1024x128xf32>
    %add3A_12 = arith.addf %add3A, %get3A_11 : vector<1024x128xf32>
    %get3A_13 = arith.constant 0 : index
    %get3A_14 = arith.constant 0 : index
    %get3A_15 = vector.load %arg3[%get3A_13, %get3A_14] : memref<1024x1xf32, #tpu.memory_space<vmem>>, vector<1024x1xf32>
    %mul3A = vector.broadcast %get3A_15 : vector<1024x1xf32> to vector<1024x128xf32>
    %mul3A_16 = arith.mulf %mul3A, %add3A_12 : vector<1024x128xf32>
    %get3A_17 = arith.constant 0 : index
    %get3A_18 = arith.constant 0 : index
    %get3A_19 = vector.load %arg4[%get3A_17, %get3A_18] : memref<1x128xf32, #tpu.memory_space<vmem>>, vector<1x128xf32>
    %add3A_20 = vector.broadcast %get3A_19 : vector<1x128xf32> to vector<1024x128xf32>
    %add3A_21 = arith.addf %mul3A_16, %add3A_20 : vector<1024x128xf32>
    %max3A = arith.constant 0.000000e+00 : f32
    %max3A_22 = vector.broadcast %max3A : f32 to vector<1024x128xf32>
    %max3A_23 = arith.maximumf %add3A_21, %max3A_22 : vector<1024x128xf32>
    %swap3A = arith.constant 0 : index
    %swap3A_24 = arith.constant 0 : index
    %swap3A_25 = vector.load %arg6[%swap3A, %swap3A_24] : memref<1024x128xf32, #tpu.memory_space<vmem>>, vector<1024x128xf32>
    tpu.vector_store %arg6[%swap3A, %swap3A_24], %max3A_23 {strides = array<i32>} : memref<1024x128xf32, #tpu.memory_space<vmem>>, vector<1024x128xf32>,
    %get3A_26 = arith.constant 0 : index
    %get3A_27 = arith.constant 0 : index
    %get3A_28 = vector.load %arg3[%get3A_26, %get3A_27] : memref<1024x1xf32, #tpu.memory_space<vmem>>, vector<1024x1xf32>
    %get3A_29 = arith.constant 0 : index
    %get3A_30 = arith.constant 0 : index
    %get3A_31 = vector.load %arg5[%get3A_29, %get3A_30] : memref<128x128xf32, #tpu.memory_space<vmem>>, vector<128x128xf32>
    %dot_general3A = arith.constant dense<0.000000e+00> : vector<1024x128xf32>
    %dot_general3A_32 = tpu.matmul %max3A_23, %get3A_31, %dot_general3A {dimension_numbers = #tpu.dot_dimension_numbers<[1], [0], [0], [1], [0, 0, 1, 1], [], []>, transpose_lhs_hint = false} : vector<1024x128xf32>, vector<128x128xf32>, vector<1024x128xf32> -> vector<1024x128xf32>
    %mul3A_33 = vector.broadcast %get3A_28 : vector<1024x1xf32> to vector<1024x128xf32>
    %mul3A_34 = arith.mulf %mul3A_33, %dot_general3A_32 : vector<1024x128xf32>
    %swap3A_35 = arith.constant 0 : index
    %swap3A_36 = arith.constant 0 : index
    %swap3A_37 = vector.load %arg7[%swap3A_35, %swap3A_36] : memref<1024x128xf32, #tpu.memory_space<vmem>>, vector<1024x128xf32>
    tpu.vector_store %arg7[%swap3A_35, %swap3A_36], %mul3A_34 {strides = array<i32>} : memref<1024x128xf32, #tpu.memory_space<vmem>>, vector<1024x128xf32>,
    return
  }
  func.func @transform_0(%arg0: i32) -> (i32, i32, i32) {
    %c0_i32 = arith.constant 0 : i32
    %c0_i32_0 = arith.constant 0 : i32
    %c0_i32_1 = arith.constant 0 : i32
    return %c0_i32, %arg0, %c0_i32_0 : i32, i32, i32
  }
  func.func @transform_1(%arg0: i32) -> (i32, i32) {
    %c0_i32 = arith.constant 0 : i32
    %c0_i32_0 = arith.constant 0 : i32
    return %arg0, %c0_i32 : i32, i32
  }
  func.func @transform_2(%arg0: i32) -> (i32, i32) {
    %c0_i32 = arith.constant 0 : i32
    %c0_i32_0 = arith.constant 0 : i32
    return %arg0, %c0_i32 : i32, i32
  }
  func.func @transform_3(%arg0: i32) -> (i32, i32) {
    %c0_i32 = arith.constant 0 : i32
    %c0_i32_0 = arith.constant 0 : i32
    %c0_i32_1 = arith.constant 0 : i32
    return %c0_i32, %c0_i32_0 : i32, i32
  }
  func.func @transform_4(%arg0: i32) -> (i32, i32) {
    %c0_i32 = arith.constant 0 : i32
    %c0_i32_0 = arith.constant 0 : i32
    %c0_i32_1 = arith.constant 0 : i32
    return %c0_i32, %c0_i32_0 : i32, i32
  }
  func.func @transform_5(%arg0: i32) -> (i32, i32) {
    %c0_i32 = arith.constant 0 : i32
    %c0_i32_0 = arith.constant 0 : i32
    return %arg0, %c0_i32 : i32, i32
  }
  func.func @transform_6(%arg0: i32) -> (i32, i32) {
    %c0_i32 = arith.constant 0 : i32
    %c0_i32_0 = arith.constant 0 : i32
    return %arg0, %c0_i32 : i32, i32
  }
}

module attributes {stable_mosaic.version = 14 : i64} {
  func.func @k(%arg0: i32, %arg1: memref<2x1024x128xf32, #tpu.memory_space<vmem>>, %arg2: memref<1024x128xf32, #tpu.memory_space<vmem>>, %arg3: memref<1024x1xf32, #tpu.memory_space<vmem>>, %arg4: memref<1x128xf32, #tpu.memory_space<vmem>>, %arg5: memref<1024x128xf32, #tpu.memory_space<vmem>>, %arg6: memref<1024x128xf32, #tpu.memory_space<vmem>>, %arg7: memref<384x40xf32, #tpu.memory_space<vmem>>, %arg8: memref<1x40xf32, #tpu.memory_space<vmem>>, %arg9: memref<1024x40xf32, #tpu.memory_space<vmem>>) attributes {dimension_semantics = [#tpu.dimension_semantics<arbitrary>], iteration_bounds = array<i64: 10>, scalar_prefetch = 0 : i64, scratch_operands = 0 : i64, tpu.core_type = #tpu.core_type<tc>, window_params = [{transform_indices = @transform_0, window_bounds = array<i64: 2, 1024, 128>}, {transform_indices = @transform_1, window_bounds = array<i64: 1024, 128>}, {transform_indices = @transform_2, window_bounds = array<i64: 1024, 1>}, {pipeline_mode = #tpu.pipeline_mode<synchronous>, transform_indices = @transform_3, window_bounds = array<i64: 1, 128>}, {transform_indices = @transform_4, window_bounds = array<i64: 1024, 128>}, {transform_indices = @transform_5, window_bounds = array<i64: 1024, 128>}, {pipeline_mode = #tpu.pipeline_mode<synchronous>, transform_indices = @transform_6, window_bounds = array<i64: 384, 40>}, {pipeline_mode = #tpu.pipeline_mode<synchronous>, transform_indices = @transform_7, window_bounds = array<i64: 1, 40>}, {transform_indices = @transform_8, window_bounds = array<i64: 1024, 40>}]} {
    %get3A = arith.constant 0 : index
    %get3A_0 = arith.constant 0 : index
    %get3A_1 = arith.constant 0 : index
    %get3A_2 = vector.load %arg1[%get3A, %get3A_0, %get3A_1] : memref<2x1024x128xf32, #tpu.memory_space<vmem>>, vector<1x1024x128xf32>
    %get3A_3 = vector.shape_cast %get3A_2 : vector<1x1024x128xf32> to vector<1024x128xf32>
    %get3A_4 = arith.constant 1 : index
    %get3A_5 = arith.constant 0 : index
    %get3A_6 = arith.constant 0 : index
    %get3A_7 = vector.load %arg1[%get3A_4, %get3A_5, %get3A_6] : memref<2x1024x128xf32, #tpu.memory_space<vmem>>, vector<1x1024x128xf32>
    %get3A_8 = vector.shape_cast %get3A_7 : vector<1x1024x128xf32> to vector<1024x128xf32>
    %add3A = arith.addf %get3A_3, %get3A_8 : vector<1024x128xf32>
    %get3A_9 = arith.constant 0 : index
    %get3A_10 = arith.constant 0 : index
    %get3A_11 = vector.load %arg2[%get3A_9, %get3A_10] : memref<1024x128xf32, #tpu.memory_space<vmem>>, vector<1024x128xf32>
    %add3A_12 = arith.addf %add3A, %get3A_11 : vector<1024x128xf32>
    %get3A_13 = arith.constant 0 : index
    %get3A_14 = arith.constant 0 : index
    %get3A_15 = vector.load %arg3[%get3A_13, %get3A_14] : memref<1024x1xf32, #tpu.memory_space<vmem>>, vector<1024x1xf32>
    %mul3A = vector.broadcast %get3A_15 : vector<1024x1xf32> to vector<1024x128xf32>
    %mul3A_16 = arith.mulf %mul3A, %add3A_12 : vector<1024x128xf32>
    %get3A_17 = arith.constant 0 : index
    %get3A_18 = arith.constant 0 : index
    %get3A_19 = vector.load %arg4[%get3A_17, %get3A_18] : memref<1x128xf32, #tpu.memory_space<vmem>>, vector<1x128xf32>
    %add3A_20 = vector.broadcast %get3A_19 : vector<1x128xf32> to vector<1024x128xf32>
    %add3A_21 = arith.addf %mul3A_16, %add3A_20 : vector<1024x128xf32>
    %max3A = arith.constant 0.000000e+00 : f32
    %max3A_22 = vector.broadcast %max3A : f32 to vector<1024x128xf32>
    %max3A_23 = arith.maximumf %add3A_21, %max3A_22 : vector<1024x128xf32>
    %get3A_24 = arith.constant 0 : index
    %get3A_25 = arith.constant 0 : index
    %get3A_26 = vector.load %arg5[%get3A_24, %get3A_25] : memref<1024x128xf32, #tpu.memory_space<vmem>>, vector<1024x128xf32>
    %get3A_27 = arith.constant 0 : index
    %get3A_28 = arith.constant 0 : index
    %get3A_29 = vector.load %arg7[%get3A_27, %get3A_28] : memref<384x40xf32, #tpu.memory_space<vmem>>, vector<128x40xf32>
    %dot_general3A = arith.constant dense<0.000000e+00> : vector<1024x40xf32>
    %dot_general3A_30 = tpu.matmul %get3A_26, %get3A_29, %dot_general3A {dimension_numbers = #tpu.dot_dimension_numbers<[1], [0], [0], [1], [0, 0, 1, 1], [], []>, transpose_lhs_hint = false} : vector<1024x128xf32>, vector<128x40xf32>, vector<1024x40xf32> -> vector<1024x40xf32>
    %get3A_31 = arith.constant 0 : index
    %get3A_32 = arith.constant 0 : index
    %get3A_33 = vector.load %arg6[%get3A_31, %get3A_32] : memref<1024x128xf32, #tpu.memory_space<vmem>>, vector<1024x128xf32>
    %get3A_34 = arith.constant 128 : index
    %get3A_35 = arith.constant 0 : index
    %get3A_36 = vector.load %arg7[%get3A_34, %get3A_35] : memref<384x40xf32, #tpu.memory_space<vmem>>, vector<128x40xf32>
    %dot_general3A_37 = arith.constant dense<0.000000e+00> : vector<1024x40xf32>
    %dot_general3A_38 = tpu.matmul %get3A_33, %get3A_36, %dot_general3A_37 {dimension_numbers = #tpu.dot_dimension_numbers<[1], [0], [0], [1], [0, 0, 1, 1], [], []>, transpose_lhs_hint = false} : vector<1024x128xf32>, vector<128x40xf32>, vector<1024x40xf32> -> vector<1024x40xf32>
    %add3A_39 = arith.addf %dot_general3A_30, %dot_general3A_38 : vector<1024x40xf32>
    %get3A_40 = arith.constant 256 : index
    %get3A_41 = arith.constant 0 : index
    %get3A_42 = vector.load %arg7[%get3A_40, %get3A_41] : memref<384x40xf32, #tpu.memory_space<vmem>>, vector<128x40xf32>
    %dot_general3A_43 = arith.constant dense<0.000000e+00> : vector<1024x40xf32>
    %dot_general3A_44 = tpu.matmul %max3A_23, %get3A_42, %dot_general3A_43 {dimension_numbers = #tpu.dot_dimension_numbers<[1], [0], [0], [1], [0, 0, 1, 1], [], []>, transpose_lhs_hint = false} : vector<1024x128xf32>, vector<128x40xf32>, vector<1024x40xf32> -> vector<1024x40xf32>
    %add3A_45 = arith.addf %add3A_39, %dot_general3A_44 : vector<1024x40xf32>
    %get3A_46 = arith.constant 0 : index
    %get3A_47 = arith.constant 0 : index
    %get3A_48 = vector.load %arg8[%get3A_46, %get3A_47] : memref<1x40xf32, #tpu.memory_space<vmem>>, vector<1x40xf32>
    %add3A_49 = vector.broadcast %get3A_48 : vector<1x40xf32> to vector<1024x40xf32>
    %add3A_50 = arith.addf %add3A_45, %add3A_49 : vector<1024x40xf32>
    %swap3A = arith.constant 0 : index
    %swap3A_51 = arith.constant 0 : index
    %swap3A_52 = vector.load %arg9[%swap3A, %swap3A_51] : memref<1024x40xf32, #tpu.memory_space<vmem>>, vector<1024x40xf32>
    tpu.vector_store %arg9[%swap3A, %swap3A_51], %add3A_50 {strides = array<i32>} : memref<1024x40xf32, #tpu.memory_space<vmem>>, vector<1024x40xf32>,
    return
  }
  func.func @transform_0(%arg0: i32) -> (i32, i32, i32) {
    %c0_i32 = arith.constant 0 : i32
    %c0_i32_0 = arith.constant 0 : i32
    %c0_i32_1 = arith.constant 0 : i32
    return %c0_i32, %arg0, %c0_i32_0 : i32, i32, i32
  }
  func.func @transform_1(%arg0: i32) -> (i32, i32) {
    %c0_i32 = arith.constant 0 : i32
    %c0_i32_0 = arith.constant 0 : i32
    return %arg0, %c0_i32 : i32, i32
  }
  func.func @transform_2(%arg0: i32) -> (i32, i32) {
    %c0_i32 = arith.constant 0 : i32
    %c0_i32_0 = arith.constant 0 : i32
    return %arg0, %c0_i32 : i32, i32
  }
  func.func @transform_3(%arg0: i32) -> (i32, i32) {
    %c0_i32 = arith.constant 0 : i32
    %c0_i32_0 = arith.constant 0 : i32
    %c0_i32_1 = arith.constant 0 : i32
    return %c0_i32, %c0_i32_0 : i32, i32
  }
  func.func @transform_4(%arg0: i32) -> (i32, i32) {
    %c0_i32 = arith.constant 0 : i32
    %c0_i32_0 = arith.constant 0 : i32
    return %arg0, %c0_i32 : i32, i32
  }
  func.func @transform_5(%arg0: i32) -> (i32, i32) {
    %c0_i32 = arith.constant 0 : i32
    %c0_i32_0 = arith.constant 0 : i32
    return %arg0, %c0_i32 : i32, i32
  }
  func.func @transform_6(%arg0: i32) -> (i32, i32) {
    %c0_i32 = arith.constant 0 : i32
    %c0_i32_0 = arith.constant 0 : i32
    %c0_i32_1 = arith.constant 0 : i32
    return %c0_i32, %c0_i32_0 : i32, i32
  }
  func.func @transform_7(%arg0: i32) -> (i32, i32) {
    %c0_i32 = arith.constant 0 : i32
    %c0_i32_0 = arith.constant 0 : i32
    %c0_i32_1 = arith.constant 0 : i32
    return %c0_i32, %c0_i32_0 : i32, i32
  }
  func.func @transform_8(%arg0: i32) -> (i32, i32) {
    %c0_i32 = arith.constant 0 : i32
    %c0_i32_0 = arith.constant 0 : i32
    return %arg0, %c0_i32 : i32, i32
  }
}

</mosaic_0001>

<sc_bundles>
// kernel: kernel.11.cloned.1.call-start
scs
__scs_entry_jumppad:
0x0: {  	(pc) =	sbr.rel $0x88, $3  }
0x1: {  	(tag) =	ssettag $0x0;
	lr =	simm.s32 $0x1  }
0x2: {  	[smem:$0x3F97] =	sst lr;
	_ =	strace $0xD0000000  }
0x3: {  	_ = 	snop  }
0x4: {  	_ = 	snop  }
0x5: {  	_ = 	snop  }
0x6: {  	_ = 	snop  }
0x7: {  	_ = 	snop  }
__scs_overlays_trampoline_lowered:
0x8: {  	[smem:$0x3FA6] =	sst s0  }
0x9: {  	[smem:$0x3FA7] =	sst s1  }
0xa: {  	[smem:$0x3FA8] =	sst s2  }
0xb: {  	[smem:$0x3FA9] =	sst s3  }
0xc: {  	[smem:$0x3FAA] =	sst s4  }
0xd: {  	[smem:$0x3FAB] =	sst s5  }
0xe: {  	[smem:$0x3FAC] =	sst s6  }
0xf: {  	[smem:$0x3FAD] =	sst s7  }
0x10: {  	[smem:$0x3FAE] =	sst s8  }
0x11: {  	[smem:$0x3FAF] =	sst s9;
	s0 =	simm.s32 @!p0 $0x0  }
0x12: {  	s1 =	sld [smem:$0x3F95];
	s0 =	simm.s32 @p0 $0x1  }
0x13: {  	[smem:$0x3FB0] =	sst s0;
	s0 =	simm.s32 @!p1 $0x0  }
0x14: {  	s2 =	sld [smem:$0x3F94];
	s0 =	simm.s32 @p1 $0x1  }
0x15: {  	[smem:$0x3FB1] =	sst s0;
	s0 =	simm.s32 @!p2 $0x0  }
0x16: {  	s3 =	sld [smem:$0x3FDB];
	s0 =	simm.s32 @p2 $0x1  }
0x17: {  	s4 =	simm.s32 $0x1BF5;
	[smem:$0x3FB3] =	sst s0  }
0x18: {  	s0 =	sld [smem:$0x3F96];
	_ =	swait.ge [sflag:s4], $0x0  }
0x19: {  	s7 =	sld [smem:$0x3F97]  }
0x1a: {  	s8 =	sadd.s32 $0xFFFFE003, lr  }
0x1b: {  	s9 =	sadd.s32 $0xFFFFFEF7, lr;
	s5 =	simm.s32 $0xFFFFFFFF;
	p2 =	slt.u32 s8, $0xFFFFF086  }
0x1c: {  	p1 =	slt.u32 s9, $0xF7A;
	s5 =	simm.s32 @!p2 $0x0  }
0x1d: {  	s5 =	simm.s32 @p1 $0x1;
	p0 =	seq.s32 s7, s2  }
0x1e: {  	s7 =	smul.u32 @!p0 $0xF7A, s2;
	p2 =	seq.s32 @!p0 s5, $0x0  }
0x1f: {  	s9 =	smul.u32 $0xF7A, s1;
	s8 =	simm.s32 @!p0 $0x1BF5;
	p2 =	por !p2, p0  }
0x20: {  	[sflag:s8] =	ssyncset.s32 @!p0 $0xFFFFF086;
	s6 =	sadd.s32 @!p0 s3, s7;
	s7 =	simm.s32 @!p0 $0x108  }
0x21: {  	s3 =	sadd.s32 s3, s9;
	s6 =	sadd.s32 @!p0 $0x88, s6;
	s7 =	simm.s32 @p2 $0x1082  }
0x22: {  	[simem:s7], [sflag:s8] =	dma.local @!p0 [hbm:s6], $0xF7A  }
0x23: {  	s9 =	sor.u32 $0xD0000000, s2;
	s6 =	simm.s32 $0x108;
	_ =	swait.ge @!p0 [sflag:s8], $0x0  }
0x24: {  	s3 =	sadd.s32 $0x88, s3;
	s6 =	simm.s32 @!p1 $0x1082;
	[sflag:s4] =	ssyncset.s32 $0xFFFFF086  }
0x25: {  	[simem:s6], [sflag:s4] =	dma.local [hbm:s3], $0xF7A  }
0x26: {  	[smem:$0x3F97] =	sst s1;
	(tag) =	ssettag s2;
	_ =	strace s9  }
0x27: {  	s1 =	sld [smem:$0x3FA7]  }
0x28: {  	s2 =	sld [smem:$0x3FA8]  }
0x29: {  	s4 =	sld [smem:$0x3FAA]  }
0x2a: {  	p0 =	seq.s32 s5, $0x0;
	s5 =	sld [smem:$0x3FAB]  }
0x2b: {  	s6 =	sld [smem:$0x3FAC]  }
0x2c: {  	s7 =	sld [smem:$0x3FAD]  }
0x2d: {  	s3 =	simm.s32 $0x108;
	s8 =	sld [smem:$0x3FAE]  }
0x2e: {  	s3 =	simm.s32 @!p0 $0x1082;
	s9 =	sld [smem:$0x3FAF]  }
0x2f: {  	lr =	sadd.s32 s0, s3;
	s0 =	sld [smem:$0x3FA6]  }
0x30: {  	s3 =	sld [smem:$0x3FA9]  }
0x31: {  	[smem:$0x3FB2] =	sst s10  }
0x32: {  	s10 =	sld [smem:$0x3FB0];
	_ =	sdelay $0x3  }
0x33: {  	p0 =	seq.s32 s10, $0x1;
	s10 =	sld [smem:$0x3FB2];
	_ =	sdelay $0x3  }
0x34: {  	[smem:$0x3FB2] =	sst s10  }
0x35: {  	s10 =	sld [smem:$0x3FB1];
	_ =	sdelay $0x3  }
0x36: {  	p1 =	seq.s32 s10, $0x1;
	s10 =	sld [smem:$0x3FB2];
	_ =	sdelay $0x3  }
0x37: {  	[smem:$0x3FB2] =	sst s10  }
0x38: {  	s10 =	sld [smem:$0x3FB3]  }
0x39: {  	_ = 	snop;
	(pc) =	sbr.ind lr, $3  }
0x3a: {  	_ = 	snop  }
0x3b: {  	_ = 	snop  }
0x3c: {  	p2 =	seq.s32 s10, $0x1;
	s10 =	sld [smem:$0x3FB2]  }
0x3d: {  	_ =	shalt  }
0x3e: {  	_ =	shalt  }
0x3f: {  	_ =	shalt  }
0x40: {  	_ =	shalt  }
0x41: {  	_ =	shalt  }
0x42: {  	_ =	shalt  }
0x43: {  	_ =	shalt  }
0x44: {  	_ =	shalt  }
0x45: {  	_ =	shalt  }
0x46: {  	_ =	shalt  }
0x47: {  	_ =	shalt  }
0x48: {  	_ =	shalt  }
0x49: {  	_ =	shalt  }
0x4a: {  	_ =	shalt  }
0x4b: {  	_ =	shalt  }
0x4c: {  	_ =	shalt  }
0x4d: {  	_ =	shalt  }
0x4e: {  	_ =	shalt  }
0x4f: {  	_ =	shalt  }
0x50: {  	_ =	shalt  }
0x51: {  	_ =	shalt  }
0x52: {  	_ =	shalt  }
0x53: {  	_ =	shalt  }
0x54: {  	_ =	shalt  }
0x55: {  	_ =	shalt  }
0x56: {  	_ =	shalt  }
0x57: {  	_ =	shalt  }
0x58: {  	_ =	shalt  }
0x59: {  	_ =	shalt  }
0x5a: {  	_ =	shalt  }
0x5b: {  	_ =	shalt  }
0x5c: {  	_ =	shalt  }
0x5d: {  	_ =	shalt  }
0x5e: {  	_ =	shalt  }
0x5f: {  	_ =	shalt  }
0x60: {  	_ =	shalt  }
0x61: {  	_ =	shalt  }
0x62: {  	_ =	shalt  }
0x63: {  	_ =	shalt  }
0x64: {  	_ =	shalt  }
0x65: {  	_ =	shalt  }
0x66: {  	_ =	shalt  }
0x67: {  	_ =	shalt  }
0x68: {  	_ =	shalt  }
0x69: {  	_ =	shalt  }
0x6a: {  	_ =	shalt  }
0x6b: {  	_ =	shalt  }
0x6c: {  	_ =	shalt  }
0x6d: {  	_ =	shalt  }
0x6e: {  	_ =	shalt  }
0x6f: {  	_ =	shalt  }
0x70: {  	_ =	shalt  }
0x71: {  	_ =	shalt  }
0x72: {  	_ =	shalt  }
0x73: {  	_ =	shalt  }
0x74: {  	_ =	shalt  }
0x75: {  	_ =	shalt  }
0x76: {  	_ =	shalt  }
0x77: {  	_ =	shalt  }
0x78: {  	_ =	shalt  }
0x79: {  	_ =	shalt  }
0x7a: {  	_ =	shalt  }
0x7b: {  	_ =	shalt  }
0x7c: {  	_ =	shalt  }
0x7d: {  	_ =	shalt  }
0x7e: {  	_ =	shalt  }
0x7f: {  	_ =	shalt  }
0x80: {  	_ =	shalt  }
0x81: {  	_ =	shalt  }
0x82: {  	_ =	shalt  }
0x83: {  	_ =	shalt  }
0x84: {  	_ =	shalt  }
0x85: {  	_ =	shalt  }
0x86: {  	_ =	shalt  }
0x87: {  	_ =	shalt  }
.Lfunc_end0:
.L_simem_size_0:
called_computation_lowered:
.L_overlay_start_0:
0x88: {  	s2 =	sld [smem:$0x3FD9]  }
0x89: {  	s3 =	sld [smem:$0x3FFE];
	_ =	sdelay $0x1  }
0x8a: {  	s1 =	srdreg.scid  }
0x8b: {  	s0 =	sand.u32 $0x1, s1  }
0x8c: {  	s16 =	sshll.u32 s0, $0xA;
	s2 =	sadd.s32 s3, s2  }
0x8d: {  	s2 =	sadd.s32 s2, s16  }
0x8e: {  	[smem:$0x3FBE] =	sst s2  }
0x8f: {  	_ = 	snop  }
0x90: {  	(tm) =	ssettm $0x1  }
0x91: {  	s17 =	sld [smem:$0x3FFB];
	_ =	sdelay $0x3  }
0x92: {  	_ =	strace s17  }
0x93: {  	s2 =	sld [smem:$0x3FFC];
	_ =	sdelay $0x3  }
0x94: {  	_ =	strace s2  }
0x95: {  	s2 =	sld [smem:$0x3FFD];
	_ =	sdelay $0x3  }
0x96: {  	_ =	strace s2  }
0x97: {  	_ =	strace $0x8FFFFFFF  }
0x98: {  	s18 =	sld [smem:$0x3FDB];
	_ =	sdelay $0x1  }
0x99: {  	s19 =	simm.s32 $_scs_section_size  }
0x9a: {  	s4 =	simm.s32 $_size__tile_overlayer_lowered;
	s5 =	simm.s32 $_tile_overlayer_lowered  }
0x9b: {  	s22 =	simm.s32 $0x1BFF;
	s21 =	sshll.u32 s5, $0x1;
	s2 =	sadd.s32 s19, s18  }
0x9c: {  	s6 =	simm.s32 $0x0;
	s20 =	sshll.u32 s4, $0x1;
	s4 =	sadd.s32 s21, s2  }
0x9d: {  	[timem:s6], [sflag:s22] =	dma.local [hbm:s4], s20  }
0x9e: {  	_ =	swait.ge [sflag:s22], s20  }
0x9f: {  	s3 =	ssub.s32 $0x0, s20;
	[sflag:s22] =	ssyncset.done $0x0  }
0xa0: {  	[sflag:s22] =	ssyncadd.s32 s3;
	_ =	sdelay $0x1  }
0xa1: {  	s23 =	simm.s32 $0x1B8B  }
0xa2: {  	_ =	swait.ge [sflag:s23], $0x1  }
0xa3: {  	[sflag:s23] =	ssyncset.done $0x0  }
0xa4: {  	s25 =	simm.s32 $0x1B8E;
	s24 =	sld [smem:$0x3FFE];
	[sflag:s23] =	ssyncadd.s32 $0xFFFFFFFF  }
0xa5: {  	s26 =	simm.s32 $execute0_lowered;
	[smem:$0x3FD2] =	sst s25  }
0xa6: {  	s4 =	sshll.u32 s26, $0x1;
	_ =	strace $0x80000046;
	[dreg:$0x1] =	wrdreg $0xFFFFFFFF  }
0xa7: {  	s28 =	simm.s32 $_size_execute0_lowered;
	s2 =	sadd.s32 s2, s4;
	[dreg:$0x0] =	wrdreg $0x0  }
0xa8: {  	s4 =	sshll.u32 s28, $0x1;
	[dreg:$0x2] =	wrdreg s2  }
0xa9: {  	[dreg:$0x3] =	wrdreg s4  }
0xaa: {  	[dreg:$0x4] =	wrdreg $0xC0  }
0xab: {  	_ =	task [dreg:s6], $0x5FFFF  }
0xac: {  	[dreg:$0x1] =	wrdreg $0xFFFFFFFF  }
0xad: {  	[dreg:$0x0] =	wrdreg $0x60  }
0xae: {  	[dreg:$0x2] =	wrdreg s24  }
0xaf: {  	[dreg:$0x3] =	wrdreg $0x28800  }
0xb0: {  	[dreg:$0x4] =	wrdreg $0x9  }
0xb1: {  	_ =	task.clear_ibuf [dreg:s6], $0x5FFFF;
	_ =	strace $0x90000046  }
0xb2: {  	s29 =	simm.s32 $0x9;
	_ =	strace $0x80000048  }
0xb3: {  	_ =	swait.ge [sflag:s29], $0x1  }
0xb4: {  	[sflag:s29] =	ssyncadd.s32 $0xFFFFFFFF  }
0xb5: {  	_ =	strace $0x90000048  }
0xb6: {  	_ =	sfence  }
0xb7: {  	s30 =	sld [smem:$0x0];
	_ =	sdelay $0x2  }
0xb8: {  	s31 =	sshll.u32 s1, $0xD;
	s1 =	sshrl.u32 s1, $0x2  }
0xb9: {  	s3 =	sand.u32 $0x4000, s31;
	s1 =	sadd.s32 s1, s30  }
0xba: {  	s0 =	sor.u32 s3, s0;
	s1 =	sshll.u32 s1, $0x11  }
0xbb: {  	s0 =	sor.u32 s1, s0  }
0xbc: {  	s0 =	sadd.s32 $0x8F2B, s0  }
0xbd: {  	[sflag:s0] =	ssyncadd.remote.s32 $0x1  }
0xbe: {  	_ =	sfence.sel $0xFFFF  }
0xbf: {  	[dreg:$0x0] =	wrdreg $0xFFFFFFFF;
	(pc) =	sbr.abs _section_cstart, $3  }
0xc0: {  	[dreg:$0x1] =	wrdreg $0xFFFFFFFF  }
0xc1: {  	_ =	task.clear_ibuf [dreg:s6], $0x2FFFF;
	_ =	strace $0x9FFFFFFF  }
0xc2: {  	(tm) =	ssettm $0x7FFFFFFF  }
0xc3: {  	_ =	shalt  }
tec
execute0_lowered:
.L_overlay_start_1:
0x0: {  	(tag) =	ssettag $0x1  }
0x1: {  	s6 =	rddreg [dreg:$0x0]  }
0x2: {  	s0 =	srdreg.scid;
	s2 =	rddreg [dreg:$0x1];
	s3 =	simm.s32 $0x0  }
0x3: {  	s13 =	simm.s32 $0x80;
	s5 =	sand.u32 $0x1, s0;
	s0 =	stileid.u32  }
0x4: {  	s14 =	simm.s32 $0x1;
	s15 =	simm.s32 $0x0;
	s7 =	smul.u32 $0x280, s0  }
0x5: {  	[smem:$0x7FF] =	sst s3;
	s1 =	sshll.u32 s5, $0x4;
	s8 =	smul.u32 $0x2800, s5  }
0x6: {  	s5 =	ssub.s32 $0x2, s5;
	s31 =	sshll.u32 s0, $0x6;
	s1 =	sor.u32 s0, s1  }
0x7: {  	s11 =	sshrl.u32 s5, $0x1;
	s4 =	smul.u32 $0x500, s1;
	s1 =	rddreg [dreg:$0x2]  }
0x8: {  	_ =	strace $0x80000047;
	s10 =	sshrl.u32 s7, $0x3;
	s8 =	sadd.s32 s7, s8  }
0x9: {  	s11 =	ssub.s32 s5, s11;
	s12 =	sadd.s32 s7, s2;
	s10 =	sadd.s32 s10, s6  }
0xa: {  	s8 =	sshrl.u32 s8, $0x3;
	s9 =	sadd.s32 s4, s6;
	s4 =	sadd.s32 $0xE800, s6  }
0xb: {  	s8 =	sadd.s32 s8, s6;
	s5 =	sadd.s32 $0xE200, s10;
	s6 =	sor.u32 $0x1C02, s31  }
0xc: {  	s10 =	sshrl.u32 s12, $0x3;
	s12 =	simm.s32 $0x2800;
	s7 =	sadd.s32 $0x4200, s9  }
0xd: {  	s8 =	sadd.s32 $0xEA00, s8;
	s9 =	smax.u32 s11, $0x1;
	s11 =	simm.s32 $0x2  }
.LBB2_1:
0xe: {  	[spmem:s10], [sflag:s6] =	dma.local [hbm:s5], $0x50  }
0xf: {  	_ =	swait.ge [sflag:s11], $0x50  }
0x10: {  	[sflag:s11] =	ssyncset.done $0x0  }
0x11: {  	[sflag:s11] =	ssyncadd.s32 $0xFFFFFFB0  }
0x12: {  	[tilespmem:s12], [sflag:$0x2] =	stream.linear.gather [hbm4b:s4+s3], $0x80, $0x38;
	[tilespmem:$0x2B00] =	vst v63  }
0x13: {  	_ =	swait.ge [sflag:s11], $0x80  }
0x14: {  	[sflag:s11] =	ssyncset.done $0x0  }
0x15: {  	[sflag:s11] =	ssyncadd.s32 $0xFFFFFF80  }
0x16: {  	[tilespmem:s3], [sflag:$0x2] =	stream.linear.gather [hbm4b:s7+s3], $0x2800, $0x38;
	[tilespmem:$0x2B00] =	vst v63  }
0x17: {  	_ =	swait.ge [sflag:s11], $0x2800  }
0x18: {  	[sflag:s11] =	ssyncset.done $0x0  }
0x19: {  	[sflag:s11] =	ssyncadd.s32 $0xFFFFD800  }
0x1a: {  	s16 =	simm.s32 $0x0;
	[bflag:$0x0] =	sbarrier.arrive $0xFFFF  }
0x1b: {  	[spmem:s2] =	stream.indirect.scatter.add.f32 [tilespmem:s12], [sflag:$0x1], $0x1, s16, s13, $0xb8;
	[tilespmem:$0x2B00] =	vst v63  }
0x1c: {  	s24 =	simm.s32 $0x80  }
0x1d: {  	[spmem:s2] =	stream.indirect.scatter.add.f32 [tilespmem:s12], [sflag:$0x1], $0x1, s24, s13, $0xb8;
	[tilespmem:$0x2B00] =	vst v63  }
0x1e: {  	s25 =	simm.s32 $0x100  }
0x1f: {  	[spmem:s2] =	stream.indirect.scatter.add.f32 [tilespmem:s12], [sflag:$0x1], $0x1, s25, s13, $0xb8;
	[tilespmem:$0x2B00] =	vst v63  }
0x20: {  	s26 =	simm.s32 $0x180  }
0x21: {  	[spmem:s2] =	stream.indirect.scatter.add.f32 [tilespmem:s12], [sflag:$0x1], $0x1, s26, s13, $0xb8;
	[tilespmem:$0x2B00] =	vst v63  }
0x22: {  	s28 =	simm.s32 $0x200  }
0x23: {  	[spmem:s2] =	stream.indirect.scatter.add.f32 [tilespmem:s12], [sflag:$0x1], $0x1, s28, s13, $0xb8;
	[tilespmem:$0x2B00] =	vst v63  }
0x24: {  	s29 =	simm.s32 $0x280  }
0x25: {  	[spmem:s2] =	stream.indirect.scatter.add.f32 [tilespmem:s12], [sflag:$0x1], $0x1, s29, s13, $0xb8;
	[tilespmem:$0x2B00] =	vst v63  }
0x26: {  	s30 =	simm.s32 $0x300  }
0x27: {  	[spmem:s2] =	stream.indirect.scatter.add.f32 [tilespmem:s12], [sflag:$0x1], $0x1, s30, s13, $0xb8;
	[tilespmem:$0x2B00] =	vst v63  }
0x28: {  	s31 =	simm.s32 $0x380  }
0x29: {  	[spmem:s2] =	stream.indirect.scatter.add.f32 [tilespmem:s12], [sflag:$0x1], $0x1, s31, s13, $0xb8;
	[tilespmem:$0x2B00] =	vst v63  }
0x2a: {  	_ =	swait.ge [sflag:s14], $0x80  }
0x2b: {  	[sflag:s14] =	ssyncset.done $0x0  }
0x2c: {  	[sflag:s14] =	ssyncadd.s32 $0xFFFFFF80  }
0x2d: {  	_ =	swait.ge [sflag:s14], $0x80  }
0x2e: {  	[sflag:s14] =	ssyncset.done $0x0  }
0x2f: {  	[sflag:s14] =	ssyncadd.s32 $0xFFFFFF80  }
0x30: {  	_ =	swait.ge [sflag:s14], $0x80  }
0x31: {  	[sflag:s14] =	ssyncset.done $0x0  }
0x32: {  	[sflag:s14] =	ssyncadd.s32 $0xFFFFFF80  }
0x33: {  	_ =	swait.ge [sflag:s14], $0x80  }
0x34: {  	[sflag:s14] =	ssyncset.done $0x0  }
0x35: {  	[sflag:s14] =	ssyncadd.s32 $0xFFFFFF80  }
0x36: {  	_ =	swait.ge [sflag:s14], $0x80  }
0x37: {  	[sflag:s14] =	ssyncset.done $0x0  }
0x38: {  	[sflag:s14] =	ssyncadd.s32 $0xFFFFFF80  }
0x39: {  	_ =	swait.ge [sflag:s14], $0x80  }
0x3a: {  	[sflag:s14] =	ssyncset.done $0x0  }
0x3b: {  	[sflag:s14] =	ssyncadd.s32 $0xFFFFFF80  }
0x3c: {  	_ =	swait.ge [sflag:s14], $0x80  }
0x3d: {  	[sflag:s14] =	ssyncset.done $0x0  }
0x3e: {  	[sflag:s14] =	ssyncadd.s32 $0xFFFFFF80  }
0x3f: {  	_ =	swait.ge [sflag:s14], $0x80  }
0x40: {  	s18 =	simm.s32 $0x2000;
	s16 =	simm.s32 $0x1000;
	[sflag:s14] =	ssyncset.done $0x0  }
.LBB2_2:
0x41: {  	s19 =	sshra.s32 s16, $0x2  }
0x42: {  	[sflag:s14] =	ssyncadd.s32 $0xFFFFFF80;
	s16 =	smov.u32 s18;
	s17 =	sadd.s32 $0x1000, s18  }
0x43: {  	[spmem:s2] =	stream.indirect.scatter.add.f32 [tilespmem:s12], [sflag:$0x1], $0x1, s19, s13, $0xb8;
	[tilespmem:$0x2B00] =	vst v63  }
0x44: {  	p0 =	sne.s32 s18, $0x9000;
	s18 =	sadd.s32 $0x80, s19  }
0x45: {  	[spmem:s2] =	stream.indirect.scatter.add.f32 [tilespmem:s12], [sflag:$0x1], $0x1, s18, s13, $0xb8;
	[tilespmem:$0x2B00] =	vst v63  }
0x46: {  	s18 =	sadd.s32 $0x100, s19  }
0x47: {  	[spmem:s2] =	stream.indirect.scatter.add.f32 [tilespmem:s12], [sflag:$0x1], $0x1, s18, s13, $0xb8;
	[tilespmem:$0x2B00] =	vst v63  }
0x48: {  	s18 =	sadd.s32 $0x180, s19  }
0x49: {  	[spmem:s2] =	stream.indirect.scatter.add.f32 [tilespmem:s12], [sflag:$0x1], $0x1, s18, s13, $0xb8;
	[tilespmem:$0x2B00] =	vst v63  }
0x4a: {  	s18 =	sadd.s32 $0x200, s19  }
0x4b: {  	[spmem:s2] =	stream.indirect.scatter.add.f32 [tilespmem:s12], [sflag:$0x1], $0x1, s18, s13, $0xb8;
	[tilespmem:$0x2B00] =	vst v63  }
0x4c: {  	s18 =	sadd.s32 $0x280, s19  }
0x4d: {  	[spmem:s2] =	stream.indirect.scatter.add.f32 [tilespmem:s12], [sflag:$0x1], $0x1, s18, s13, $0xb8;
	[tilespmem:$0x2B00] =	vst v63  }
0x4e: {  	s18 =	sadd.s32 $0x300, s19  }
0x4f: {  	[spmem:s2] =	stream.indirect.scatter.add.f32 [tilespmem:s12], [sflag:$0x1], $0x1, s18, s13, $0xb8;
	[tilespmem:$0x2B00] =	vst v63  }
0x50: {  	s18 =	sadd.s32 $0x380, s19  }
0x51: {  	[spmem:s2] =	stream.indirect.scatter.add.f32 [tilespmem:s12], [sflag:$0x1], $0x1, s18, s13, $0xb8;
	[tilespmem:$0x2B00] =	vst v63  }
0x52: {  	_ =	swait.ge [sflag:s14], $0x80  }
0x53: {  	[sflag:s14] =	ssyncset.done $0x0  }
0x54: {  	[sflag:s14] =	ssyncadd.s32 $0xFFFFFF80  }
0x55: {  	_ =	swait.ge [sflag:s14], $0x80  }
0x56: {  	[sflag:s14] =	ssyncset.done $0x0  }
0x57: {  	[sflag:s14] =	ssyncadd.s32 $0xFFFFFF80  }
0x58: {  	_ =	swait.ge [sflag:s14], $0x80  }
0x59: {  	[sflag:s14] =	ssyncset.done $0x0  }
0x5a: {  	[sflag:s14] =	ssyncadd.s32 $0xFFFFFF80  }
0x5b: {  	_ =	swait.ge [sflag:s14], $0x80  }
0x5c: {  	[sflag:s14] =	ssyncset.done $0x0  }
0x5d: {  	[sflag:s14] =	ssyncadd.s32 $0xFFFFFF80  }
0x5e: {  	_ =	swait.ge [sflag:s14], $0x80  }
0x5f: {  	[sflag:s14] =	ssyncset.done $0x0  }
0x60: {  	[sflag:s14] =	ssyncadd.s32 $0xFFFFFF80  }
0x61: {  	_ =	swait.ge [sflag:s14], $0x80  }
0x62: {  	[sflag:s14] =	ssyncset.done $0x0  }
0x63: {  	[sflag:s14] =	ssyncadd.s32 $0xFFFFFF80  }
.Ltmp0:
0x64: {  	_ =	swait.ge [sflag:s14], $0x80;
	(pc) =	sbr.rel @p0 .LBB2_2-.Ltmp0, $4  }
0x65: {  	[sflag:s14] =	ssyncset.done $0x0  }
0x66: {  	[sflag:s14] =	ssyncadd.s32 $0xFFFFFF80  }
0x67: {  	_ =	swait.ge [sflag:s14], $0x80  }
0x68: {  	s18 =	smov.u32 s17;
	[sflag:s14] =	ssyncset.done $0x0  }
0x69: {  	s16 =	sshra.s32 s16, $0x2;
	[sflag:s14] =	ssyncadd.s32 $0xFFFFFF80  }
0x6a: {  	[spmem:s2] =	stream.indirect.scatter.add.f32 [tilespmem:s12], [sflag:$0x1], $0x1, s16, s13, $0xb8;
	[tilespmem:$0x2B00] =	vst v63  }
0x6b: {  	s17 =	sadd.s32 $0x80, s16  }
0x6c: {  	[spmem:s2] =	stream.indirect.scatter.add.f32 [tilespmem:s12], [sflag:$0x1], $0x1, s17, s13, $0xb8;
	[tilespmem:$0x2B00] =	vst v63  }
0x6d: {  	s26 =	sadd.s32 $0x100, s16  }
0x6e: {  	[spmem:s2] =	stream.indirect.scatter.add.f32 [tilespmem:s12], [sflag:$0x1], $0x1, s26, s13, $0xb8;
	[tilespmem:$0x2B00] =	vst v63  }
0x6f: {  	s28 =	sadd.s32 $0x180, s16  }
0x70: {  	[spmem:s2] =	stream.indirect.scatter.add.f32 [tilespmem:s12], [sflag:$0x1], $0x1, s28, s13, $0xb8;
	[tilespmem:$0x2B00] =	vst v63  }
0x71: {  	s29 =	sadd.s32 $0x200, s16  }
0x72: {  	[spmem:s2] =	stream.indirect.scatter.add.f32 [tilespmem:s12], [sflag:$0x1], $0x1, s29, s13, $0xb8;
	[tilespmem:$0x2B00] =	vst v63  }
0x73: {  	s30 =	sadd.s32 $0x280, s16  }
0x74: {  	[spmem:s2] =	stream.indirect.scatter.add.f32 [tilespmem:s12], [sflag:$0x1], $0x1, s30, s13, $0xb8;
	[tilespmem:$0x2B00] =	vst v63  }
0x75: {  	s31 =	sadd.s32 $0x300, s16  }
0x76: {  	[spmem:s2] =	stream.indirect.scatter.add.f32 [tilespmem:s12], [sflag:$0x1], $0x1, s31, s13, $0xb8;
	[tilespmem:$0x2B00] =	vst v63  }
0x77: {  	s16 =	sadd.s32 $0x380, s16  }
0x78: {  	[spmem:s2] =	stream.indirect.scatter.add.f32 [tilespmem:s12], [sflag:$0x1], $0x1, s16, s13, $0xb8;
	[tilespmem:$0x2B00] =	vst v63  }
0x79: {  	_ =	swait.ge [sflag:s14], $0x80  }
0x7a: {  	[sflag:s14] =	ssyncset.done $0x0  }
0x7b: {  	[sflag:s14] =	ssyncadd.s32 $0xFFFFFF80  }
0x7c: {  	_ =	swait.ge [sflag:s14], $0x80  }
0x7d: {  	[sflag:s14] =	ssyncset.done $0x0  }
0x7e: {  	[sflag:s14] =	ssyncadd.s32 $0xFFFFFF80  }
0x7f: {  	_ =	swait.ge [sflag:s14], $0x80  }
0x80: {  	[sflag:s14] =	ssyncset.done $0x0  }
0x81: {  	[sflag:s14] =	ssyncadd.s32 $0xFFFFFF80  }
0x82: {  	_ =	swait.ge [sflag:s14], $0x80  }
0x83: {  	[sflag:s14] =	ssyncset.done $0x0  }
0x84: {  	[sflag:s14] =	ssyncadd.s32 $0xFFFFFF80  }
0x85: {  	_ =	swait.ge [sflag:s14], $0x80  }
0x86: {  	[sflag:s14] =	ssyncset.done $0x0  }
0x87: {  	[sflag:s14] =	ssyncadd.s32 $0xFFFFFF80  }
0x88: {  	_ =	swait.ge [sflag:s14], $0x80  }
0x89: {  	[sflag:s14] =	ssyncset.done $0x0  }
0x8a: {  	[sflag:s14] =	ssyncadd.s32 $0xFFFFFF80  }
0x8b: {  	_ =	swait.ge [sflag:s14], $0x80  }
0x8c: {  	[sflag:s14] =	ssyncset.done $0x0  }
0x8d: {  	[sflag:s14] =	ssyncadd.s32 $0xFFFFFF80  }
0x8e: {  	_ =	swait.ge [sflag:s14], $0x80  }
0x8f: {  	s15 =	sadd.s32 $0x1, s15;
	[sflag:s14] =	ssyncset.done $0x0  }
0x90: {  	p0 =	sne.s32 s15, s9;
	[sflag:s14] =	ssyncadd.s32 $0xFFFFFF80  }
.Ltmp1:
0x91: {  	[bflag:$0x0] =	sbarrier.arrive $0xFFFF;
	(pc) =	sbr.rel @p0 .LBB2_1-.Ltmp1, $4  }
0x92: {  	[hbm:s8], [sflag:s6] =	dma.local [spmem:s10], $0x50  }
0x93: {  	_ =	swait.ge [sflag:s11], $0x50  }
0x94: {  	[sflag:s11] =	ssyncset.done $0x0  }
0x95: {  	[sflag:s11] =	ssyncadd.s32 $0xFFFFFFB0  }
0x96: {  	_ =	sfence.sel $0x180000  }
0x97: {  	[bflag:$0x0] =	sbarrier.arrive $0xFFFF  }
0x98: {  	p0 =	sne.s32 s0, $0x0;
	_ =	strace $0x90000047  }
0x99: {  	s0 =	sadd.s32 @!p0 $0x100000, s1;
	[bflag:$0x2] =	sbarrier.arrive $0xFFFF  }
0x9a: {  	[sflag:s0] =	ssyncadd.tile.s32 @!p0 $0x1;
	_ =	shalt  }
.Lfunc_end2:
_tile_overlayer_lowered:
.L_overlay_start_2:
0x9b: {  	(tag) =	ssettag $0x2  }
0x9c: {  	s0 =	rddreg [dreg:$0x0];
	s2 =	stileid.u32  }
0x9d: {  	s1 =	rddreg [dreg:$0x1];
	p0 =	sne.s32 s2, $0x0  }
0x9e: {  	s3 =	rddreg [dreg:$0x2];
	[bflag:$0x3] =	sbarrier.arrive $0xFFFF;
	s2 =	simm.s32 @!p0 $0x1C02  }
0x9f: {  	[timem:s3], [sflag:s2] =	dma.local @!p0 [hbm:s0], s1  }
0xa0: {  	s0 =	simm.s32 @!p0 $0x2  }
0xa1: {  	_ =	swait.ge @!p0 [sflag:s0], s1  }
0xa2: {  	s1 =	ssub.s32 @!p0 $0x0, s1;
	[sflag:s0] =	ssyncset.done @!p0 $0x0  }
0xa3: {  	[sflag:s0] =	ssyncadd.s32 @!p0 s1  }
0xa4: {  	[bflag:$0x3] =	sbarrier.arrive $0xFFFF  }
0xa5: {  	_ =	shalt  }

// kernel: kernel.14.cloned.1.call-start
scs
__scs_entry_jumppad:
0x0: {  	(pc) =	sbr.rel $0x88, $3  }
0x1: {  	(tag) =	ssettag $0x0;
	lr =	simm.s32 $0x1  }
0x2: {  	[smem:$0x3F97] =	sst lr;
	_ =	strace $0xD0000000  }
0x3: {  	_ = 	snop  }
0x4: {  	_ = 	snop  }
0x5: {  	_ = 	snop  }
0x6: {  	_ = 	snop  }
0x7: {  	_ = 	snop  }
__scs_overlays_trampoline_lowered:
0x8: {  	[smem:$0x3FA6] =	sst s0  }
0x9: {  	[smem:$0x3FA7] =	sst s1  }
0xa: {  	[smem:$0x3FA8] =	sst s2  }
0xb: {  	[smem:$0x3FA9] =	sst s3  }
0xc: {  	[smem:$0x3FAA] =	sst s4  }
0xd: {  	[smem:$0x3FAB] =	sst s5  }
0xe: {  	[smem:$0x3FAC] =	sst s6  }
0xf: {  	[smem:$0x3FAD] =	sst s7  }
0x10: {  	[smem:$0x3FAE] =	sst s8  }
0x11: {  	[smem:$0x3FAF] =	sst s9;
	s0 =	simm.s32 @!p0 $0x0  }
0x12: {  	s1 =	sld [smem:$0x3F95];
	s0 =	simm.s32 @p0 $0x1  }
0x13: {  	[smem:$0x3FB0] =	sst s0;
	s0 =	simm.s32 @!p1 $0x0  }
0x14: {  	s2 =	sld [smem:$0x3F94];
	s0 =	simm.s32 @p1 $0x1  }
0x15: {  	[smem:$0x3FB1] =	sst s0;
	s0 =	simm.s32 @!p2 $0x0  }
0x16: {  	s3 =	sld [smem:$0x3FDB];
	s0 =	simm.s32 @p2 $0x1  }
0x17: {  	s4 =	simm.s32 $0x1BF5;
	[smem:$0x3FB3] =	sst s0  }
0x18: {  	s0 =	sld [smem:$0x3F96];
	_ =	swait.ge [sflag:s4], $0x0  }
0x19: {  	s7 =	sld [smem:$0x3F97]  }
0x1a: {  	s8 =	sadd.s32 $0xFFFFE003, lr  }
0x1b: {  	s9 =	sadd.s32 $0xFFFFFEF7, lr;
	s5 =	simm.s32 $0xFFFFFFFF;
	p2 =	slt.u32 s8, $0xFFFFF086  }
0x1c: {  	p1 =	slt.u32 s9, $0xF7A;
	s5 =	simm.s32 @!p2 $0x0  }
0x1d: {  	s5 =	simm.s32 @p1 $0x1;
	p0 =	seq.s32 s7, s2  }
0x1e: {  	s7 =	smul.u32 @!p0 $0xF7A, s2;
	p2 =	seq.s32 @!p0 s5, $0x0  }
0x1f: {  	s9 =	smul.u32 $0xF7A, s1;
	s8 =	simm.s32 @!p0 $0x1BF5;
	p2 =	por !p2, p0  }
0x20: {  	[sflag:s8] =	ssyncset.s32 @!p0 $0xFFFFF086;
	s6 =	sadd.s32 @!p0 s3, s7;
	s7 =	simm.s32 @!p0 $0x108  }
0x21: {  	s3 =	sadd.s32 s3, s9;
	s6 =	sadd.s32 @!p0 $0x88, s6;
	s7 =	simm.s32 @p2 $0x1082  }
0x22: {  	[simem:s7], [sflag:s8] =	dma.local @!p0 [hbm:s6], $0xF7A  }
0x23: {  	s9 =	sor.u32 $0xD0000000, s2;
	s6 =	simm.s32 $0x108;
	_ =	swait.ge @!p0 [sflag:s8], $0x0  }
0x24: {  	s3 =	sadd.s32 $0x88, s3;
	s6 =	simm.s32 @!p1 $0x1082;
	[sflag:s4] =	ssyncset.s32 $0xFFFFF086  }
0x25: {  	[simem:s6], [sflag:s4] =	dma.local [hbm:s3], $0xF7A  }
0x26: {  	[smem:$0x3F97] =	sst s1;
	(tag) =	ssettag s2;
	_ =	strace s9  }
0x27: {  	s1 =	sld [smem:$0x3FA7]  }
0x28: {  	s2 =	sld [smem:$0x3FA8]  }
0x29: {  	s4 =	sld [smem:$0x3FAA]  }
0x2a: {  	p0 =	seq.s32 s5, $0x0;
	s5 =	sld [smem:$0x3FAB]  }
0x2b: {  	s6 =	sld [smem:$0x3FAC]  }
0x2c: {  	s7 =	sld [smem:$0x3FAD]  }
0x2d: {  	s3 =	simm.s32 $0x108;
	s8 =	sld [smem:$0x3FAE]  }
0x2e: {  	s3 =	simm.s32 @!p0 $0x1082;
	s9 =	sld [smem:$0x3FAF]  }
0x2f: {  	lr =	sadd.s32 s0, s3;
	s0 =	sld [smem:$0x3FA6]  }
0x30: {  	s3 =	sld [smem:$0x3FA9]  }
0x31: {  	[smem:$0x3FB2] =	sst s10  }
0x32: {  	s10 =	sld [smem:$0x3FB0];
	_ =	sdelay $0x3  }
0x33: {  	p0 =	seq.s32 s10, $0x1;
	s10 =	sld [smem:$0x3FB2];
	_ =	sdelay $0x3  }
0x34: {  	[smem:$0x3FB2] =	sst s10  }
0x35: {  	s10 =	sld [smem:$0x3FB1];
	_ =	sdelay $0x3  }
0x36: {  	p1 =	seq.s32 s10, $0x1;
	s10 =	sld [smem:$0x3FB2];
	_ =	sdelay $0x3  }
0x37: {  	[smem:$0x3FB2] =	sst s10  }
0x38: {  	s10 =	sld [smem:$0x3FB3]  }
0x39: {  	_ = 	snop;
	(pc) =	sbr.ind lr, $3  }
0x3a: {  	_ = 	snop  }
0x3b: {  	_ = 	snop  }
0x3c: {  	p2 =	seq.s32 s10, $0x1;
	s10 =	sld [smem:$0x3FB2]  }
0x3d: {  	_ =	shalt  }
0x3e: {  	_ =	shalt  }
0x3f: {  	_ =	shalt  }
0x40: {  	_ =	shalt  }
0x41: {  	_ =	shalt  }
0x42: {  	_ =	shalt  }
0x43: {  	_ =	shalt  }
0x44: {  	_ =	shalt  }
0x45: {  	_ =	shalt  }
0x46: {  	_ =	shalt  }
0x47: {  	_ =	shalt  }
0x48: {  	_ =	shalt  }
0x49: {  	_ =	shalt  }
0x4a: {  	_ =	shalt  }
0x4b: {  	_ =	shalt  }
0x4c: {  	_ =	shalt  }
0x4d: {  	_ =	shalt  }
0x4e: {  	_ =	shalt  }
0x4f: {  	_ =	shalt  }
0x50: {  	_ =	shalt  }
0x51: {  	_ =	shalt  }
0x52: {  	_ =	shalt  }
0x53: {  	_ =	shalt  }
0x54: {  	_ =	shalt  }
0x55: {  	_ =	shalt  }
0x56: {  	_ =	shalt  }
0x57: {  	_ =	shalt  }
0x58: {  	_ =	shalt  }
0x59: {  	_ =	shalt  }
0x5a: {  	_ =	shalt  }
0x5b: {  	_ =	shalt  }
0x5c: {  	_ =	shalt  }
0x5d: {  	_ =	shalt  }
0x5e: {  	_ =	shalt  }
0x5f: {  	_ =	shalt  }
0x60: {  	_ =	shalt  }
0x61: {  	_ =	shalt  }
0x62: {  	_ =	shalt  }
0x63: {  	_ =	shalt  }
0x64: {  	_ =	shalt  }
0x65: {  	_ =	shalt  }
0x66: {  	_ =	shalt  }
0x67: {  	_ =	shalt  }
0x68: {  	_ =	shalt  }
0x69: {  	_ =	shalt  }
0x6a: {  	_ =	shalt  }
0x6b: {  	_ =	shalt  }
0x6c: {  	_ =	shalt  }
0x6d: {  	_ =	shalt  }
0x6e: {  	_ =	shalt  }
0x6f: {  	_ =	shalt  }
0x70: {  	_ =	shalt  }
0x71: {  	_ =	shalt  }
0x72: {  	_ =	shalt  }
0x73: {  	_ =	shalt  }
0x74: {  	_ =	shalt  }
0x75: {  	_ =	shalt  }
0x76: {  	_ =	shalt  }
0x77: {  	_ =	shalt  }
0x78: {  	_ =	shalt  }
0x79: {  	_ =	shalt  }
0x7a: {  	_ =	shalt  }
0x7b: {  	_ =	shalt  }
0x7c: {  	_ =	shalt  }
0x7d: {  	_ =	shalt  }
0x7e: {  	_ =	shalt  }
0x7f: {  	_ =	shalt  }
0x80: {  	_ =	shalt  }
0x81: {  	_ =	shalt  }
0x82: {  	_ =	shalt  }
0x83: {  	_ =	shalt  }
0x84: {  	_ =	shalt  }
0x85: {  	_ =	shalt  }
0x86: {  	_ =	shalt  }
0x87: {  	_ =	shalt  }
.Lfunc_end0:
.L_simem_size_0:
called_computation.1_lowered:
.L_overlay_start_0:
0x88: {  	s2 =	sld [smem:$0x3FD9]  }
0x89: {  	s3 =	sld [smem:$0x3FFE];
	_ =	sdelay $0x1  }
0x8a: {  	s1 =	srdreg.scid  }
0x8b: {  	s0 =	sand.u32 $0x1, s1  }
0x8c: {  	s17 =	sshll.u32 s0, $0xA;
	s2 =	sadd.s32 s3, s2  }
0x8d: {  	s2 =	sadd.s32 s2, s17  }
0x8e: {  	[smem:$0x3FBE] =	sst s2  }
0x8f: {  	_ = 	snop  }
0x90: {  	s2 =	sld [smem:$0x3FD0];
	(tm) =	ssettm $0x1  }
0x91: {  	s18 =	sld [smem:$0x3FFB];
	_ =	sdelay $0x3  }
0x92: {  	_ =	strace s18  }
0x93: {  	s3 =	sld [smem:$0x3FFC];
	_ =	sdelay $0x3  }
0x94: {  	_ =	strace s3  }
0x95: {  	s3 =	sld [smem:$0x3FFD];
	_ =	sdelay $0x3  }
0x96: {  	_ =	strace s3  }
0x97: {  	_ =	strace $0x8FFFFFFF  }
0x98: {  	s19 =	sld [smem:$0x3FDB];
	_ =	sdelay $0x1  }
0x99: {  	s4 =	simm.s32 $_scs_section_size  }
0x9a: {  	s5 =	simm.s32 $_size__tile_overlayer_lowered;
	s6 =	simm.s32 $_tile_overlayer_lowered  }
0x9b: {  	s22 =	simm.s32 $0x1BFF;
	s21 =	sshll.u32 s6, $0x1;
	s3 =	sadd.s32 s4, s19  }
0x9c: {  	s7 =	simm.s32 $0x0;
	s20 =	sshll.u32 s5, $0x1;
	s5 =	sadd.s32 s21, s3  }
0x9d: {  	[timem:s7], [sflag:s22] =	dma.local [hbm:s5], s20  }
0x9e: {  	_ =	swait.ge [sflag:s22], s20  }
0x9f: {  	s4 =	ssub.s32 $0x0, s20;
	[sflag:s22] =	ssyncset.done $0x0  }
0xa0: {  	[sflag:s22] =	ssyncadd.s32 s4;
	_ =	sdelay $0x1  }
0xa1: {  	s23 =	simm.s32 $0x1B8B  }
0xa2: {  	_ =	swait.ge [sflag:s23], $0x1  }
0xa3: {  	[sflag:s23] =	ssyncset.done $0x0  }
0xa4: {  	s25 =	simm.s32 $0x1B8E;
	s24 =	sld [smem:$0x3FFE];
	[sflag:s23] =	ssyncadd.s32 $0xFFFFFFFF  }
0xa5: {  	s26 =	simm.s32 $execute0_lowered;
	[smem:$0x3FD2] =	sst s25  }
0xa6: {  	s5 =	sshll.u32 s26, $0x1;
	_ =	strace $0x80000049;
	[dreg:$0x1] =	wrdreg $0xFFFFFFFF  }
0xa7: {  	s28 =	simm.s32 $_size_execute0_lowered;
	s3 =	sadd.s32 s3, s5;
	[dreg:$0x0] =	wrdreg $0x0  }
0xa8: {  	s5 =	sshll.u32 s28, $0x1;
	[dreg:$0x2] =	wrdreg s3  }
0xa9: {  	[dreg:$0x3] =	wrdreg s5  }
0xaa: {  	[dreg:$0x4] =	wrdreg $0xC0  }
0xab: {  	_ =	task [dreg:s7], $0x5FFFF  }
0xac: {  	[dreg:$0x1] =	wrdreg $0xFFFFFFFF  }
0xad: {  	[dreg:$0x0] =	wrdreg $0x60  }
0xae: {  	[dreg:$0x2] =	wrdreg s24  }
0xaf: {  	[dreg:$0x3] =	wrdreg s2  }
0xb0: {  	[dreg:$0x4] =	wrdreg $0x90000  }
0xb1: {  	[dreg:$0x5] =	wrdreg $0x9  }
0xb2: {  	_ =	task.clear_ibuf [dreg:s7], $0x6FFFF;
	_ =	strace $0x90000049  }
0xb3: {  	s29 =	simm.s32 $0x9;
	_ =	strace $0x8000004B  }
0xb4: {  	_ =	swait.ge [sflag:s29], $0x1  }
0xb5: {  	[sflag:s29] =	ssyncadd.s32 $0xFFFFFFFF  }
0xb6: {  	_ =	strace $0x9000004B  }
0xb7: {  	_ =	sfence  }
0xb8: {  	s30 =	sld [smem:$0x0];
	_ =	sdelay $0x2  }
0xb9: {  	s31 =	sshll.u32 s1, $0xD;
	s1 =	sshrl.u32 s1, $0x2  }
0xba: {  	s3 =	sand.u32 $0x4000, s31;
	s1 =	sadd.s32 s1, s30  }
0xbb: {  	s0 =	sor.u32 s3, s0;
	s1 =	sshll.u32 s1, $0x11  }
0xbc: {  	s0 =	sor.u32 s1, s0  }
0xbd: {  	s0 =	sadd.s32 $0x8F2B, s0  }
0xbe: {  	[sflag:s0] =	ssyncadd.remote.s32 $0x1  }
0xbf: {  	_ =	sfence.sel $0xFFFF  }
0xc0: {  	[dreg:$0x0] =	wrdreg $0xFFFFFFFF;
	(pc) =	sbr.abs _section_cstart, $3  }
0xc1: {  	[dreg:$0x1] =	wrdreg $0xFFFFFFFF  }
0xc2: {  	_ =	task.clear_ibuf [dreg:s7], $0x2FFFF;
	_ =	strace $0x9FFFFFFF  }
0xc3: {  	(tm) =	ssettm $0x7FFFFFFF  }
tec
execute0_lowered:
.L_overlay_start_1:
0x0: {  	(tag) =	ssettag $0x1  }
0x1: {  	s0 =	rddreg [dreg:$0x0]  }
0x2: {  	s2 =	rddreg [dreg:$0x1];
	s14 =	stileid.u32  }
0x3: {  	s1 =	srdreg.scid;
	s3 =	rddreg [dreg:$0x2]  }
0x4: {  	s4 =	simm.s32 $0x0;
	s20 =	simm.s32 $0x880;
	s21 =	simm.s32 $0x100  }
0x5: {  	s23 =	simm.s32 $0x180;
	s24 =	simm.s32 $0x900;
	s25 =	simm.s32 $0x980  }
0x6: {  	s28 =	simm.s32 $0x700;
	s29 =	simm.s32 $0x780;
	s30 =	simm.s32 $0xF00  }
0x7: {  	s31 =	simm.s32 $0xF80;
	s6 =	smul.u32 $0x14000, s14;
	[smem:$0x7FF] =	sst s4  }
0x8: {  	s11 =	smul.u32 $0x500, s14;
	_ =	strace $0x8000004A;
	[dreg:$0x7] =	wrdreg s20  }
0x9: {  	s1 =	sand.u32 $0x1, s1;
	s13 =	smul.u32 $0x50000, s14;
	[dreg:$0x8] =	wrdreg s21  }
0xa: {  	s22 =	sshll.u32 s14, $0x6;
	s5 =	smul.u32 $0x140000, s1;
	[dreg:$0x9] =	wrdreg s23  }
0xb: {  	s15 =	ssub.s32 $0x2, s1;
	s9 =	sshll.u32 s1, $0x4;
	[dreg:$0xa] =	wrdreg s24  }
0xc: {  	s1 =	smul.u32 $0x5000, s1;
	[dreg:$0xb] =	wrdreg s25;
	s20 =	simm.s32 $0x480  }
0xd: {  	s21 =	simm.s32 $0xC80;
	s23 =	simm.s32 $0x580;
	s24 =	simm.s32 $0xD00  }
0xe: {  	s25 =	simm.s32 $0xD80;
	s8 =	sshrl.u32 s6, $0x3;
	[dreg:$0x14] =	wrdreg s20  }
0xf: {  	s10 =	sshrl.u32 s15, $0x1;
	s9 =	sor.u32 s14, s9;
	[dreg:$0x15] =	wrdreg s21  }
0x10: {  	s18 =	sshrl.u32 s13, $0x2;
	s13 =	simm.s32 $0xA00;
	[dreg:$0x17] =	wrdreg s23  }
0x11: {  	s20 =	simm.s32 $0x5000;
	s21 =	simm.s32 $0x1;
	[dreg:$0x18] =	wrdreg s24  }
0x12: {  	s23 =	simm.s32 $0x3;
	[dreg:$0x19] =	wrdreg s25;
	s24 =	simm.s32 $0x680  }
0x13: {  	s25 =	simm.s32 $0xE00;
	s7 =	sadd.s32 s6, s5;
	s5 =	sadd.s32 $0xE200, s0  }
0x14: {  	s6 =	sadd.s32 $0x4200, s0;
	s8 =	sadd.s32 s8, s0;
	s16 =	smul.u32 $0x50, s9  }
0x15: {  	s19 =	sadd.s32 s18, s3;
	[dreg:$0xe] =	wrdreg s13;
	s18 =	simm.s32 $0xB00  }
0x16: {  	s12 =	sadd.s32 s1, s2;
	s9 =	smul.u32 $0x500, s9;
	[dreg:$0x12] =	wrdreg s18  }
0x17: {  	s12 =	sadd.s32 s11, s12;
	s8 =	sadd.s32 $0x36200, s8;
	[dreg:$0x4] =	wrdreg s16  }
0x18: {  	s13 =	sshrl.u32 s19, $0x3;
	s19 =	simm.s32 $0xB80;
	[dreg:$0x1b] =	wrdreg s8  }
0x19: {  	s7 =	sshrl.u32 s7, $0x3;
	s17 =	sadd.s32 $0x80, s12;
	[dreg:$0x13] =	wrdreg s19  }
0x1a: {  	s1 =	sadd.s32 s1, s6;
	s26 =	sadd.s32 s2, s9;
	[dreg:$0x5] =	wrdreg s17  }
0x1b: {  	s18 =	simm.s32 $0x80;
	s9 =	sadd.s32 s6, s9;
	[dreg:$0x1c] =	wrdreg s26  }
0x1c: {  	s1 =	sadd.s32 s11, s1;
	s11 =	simm.s32 $0x200;
	[dreg:$0x1d] =	wrdreg s9  }
0x1d: {  	s0 =	sadd.s32 s7, s0;
	s12 =	simm.s32 $0x280;
	[dreg:$0xc] =	wrdreg s11  }
0x1e: {  	s7 =	ssub.s32 s15, s10;
	s15 =	simm.s32 $0xA80;
	[dreg:$0xd] =	wrdreg s12  }
0x1f: {  	s8 =	sor.u32 $0x1C04, s22;
	s16 =	simm.s32 $0x300;
	[dreg:$0xf] =	wrdreg s15  }
0x20: {  	s19 =	simm.s32 $0x1000;
	s22 =	simm.s32 $0x500;
	[dreg:$0x10] =	wrdreg s16  }
0x21: {  	s1 =	sadd.s32 $0x80, s1;
	s0 =	sadd.s32 $0x5E200, s0;
	[dreg:$0x16] =	wrdreg s22  }
0x22: {  	s14 =	smax.u32 s7, $0x1;
	s17 =	simm.s32 $0x380;
	[dreg:$0x6] =	wrdreg s1  }
0x23: {  	s15 =	simm.s32 $0x800;
	s16 =	simm.s32 $0x400;
	[dreg:$0x1e] =	wrdreg s0  }
0x24: {  	s22 =	simm.s32 $0x2;
	s26 =	simm.s32 $0x600;
	[dreg:$0x1f] =	wrdreg s14  }
0x25: {  	s14 =	simm.s32 $0x4;
	[dreg:$0x11] =	wrdreg s17;
	s17 =	simm.s32 $0xC00  }
0x26: {  	[dreg:$0x1a] =	wrdreg s26;
	s26 =	simm.s32 $0xE80;
	s1 =	simm.s32 $0x0  }
.LBB2_1:
0x27: {  	s0 =	rddreg [dreg:$0x1b]  }
0x28: {  	[spmem:s13], [sflag:s8] =	dma.local [hbm:s0], $0x2800  }
0x29: {  	_ =	swait.ge [sflag:s14], $0x2800  }
0x2a: {  	[sflag:s14] =	ssyncset.done $0x0  }
0x2b: {  	s10 =	rddreg [dreg:$0x1c];
	[sflag:s14] =	ssyncadd.s32 $0xFFFFD800  }
0x2c: {  	[tilespmem:s4], [sflag:$0x4] =	stream.linear.gather [hbm4b:s10+s4], $0x400, $0x38;
	[tilespmem:$0x1D000] =	vst v63  }
0x2d: {  	_ =	swait.ge [sflag:s14], $0x400  }
0x2e: {  	[sflag:s14] =	ssyncset.done $0x0  }
0x2f: {  	s11 =	rddreg [dreg:$0x1d];
	[sflag:s14] =	ssyncadd.s32 $0xFFFFFC00  }
0x30: {  	[tilespmem:s15], [sflag:$0x4] =	stream.linear.gather [hbm4b:s11+s4], $0x400, $0x38;
	[tilespmem:$0x1D000] =	vst v63  }
0x31: {  	_ =	swait.ge [sflag:s14], $0x400  }
0x32: {  	[sflag:s14] =	ssyncset.done $0x0  }
0x33: {  	[sflag:s14] =	ssyncadd.s32 $0xFFFFFC00  }
0x34: {  	[bflag:$0x0] =	sbarrier.arrive $0xFFFF  }
0x35: {  	s12 =	rddreg [dreg:$0x5]  }
0x36: {  	s7 =	rddreg [dreg:$0x6];
	s0 =	sadd.s32 $0x0, s12  }
0x37: {  	[tilespmem:s16], [sflag:$0x3] =	stream.linear.gather [hbm4b:s0+s4], $0x400, $0x38;
	[tilespmem:$0x1D000] =	vst v63  }
0x38: {  	s9 =	sadd.s32 $0x0, s7  }
0x39: {  	[tilespmem:s17], [sflag:$0x3] =	stream.linear.gather [hbm4b:s9+s4], $0x400, $0x38;
	[tilespmem:$0x1D000] =	vst v63  }
0x3a: {  	_ = 	snop  }
0x3b: {  	[tilespmem:s19], [sflag:$0x1] =	stream.indirect.gather [hbm4b:s5+s18], $0x80, s4, s18, $0xb8;
	[tilespmem:$0x1D000] =	vst v63  }
0x3c: {  	_ = 	snop  }
0x3d: {  	[tilespmem:s20], [sflag:$0x1] =	stream.indirect.gather [hbm4b:s5+s18], $0x80, s18, s18, $0xb8;
	[tilespmem:$0x1D000] =	vst v63  }
0x3e: {  	_ =	swait.ge [sflag:s21], $0x4000  }
0x3f: {  	[sflag:s21] =	ssyncset.done $0x0  }
0x40: {  	[sflag:s21] =	ssyncadd.s32 $0xFFFFC000  }
0x41: {  	[spmem:s3] =	stream.indirect.scatter.add.f32 [tilespmem:s19], [sflag:$0x2], $0x80, s15, s18, $0xb8;
	[tilespmem:$0x1D000] =	vst v63  }
0x42: {  	_ =	swait.ge [sflag:s21], $0x4000  }
0x43: {  	[sflag:s21] =	ssyncset.done $0x0  }
0x44: {  	s10 =	rddreg [dreg:$0x7];
	[sflag:s21] =	ssyncadd.s32 $0xFFFFC000  }
0x45: {  	[spmem:s3] =	stream.indirect.scatter.add.f32 [tilespmem:s20], [sflag:$0x2], $0x80, s10, s18, $0xb8;
	[tilespmem:$0x1D000] =	vst v63  }
0x46: {  	_ =	swait.ge [sflag:s22], $0x4000  }
0x47: {  	[sflag:s22] =	ssyncset.done $0x0  }
0x48: {  	[sflag:s22] =	ssyncadd.s32 $0xFFFFC000  }
0x49: {  	_ =	swait.ge [sflag:s22], $0x4000  }
0x4a: {  	[sflag:s22] =	ssyncset.done $0x0  }
0x4b: {  	s11 =	rddreg [dreg:$0x8];
	[sflag:s22] =	ssyncadd.s32 $0xFFFFC000  }
0x4c: {  	[tilespmem:s19], [sflag:$0x1] =	stream.indirect.gather [hbm4b:s5+s18], $0x80, s11, s18, $0xb8;
	[tilespmem:$0x1D000] =	vst v63  }
0x4d: {  	s12 =	rddreg [dreg:$0x9]  }
0x4e: {  	[tilespmem:s20], [sflag:$0x1] =	stream.indirect.gather [hbm4b:s5+s18], $0x80, s12, s18, $0xb8;
	[tilespmem:$0x1D000] =	vst v63  }
0x4f: {  	_ =	swait.ge [sflag:s21], $0x4000  }
0x50: {  	[sflag:s21] =	ssyncset.done $0x0  }
0x51: {  	s9 =	rddreg [dreg:$0xa];
	[sflag:s21] =	ssyncadd.s32 $0xFFFFC000  }
0x52: {  	[spmem:s3] =	stream.indirect.scatter.add.f32 [tilespmem:s19], [sflag:$0x2], $0x80, s9, s18, $0xb8;
	[tilespmem:$0x1D000] =	vst v63  }
0x53: {  	_ =	swait.ge [sflag:s21], $0x4000  }
0x54: {  	[sflag:s21] =	ssyncset.done $0x0  }
0x55: {  	s10 =	rddreg [dreg:$0xb];
	[sflag:s21] =	ssyncadd.s32 $0xFFFFC000  }
0x56: {  	[spmem:s3] =	stream.indirect.scatter.add.f32 [tilespmem:s20], [sflag:$0x2], $0x80, s10, s18, $0xb8;
	[tilespmem:$0x1D000] =	vst v63  }
0x57: {  	_ =	swait.ge [sflag:s22], $0x4000  }
0x58: {  	[sflag:s22] =	ssyncset.done $0x0  }
0x59: {  	[sflag:s22] =	ssyncadd.s32 $0xFFFFC000  }
0x5a: {  	_ =	swait.ge [sflag:s22], $0x4000  }
0x5b: {  	[sflag:s22] =	ssyncset.done $0x0  }
0x5c: {  	s11 =	rddreg [dreg:$0xc];
	[sflag:s22] =	ssyncadd.s32 $0xFFFFC000  }
0x5d: {  	[tilespmem:s19], [sflag:$0x1] =	stream.indirect.gather [hbm4b:s5+s18], $0x80, s11, s18, $0xb8;
	[tilespmem:$0x1D000] =	vst v63  }
0x5e: {  	s12 =	rddreg [dreg:$0xd]  }
0x5f: {  	[tilespmem:s20], [sflag:$0x1] =	stream.indirect.gather [hbm4b:s5+s18], $0x80, s12, s18, $0xb8;
	[tilespmem:$0x1D000] =	vst v63  }
0x60: {  	_ =	swait.ge [sflag:s21], $0x4000  }
0x61: {  	[sflag:s21] =	ssyncset.done $0x0  }
0x62: {  	s7 =	rddreg [dreg:$0xe];
	[sflag:s21] =	ssyncadd.s32 $0xFFFFC000  }
0x63: {  	[spmem:s3] =	stream.indirect.scatter.add.f32 [tilespmem:s19], [sflag:$0x2], $0x80, s7, s18, $0xb8;
	[tilespmem:$0x1D000] =	vst v63  }
0x64: {  	_ =	swait.ge [sflag:s21], $0x4000  }
0x65: {  	[sflag:s21] =	ssyncset.done $0x0  }
0x66: {  	s9 =	rddreg [dreg:$0xf];
	[sflag:s21] =	ssyncadd.s32 $0xFFFFC000  }
0x67: {  	[spmem:s3] =	stream.indirect.scatter.add.f32 [tilespmem:s20], [sflag:$0x2], $0x80, s9, s18, $0xb8;
	[tilespmem:$0x1D000] =	vst v63  }
0x68: {  	_ =	swait.ge [sflag:s22], $0x4000  }
0x69: {  	[sflag:s22] =	ssyncset.done $0x0  }
0x6a: {  	[sflag:s22] =	ssyncadd.s32 $0xFFFFC000  }
0x6b: {  	_ =	swait.ge [sflag:s22], $0x4000  }
0x6c: {  	[sflag:s22] =	ssyncset.done $0x0  }
0x6d: {  	s10 =	rddreg [dreg:$0x10];
	[sflag:s22] =	ssyncadd.s32 $0xFFFFC000  }
0x6e: {  	[tilespmem:s19], [sflag:$0x1] =	stream.indirect.gather [hbm4b:s5+s18], $0x80, s10, s18, $0xb8;
	[tilespmem:$0x1D000] =	vst v63  }
0x6f: {  	s11 =	rddreg [dreg:$0x11]  }
0x70: {  	[tilespmem:s20], [sflag:$0x1] =	stream.indirect.gather [hbm4b:s5+s18], $0x80, s11, s18, $0xb8;
	[tilespmem:$0x1D000] =	vst v63  }
0x71: {  	_ =	swait.ge [sflag:s21], $0x4000  }
0x72: {  	[sflag:s21] =	ssyncset.done $0x0  }
0x73: {  	s12 =	rddreg [dreg:$0x12];
	[sflag:s21] =	ssyncadd.s32 $0xFFFFC000  }
0x74: {  	[spmem:s3] =	stream.indirect.scatter.add.f32 [tilespmem:s19], [sflag:$0x2], $0x80, s12, s18, $0xb8;
	[tilespmem:$0x1D000] =	vst v63  }
0x75: {  	_ =	swait.ge [sflag:s21], $0x4000  }
0x76: {  	[sflag:s21] =	ssyncset.done $0x0  }
0x77: {  	s7 =	rddreg [dreg:$0x13];
	[sflag:s21] =	ssyncadd.s32 $0xFFFFC000  }
0x78: {  	[spmem:s3] =	stream.indirect.scatter.add.f32 [tilespmem:s20], [sflag:$0x2], $0x80, s7, s18, $0xb8;
	[tilespmem:$0x1D000] =	vst v63  }
0x79: {  	_ =	swait.ge [sflag:s22], $0x4000  }
0x7a: {  	[sflag:s22] =	ssyncset.done $0x0  }
0x7b: {  	[sflag:s22] =	ssyncadd.s32 $0xFFFFC000  }
0x7c: {  	_ =	swait.ge [sflag:s22], $0x4000  }
0x7d: {  	[sflag:s22] =	ssyncset.done $0x0  }
0x7e: {  	[sflag:s22] =	ssyncadd.s32 $0xFFFFC000  }
0x7f: {  	_ =	swait.ge [sflag:s23], $0x400  }
0x80: {  	[sflag:s23] =	ssyncset.done $0x0  }
0x81: {  	[sflag:s23] =	ssyncadd.s32 $0xFFFFFC00  }
0x82: {  	p0 =	por $0x0, $0x0;
	s7 =	simm.s32 $0x10;
	_ =	swait.ge [sflag:s23], $0x400  }
0x83: {  	s7 =	simm.s32 @p0 $0x0;
	s9 =	rddreg [dreg:$0x4]  }
0x84: {  	s0 =	sadd.s32 s9, s7  }
0x85: {  	[sflag:s23] =	ssyncset.done $0x0;
	s0 =	sshll.u32 s0, $0x4  }
0x86: {  	[sflag:s23] =	ssyncadd.s32 $0xFFFFFC00;
	s10 =	sadd.s32 s2, s0  }
0x87: {  	[tilespmem:s4], [sflag:$0x3] =	stream.linear.gather [hbm4b:s10+s4], $0x400, $0x38;
	[tilespmem:$0x1D000] =	vst v63  }
0x88: {  	s0 =	sadd.s32 s6, s0  }
0x89: {  	[tilespmem:s15], [sflag:$0x3] =	stream.linear.gather [hbm4b:s0+s4], $0x400, $0x38;
	[tilespmem:$0x1D000] =	vst v63  }
0x8a: {  	_ = 	snop  }
0x8b: {  	[tilespmem:s19], [sflag:$0x1] =	stream.indirect.gather [hbm4b:s5+s18], $0x80, s16, s18, $0xb8;
	[tilespmem:$0x1D000] =	vst v63  }
0x8c: {  	s11 =	rddreg [dreg:$0x14]  }
0x8d: {  	[tilespmem:s20], [sflag:$0x1] =	stream.indirect.gather [hbm4b:s5+s18], $0x80, s11, s18, $0xb8;
	[tilespmem:$0x1D000] =	vst v63  }
0x8e: {  	_ =	swait.ge [sflag:s21], $0x4000  }
0x8f: {  	[sflag:s21] =	ssyncset.done $0x0  }
0x90: {  	[sflag:s21] =	ssyncadd.s32 $0xFFFFC000  }
0x91: {  	[spmem:s3] =	stream.indirect.scatter.add.f32 [tilespmem:s19], [sflag:$0x2], $0x80, s17, s18, $0xb8;
	[tilespmem:$0x1D000] =	vst v63  }
0x92: {  	_ =	swait.ge [sflag:s21], $0x4000  }
0x93: {  	[sflag:s21] =	ssyncset.done $0x0  }
0x94: {  	s12 =	rddreg [dreg:$0x15];
	[sflag:s21] =	ssyncadd.s32 $0xFFFFC000  }
0x95: {  	[spmem:s3] =	stream.indirect.scatter.add.f32 [tilespmem:s20], [sflag:$0x2], $0x80, s12, s18, $0xb8;
	[tilespmem:$0x1D000] =	vst v63  }
0x96: {  	_ =	swait.ge [sflag:s22], $0x4000  }
0x97: {  	[sflag:s22] =	ssyncset.done $0x0  }
0x98: {  	[sflag:s22] =	ssyncadd.s32 $0xFFFFC000  }
0x99: {  	_ =	swait.ge [sflag:s22], $0x4000  }
0x9a: {  	[sflag:s22] =	ssyncset.done $0x0  }
0x9b: {  	s7 =	rddreg [dreg:$0x16];
	[sflag:s22] =	ssyncadd.s32 $0xFFFFC000  }
0x9c: {  	[tilespmem:s19], [sflag:$0x1] =	stream.indirect.gather [hbm4b:s5+s18], $0x80, s7, s18, $0xb8;
	[tilespmem:$0x1D000] =	vst v63  }
0x9d: {  	s9 =	rddreg [dreg:$0x17]  }
0x9e: {  	[tilespmem:s20], [sflag:$0x1] =	stream.indirect.gather [hbm4b:s5+s18], $0x80, s9, s18, $0xb8;
	[tilespmem:$0x1D000] =	vst v63  }
0x9f: {  	_ =	swait.ge [sflag:s21], $0x4000  }
0xa0: {  	[sflag:s21] =	ssyncset.done $0x0  }
0xa1: {  	s10 =	rddreg [dreg:$0x18];
	[sflag:s21] =	ssyncadd.s32 $0xFFFFC000  }
0xa2: {  	[spmem:s3] =	stream.indirect.scatter.add.f32 [tilespmem:s19], [sflag:$0x2], $0x80, s10, s18, $0xb8;
	[tilespmem:$0x1D000] =	vst v63  }
0xa3: {  	_ =	swait.ge [sflag:s21], $0x4000  }
0xa4: {  	[sflag:s21] =	ssyncset.done $0x0  }
0xa5: {  	s11 =	rddreg [dreg:$0x19];
	[sflag:s21] =	ssyncadd.s32 $0xFFFFC000  }
0xa6: {  	[spmem:s3] =	stream.indirect.scatter.add.f32 [tilespmem:s20], [sflag:$0x2], $0x80, s11, s18, $0xb8;
	[tilespmem:$0x1D000] =	vst v63  }
0xa7: {  	_ =	swait.ge [sflag:s22], $0x4000  }
0xa8: {  	[sflag:s22] =	ssyncset.done $0x0  }
0xa9: {  	[sflag:s22] =	ssyncadd.s32 $0xFFFFC000  }
0xaa: {  	_ =	swait.ge [sflag:s22], $0x4000  }
0xab: {  	[sflag:s22] =	ssyncset.done $0x0  }
0xac: {  	s12 =	rddreg [dreg:$0x1a];
	[sflag:s22] =	ssyncadd.s32 $0xFFFFC000  }
0xad: {  	[tilespmem:s19], [sflag:$0x1] =	stream.indirect.gather [hbm4b:s5+s18], $0x80, s12, s18, $0xb8;
	[tilespmem:$0x1D000] =	vst v63  }
0xae: {  	_ = 	snop  }
0xaf: {  	[tilespmem:s20], [sflag:$0x1] =	stream.indirect.gather [hbm4b:s5+s18], $0x80, s24, s18, $0xb8;
	[tilespmem:$0x1D000] =	vst v63  }
0xb0: {  	_ =	swait.ge [sflag:s21], $0x4000  }
0xb1: {  	[sflag:s21] =	ssyncset.done $0x0  }
0xb2: {  	[sflag:s21] =	ssyncadd.s32 $0xFFFFC000  }
0xb3: {  	[spmem:s3] =	stream.indirect.scatter.add.f32 [tilespmem:s19], [sflag:$0x2], $0x80, s25, s18, $0xb8;
	[tilespmem:$0x1D000] =	vst v63  }
0xb4: {  	_ =	swait.ge [sflag:s21], $0x4000  }
0xb5: {  	[sflag:s21] =	ssyncset.done $0x0  }
0xb6: {  	[sflag:s21] =	ssyncadd.s32 $0xFFFFC000  }
0xb7: {  	[spmem:s3] =	stream.indirect.scatter.add.f32 [tilespmem:s20], [sflag:$0x2], $0x80, s26, s18, $0xb8;
	[tilespmem:$0x1D000] =	vst v63  }
0xb8: {  	_ =	swait.ge [sflag:s22], $0x4000  }
0xb9: {  	[sflag:s22] =	ssyncset.done $0x0  }
0xba: {  	[sflag:s22] =	ssyncadd.s32 $0xFFFFC000  }
0xbb: {  	_ =	swait.ge [sflag:s22], $0x4000  }
0xbc: {  	[sflag:s22] =	ssyncset.done $0x0  }
0xbd: {  	[sflag:s22] =	ssyncadd.s32 $0xFFFFC000  }
0xbe: {  	[tilespmem:s19], [sflag:$0x1] =	stream.indirect.gather [hbm4b:s5+s18], $0x80, s28, s18, $0xb8;
	[tilespmem:$0x1D000] =	vst v63  }
0xbf: {  	_ = 	snop  }
0xc0: {  	[tilespmem:s20], [sflag:$0x1] =	stream.indirect.gather [hbm4b:s5+s18], $0x80, s29, s18, $0xb8;
	[tilespmem:$0x1D000] =	vst v63  }
0xc1: {  	_ =	swait.ge [sflag:s21], $0x4000  }
0xc2: {  	[sflag:s21] =	ssyncset.done $0x0  }
0xc3: {  	[sflag:s21] =	ssyncadd.s32 $0xFFFFC000  }
0xc4: {  	[spmem:s3] =	stream.indirect.scatter.add.f32 [tilespmem:s19], [sflag:$0x2], $0x80, s30, s18, $0xb8;
	[tilespmem:$0x1D000] =	vst v63  }
0xc5: {  	_ =	swait.ge [sflag:s21], $0x4000  }
0xc6: {  	[sflag:s21] =	ssyncset.done $0x0  }
0xc7: {  	[sflag:s21] =	ssyncadd.s32 $0xFFFFC000  }
0xc8: {  	[spmem:s3] =	stream.indirect.scatter.add.f32 [tilespmem:s20], [sflag:$0x2], $0x80, s31, s18, $0xb8;
	[tilespmem:$0x1D000] =	vst v63  }
0xc9: {  	_ =	swait.ge [sflag:s22], $0x4000  }
0xca: {  	[sflag:s22] =	ssyncset.done $0x0  }
0xcb: {  	[sflag:s22] =	ssyncadd.s32 $0xFFFFC000  }
0xcc: {  	_ =	swait.ge [sflag:s22], $0x4000  }
0xcd: {  	[sflag:s22] =	ssyncset.done $0x0  }
0xce: {  	[sflag:s22] =	ssyncadd.s32 $0xFFFFC000  }
0xcf: {  	_ =	swait.ge [sflag:s23], $0x400  }
0xd0: {  	[sflag:s23] =	ssyncset.done $0x0  }
0xd1: {  	[sflag:s23] =	ssyncadd.s32 $0xFFFFFC00  }
0xd2: {  	s0 =	simm.s32 $0x100;
	s7 =	simm.s32 $0x20;
	_ =	swait.ge [sflag:s23], $0x400  }
0xd3: {  	s9 =	simm.s32 $0x200;
	s11 =	rddreg [dreg:$0x5];
	[sflag:s23] =	ssyncset.done $0x0  }
.LBB2_2:
0xd4: {  	[sflag:s23] =	ssyncadd.s32 $0xFFFFFC00;
	s12 =	rddreg [dreg:$0x6];
	s11 =	sadd.s32 s0, s11  }
0xd5: {  	[tilespmem:s16], [sflag:$0x3] =	stream.linear.gather [hbm4b:s11+s4], $0x400, $0x38;
	[tilespmem:$0x1D000] =	vst v63  }
0xd6: {  	s12 =	sadd.s32 s0, s12  }
0xd7: {  	[tilespmem:s17], [sflag:$0x3] =	stream.linear.gather [hbm4b:s12+s4], $0x400, $0x38;
	[tilespmem:$0x1D000] =	vst v63  }
0xd8: {  	_ = 	snop  }
0xd9: {  	[tilespmem:s19], [sflag:$0x1] =	stream.indirect.gather [hbm4b:s5+s18], $0x80, s4, s18, $0xb8;
	[tilespmem:$0x1D000] =	vst v63  }
0xda: {  	_ = 	snop  }
0xdb: {  	[tilespmem:s20], [sflag:$0x1] =	stream.indirect.gather [hbm4b:s5+s18], $0x80, s18, s18, $0xb8;
	[tilespmem:$0x1D000] =	vst v63  }
0xdc: {  	_ =	swait.ge [sflag:s21], $0x4000  }
0xdd: {  	[sflag:s21] =	ssyncset.done $0x0  }
0xde: {  	[sflag:s21] =	ssyncadd.s32 $0xFFFFC000  }
0xdf: {  	[spmem:s3] =	stream.indirect.scatter.add.f32 [tilespmem:s19], [sflag:$0x2], $0x80, s15, s18, $0xb8;
	[tilespmem:$0x1D000] =	vst v63  }
0xe0: {  	_ =	swait.ge [sflag:s21], $0x4000  }
0xe1: {  	[sflag:s21] =	ssyncset.done $0x0  }
0xe2: {  	s12 =	rddreg [dreg:$0x7];
	[sflag:s21] =	ssyncadd.s32 $0xFFFFC000  }
0xe3: {  	[spmem:s3] =	stream.indirect.scatter.add.f32 [tilespmem:s20], [sflag:$0x2], $0x80, s12, s18, $0xb8;
	[tilespmem:$0x1D000] =	vst v63  }
0xe4: {  	_ =	swait.ge [sflag:s22], $0x4000  }
0xe5: {  	[sflag:s22] =	ssyncset.done $0x0  }
0xe6: {  	[sflag:s22] =	ssyncadd.s32 $0xFFFFC000  }
0xe7: {  	_ =	swait.ge [sflag:s22], $0x4000  }
0xe8: {  	[sflag:s22] =	ssyncset.done $0x0  }
0xe9: {  	s11 =	rddreg [dreg:$0x8];
	[sflag:s22] =	ssyncadd.s32 $0xFFFFC000  }
0xea: {  	[tilespmem:s19], [sflag:$0x1] =	stream.indirect.gather [hbm4b:s5+s18], $0x80, s11, s18, $0xb8;
	[tilespmem:$0x1D000] =	vst v63  }
0xeb: {  	s12 =	rddreg [dreg:$0x9]  }
0xec: {  	[tilespmem:s20], [sflag:$0x1] =	stream.indirect.gather [hbm4b:s5+s18], $0x80, s12, s18, $0xb8;
	[tilespmem:$0x1D000] =	vst v63  }
0xed: {  	_ =	swait.ge [sflag:s21], $0x4000  }
0xee: {  	[sflag:s21] =	ssyncset.done $0x0  }
0xef: {  	s12 =	rddreg [dreg:$0xa];
	[sflag:s21] =	ssyncadd.s32 $0xFFFFC000  }
0xf0: {  	[spmem:s3] =	stream.indirect.scatter.add.f32 [tilespmem:s19], [sflag:$0x2], $0x80, s12, s18, $0xb8;
	[tilespmem:$0x1D000] =	vst v63  }
0xf1: {  	_ =	swait.ge [sflag:s21], $0x4000  }
0xf2: {  	[sflag:s21] =	ssyncset.done $0x0  }
0xf3: {  	s12 =	rddreg [dreg:$0xb];
	[sflag:s21] =	ssyncadd.s32 $0xFFFFC000  }
0xf4: {  	[spmem:s3] =	stream.indirect.scatter.add.f32 [tilespmem:s20], [sflag:$0x2], $0x80, s12, s18, $0xb8;
	[tilespmem:$0x1D000] =	vst v63  }
0xf5: {  	_ =	swait.ge [sflag:s22], $0x4000  }
0xf6: {  	[sflag:s22] =	ssyncset.done $0x0  }
0xf7: {  	[sflag:s22] =	ssyncadd.s32 $0xFFFFC000  }
0xf8: {  	_ =	swait.ge [sflag:s22], $0x4000  }
0xf9: {  	[sflag:s22] =	ssyncset.done $0x0  }
0xfa: {  	s11 =	rddreg [dreg:$0xc];
	[sflag:s22] =	ssyncadd.s32 $0xFFFFC000  }
0xfb: {  	[tilespmem:s19], [sflag:$0x1] =	stream.indirect.gather [hbm4b:s5+s18], $0x80, s11, s18, $0xb8;
	[tilespmem:$0x1D000] =	vst v63  }
0xfc: {  	s12 =	rddreg [dreg:$0xd]  }
0xfd: {  	[tilespmem:s20], [sflag:$0x1] =	stream.indirect.gather [hbm4b:s5+s18], $0x80, s12, s18, $0xb8;
	[tilespmem:$0x1D000] =	vst v63  }
0xfe: {  	_ =	swait.ge [sflag:s21], $0x4000  }
0xff: {  	[sflag:s21] =	ssyncset.done $0x0  }
0x100: {  	s12 =	rddreg [dreg:$0xe];
	[sflag:s21] =	ssyncadd.s32 $0xFFFFC000  }
0x101: {  	[spmem:s3] =	stream.indirect.scatter.add.f32 [tilespmem:s19], [sflag:$0x2], $0x80, s12, s18, $0xb8;
	[tilespmem:$0x1D000] =	vst v63  }
0x102: {  	_ =	swait.ge [sflag:s21], $0x4000  }
0x103: {  	[sflag:s21] =	ssyncset.done $0x0  }
0x104: {  	s12 =	rddreg [dreg:$0xf];
	[sflag:s21] =	ssyncadd.s32 $0xFFFFC000  }
0x105: {  	[spmem:s3] =	stream.indirect.scatter.add.f32 [tilespmem:s20], [sflag:$0x2], $0x80, s12, s18, $0xb8;
	[tilespmem:$0x1D000] =	vst v63  }
0x106: {  	_ =	swait.ge [sflag:s22], $0x4000  }
0x107: {  	[sflag:s22] =	ssyncset.done $0x0  }
0x108: {  	[sflag:s22] =	ssyncadd.s32 $0xFFFFC000  }
0x109: {  	_ =	swait.ge [sflag:s22], $0x4000  }
0x10a: {  	[sflag:s22] =	ssyncset.done $0x0  }
0x10b: {  	s11 =	rddreg [dreg:$0x10];
	[sflag:s22] =	ssyncadd.s32 $0xFFFFC000  }
0x10c: {  	[tilespmem:s19], [sflag:$0x1] =	stream.indirect.gather [hbm4b:s5+s18], $0x80, s11, s18, $0xb8;
	[tilespmem:$0x1D000] =	vst v63  }
0x10d: {  	s12 =	rddreg [dreg:$0x11]  }
0x10e: {  	[tilespmem:s20], [sflag:$0x1] =	stream.indirect.gather [hbm4b:s5+s18], $0x80, s12, s18, $0xb8;
	[tilespmem:$0x1D000] =	vst v63  }
0x10f: {  	_ =	swait.ge [sflag:s21], $0x4000  }
0x110: {  	[sflag:s21] =	ssyncset.done $0x0  }
0x111: {  	s12 =	rddreg [dreg:$0x12];
	[sflag:s21] =	ssyncadd.s32 $0xFFFFC000  }
0x112: {  	[spmem:s3] =	stream.indirect.scatter.add.f32 [tilespmem:s19], [sflag:$0x2], $0x80, s12, s18, $0xb8;
	[tilespmem:$0x1D000] =	vst v63  }
0x113: {  	_ =	swait.ge [sflag:s21], $0x4000  }
0x114: {  	[sflag:s21] =	ssyncset.done $0x0  }
0x115: {  	s12 =	rddreg [dreg:$0x13];
	[sflag:s21] =	ssyncadd.s32 $0xFFFFC000  }
0x116: {  	[spmem:s3] =	stream.indirect.scatter.add.f32 [tilespmem:s20], [sflag:$0x2], $0x80, s12, s18, $0xb8;
	[tilespmem:$0x1D000] =	vst v63  }
0x117: {  	_ =	swait.ge [sflag:s22], $0x4000  }
0x118: {  	[sflag:s22] =	ssyncset.done $0x0  }
0x119: {  	[sflag:s22] =	ssyncadd.s32 $0xFFFFC000  }
0x11a: {  	_ =	swait.ge [sflag:s22], $0x4000  }
0x11b: {  	[sflag:s22] =	ssyncset.done $0x0  }
0x11c: {  	[sflag:s22] =	ssyncadd.s32 $0xFFFFC000  }
0x11d: {  	_ =	swait.ge [sflag:s23], $0x400  }
0x11e: {  	[sflag:s23] =	ssyncset.done $0x0  }
0x11f: {  	s10 =	smov.u32 s9;
	p1 =	seq.s32 s0, $0x400;
	[sflag:s23] =	ssyncadd.s32 $0xFFFFFC00  }
0x120: {  	s0 =	smov.u32 s10;
	s10 =	smov.u32 s7;
	_ =	swait.ge [sflag:s23], $0x400  }
0x121: {  	s10 =	simm.s32 @p1 $0x0;
	s12 =	rddreg [dreg:$0x4]  }
0x122: {  	s10 =	sadd.s32 s12, s10  }
0x123: {  	[sflag:s23] =	ssyncset.done $0x0;
	s10 =	sshll.u32 s10, $0x4  }
0x124: {  	[sflag:s23] =	ssyncadd.s32 $0xFFFFFC00;
	s12 =	sadd.s32 s2, s10  }
0x125: {  	[tilespmem:s4], [sflag:$0x3] =	stream.linear.gather [hbm4b:s12+s4], $0x400, $0x38;
	[tilespmem:$0x1D000] =	vst v63  }
0x126: {  	s10 =	sadd.s32 s6, s10  }
0x127: {  	[tilespmem:s15], [sflag:$0x3] =	stream.linear.gather [hbm4b:s10+s4], $0x400, $0x38;
	[tilespmem:$0x1D000] =	vst v63  }
0x128: {  	_ = 	snop  }
0x129: {  	[tilespmem:s19], [sflag:$0x1] =	stream.indirect.gather [hbm4b:s5+s18], $0x80, s16, s18, $0xb8;
	[tilespmem:$0x1D000] =	vst v63  }
0x12a: {  	s11 =	rddreg [dreg:$0x14]  }
0x12b: {  	[tilespmem:s20], [sflag:$0x1] =	stream.indirect.gather [hbm4b:s5+s18], $0x80, s11, s18, $0xb8;
	[tilespmem:$0x1D000] =	vst v63  }
0x12c: {  	_ =	swait.ge [sflag:s21], $0x4000  }
0x12d: {  	[sflag:s21] =	ssyncset.done $0x0  }
0x12e: {  	[sflag:s21] =	ssyncadd.s32 $0xFFFFC000  }
0x12f: {  	[spmem:s3] =	stream.indirect.scatter.add.f32 [tilespmem:s19], [sflag:$0x2], $0x80, s17, s18, $0xb8;
	[tilespmem:$0x1D000] =	vst v63  }
0x130: {  	_ =	swait.ge [sflag:s21], $0x4000  }
0x131: {  	[sflag:s21] =	ssyncset.done $0x0  }
0x132: {  	s12 =	rddreg [dreg:$0x15];
	[sflag:s21] =	ssyncadd.s32 $0xFFFFC000  }
0x133: {  	[spmem:s3] =	stream.indirect.scatter.add.f32 [tilespmem:s20], [sflag:$0x2], $0x80, s12, s18, $0xb8;
	[tilespmem:$0x1D000] =	vst v63  }
0x134: {  	_ =	swait.ge [sflag:s22], $0x4000  }
0x135: {  	[sflag:s22] =	ssyncset.done $0x0  }
0x136: {  	[sflag:s22] =	ssyncadd.s32 $0xFFFFC000  }
0x137: {  	_ =	swait.ge [sflag:s22], $0x4000  }
0x138: {  	[sflag:s22] =	ssyncset.done $0x0  }
0x139: {  	s11 =	rddreg [dreg:$0x16];
	[sflag:s22] =	ssyncadd.s32 $0xFFFFC000  }
0x13a: {  	[tilespmem:s19], [sflag:$0x1] =	stream.indirect.gather [hbm4b:s5+s18], $0x80, s11, s18, $0xb8;
	[tilespmem:$0x1D000] =	vst v63  }
0x13b: {  	s12 =	rddreg [dreg:$0x17]  }
0x13c: {  	[tilespmem:s20], [sflag:$0x1] =	stream.indirect.gather [hbm4b:s5+s18], $0x80, s12, s18, $0xb8;
	[tilespmem:$0x1D000] =	vst v63  }
0x13d: {  	_ =	swait.ge [sflag:s21], $0x4000  }
0x13e: {  	[sflag:s21] =	ssyncset.done $0x0  }
0x13f: {  	s12 =	rddreg [dreg:$0x18];
	[sflag:s21] =	ssyncadd.s32 $0xFFFFC000  }
0x140: {  	[spmem:s3] =	stream.indirect.scatter.add.f32 [tilespmem:s19], [sflag:$0x2], $0x80, s12, s18, $0xb8;
	[tilespmem:$0x1D000] =	vst v63  }
0x141: {  	_ =	swait.ge [sflag:s21], $0x4000  }
0x142: {  	[sflag:s21] =	ssyncset.done $0x0  }
0x143: {  	s11 =	rddreg [dreg:$0x19];
	[sflag:s21] =	ssyncadd.s32 $0xFFFFC000  }
0x144: {  	[spmem:s3] =	stream.indirect.scatter.add.f32 [tilespmem:s20], [sflag:$0x2], $0x80, s11, s18, $0xb8;
	[tilespmem:$0x1D000] =	vst v63  }
0x145: {  	_ =	swait.ge [sflag:s22], $0x4000  }
0x146: {  	[sflag:s22] =	ssyncset.done $0x0  }
0x147: {  	[sflag:s22] =	ssyncadd.s32 $0xFFFFC000  }
0x148: {  	_ =	swait.ge [sflag:s22], $0x4000  }
0x149: {  	[sflag:s22] =	ssyncset.done $0x0  }
0x14a: {  	s12 =	rddreg [dreg:$0x1a];
	[sflag:s22] =	ssyncadd.s32 $0xFFFFC000  }
0x14b: {  	[tilespmem:s19], [sflag:$0x1] =	stream.indirect.gather [hbm4b:s5+s18], $0x80, s12, s18, $0xb8;
	[tilespmem:$0x1D000] =	vst v63  }
0x14c: {  	_ = 	snop  }
0x14d: {  	[tilespmem:s20], [sflag:$0x1] =	stream.indirect.gather [hbm4b:s5+s18], $0x80, s24, s18, $0xb8;
	[tilespmem:$0x1D000] =	vst v63  }
0x14e: {  	_ =	swait.ge [sflag:s21], $0x4000  }
0x14f: {  	[sflag:s21] =	ssyncset.done $0x0  }
0x150: {  	[sflag:s21] =	ssyncadd.s32 $0xFFFFC000  }
0x151: {  	[spmem:s3] =	stream.indirect.scatter.add.f32 [tilespmem:s19], [sflag:$0x2], $0x80, s25, s18, $0xb8;
	[tilespmem:$0x1D000] =	vst v63  }
0x152: {  	_ =	swait.ge [sflag:s21], $0x4000  }
0x153: {  	[sflag:s21] =	ssyncset.done $0x0  }
0x154: {  	[sflag:s21] =	ssyncadd.s32 $0xFFFFC000  }
0x155: {  	[spmem:s3] =	stream.indirect.scatter.add.f32 [tilespmem:s20], [sflag:$0x2], $0x80, s26, s18, $0xb8;
	[tilespmem:$0x1D000] =	vst v63  }
0x156: {  	_ =	swait.ge [sflag:s22], $0x4000  }
0x157: {  	[sflag:s22] =	ssyncset.done $0x0  }
0x158: {  	[sflag:s22] =	ssyncadd.s32 $0xFFFFC000  }
0x159: {  	_ =	swait.ge [sflag:s22], $0x4000  }
0x15a: {  	[sflag:s22] =	ssyncset.done $0x0  }
0x15b: {  	[sflag:s22] =	ssyncadd.s32 $0xFFFFC000  }
0x15c: {  	[tilespmem:s19], [sflag:$0x1] =	stream.indirect.gather [hbm4b:s5+s18], $0x80, s28, s18, $0xb8;
	[tilespmem:$0x1D000] =	vst v63  }
0x15d: {  	_ = 	snop  }
0x15e: {  	[tilespmem:s20], [sflag:$0x1] =	stream.indirect.gather [hbm4b:s5+s18], $0x80, s29, s18, $0xb8;
	[tilespmem:$0x1D000] =	vst v63  }
0x15f: {  	_ =	swait.ge [sflag:s21], $0x4000  }
0x160: {  	[sflag:s21] =	ssyncset.done $0x0  }
0x161: {  	[sflag:s21] =	ssyncadd.s32 $0xFFFFC000  }
0x162: {  	[spmem:s3] =	stream.indirect.scatter.add.f32 [tilespmem:s19], [sflag:$0x2], $0x80, s30, s18, $0xb8;
	[tilespmem:$0x1D000] =	vst v63  }
0x163: {  	_ =	swait.ge [sflag:s21], $0x4000  }
0x164: {  	[sflag:s21] =	ssyncset.done $0x0  }
0x165: {  	[sflag:s21] =	ssyncadd.s32 $0xFFFFC000  }
0x166: {  	[spmem:s3] =	stream.indirect.scatter.add.f32 [tilespmem:s20], [sflag:$0x2], $0x80, s31, s18, $0xb8;
	[tilespmem:$0x1D000] =	vst v63  }
0x167: {  	_ =	swait.ge [sflag:s22], $0x4000  }
0x168: {  	[sflag:s22] =	ssyncset.done $0x0  }
0x169: {  	[sflag:s22] =	ssyncadd.s32 $0xFFFFC000  }
0x16a: {  	_ =	swait.ge [sflag:s22], $0x4000  }
0x16b: {  	[sflag:s22] =	ssyncset.done $0x0  }
0x16c: {  	p0 =	sne.s32 s9, $0x400;
	[sflag:s22] =	ssyncadd.s32 $0xFFFFC000  }
.Ltmp0:
0x16d: {  	_ =	swait.ge [sflag:s23], $0x400;
	(pc) =	sbr.rel @p0 .LBB2_2-.Ltmp0, $4  }
0x16e: {  	[sflag:s23] =	ssyncset.done $0x0  }
0x16f: {  	[sflag:s23] =	ssyncadd.s32 $0xFFFFFC00  }
0x170: {  	s9 =	sadd.s32 $0x100, s9;
	_ =	swait.ge [sflag:s23], $0x400  }
0x171: {  	s7 =	sadd.s32 $0x10, s7;
	s11 =	rddreg [dreg:$0x5];
	[sflag:s23] =	ssyncset.done $0x0  }
0x172: {  	s9 =	rddreg [dreg:$0x6];
	[sflag:s23] =	ssyncadd.s32 $0xFFFFFC00;
	s10 =	sadd.s32 s0, s11  }
0x173: {  	[tilespmem:s16], [sflag:$0x3] =	stream.linear.gather [hbm4b:s10+s4], $0x400, $0x38;
	[tilespmem:$0x1D000] =	vst v63  }
0x174: {  	s9 =	sadd.s32 s0, s9  }
0x175: {  	[tilespmem:s17], [sflag:$0x3] =	stream.linear.gather [hbm4b:s9+s4], $0x400, $0x38;
	[tilespmem:$0x1D000] =	vst v63  }
0x176: {  	_ = 	snop  }
0x177: {  	[tilespmem:s19], [sflag:$0x1] =	stream.indirect.gather [hbm4b:s5+s18], $0x80, s4, s18, $0xb8;
	[tilespmem:$0x1D000] =	vst v63  }
0x178: {  	_ = 	snop  }
0x179: {  	[tilespmem:s20], [sflag:$0x1] =	stream.indirect.gather [hbm4b:s5+s18], $0x80, s18, s18, $0xb8;
	[tilespmem:$0x1D000] =	vst v63  }
0x17a: {  	_ =	swait.ge [sflag:s21], $0x4000  }
0x17b: {  	[sflag:s21] =	ssyncset.done $0x0  }
0x17c: {  	[sflag:s21] =	ssyncadd.s32 $0xFFFFC000  }
0x17d: {  	[spmem:s3] =	stream.indirect.scatter.add.f32 [tilespmem:s19], [sflag:$0x2], $0x80, s15, s18, $0xb8;
	[tilespmem:$0x1D000] =	vst v63  }
0x17e: {  	_ =	swait.ge [sflag:s21], $0x4000  }
0x17f: {  	[sflag:s21] =	ssyncset.done $0x0  }
0x180: {  	s10 =	rddreg [dreg:$0x7];
	[sflag:s21] =	ssyncadd.s32 $0xFFFFC000  }
0x181: {  	[spmem:s3] =	stream.indirect.scatter.add.f32 [tilespmem:s20], [sflag:$0x2], $0x80, s10, s18, $0xb8;
	[tilespmem:$0x1D000] =	vst v63  }
0x182: {  	_ =	swait.ge [sflag:s22], $0x4000  }
0x183: {  	[sflag:s22] =	ssyncset.done $0x0  }
0x184: {  	[sflag:s22] =	ssyncadd.s32 $0xFFFFC000  }
0x185: {  	_ =	swait.ge [sflag:s22], $0x4000  }
0x186: {  	[sflag:s22] =	ssyncset.done $0x0  }
0x187: {  	s11 =	rddreg [dreg:$0x8];
	[sflag:s22] =	ssyncadd.s32 $0xFFFFC000  }
0x188: {  	[tilespmem:s19], [sflag:$0x1] =	stream.indirect.gather [hbm4b:s5+s18], $0x80, s11, s18, $0xb8;
	[tilespmem:$0x1D000] =	vst v63  }
0x189: {  	s12 =	rddreg [dreg:$0x9]  }
0x18a: {  	[tilespmem:s20], [sflag:$0x1] =	stream.indirect.gather [hbm4b:s5+s18], $0x80, s12, s18, $0xb8;
	[tilespmem:$0x1D000] =	vst v63  }
0x18b: {  	_ =	swait.ge [sflag:s21], $0x4000  }
0x18c: {  	[sflag:s21] =	ssyncset.done $0x0  }
0x18d: {  	s11 =	rddreg [dreg:$0xa];
	[sflag:s21] =	ssyncadd.s32 $0xFFFFC000  }
0x18e: {  	[spmem:s3] =	stream.indirect.scatter.add.f32 [tilespmem:s19], [sflag:$0x2], $0x80, s11, s18, $0xb8;
	[tilespmem:$0x1D000] =	vst v63  }
0x18f: {  	_ =	swait.ge [sflag:s21], $0x4000  }
0x190: {  	[sflag:s21] =	ssyncset.done $0x0  }
0x191: {  	s12 =	rddreg [dreg:$0xb];
	[sflag:s21] =	ssyncadd.s32 $0xFFFFC000  }
0x192: {  	[spmem:s3] =	stream.indirect.scatter.add.f32 [tilespmem:s20], [sflag:$0x2], $0x80, s12, s18, $0xb8;
	[tilespmem:$0x1D000] =	vst v63  }
0x193: {  	_ =	swait.ge [sflag:s22], $0x4000  }
0x194: {  	[sflag:s22] =	ssyncset.done $0x0  }
0x195: {  	[sflag:s22] =	ssyncadd.s32 $0xFFFFC000  }
0x196: {  	_ =	swait.ge [sflag:s22], $0x4000  }
0x197: {  	[sflag:s22] =	ssyncset.done $0x0  }
0x198: {  	s10 =	rddreg [dreg:$0xc];
	[sflag:s22] =	ssyncadd.s32 $0xFFFFC000  }
0x199: {  	[tilespmem:s19], [sflag:$0x1] =	stream.indirect.gather [hbm4b:s5+s18], $0x80, s10, s18, $0xb8;
	[tilespmem:$0x1D000] =	vst v63  }
0x19a: {  	s11 =	rddreg [dreg:$0xd]  }
0x19b: {  	[tilespmem:s20], [sflag:$0x1] =	stream.indirect.gather [hbm4b:s5+s18], $0x80, s11, s18, $0xb8;
	[tilespmem:$0x1D000] =	vst v63  }
0x19c: {  	_ =	swait.ge [sflag:s21], $0x4000  }
0x19d: {  	[sflag:s21] =	ssyncset.done $0x0  }
0x19e: {  	s12 =	rddreg [dreg:$0xe];
	[sflag:s21] =	ssyncadd.s32 $0xFFFFC000  }
0x19f: {  	[spmem:s3] =	stream.indirect.scatter.add.f32 [tilespmem:s19], [sflag:$0x2], $0x80, s12, s18, $0xb8;
	[tilespmem:$0x1D000] =	vst v63  }
0x1a0: {  	_ =	swait.ge [sflag:s21], $0x4000  }
0x1a1: {  	[sflag:s21] =	ssyncset.done $0x0  }
0x1a2: {  	s10 =	rddreg [dreg:$0xf];
	[sflag:s21] =	ssyncadd.s32 $0xFFFFC000  }
0x1a3: {  	[spmem:s3] =	stream.indirect.scatter.add.f32 [tilespmem:s20], [sflag:$0x2], $0x80, s10, s18, $0xb8;
	[tilespmem:$0x1D000] =	vst v63  }
0x1a4: {  	_ =	swait.ge [sflag:s22], $0x4000  }
0x1a5: {  	[sflag:s22] =	ssyncset.done $0x0  }
0x1a6: {  	[sflag:s22] =	ssyncadd.s32 $0xFFFFC000  }
0x1a7: {  	_ =	swait.ge [sflag:s22], $0x4000  }
0x1a8: {  	[sflag:s22] =	ssyncset.done $0x0  }
0x1a9: {  	s11 =	rddreg [dreg:$0x10];
	[sflag:s22] =	ssyncadd.s32 $0xFFFFC000  }
0x1aa: {  	[tilespmem:s19], [sflag:$0x1] =	stream.indirect.gather [hbm4b:s5+s18], $0x80, s11, s18, $0xb8;
	[tilespmem:$0x1D000] =	vst v63  }
0x1ab: {  	s12 =	rddreg [dreg:$0x11]  }
0x1ac: {  	[tilespmem:s20], [sflag:$0x1] =	stream.indirect.gather [hbm4b:s5+s18], $0x80, s12, s18, $0xb8;
	[tilespmem:$0x1D000] =	vst v63  }
0x1ad: {  	_ =	swait.ge [sflag:s21], $0x4000  }
0x1ae: {  	[sflag:s21] =	ssyncset.done $0x0  }
0x1af: {  	s11 =	rddreg [dreg:$0x12];
	[sflag:s21] =	ssyncadd.s32 $0xFFFFC000  }
0x1b0: {  	[spmem:s3] =	stream.indirect.scatter.add.f32 [tilespmem:s19], [sflag:$0x2], $0x80, s11, s18, $0xb8;
	[tilespmem:$0x1D000] =	vst v63  }
0x1b1: {  	_ =	swait.ge [sflag:s21], $0x4000  }
0x1b2: {  	[sflag:s21] =	ssyncset.done $0x0  }
0x1b3: {  	s12 =	rddreg [dreg:$0x13];
	[sflag:s21] =	ssyncadd.s32 $0xFFFFC000  }
0x1b4: {  	[spmem:s3] =	stream.indirect.scatter.add.f32 [tilespmem:s20], [sflag:$0x2], $0x80, s12, s18, $0xb8;
	[tilespmem:$0x1D000] =	vst v63  }
0x1b5: {  	_ =	swait.ge [sflag:s22], $0x4000  }
0x1b6: {  	[sflag:s22] =	ssyncset.done $0x0  }
0x1b7: {  	[sflag:s22] =	ssyncadd.s32 $0xFFFFC000  }
0x1b8: {  	_ =	swait.ge [sflag:s22], $0x4000  }
0x1b9: {  	[sflag:s22] =	ssyncset.done $0x0  }
0x1ba: {  	[sflag:s22] =	ssyncadd.s32 $0xFFFFC000  }
0x1bb: {  	_ =	swait.ge [sflag:s23], $0x400  }
0x1bc: {  	[sflag:s23] =	ssyncset.done $0x0  }
0x1bd: {  	[sflag:s23] =	ssyncadd.s32 $0xFFFFFC00  }
0x1be: {  	p0 =	seq.s32 s0, $0x400;
	_ =	swait.ge [sflag:s23], $0x400  }
0x1bf: {  	s7 =	simm.s32 @p0 $0x0;
	s10 =	rddreg [dreg:$0x4]  }
0x1c0: {  	s11 =	sadd.s32 s10, s7  }
0x1c1: {  	[sflag:s23] =	ssyncset.done $0x0;
	s0 =	sshll.u32 s11, $0x4  }
0x1c2: {  	[sflag:s23] =	ssyncadd.s32 $0xFFFFFC00;
	s12 =	sadd.s32 s2, s0  }
0x1c3: {  	[tilespmem:s4], [sflag:$0x3] =	stream.linear.gather [hbm4b:s12+s4], $0x400, $0x38;
	[tilespmem:$0x1D000] =	vst v63  }
0x1c4: {  	s0 =	sadd.s32 s6, s0  }
0x1c5: {  	[tilespmem:s15], [sflag:$0x3] =	stream.linear.gather [hbm4b:s0+s4], $0x400, $0x38;
	[tilespmem:$0x1D000] =	vst v63  }
0x1c6: {  	_ = 	snop  }
0x1c7: {  	[tilespmem:s19], [sflag:$0x1] =	stream.indirect.gather [hbm4b:s5+s18], $0x80, s16, s18, $0xb8;
	[tilespmem:$0x1D000] =	vst v63  }
0x1c8: {  	s9 =	rddreg [dreg:$0x14]  }
0x1c9: {  	[tilespmem:s20], [sflag:$0x1] =	stream.indirect.gather [hbm4b:s5+s18], $0x80, s9, s18, $0xb8;
	[tilespmem:$0x1D000] =	vst v63  }
0x1ca: {  	_ =	swait.ge [sflag:s21], $0x4000  }
0x1cb: {  	[sflag:s21] =	ssyncset.done $0x0  }
0x1cc: {  	[sflag:s21] =	ssyncadd.s32 $0xFFFFC000  }
0x1cd: {  	[spmem:s3] =	stream.indirect.scatter.add.f32 [tilespmem:s19], [sflag:$0x2], $0x80, s17, s18, $0xb8;
	[tilespmem:$0x1D000] =	vst v63  }
0x1ce: {  	_ =	swait.ge [sflag:s21], $0x4000  }
0x1cf: {  	[sflag:s21] =	ssyncset.done $0x0  }
0x1d0: {  	s10 =	rddreg [dreg:$0x15];
	[sflag:s21] =	ssyncadd.s32 $0xFFFFC000  }
0x1d1: {  	[spmem:s3] =	stream.indirect.scatter.add.f32 [tilespmem:s20], [sflag:$0x2], $0x80, s10, s18, $0xb8;
	[tilespmem:$0x1D000] =	vst v63  }
0x1d2: {  	_ =	swait.ge [sflag:s22], $0x4000  }
0x1d3: {  	[sflag:s22] =	ssyncset.done $0x0  }
0x1d4: {  	[sflag:s22] =	ssyncadd.s32 $0xFFFFC000  }
0x1d5: {  	_ =	swait.ge [sflag:s22], $0x4000  }
0x1d6: {  	[sflag:s22] =	ssyncset.done $0x0  }
0x1d7: {  	s11 =	rddreg [dreg:$0x16];
	[sflag:s22] =	ssyncadd.s32 $0xFFFFC000  }
0x1d8: {  	[tilespmem:s19], [sflag:$0x1] =	stream.indirect.gather [hbm4b:s5+s18], $0x80, s11, s18, $0xb8;
	[tilespmem:$0x1D000] =	vst v63  }
0x1d9: {  	s12 =	rddreg [dreg:$0x17]  }
0x1da: {  	[tilespmem:s20], [sflag:$0x1] =	stream.indirect.gather [hbm4b:s5+s18], $0x80, s12, s18, $0xb8;
	[tilespmem:$0x1D000] =	vst v63  }
0x1db: {  	_ =	swait.ge [sflag:s21], $0x4000  }
0x1dc: {  	[sflag:s21] =	ssyncset.done $0x0  }
0x1dd: {  	s7 =	rddreg [dreg:$0x18];
	[sflag:s21] =	ssyncadd.s32 $0xFFFFC000  }
0x1de: {  	[spmem:s3] =	stream.indirect.scatter.add.f32 [tilespmem:s19], [sflag:$0x2], $0x80, s7, s18, $0xb8;
	[tilespmem:$0x1D000] =	vst v63  }
0x1df: {  	_ =	swait.ge [sflag:s21], $0x4000  }
0x1e0: {  	[sflag:s21] =	ssyncset.done $0x0  }
0x1e1: {  	s9 =	rddreg [dreg:$0x19];
	[sflag:s21] =	ssyncadd.s32 $0xFFFFC000  }
0x1e2: {  	[spmem:s3] =	stream.indirect.scatter.add.f32 [tilespmem:s20], [sflag:$0x2], $0x80, s9, s18, $0xb8;
	[tilespmem:$0x1D000] =	vst v63  }
0x1e3: {  	_ =	swait.ge [sflag:s22], $0x4000  }
0x1e4: {  	[sflag:s22] =	ssyncset.done $0x0  }
0x1e5: {  	[sflag:s22] =	ssyncadd.s32 $0xFFFFC000  }
0x1e6: {  	_ =	swait.ge [sflag:s22], $0x4000  }
0x1e7: {  	[sflag:s22] =	ssyncset.done $0x0  }
0x1e8: {  	s10 =	rddreg [dreg:$0x1a];
	[sflag:s22] =	ssyncadd.s32 $0xFFFFC000  }
0x1e9: {  	[tilespmem:s19], [sflag:$0x1] =	stream.indirect.gather [hbm4b:s5+s18], $0x80, s10, s18, $0xb8;
	[tilespmem:$0x1D000] =	vst v63  }
0x1ea: {  	_ = 	snop  }
0x1eb: {  	[tilespmem:s20], [sflag:$0x1] =	stream.indirect.gather [hbm4b:s5+s18], $0x80, s24, s18, $0xb8;
	[tilespmem:$0x1D000] =	vst v63  }
0x1ec: {  	_ =	swait.ge [sflag:s21], $0x4000  }
0x1ed: {  	[sflag:s21] =	ssyncset.done $0x0  }
0x1ee: {  	[sflag:s21] =	ssyncadd.s32 $0xFFFFC000  }
0x1ef: {  	[spmem:s3] =	stream.indirect.scatter.add.f32 [tilespmem:s19], [sflag:$0x2], $0x80, s25, s18, $0xb8;
	[tilespmem:$0x1D000] =	vst v63  }
0x1f0: {  	_ =	swait.ge [sflag:s21], $0x4000  }
0x1f1: {  	[sflag:s21] =	ssyncset.done $0x0  }
0x1f2: {  	[sflag:s21] =	ssyncadd.s32 $0xFFFFC000  }
0x1f3: {  	[spmem:s3] =	stream.indirect.scatter.add.f32 [tilespmem:s20], [sflag:$0x2], $0x80, s26, s18, $0xb8;
	[tilespmem:$0x1D000] =	vst v63  }
0x1f4: {  	_ =	swait.ge [sflag:s22], $0x4000  }
0x1f5: {  	[sflag:s22] =	ssyncset.done $0x0  }
0x1f6: {  	[sflag:s22] =	ssyncadd.s32 $0xFFFFC000  }
0x1f7: {  	_ =	swait.ge [sflag:s22], $0x4000  }
0x1f8: {  	[sflag:s22] =	ssyncset.done $0x0  }
0x1f9: {  	[sflag:s22] =	ssyncadd.s32 $0xFFFFC000  }
0x1fa: {  	[tilespmem:s19], [sflag:$0x1] =	stream.indirect.gather [hbm4b:s5+s18], $0x80, s28, s18, $0xb8;
	[tilespmem:$0x1D000] =	vst v63  }
0x1fb: {  	_ = 	snop  }
0x1fc: {  	[tilespmem:s20], [sflag:$0x1] =	stream.indirect.gather [hbm4b:s5+s18], $0x80, s29, s18, $0xb8;
	[tilespmem:$0x1D000] =	vst v63  }
0x1fd: {  	_ =	swait.ge [sflag:s21], $0x4000  }
0x1fe: {  	[sflag:s21] =	ssyncset.done $0x0  }
0x1ff: {  	[sflag:s21] =	ssyncadd.s32 $0xFFFFC000  }
0x200: {  	[spmem:s3] =	stream.indirect.scatter.add.f32 [tilespmem:s19], [sflag:$0x2], $0x80, s30, s18, $0xb8;
	[tilespmem:$0x1D000] =	vst v63  }
0x201: {  	_ =	swait.ge [sflag:s21], $0x4000  }
0x202: {  	[sflag:s21] =	ssyncset.done $0x0  }
0x203: {  	[sflag:s21] =	ssyncadd.s32 $0xFFFFC000  }
0x204: {  	[spmem:s3] =	stream.indirect.scatter.add.f32 [tilespmem:s20], [sflag:$0x2], $0x80, s31, s18, $0xb8;
	[tilespmem:$0x1D000] =	vst v63  }
0x205: {  	_ =	swait.ge [sflag:s22], $0x4000  }
0x206: {  	[sflag:s22] =	ssyncset.done $0x0  }
0x207: {  	[sflag:s22] =	ssyncadd.s32 $0xFFFFC000  }
0x208: {  	_ =	swait.ge [sflag:s22], $0x4000  }
0x209: {  	[sflag:s22] =	ssyncset.done $0x0  }
0x20a: {  	[sflag:s22] =	ssyncadd.s32 $0xFFFFC000  }
0x20b: {  	_ =	swait.ge [sflag:s23], $0x400  }
0x20c: {  	[sflag:s23] =	ssyncset.done $0x0  }
0x20d: {  	[sflag:s23] =	ssyncadd.s32 $0xFFFFFC00  }
0x20e: {  	_ =	swait.ge [sflag:s23], $0x400  }
0x20f: {  	[sflag:s23] =	ssyncset.done $0x0  }
0x210: {  	[sflag:s23] =	ssyncadd.s32 $0xFFFFFC00  }
0x211: {  	[bflag:$0x0] =	sbarrier.arrive $0xFFFF  }
0x212: {  	s11 =	rddreg [dreg:$0x1e]  }
0x213: {  	[hbm:s11], [sflag:s8] =	dma.local [spmem:s13], $0x2800  }
0x214: {  	_ =	swait.ge [sflag:s14], $0x2800  }
0x215: {  	s1 =	sadd.s32 $0x1, s1;
	s12 =	rddreg [dreg:$0x1f]  }
0x216: {  	p0 =	sne.s32 s1, s12  }
.Ltmp1:
0x217: {  	_ = 	snop;
	(pc) =	sbr.rel @p0 .LBB2_1-.Ltmp1, $3  }
0x218: {  	_ =	sdelay $0x1  }
0x219: {  	[sflag:s14] =	ssyncset.done $0x0  }
0x21a: {  	[sflag:s14] =	ssyncadd.s32 $0xFFFFD800  }
0x21b: {  	_ =	sfence.sel $0x180000  }
0x21c: {  	[bflag:$0x0] =	sbarrier.arrive $0xFFFF  }
0x21d: {  	_ =	strace $0x9000004A  }
0x21e: {  	s0 =	stileid.u32;
	[bflag:$0x2] =	sbarrier.arrive $0xFFFF  }
0x21f: {  	p0 =	sne.s32 s0, $0x0;
	s0 =	rddreg [dreg:$0x3]  }
0x220: {  	s0 =	sadd.s32 @!p0 $0x100000, s0  }
0x221: {  	[sflag:s0] =	ssyncadd.tile.s32 @!p0 $0x1;
	_ =	shalt  }
.Lfunc_end2:
_tile_overlayer_lowered:
.L_overlay_start_2:
0x222: {  	(tag) =	ssettag $0x2  }
0x223: {  	s0 =	rddreg [dreg:$0x0];
	s2 =	stileid.u32  }
0x224: {  	s1 =	rddreg [dreg:$0x1];
	p0 =	sne.s32 s2, $0x0  }
0x225: {  	s3 =	rddreg [dreg:$0x2];
	[bflag:$0x3] =	sbarrier.arrive $0xFFFF;
	s2 =	simm.s32 @!p0 $0x1C04  }
0x226: {  	[timem:s3], [sflag:s2] =	dma.local @!p0 [hbm:s0], s1  }
0x227: {  	s0 =	simm.s32 @!p0 $0x4  }
0x228: {  	_ =	swait.ge @!p0 [sflag:s0], s1  }
0x229: {  	s1 =	ssub.s32 @!p0 $0x0, s1;
	[sflag:s0] =	ssyncset.done @!p0 $0x0  }
0x22a: {  	[sflag:s0] =	ssyncadd.s32 @!p0 s1  }
0x22b: {  	[bflag:$0x3] =	sbarrier.arrive $0xFFFF  }
0x22c: {  	_ =	shalt  }

// kernel: kernel.17.cloned.1.call-start
scs
__scs_entry_jumppad:
0x0: {  	(pc) =	sbr.rel $0x88, $3  }
0x1: {  	(tag) =	ssettag $0x0;
	lr =	simm.s32 $0x1  }
0x2: {  	[smem:$0x3F97] =	sst lr;
	_ =	strace $0xD0000000  }
0x3: {  	_ = 	snop  }
0x4: {  	_ = 	snop  }
0x5: {  	_ = 	snop  }
0x6: {  	_ = 	snop  }
0x7: {  	_ = 	snop  }
__scs_overlays_trampoline_lowered:
0x8: {  	[smem:$0x3FA6] =	sst s0  }
0x9: {  	[smem:$0x3FA7] =	sst s1  }
0xa: {  	[smem:$0x3FA8] =	sst s2  }
0xb: {  	[smem:$0x3FA9] =	sst s3  }
0xc: {  	[smem:$0x3FAA] =	sst s4  }
0xd: {  	[smem:$0x3FAB] =	sst s5  }
0xe: {  	[smem:$0x3FAC] =	sst s6  }
0xf: {  	[smem:$0x3FAD] =	sst s7  }
0x10: {  	[smem:$0x3FAE] =	sst s8  }
0x11: {  	[smem:$0x3FAF] =	sst s9;
	s0 =	simm.s32 @!p0 $0x0  }
0x12: {  	s1 =	sld [smem:$0x3F95];
	s0 =	simm.s32 @p0 $0x1  }
0x13: {  	[smem:$0x3FB0] =	sst s0;
	s0 =	simm.s32 @!p1 $0x0  }
0x14: {  	s2 =	sld [smem:$0x3F94];
	s0 =	simm.s32 @p1 $0x1  }
0x15: {  	[smem:$0x3FB1] =	sst s0;
	s0 =	simm.s32 @!p2 $0x0  }
0x16: {  	s3 =	sld [smem:$0x3FDB];
	s0 =	simm.s32 @p2 $0x1  }
0x17: {  	s4 =	simm.s32 $0x1BF5;
	[smem:$0x3FB3] =	sst s0  }
0x18: {  	s0 =	sld [smem:$0x3F96];
	_ =	swait.ge [sflag:s4], $0x0  }
0x19: {  	s7 =	sld [smem:$0x3F97]  }
0x1a: {  	s8 =	sadd.s32 $0xFFFFE003, lr  }
0x1b: {  	s9 =	sadd.s32 $0xFFFFFEF7, lr;
	s5 =	simm.s32 $0xFFFFFFFF;
	p2 =	slt.u32 s8, $0xFFFFF086  }
0x1c: {  	p1 =	slt.u32 s9, $0xF7A;
	s5 =	simm.s32 @!p2 $0x0  }
0x1d: {  	s5 =	simm.s32 @p1 $0x1;
	p0 =	seq.s32 s7, s2  }
0x1e: {  	s7 =	smul.u32 @!p0 $0xF7A, s2;
	p2 =	seq.s32 @!p0 s5, $0x0  }
0x1f: {  	s9 =	smul.u32 $0xF7A, s1;
	s8 =	simm.s32 @!p0 $0x1BF5;
	p2 =	por !p2, p0  }
0x20: {  	[sflag:s8] =	ssyncset.s32 @!p0 $0xFFFFF086;
	s6 =	sadd.s32 @!p0 s3, s7;
	s7 =	simm.s32 @!p0 $0x108  }
0x21: {  	s3 =	sadd.s32 s3, s9;
	s6 =	sadd.s32 @!p0 $0x88, s6;
	s7 =	simm.s32 @p2 $0x1082  }
0x22: {  	[simem:s7], [sflag:s8] =	dma.local @!p0 [hbm:s6], $0xF7A  }
0x23: {  	s9 =	sor.u32 $0xD0000000, s2;
	s6 =	simm.s32 $0x108;
	_ =	swait.ge @!p0 [sflag:s8], $0x0  }
0x24: {  	s3 =	sadd.s32 $0x88, s3;
	s6 =	simm.s32 @!p1 $0x1082;
	[sflag:s4] =	ssyncset.s32 $0xFFFFF086  }
0x25: {  	[simem:s6], [sflag:s4] =	dma.local [hbm:s3], $0xF7A  }
0x26: {  	[smem:$0x3F97] =	sst s1;
	(tag) =	ssettag s2;
	_ =	strace s9  }
0x27: {  	s1 =	sld [smem:$0x3FA7]  }
0x28: {  	s2 =	sld [smem:$0x3FA8]  }
0x29: {  	s4 =	sld [smem:$0x3FAA]  }
0x2a: {  	p0 =	seq.s32 s5, $0x0;
	s5 =	sld [smem:$0x3FAB]  }
0x2b: {  	s6 =	sld [smem:$0x3FAC]  }
0x2c: {  	s7 =	sld [smem:$0x3FAD]  }
0x2d: {  	s3 =	simm.s32 $0x108;
	s8 =	sld [smem:$0x3FAE]  }
0x2e: {  	s3 =	simm.s32 @!p0 $0x1082;
	s9 =	sld [smem:$0x3FAF]  }
0x2f: {  	lr =	sadd.s32 s0, s3;
	s0 =	sld [smem:$0x3FA6]  }
0x30: {  	s3 =	sld [smem:$0x3FA9]  }
0x31: {  	[smem:$0x3FB2] =	sst s10  }
0x32: {  	s10 =	sld [smem:$0x3FB0];
	_ =	sdelay $0x3  }
0x33: {  	p0 =	seq.s32 s10, $0x1;
	s10 =	sld [smem:$0x3FB2];
	_ =	sdelay $0x3  }
0x34: {  	[smem:$0x3FB2] =	sst s10  }
0x35: {  	s10 =	sld [smem:$0x3FB1];
	_ =	sdelay $0x3  }
0x36: {  	p1 =	seq.s32 s10, $0x1;
	s10 =	sld [smem:$0x3FB2];
	_ =	sdelay $0x3  }
0x37: {  	[smem:$0x3FB2] =	sst s10  }
0x38: {  	s10 =	sld [smem:$0x3FB3]  }
0x39: {  	_ = 	snop;
	(pc) =	sbr.ind lr, $3  }
0x3a: {  	_ = 	snop  }
0x3b: {  	_ = 	snop  }
0x3c: {  	p2 =	seq.s32 s10, $0x1;
	s10 =	sld [smem:$0x3FB2]  }
0x3d: {  	_ =	shalt  }
0x3e: {  	_ =	shalt  }
0x3f: {  	_ =	shalt  }
0x40: {  	_ =	shalt  }
0x41: {  	_ =	shalt  }
0x42: {  	_ =	shalt  }
0x43: {  	_ =	shalt  }
0x44: {  	_ =	shalt  }
0x45: {  	_ =	shalt  }
0x46: {  	_ =	shalt  }
0x47: {  	_ =	shalt  }
0x48: {  	_ =	shalt  }
0x49: {  	_ =	shalt  }
0x4a: {  	_ =	shalt  }
0x4b: {  	_ =	shalt  }
0x4c: {  	_ =	shalt  }
0x4d: {  	_ =	shalt  }
0x4e: {  	_ =	shalt  }
0x4f: {  	_ =	shalt  }
0x50: {  	_ =	shalt  }
0x51: {  	_ =	shalt  }
0x52: {  	_ =	shalt  }
0x53: {  	_ =	shalt  }
0x54: {  	_ =	shalt  }
0x55: {  	_ =	shalt  }
0x56: {  	_ =	shalt  }
0x57: {  	_ =	shalt  }
0x58: {  	_ =	shalt  }
0x59: {  	_ =	shalt  }
0x5a: {  	_ =	shalt  }
0x5b: {  	_ =	shalt  }
0x5c: {  	_ =	shalt  }
0x5d: {  	_ =	shalt  }
0x5e: {  	_ =	shalt  }
0x5f: {  	_ =	shalt  }
0x60: {  	_ =	shalt  }
0x61: {  	_ =	shalt  }
0x62: {  	_ =	shalt  }
0x63: {  	_ =	shalt  }
0x64: {  	_ =	shalt  }
0x65: {  	_ =	shalt  }
0x66: {  	_ =	shalt  }
0x67: {  	_ =	shalt  }
0x68: {  	_ =	shalt  }
0x69: {  	_ =	shalt  }
0x6a: {  	_ =	shalt  }
0x6b: {  	_ =	shalt  }
0x6c: {  	_ =	shalt  }
0x6d: {  	_ =	shalt  }
0x6e: {  	_ =	shalt  }
0x6f: {  	_ =	shalt  }
0x70: {  	_ =	shalt  }
0x71: {  	_ =	shalt  }
0x72: {  	_ =	shalt  }
0x73: {  	_ =	shalt  }
0x74: {  	_ =	shalt  }
0x75: {  	_ =	shalt  }
0x76: {  	_ =	shalt  }
0x77: {  	_ =	shalt  }
0x78: {  	_ =	shalt  }
0x79: {  	_ =	shalt  }
0x7a: {  	_ =	shalt  }
0x7b: {  	_ =	shalt  }
0x7c: {  	_ =	shalt  }
0x7d: {  	_ =	shalt  }
0x7e: {  	_ =	shalt  }
0x7f: {  	_ =	shalt  }
0x80: {  	_ =	shalt  }
0x81: {  	_ =	shalt  }
0x82: {  	_ =	shalt  }
0x83: {  	_ =	shalt  }
0x84: {  	_ =	shalt  }
0x85: {  	_ =	shalt  }
0x86: {  	_ =	shalt  }
0x87: {  	_ =	shalt  }
.Lfunc_end0:
.L_simem_size_0:
called_computation.2_lowered:
.L_overlay_start_0:
0x88: {  	s2 =	sld [smem:$0x3FD9]  }
0x89: {  	s3 =	sld [smem:$0x3FFE];
	_ =	sdelay $0x1  }
0x8a: {  	s1 =	srdreg.scid  }
0x8b: {  	s0 =	sand.u32 $0x1, s1  }
0x8c: {  	s17 =	sshll.u32 s0, $0xA;
	s2 =	sadd.s32 s3, s2  }
0x8d: {  	s2 =	sadd.s32 s2, s17  }
0x8e: {  	[smem:$0x3FBE] =	sst s2  }
0x8f: {  	_ = 	snop  }
0x90: {  	s2 =	sld [smem:$0x3FD0];
	(tm) =	ssettm $0x1  }
0x91: {  	s18 =	sld [smem:$0x3FFB];
	_ =	sdelay $0x3  }
0x92: {  	_ =	strace s18  }
0x93: {  	s3 =	sld [smem:$0x3FFC];
	_ =	sdelay $0x3  }
0x94: {  	_ =	strace s3  }
0x95: {  	s3 =	sld [smem:$0x3FFD];
	_ =	sdelay $0x3  }
0x96: {  	_ =	strace s3  }
0x97: {  	_ =	strace $0x8FFFFFFF  }
0x98: {  	s19 =	sld [smem:$0x3FDB];
	_ =	sdelay $0x1  }
0x99: {  	s4 =	simm.s32 $_scs_section_size  }
0x9a: {  	s5 =	simm.s32 $_size__tile_overlayer_lowered;
	s6 =	simm.s32 $_tile_overlayer_lowered  }
0x9b: {  	s22 =	simm.s32 $0x1BFF;
	s21 =	sshll.u32 s6, $0x1;
	s3 =	sadd.s32 s4, s19  }
0x9c: {  	s7 =	simm.s32 $0x0;
	s20 =	sshll.u32 s5, $0x1;
	s5 =	sadd.s32 s21, s3  }
0x9d: {  	[timem:s7], [sflag:s22] =	dma.local [hbm:s5], s20  }
0x9e: {  	_ =	swait.ge [sflag:s22], s20  }
0x9f: {  	s4 =	ssub.s32 $0x0, s20;
	[sflag:s22] =	ssyncset.done $0x0  }
0xa0: {  	[sflag:s22] =	ssyncadd.s32 s4;
	_ =	sdelay $0x1  }
0xa1: {  	s23 =	simm.s32 $0x1B8B  }
0xa2: {  	_ =	swait.ge [sflag:s23], $0x1  }
0xa3: {  	[sflag:s23] =	ssyncset.done $0x0  }
0xa4: {  	s25 =	simm.s32 $0x1B8E;
	s24 =	sld [smem:$0x3FFE];
	[sflag:s23] =	ssyncadd.s32 $0xFFFFFFFF  }
0xa5: {  	s26 =	simm.s32 $execute0_lowered;
	[smem:$0x3FD2] =	sst s25  }
0xa6: {  	s5 =	sshll.u32 s26, $0x1;
	_ =	strace $0x8000004C;
	[dreg:$0x1] =	wrdreg $0xFFFFFFFF  }
0xa7: {  	s28 =	simm.s32 $_size_execute0_lowered;
	s3 =	sadd.s32 s3, s5;
	[dreg:$0x0] =	wrdreg $0x0  }
0xa8: {  	s5 =	sshll.u32 s28, $0x1;
	[dreg:$0x2] =	wrdreg s3  }
0xa9: {  	[dreg:$0x3] =	wrdreg s5  }
0xaa: {  	[dreg:$0x4] =	wrdreg $0xC0  }
0xab: {  	_ =	task [dreg:s7], $0x5FFFF  }
0xac: {  	[dreg:$0x1] =	wrdreg $0xFFFFFFFF  }
0xad: {  	[dreg:$0x0] =	wrdreg $0x60  }
0xae: {  	[dreg:$0x2] =	wrdreg s24  }
0xaf: {  	[dreg:$0x3] =	wrdreg s2  }
0xb0: {  	[dreg:$0x4] =	wrdreg $0x90000  }
0xb1: {  	[dreg:$0x5] =	wrdreg $0x9  }
0xb2: {  	_ =	task.clear_ibuf [dreg:s7], $0x6FFFF;
	_ =	strace $0x9000004C  }
0xb3: {  	s29 =	simm.s32 $0x9;
	_ =	strace $0x8000004E  }
0xb4: {  	_ =	swait.ge [sflag:s29], $0x1  }
0xb5: {  	[sflag:s29] =	ssyncadd.s32 $0xFFFFFFFF  }
0xb6: {  	_ =	strace $0x9000004E  }
0xb7: {  	_ =	sfence  }
0xb8: {  	s30 =	sld [smem:$0x0];
	_ =	sdelay $0x2  }
0xb9: {  	s31 =	sshll.u32 s1, $0xD;
	s1 =	sshrl.u32 s1, $0x2  }
0xba: {  	s3 =	sand.u32 $0x4000, s31;
	s1 =	sadd.s32 s1, s30  }
0xbb: {  	s0 =	sor.u32 s3, s0;
	s1 =	sshll.u32 s1, $0x11  }
0xbc: {  	s0 =	sor.u32 s1, s0  }
0xbd: {  	s0 =	sadd.s32 $0x8F2B, s0  }
0xbe: {  	[sflag:s0] =	ssyncadd.remote.s32 $0x1  }
0xbf: {  	_ =	sfence.sel $0xFFFF  }
0xc0: {  	[dreg:$0x0] =	wrdreg $0xFFFFFFFF;
	(pc) =	sbr.abs _section_cstart, $3  }
0xc1: {  	[dreg:$0x1] =	wrdreg $0xFFFFFFFF  }
0xc2: {  	_ =	task.clear_ibuf [dreg:s7], $0x2FFFF;
	_ =	strace $0x9FFFFFFF  }
0xc3: {  	(tm) =	ssettm $0x7FFFFFFF  }
tec
execute0_lowered:
.L_overlay_start_1:
0x0: {  	(tag) =	ssettag $0x1  }
0x1: {  	s0 =	rddreg [dreg:$0x0]  }
0x2: {  	s2 =	rddreg [dreg:$0x1];
	s14 =	stileid.u32  }
0x3: {  	s1 =	srdreg.scid;
	s3 =	rddreg [dreg:$0x2]  }
0x4: {  	s4 =	simm.s32 $0x0;
	s20 =	simm.s32 $0x880;
	s21 =	simm.s32 $0x100  }
0x5: {  	s23 =	simm.s32 $0x180;
	s24 =	simm.s32 $0x900;
	s25 =	simm.s32 $0x980  }
0x6: {  	s28 =	simm.s32 $0x700;
	s29 =	simm.s32 $0x780;
	s30 =	simm.s32 $0xF00  }
0x7: {  	s31 =	simm.s32 $0xF80;
	s6 =	smul.u32 $0x14000, s14;
	[smem:$0x7FF] =	sst s4  }
0x8: {  	s11 =	smul.u32 $0x500, s14;
	_ =	strace $0x8000004D;
	[dreg:$0x7] =	wrdreg s20  }
0x9: {  	s1 =	sand.u32 $0x1, s1;
	s13 =	smul.u32 $0x50000, s14;
	[dreg:$0x8] =	wrdreg s21  }
0xa: {  	s22 =	sshll.u32 s14, $0x6;
	s5 =	smul.u32 $0x140000, s1;
	[dreg:$0x9] =	wrdreg s23  }
0xb: {  	s15 =	ssub.s32 $0x2, s1;
	s9 =	sshll.u32 s1, $0x4;
	[dreg:$0xa] =	wrdreg s24  }
0xc: {  	s1 =	smul.u32 $0x5000, s1;
	[dreg:$0xb] =	wrdreg s25;
	s20 =	simm.s32 $0x480  }
0xd: {  	s21 =	simm.s32 $0xC80;
	s23 =	simm.s32 $0x580;
	s24 =	simm.s32 $0xD00  }
0xe: {  	s25 =	simm.s32 $0xD80;
	s8 =	sshrl.u32 s6, $0x3;
	[dreg:$0x14] =	wrdreg s20  }
0xf: {  	s10 =	sshrl.u32 s15, $0x1;
	s9 =	sor.u32 s14, s9;
	[dreg:$0x15] =	wrdreg s21  }
0x10: {  	s18 =	sshrl.u32 s13, $0x2;
	s13 =	simm.s32 $0xA00;
	[dreg:$0x17] =	wrdreg s23  }
0x11: {  	s20 =	simm.s32 $0x5000;
	s21 =	simm.s32 $0x1;
	[dreg:$0x18] =	wrdreg s24  }
0x12: {  	s23 =	simm.s32 $0x3;
	[dreg:$0x19] =	wrdreg s25;
	s24 =	simm.s32 $0x680  }
0x13: {  	s25 =	simm.s32 $0xE00;
	s7 =	sadd.s32 s6, s5;
	s5 =	sadd.s32 $0xE200, s0  }
0x14: {  	s6 =	sadd.s32 $0x4200, s0;
	s8 =	sadd.s32 s8, s0;
	s16 =	smul.u32 $0x50, s9  }
0x15: {  	s19 =	sadd.s32 s18, s3;
	[dreg:$0xe] =	wrdreg s13;
	s18 =	simm.s32 $0xB00  }
0x16: {  	s12 =	sadd.s32 s1, s2;
	s9 =	smul.u32 $0x500, s9;
	[dreg:$0x12] =	wrdreg s18  }
0x17: {  	s12 =	sadd.s32 s11, s12;
	s8 =	sadd.s32 $0x36200, s8;
	[dreg:$0x4] =	wrdreg s16  }
0x18: {  	s13 =	sshrl.u32 s19, $0x3;
	s19 =	simm.s32 $0xB80;
	[dreg:$0x1b] =	wrdreg s8  }
0x19: {  	s7 =	sshrl.u32 s7, $0x3;
	s17 =	sadd.s32 $0x80, s12;
	[dreg:$0x13] =	wrdreg s19  }
0x1a: {  	s1 =	sadd.s32 s1, s6;
	s26 =	sadd.s32 s2, s9;
	[dreg:$0x5] =	wrdreg s17  }
0x1b: {  	s18 =	simm.s32 $0x80;
	s9 =	sadd.s32 s6, s9;
	[dreg:$0x1c] =	wrdreg s26  }
0x1c: {  	s1 =	sadd.s32 s11, s1;
	s11 =	simm.s32 $0x200;
	[dreg:$0x1d] =	wrdreg s9  }
0x1d: {  	s0 =	sadd.s32 s7, s0;
	s12 =	simm.s32 $0x280;
	[dreg:$0xc] =	wrdreg s11  }
0x1e: {  	s7 =	ssub.s32 s15, s10;
	s15 =	simm.s32 $0xA80;
	[dreg:$0xd] =	wrdreg s12  }
0x1f: {  	s8 =	sor.u32 $0x1C04, s22;
	s16 =	simm.s32 $0x300;
	[dreg:$0xf] =	wrdreg s15  }
0x20: {  	s19 =	simm.s32 $0x1000;
	s22 =	simm.s32 $0x500;
	[dreg:$0x10] =	wrdreg s16  }
0x21: {  	s1 =	sadd.s32 $0x80, s1;
	s0 =	sadd.s32 $0x5E200, s0;
	[dreg:$0x16] =	wrdreg s22  }
0x22: {  	s14 =	smax.u32 s7, $0x1;
	s17 =	simm.s32 $0x380;
	[dreg:$0x6] =	wrdreg s1  }
0x23: {  	s15 =	simm.s32 $0x800;
	s16 =	simm.s32 $0x400;
	[dreg:$0x1e] =	wrdreg s0  }
0x24: {  	s22 =	simm.s32 $0x2;
	s26 =	simm.s32 $0x600;
	[dreg:$0x1f] =	wrdreg s14  }
0x25: {  	s14 =	simm.s32 $0x4;
	[dreg:$0x11] =	wrdreg s17;
	s17 =	simm.s32 $0xC00  }
0x26: {  	[dreg:$0x1a] =	wrdreg s26;
	s26 =	simm.s32 $0xE80;
	s1 =	simm.s32 $0x0  }
.LBB2_1:
0x27: {  	s0 =	rddreg [dreg:$0x1b]  }
0x28: {  	[spmem:s13], [sflag:s8] =	dma.local [hbm:s0], $0x2800  }
0x29: {  	_ =	swait.ge [sflag:s14], $0x2800  }
0x2a: {  	[sflag:s14] =	ssyncset.done $0x0  }
0x2b: {  	s10 =	rddreg [dreg:$0x1c];
	[sflag:s14] =	ssyncadd.s32 $0xFFFFD800  }
0x2c: {  	[tilespmem:s4], [sflag:$0x4] =	stream.linear.gather [hbm4b:s10+s4], $0x400, $0x38;
	[tilespmem:$0x1D000] =	vst v63  }
0x2d: {  	_ =	swait.ge [sflag:s14], $0x400  }
0x2e: {  	[sflag:s14] =	ssyncset.done $0x0  }
0x2f: {  	s11 =	rddreg [dreg:$0x1d];
	[sflag:s14] =	ssyncadd.s32 $0xFFFFFC00  }
0x30: {  	[tilespmem:s15], [sflag:$0x4] =	stream.linear.gather [hbm4b:s11+s4], $0x400, $0x38;
	[tilespmem:$0x1D000] =	vst v63  }
0x31: {  	_ =	swait.ge [sflag:s14], $0x400  }
0x32: {  	[sflag:s14] =	ssyncset.done $0x0  }
0x33: {  	[sflag:s14] =	ssyncadd.s32 $0xFFFFFC00  }
0x34: {  	[bflag:$0x0] =	sbarrier.arrive $0xFFFF  }
0x35: {  	s12 =	rddreg [dreg:$0x5]  }
0x36: {  	s7 =	rddreg [dreg:$0x6];
	s0 =	sadd.s32 $0x0, s12  }
0x37: {  	[tilespmem:s16], [sflag:$0x3] =	stream.linear.gather [hbm4b:s0+s4], $0x400, $0x38;
	[tilespmem:$0x1D000] =	vst v63  }
0x38: {  	s9 =	sadd.s32 $0x0, s7  }
0x39: {  	[tilespmem:s17], [sflag:$0x3] =	stream.linear.gather [hbm4b:s9+s4], $0x400, $0x38;
	[tilespmem:$0x1D000] =	vst v63  }
0x3a: {  	_ = 	snop  }
0x3b: {  	[tilespmem:s19], [sflag:$0x1] =	stream.indirect.gather [hbm4b:s5+s18], $0x80, s4, s18, $0xb8;
	[tilespmem:$0x1D000] =	vst v63  }
0x3c: {  	_ = 	snop  }
0x3d: {  	[tilespmem:s20], [sflag:$0x1] =	stream.indirect.gather [hbm4b:s5+s18], $0x80, s18, s18, $0xb8;
	[tilespmem:$0x1D000] =	vst v63  }
0x3e: {  	_ =	swait.ge [sflag:s21], $0x4000  }
0x3f: {  	[sflag:s21] =	ssyncset.done $0x0  }
0x40: {  	[sflag:s21] =	ssyncadd.s32 $0xFFFFC000  }
0x41: {  	[spmem:s3] =	stream.indirect.scatter.add.f32 [tilespmem:s19], [sflag:$0x2], $0x80, s15, s18, $0xb8;
	[tilespmem:$0x1D000] =	vst v63  }
0x42: {  	_ =	swait.ge [sflag:s21], $0x4000  }
0x43: {  	[sflag:s21] =	ssyncset.done $0x0  }
0x44: {  	s10 =	rddreg [dreg:$0x7];
	[sflag:s21] =	ssyncadd.s32 $0xFFFFC000  }
0x45: {  	[spmem:s3] =	stream.indirect.scatter.add.f32 [tilespmem:s20], [sflag:$0x2], $0x80, s10, s18, $0xb8;
	[tilespmem:$0x1D000] =	vst v63  }
0x46: {  	_ =	swait.ge [sflag:s22], $0x4000  }
0x47: {  	[sflag:s22] =	ssyncset.done $0x0  }
0x48: {  	[sflag:s22] =	ssyncadd.s32 $0xFFFFC000  }
0x49: {  	_ =	swait.ge [sflag:s22], $0x4000  }
0x4a: {  	[sflag:s22] =	ssyncset.done $0x0  }
0x4b: {  	s11 =	rddreg [dreg:$0x8];
	[sflag:s22] =	ssyncadd.s32 $0xFFFFC000  }
0x4c: {  	[tilespmem:s19], [sflag:$0x1] =	stream.indirect.gather [hbm4b:s5+s18], $0x80, s11, s18, $0xb8;
	[tilespmem:$0x1D000] =	vst v63  }
0x4d: {  	s12 =	rddreg [dreg:$0x9]  }
0x4e: {  	[tilespmem:s20], [sflag:$0x1] =	stream.indirect.gather [hbm4b:s5+s18], $0x80, s12, s18, $0xb8;
	[tilespmem:$0x1D000] =	vst v63  }
0x4f: {  	_ =	swait.ge [sflag:s21], $0x4000  }
0x50: {  	[sflag:s21] =	ssyncset.done $0x0  }
0x51: {  	s9 =	rddreg [dreg:$0xa];
	[sflag:s21] =	ssyncadd.s32 $0xFFFFC000  }
0x52: {  	[spmem:s3] =	stream.indirect.scatter.add.f32 [tilespmem:s19], [sflag:$0x2], $0x80, s9, s18, $0xb8;
	[tilespmem:$0x1D000] =	vst v63  }
0x53: {  	_ =	swait.ge [sflag:s21], $0x4000  }
0x54: {  	[sflag:s21] =	ssyncset.done $0x0  }
0x55: {  	s10 =	rddreg [dreg:$0xb];
	[sflag:s21] =	ssyncadd.s32 $0xFFFFC000  }
0x56: {  	[spmem:s3] =	stream.indirect.scatter.add.f32 [tilespmem:s20], [sflag:$0x2], $0x80, s10, s18, $0xb8;
	[tilespmem:$0x1D000] =	vst v63  }
0x57: {  	_ =	swait.ge [sflag:s22], $0x4000  }
0x58: {  	[sflag:s22] =	ssyncset.done $0x0  }
0x59: {  	[sflag:s22] =	ssyncadd.s32 $0xFFFFC000  }
0x5a: {  	_ =	swait.ge [sflag:s22], $0x4000  }
0x5b: {  	[sflag:s22] =	ssyncset.done $0x0  }
0x5c: {  	s11 =	rddreg [dreg:$0xc];
	[sflag:s22] =	ssyncadd.s32 $0xFFFFC000  }
0x5d: {  	[tilespmem:s19], [sflag:$0x1] =	stream.indirect.gather [hbm4b:s5+s18], $0x80, s11, s18, $0xb8;
	[tilespmem:$0x1D000] =	vst v63  }
0x5e: {  	s12 =	rddreg [dreg:$0xd]  }
0x5f: {  	[tilespmem:s20], [sflag:$0x1] =	stream.indirect.gather [hbm4b:s5+s18], $0x80, s12, s18, $0xb8;
	[tilespmem:$0x1D000] =	vst v63  }
0x60: {  	_ =	swait.ge [sflag:s21], $0x4000  }
0x61: {  	[sflag:s21] =	ssyncset.done $0x0  }
0x62: {  	s7 =	rddreg [dreg:$0xe];
	[sflag:s21] =	ssyncadd.s32 $0xFFFFC000  }
0x63: {  	[spmem:s3] =	stream.indirect.scatter.add.f32 [tilespmem:s19], [sflag:$0x2], $0x80, s7, s18, $0xb8;
	[tilespmem:$0x1D000] =	vst v63  }
0x64: {  	_ =	swait.ge [sflag:s21], $0x4000  }
0x65: {  	[sflag:s21] =	ssyncset.done $0x0  }
0x66: {  	s9 =	rddreg [dreg:$0xf];
	[sflag:s21] =	ssyncadd.s32 $0xFFFFC000  }
0x67: {  	[spmem:s3] =	stream.indirect.scatter.add.f32 [tilespmem:s20], [sflag:$0x2], $0x80, s9, s18, $0xb8;
	[tilespmem:$0x1D000] =	vst v63  }
0x68: {  	_ =	swait.ge [sflag:s22], $0x4000  }
0x69: {  	[sflag:s22] =	ssyncset.done $0x0  }
0x6a: {  	[sflag:s22] =	ssyncadd.s32 $0xFFFFC000  }
0x6b: {  	_ =	swait.ge [sflag:s22], $0x4000  }
0x6c: {  	[sflag:s22] =	ssyncset.done $0x0  }
0x6d: {  	s10 =	rddreg [dreg:$0x10];
	[sflag:s22] =	ssyncadd.s32 $0xFFFFC000  }
0x6e: {  	[tilespmem:s19], [sflag:$0x1] =	stream.indirect.gather [hbm4b:s5+s18], $0x80, s10, s18, $0xb8;
	[tilespmem:$0x1D000] =	vst v63  }
0x6f: {  	s11 =	rddreg [dreg:$0x11]  }
0x70: {  	[tilespmem:s20], [sflag:$0x1] =	stream.indirect.gather [hbm4b:s5+s18], $0x80, s11, s18, $0xb8;
	[tilespmem:$0x1D000] =	vst v63  }
0x71: {  	_ =	swait.ge [sflag:s21], $0x4000  }
0x72: {  	[sflag:s21] =	ssyncset.done $0x0  }
0x73: {  	s12 =	rddreg [dreg:$0x12];
	[sflag:s21] =	ssyncadd.s32 $0xFFFFC000  }
0x74: {  	[spmem:s3] =	stream.indirect.scatter.add.f32 [tilespmem:s19], [sflag:$0x2], $0x80, s12, s18, $0xb8;
	[tilespmem:$0x1D000] =	vst v63  }
0x75: {  	_ =	swait.ge [sflag:s21], $0x4000  }
0x76: {  	[sflag:s21] =	ssyncset.done $0x0  }
0x77: {  	s7 =	rddreg [dreg:$0x13];
	[sflag:s21] =	ssyncadd.s32 $0xFFFFC000  }
0x78: {  	[spmem:s3] =	stream.indirect.scatter.add.f32 [tilespmem:s20], [sflag:$0x2], $0x80, s7, s18, $0xb8;
	[tilespmem:$0x1D000] =	vst v63  }
0x79: {  	_ =	swait.ge [sflag:s22], $0x4000  }
0x7a: {  	[sflag:s22] =	ssyncset.done $0x0  }
0x7b: {  	[sflag:s22] =	ssyncadd.s32 $0xFFFFC000  }
0x7c: {  	_ =	swait.ge [sflag:s22], $0x4000  }
0x7d: {  	[sflag:s22] =	ssyncset.done $0x0  }
0x7e: {  	[sflag:s22] =	ssyncadd.s32 $0xFFFFC000  }
0x7f: {  	_ =	swait.ge [sflag:s23], $0x400  }
0x80: {  	[sflag:s23] =	ssyncset.done $0x0  }
0x81: {  	[sflag:s23] =	ssyncadd.s32 $0xFFFFFC00  }
0x82: {  	p0 =	por $0x0, $0x0;
	s7 =	simm.s32 $0x10;
	_ =	swait.ge [sflag:s23], $0x400  }
0x83: {  	s7 =	simm.s32 @p0 $0x0;
	s9 =	rddreg [dreg:$0x4]  }
0x84: {  	s0 =	sadd.s32 s9, s7  }
0x85: {  	[sflag:s23] =	ssyncset.done $0x0;
	s0 =	sshll.u32 s0, $0x4  }
0x86: {  	[sflag:s23] =	ssyncadd.s32 $0xFFFFFC00;
	s10 =	sadd.s32 s2, s0  }
0x87: {  	[tilespmem:s4], [sflag:$0x3] =	stream.linear.gather [hbm4b:s10+s4], $0x400, $0x38;
	[tilespmem:$0x1D000] =	vst v63  }
0x88: {  	s0 =	sadd.s32 s6, s0  }
0x89: {  	[tilespmem:s15], [sflag:$0x3] =	stream.linear.gather [hbm4b:s0+s4], $0x400, $0x38;
	[tilespmem:$0x1D000] =	vst v63  }
0x8a: {  	_ = 	snop  }
0x8b: {  	[tilespmem:s19], [sflag:$0x1] =	stream.indirect.gather [hbm4b:s5+s18], $0x80, s16, s18, $0xb8;
	[tilespmem:$0x1D000] =	vst v63  }
0x8c: {  	s11 =	rddreg [dreg:$0x14]  }
0x8d: {  	[tilespmem:s20], [sflag:$0x1] =	stream.indirect.gather [hbm4b:s5+s18], $0x80, s11, s18, $0xb8;
	[tilespmem:$0x1D000] =	vst v63  }
0x8e: {  	_ =	swait.ge [sflag:s21], $0x4000  }
0x8f: {  	[sflag:s21] =	ssyncset.done $0x0  }
0x90: {  	[sflag:s21] =	ssyncadd.s32 $0xFFFFC000  }
0x91: {  	[spmem:s3] =	stream.indirect.scatter.add.f32 [tilespmem:s19], [sflag:$0x2], $0x80, s17, s18, $0xb8;
	[tilespmem:$0x1D000] =	vst v63  }
0x92: {  	_ =	swait.ge [sflag:s21], $0x4000  }
0x93: {  	[sflag:s21] =	ssyncset.done $0x0  }
0x94: {  	s12 =	rddreg [dreg:$0x15];
	[sflag:s21] =	ssyncadd.s32 $0xFFFFC000  }
0x95: {  	[spmem:s3] =	stream.indirect.scatter.add.f32 [tilespmem:s20], [sflag:$0x2], $0x80, s12, s18, $0xb8;
	[tilespmem:$0x1D000] =	vst v63  }
0x96: {  	_ =	swait.ge [sflag:s22], $0x4000  }
0x97: {  	[sflag:s22] =	ssyncset.done $0x0  }
0x98: {  	[sflag:s22] =	ssyncadd.s32 $0xFFFFC000  }
0x99: {  	_ =	swait.ge [sflag:s22], $0x4000  }
0x9a: {  	[sflag:s22] =	ssyncset.done $0x0  }
0x9b: {  	s7 =	rddreg [dreg:$0x16];
	[sflag:s22] =	ssyncadd.s32 $0xFFFFC000  }
0x9c: {  	[tilespmem:s19], [sflag:$0x1] =	stream.indirect.gather [hbm4b:s5+s18], $0x80, s7, s18, $0xb8;
	[tilespmem:$0x1D000] =	vst v63  }
0x9d: {  	s9 =	rddreg [dreg:$0x17]  }
0x9e: {  	[tilespmem:s20], [sflag:$0x1] =	stream.indirect.gather [hbm4b:s5+s18], $0x80, s9, s18, $0xb8;
	[tilespmem:$0x1D000] =	vst v63  }
0x9f: {  	_ =	swait.ge [sflag:s21], $0x4000  }
0xa0: {  	[sflag:s21] =	ssyncset.done $0x0  }
0xa1: {  	s10 =	rddreg [dreg:$0x18];
	[sflag:s21] =	ssyncadd.s32 $0xFFFFC000  }
0xa2: {  	[spmem:s3] =	stream.indirect.scatter.add.f32 [tilespmem:s19], [sflag:$0x2], $0x80, s10, s18, $0xb8;
	[tilespmem:$0x1D000] =	vst v63  }
0xa3: {  	_ =	swait.ge [sflag:s21], $0x4000  }
0xa4: {  	[sflag:s21] =	ssyncset.done $0x0  }
0xa5: {  	s11 =	rddreg [dreg:$0x19];
	[sflag:s21] =	ssyncadd.s32 $0xFFFFC000  }
0xa6: {  	[spmem:s3] =	stream.indirect.scatter.add.f32 [tilespmem:s20], [sflag:$0x2], $0x80, s11, s18, $0xb8;
	[tilespmem:$0x1D000] =	vst v63  }
0xa7: {  	_ =	swait.ge [sflag:s22], $0x4000  }
0xa8: {  	[sflag:s22] =	ssyncset.done $0x0  }
0xa9: {  	[sflag:s22] =	ssyncadd.s32 $0xFFFFC000  }
0xaa: {  	_ =	swait.ge [sflag:s22], $0x4000  }
0xab: {  	[sflag:s22] =	ssyncset.done $0x0  }
0xac: {  	s12 =	rddreg [dreg:$0x1a];
	[sflag:s22] =	ssyncadd.s32 $0xFFFFC000  }
0xad: {  	[tilespmem:s19], [sflag:$0x1] =	stream.indirect.gather [hbm4b:s5+s18], $0x80, s12, s18, $0xb8;
	[tilespmem:$0x1D000] =	vst v63  }
0xae: {  	_ = 	snop  }
0xaf: {  	[tilespmem:s20], [sflag:$0x1] =	stream.indirect.gather [hbm4b:s5+s18], $0x80, s24, s18, $0xb8;
	[tilespmem:$0x1D000] =	vst v63  }
0xb0: {  	_ =	swait.ge [sflag:s21], $0x4000  }
0xb1: {  	[sflag:s21] =	ssyncset.done $0x0  }
0xb2: {  	[sflag:s21] =	ssyncadd.s32 $0xFFFFC000  }
0xb3: {  	[spmem:s3] =	stream.indirect.scatter.add.f32 [tilespmem:s19], [sflag:$0x2], $0x80, s25, s18, $0xb8;
	[tilespmem:$0x1D000] =	vst v63  }
0xb4: {  	_ =	swait.ge [sflag:s21], $0x4000  }
0xb5: {  	[sflag:s21] =	ssyncset.done $0x0  }
0xb6: {  	[sflag:s21] =	ssyncadd.s32 $0xFFFFC000  }
0xb7: {  	[spmem:s3] =	stream.indirect.scatter.add.f32 [tilespmem:s20], [sflag:$0x2], $0x80, s26, s18, $0xb8;
	[tilespmem:$0x1D000] =	vst v63  }
0xb8: {  	_ =	swait.ge [sflag:s22], $0x4000  }
0xb9: {  	[sflag:s22] =	ssyncset.done $0x0  }
0xba: {  	[sflag:s22] =	ssyncadd.s32 $0xFFFFC000  }
0xbb: {  	_ =	swait.ge [sflag:s22], $0x4000  }
0xbc: {  	[sflag:s22] =	ssyncset.done $0x0  }
0xbd: {  	[sflag:s22] =	ssyncadd.s32 $0xFFFFC000  }
0xbe: {  	[tilespmem:s19], [sflag:$0x1] =	stream.indirect.gather [hbm4b:s5+s18], $0x80, s28, s18, $0xb8;
	[tilespmem:$0x1D000] =	vst v63  }
0xbf: {  	_ = 	snop  }
0xc0: {  	[tilespmem:s20], [sflag:$0x1] =	stream.indirect.gather [hbm4b:s5+s18], $0x80, s29, s18, $0xb8;
	[tilespmem:$0x1D000] =	vst v63  }
0xc1: {  	_ =	swait.ge [sflag:s21], $0x4000  }
0xc2: {  	[sflag:s21] =	ssyncset.done $0x0  }
0xc3: {  	[sflag:s21] =	ssyncadd.s32 $0xFFFFC000  }
0xc4: {  	[spmem:s3] =	stream.indirect.scatter.add.f32 [tilespmem:s19], [sflag:$0x2], $0x80, s30, s18, $0xb8;
	[tilespmem:$0x1D000] =	vst v63  }
0xc5: {  	_ =	swait.ge [sflag:s21], $0x4000  }
0xc6: {  	[sflag:s21] =	ssyncset.done $0x0  }
0xc7: {  	[sflag:s21] =	ssyncadd.s32 $0xFFFFC000  }
0xc8: {  	[spmem:s3] =	stream.indirect.scatter.add.f32 [tilespmem:s20], [sflag:$0x2], $0x80, s31, s18, $0xb8;
	[tilespmem:$0x1D000] =	vst v63  }
0xc9: {  	_ =	swait.ge [sflag:s22], $0x4000  }
0xca: {  	[sflag:s22] =	ssyncset.done $0x0  }
0xcb: {  	[sflag:s22] =	ssyncadd.s32 $0xFFFFC000  }
0xcc: {  	_ =	swait.ge [sflag:s22], $0x4000  }
0xcd: {  	[sflag:s22] =	ssyncset.done $0x0  }
0xce: {  	[sflag:s22] =	ssyncadd.s32 $0xFFFFC000  }
0xcf: {  	_ =	swait.ge [sflag:s23], $0x400  }
0xd0: {  	[sflag:s23] =	ssyncset.done $0x0  }
0xd1: {  	[sflag:s23] =	ssyncadd.s32 $0xFFFFFC00  }
0xd2: {  	s0 =	simm.s32 $0x100;
	s7 =	simm.s32 $0x20;
	_ =	swait.ge [sflag:s23], $0x400  }
0xd3: {  	s9 =	simm.s32 $0x200;
	s11 =	rddreg [dreg:$0x5];
	[sflag:s23] =	ssyncset.done $0x0  }
.LBB2_2:
0xd4: {  	[sflag:s23] =	ssyncadd.s32 $0xFFFFFC00;
	s12 =	rddreg [dreg:$0x6];
	s11 =	sadd.s32 s0, s11  }
0xd5: {  	[tilespmem:s16], [sflag:$0x3] =	stream.linear.gather [hbm4b:s11+s4], $0x400, $0x38;
	[tilespmem:$0x1D000] =	vst v63  }
0xd6: {  	s12 =	sadd.s32 s0, s12  }
0xd7: {  	[tilespmem:s17], [sflag:$0x3] =	stream.linear.gather [hbm4b:s12+s4], $0x400, $0x38;
	[tilespmem:$0x1D000] =	vst v63  }
0xd8: {  	_ = 	snop  }
0xd9: {  	[tilespmem:s19], [sflag:$0x1] =	stream.indirect.gather [hbm4b:s5+s18], $0x80, s4, s18, $0xb8;
	[tilespmem:$0x1D000] =	vst v63  }
0xda: {  	_ = 	snop  }
0xdb: {  	[tilespmem:s20], [sflag:$0x1] =	stream.indirect.gather [hbm4b:s5+s18], $0x80, s18, s18, $0xb8;
	[tilespmem:$0x1D000] =	vst v63  }
0xdc: {  	_ =	swait.ge [sflag:s21], $0x4000  }
0xdd: {  	[sflag:s21] =	ssyncset.done $0x0  }
0xde: {  	[sflag:s21] =	ssyncadd.s32 $0xFFFFC000  }
0xdf: {  	[spmem:s3] =	stream.indirect.scatter.add.f32 [tilespmem:s19], [sflag:$0x2], $0x80, s15, s18, $0xb8;
	[tilespmem:$0x1D000] =	vst v63  }
0xe0: {  	_ =	swait.ge [sflag:s21], $0x4000  }
0xe1: {  	[sflag:s21] =	ssyncset.done $0x0  }
0xe2: {  	s12 =	rddreg [dreg:$0x7];
	[sflag:s21] =	ssyncadd.s32 $0xFFFFC000  }
0xe3: {  	[spmem:s3] =	stream.indirect.scatter.add.f32 [tilespmem:s20], [sflag:$0x2], $0x80, s12, s18, $0xb8;
	[tilespmem:$0x1D000] =	vst v63  }
0xe4: {  	_ =	swait.ge [sflag:s22], $0x4000  }
0xe5: {  	[sflag:s22] =	ssyncset.done $0x0  }
0xe6: {  	[sflag:s22] =	ssyncadd.s32 $0xFFFFC000  }
0xe7: {  	_ =	swait.ge [sflag:s22], $0x4000  }
0xe8: {  	[sflag:s22] =	ssyncset.done $0x0  }
0xe9: {  	s11 =	rddreg [dreg:$0x8];
	[sflag:s22] =	ssyncadd.s32 $0xFFFFC000  }
0xea: {  	[tilespmem:s19], [sflag:$0x1] =	stream.indirect.gather [hbm4b:s5+s18], $0x80, s11, s18, $0xb8;
	[tilespmem:$0x1D000] =	vst v63  }
0xeb: {  	s12 =	rddreg [dreg:$0x9]  }
0xec: {  	[tilespmem:s20], [sflag:$0x1] =	stream.indirect.gather [hbm4b:s5+s18], $0x80, s12, s18, $0xb8;
	[tilespmem:$0x1D000] =	vst v63  }
0xed: {  	_ =	swait.ge [sflag:s21], $0x4000  }
0xee: {  	[sflag:s21] =	ssyncset.done $0x0  }
0xef: {  	s12 =	rddreg [dreg:$0xa];
	[sflag:s21] =	ssyncadd.s32 $0xFFFFC000  }
0xf0: {  	[spmem:s3] =	stream.indirect.scatter.add.f32 [tilespmem:s19], [sflag:$0x2], $0x80, s12, s18, $0xb8;
	[tilespmem:$0x1D000] =	vst v63  }
0xf1: {  	_ =	swait.ge [sflag:s21], $0x4000  }
0xf2: {  	[sflag:s21] =	ssyncset.done $0x0  }
0xf3: {  	s12 =	rddreg [dreg:$0xb];
	[sflag:s21] =	ssyncadd.s32 $0xFFFFC000  }
0xf4: {  	[spmem:s3] =	stream.indirect.scatter.add.f32 [tilespmem:s20], [sflag:$0x2], $0x80, s12, s18, $0xb8;
	[tilespmem:$0x1D000] =	vst v63  }
0xf5: {  	_ =	swait.ge [sflag:s22], $0x4000  }
0xf6: {  	[sflag:s22] =	ssyncset.done $0x0  }
0xf7: {  	[sflag:s22] =	ssyncadd.s32 $0xFFFFC000  }
0xf8: {  	_ =	swait.ge [sflag:s22], $0x4000  }
0xf9: {  	[sflag:s22] =	ssyncset.done $0x0  }
0xfa: {  	s11 =	rddreg [dreg:$0xc];
	[sflag:s22] =	ssyncadd.s32 $0xFFFFC000  }
0xfb: {  	[tilespmem:s19], [sflag:$0x1] =	stream.indirect.gather [hbm4b:s5+s18], $0x80, s11, s18, $0xb8;
	[tilespmem:$0x1D000] =	vst v63  }
0xfc: {  	s12 =	rddreg [dreg:$0xd]  }
0xfd: {  	[tilespmem:s20], [sflag:$0x1] =	stream.indirect.gather [hbm4b:s5+s18], $0x80, s12, s18, $0xb8;
	[tilespmem:$0x1D000] =	vst v63  }
0xfe: {  	_ =	swait.ge [sflag:s21], $0x4000  }
0xff: {  	[sflag:s21] =	ssyncset.done $0x0  }
0x100: {  	s12 =	rddreg [dreg:$0xe];
	[sflag:s21] =	ssyncadd.s32 $0xFFFFC000  }
0x101: {  	[spmem:s3] =	stream.indirect.scatter.add.f32 [tilespmem:s19], [sflag:$0x2], $0x80, s12, s18, $0xb8;
	[tilespmem:$0x1D000] =	vst v63  }
0x102: {  	_ =	swait.ge [sflag:s21], $0x4000  }
0x103: {  	[sflag:s21] =	ssyncset.done $0x0  }
0x104: {  	s12 =	rddreg [dreg:$0xf];
	[sflag:s21] =	ssyncadd.s32 $0xFFFFC000  }
0x105: {  	[spmem:s3] =	stream.indirect.scatter.add.f32 [tilespmem:s20], [sflag:$0x2], $0x80, s12, s18, $0xb8;
	[tilespmem:$0x1D000] =	vst v63  }
0x106: {  	_ =	swait.ge [sflag:s22], $0x4000  }
0x107: {  	[sflag:s22] =	ssyncset.done $0x0  }
0x108: {  	[sflag:s22] =	ssyncadd.s32 $0xFFFFC000  }
0x109: {  	_ =	swait.ge [sflag:s22], $0x4000  }
0x10a: {  	[sflag:s22] =	ssyncset.done $0x0  }
0x10b: {  	s11 =	rddreg [dreg:$0x10];
	[sflag:s22] =	ssyncadd.s32 $0xFFFFC000  }
0x10c: {  	[tilespmem:s19], [sflag:$0x1] =	stream.indirect.gather [hbm4b:s5+s18], $0x80, s11, s18, $0xb8;
	[tilespmem:$0x1D000] =	vst v63  }
0x10d: {  	s12 =	rddreg [dreg:$0x11]  }
0x10e: {  	[tilespmem:s20], [sflag:$0x1] =	stream.indirect.gather [hbm4b:s5+s18], $0x80, s12, s18, $0xb8;
	[tilespmem:$0x1D000] =	vst v63  }
0x10f: {  	_ =	swait.ge [sflag:s21], $0x4000  }
0x110: {  	[sflag:s21] =	ssyncset.done $0x0  }
0x111: {  	s12 =	rddreg [dreg:$0x12];
	[sflag:s21] =	ssyncadd.s32 $0xFFFFC000  }
0x112: {  	[spmem:s3] =	stream.indirect.scatter.add.f32 [tilespmem:s19], [sflag:$0x2], $0x80, s12, s18, $0xb8;
	[tilespmem:$0x1D000] =	vst v63  }
0x113: {  	_ =	swait.ge [sflag:s21], $0x4000  }
0x114: {  	[sflag:s21] =	ssyncset.done $0x0  }
0x115: {  	s12 =	rddreg [dreg:$0x13];
	[sflag:s21] =	ssyncadd.s32 $0xFFFFC000  }
0x116: {  	[spmem:s3] =	stream.indirect.scatter.add.f32 [tilespmem:s20], [sflag:$0x2], $0x80, s12, s18, $0xb8;
	[tilespmem:$0x1D000] =	vst v63  }
0x117: {  	_ =	swait.ge [sflag:s22], $0x4000  }
0x118: {  	[sflag:s22] =	ssyncset.done $0x0  }
0x119: {  	[sflag:s22] =	ssyncadd.s32 $0xFFFFC000  }
0x11a: {  	_ =	swait.ge [sflag:s22], $0x4000  }
0x11b: {  	[sflag:s22] =	ssyncset.done $0x0  }
0x11c: {  	[sflag:s22] =	ssyncadd.s32 $0xFFFFC000  }
0x11d: {  	_ =	swait.ge [sflag:s23], $0x400  }
0x11e: {  	[sflag:s23] =	ssyncset.done $0x0  }
0x11f: {  	s10 =	smov.u32 s9;
	p1 =	seq.s32 s0, $0x400;
	[sflag:s23] =	ssyncadd.s32 $0xFFFFFC00  }
0x120: {  	s0 =	smov.u32 s10;
	s10 =	smov.u32 s7;
	_ =	swait.ge [sflag:s23], $0x400  }
0x121: {  	s10 =	simm.s32 @p1 $0x0;
	s12 =	rddreg [dreg:$0x4]  }
0x122: {  	s10 =	sadd.s32 s12, s10  }
0x123: {  	[sflag:s23] =	ssyncset.done $0x0;
	s10 =	sshll.u32 s10, $0x4  }
0x124: {  	[sflag:s23] =	ssyncadd.s32 $0xFFFFFC00;
	s12 =	sadd.s32 s2, s10  }
0x125: {  	[tilespmem:s4], [sflag:$0x3] =	stream.linear.gather [hbm4b:s12+s4], $0x400, $0x38;
	[tilespmem:$0x1D000] =	vst v63  }
0x126: {  	s10 =	sadd.s32 s6, s10  }
0x127: {  	[tilespmem:s15], [sflag:$0x3] =	stream.linear.gather [hbm4b:s10+s4], $0x400, $0x38;
	[tilespmem:$0x1D000] =	vst v63  }
0x128: {  	_ = 	snop  }
0x129: {  	[tilespmem:s19], [sflag:$0x1] =	stream.indirect.gather [hbm4b:s5+s18], $0x80, s16, s18, $0xb8;
	[tilespmem:$0x1D000] =	vst v63  }
0x12a: {  	s11 =	rddreg [dreg:$0x14]  }
0x12b: {  	[tilespmem:s20], [sflag:$0x1] =	stream.indirect.gather [hbm4b:s5+s18], $0x80, s11, s18, $0xb8;
	[tilespmem:$0x1D000] =	vst v63  }
0x12c: {  	_ =	swait.ge [sflag:s21], $0x4000  }
0x12d: {  	[sflag:s21] =	ssyncset.done $0x0  }
0x12e: {  	[sflag:s21] =	ssyncadd.s32 $0xFFFFC000  }
0x12f: {  	[spmem:s3] =	stream.indirect.scatter.add.f32 [tilespmem:s19], [sflag:$0x2], $0x80, s17, s18, $0xb8;
	[tilespmem:$0x1D000] =	vst v63  }
0x130: {  	_ =	swait.ge [sflag:s21], $0x4000  }
0x131: {  	[sflag:s21] =	ssyncset.done $0x0  }
0x132: {  	s12 =	rddreg [dreg:$0x15];
	[sflag:s21] =	ssyncadd.s32 $0xFFFFC000  }
0x133: {  	[spmem:s3] =	stream.indirect.scatter.add.f32 [tilespmem:s20], [sflag:$0x2], $0x80, s12, s18, $0xb8;
	[tilespmem:$0x1D000] =	vst v63  }
0x134: {  	_ =	swait.ge [sflag:s22], $0x4000  }
0x135: {  	[sflag:s22] =	ssyncset.done $0x0  }
0x136: {  	[sflag:s22] =	ssyncadd.s32 $0xFFFFC000  }
0x137: {  	_ =	swait.ge [sflag:s22], $0x4000  }
0x138: {  	[sflag:s22] =	ssyncset.done $0x0  }
0x139: {  	s11 =	rddreg [dreg:$0x16];
	[sflag:s22] =	ssyncadd.s32 $0xFFFFC000  }
0x13a: {  	[tilespmem:s19], [sflag:$0x1] =	stream.indirect.gather [hbm4b:s5+s18], $0x80, s11, s18, $0xb8;
	[tilespmem:$0x1D000] =	vst v63  }
0x13b: {  	s12 =	rddreg [dreg:$0x17]  }
0x13c: {  	[tilespmem:s20], [sflag:$0x1] =	stream.indirect.gather [hbm4b:s5+s18], $0x80, s12, s18, $0xb8;
	[tilespmem:$0x1D000] =	vst v63  }
0x13d: {  	_ =	swait.ge [sflag:s21], $0x4000  }
0x13e: {  	[sflag:s21] =	ssyncset.done $0x0  }
0x13f: {  	s12 =	rddreg [dreg:$0x18];
	[sflag:s21] =	ssyncadd.s32 $0xFFFFC000  }
0x140: {  	[spmem:s3] =	stream.indirect.scatter.add.f32 [tilespmem:s19], [sflag:$0x2], $0x80, s12, s18, $0xb8;
	[tilespmem:$0x1D000] =	vst v63  }
0x141: {  	_ =	swait.ge [sflag:s21], $0x4000  }
0x142: {  	[sflag:s21] =	ssyncset.done $0x0  }
0x143: {  	s11 =	rddreg [dreg:$0x19];
	[sflag:s21] =	ssyncadd.s32 $0xFFFFC000  }
0x144: {  	[spmem:s3] =	stream.indirect.scatter.add.f32 [tilespmem:s20], [sflag:$0x2], $0x80, s11, s18, $0xb8;
	[tilespmem:$0x1D000] =	vst v63  }
0x145: {  	_ =	swait.ge [sflag:s22], $0x4000  }
0x146: {  	[sflag:s22] =	ssyncset.done $0x0  }
0x147: {  	[sflag:s22] =	ssyncadd.s32 $0xFFFFC000  }
0x148: {  	_ =	swait.ge [sflag:s22], $0x4000  }
0x149: {  	[sflag:s22] =	ssyncset.done $0x0  }
0x14a: {  	s12 =	rddreg [dreg:$0x1a];
	[sflag:s22] =	ssyncadd.s32 $0xFFFFC000  }
0x14b: {  	[tilespmem:s19], [sflag:$0x1] =	stream.indirect.gather [hbm4b:s5+s18], $0x80, s12, s18, $0xb8;
	[tilespmem:$0x1D000] =	vst v63  }
0x14c: {  	_ = 	snop  }
0x14d: {  	[tilespmem:s20], [sflag:$0x1] =	stream.indirect.gather [hbm4b:s5+s18], $0x80, s24, s18, $0xb8;
	[tilespmem:$0x1D000] =	vst v63  }
0x14e: {  	_ =	swait.ge [sflag:s21], $0x4000  }
0x14f: {  	[sflag:s21] =	ssyncset.done $0x0  }
0x150: {  	[sflag:s21] =	ssyncadd.s32 $0xFFFFC000  }
0x151: {  	[spmem:s3] =	stream.indirect.scatter.add.f32 [tilespmem:s19], [sflag:$0x2], $0x80, s25, s18, $0xb8;
	[tilespmem:$0x1D000] =	vst v63  }
0x152: {  	_ =	swait.ge [sflag:s21], $0x4000  }
0x153: {  	[sflag:s21] =	ssyncset.done $0x0  }
0x154: {  	[sflag:s21] =	ssyncadd.s32 $0xFFFFC000  }
0x155: {  	[spmem:s3] =	stream.indirect.scatter.add.f32 [tilespmem:s20], [sflag:$0x2], $0x80, s26, s18, $0xb8;
	[tilespmem:$0x1D000] =	vst v63  }
0x156: {  	_ =	swait.ge [sflag:s22], $0x4000  }
0x157: {  	[sflag:s22] =	ssyncset.done $0x0  }
0x158: {  	[sflag:s22] =	ssyncadd.s32 $0xFFFFC000  }
0x159: {  	_ =	swait.ge [sflag:s22], $0x4000  }
0x15a: {  	[sflag:s22] =	ssyncset.done $0x0  }
0x15b: {  	[sflag:s22] =	ssyncadd.s32 $0xFFFFC000  }
0x15c: {  	[tilespmem:s19], [sflag:$0x1] =	stream.indirect.gather [hbm4b:s5+s18], $0x80, s28, s18, $0xb8;
	[tilespmem:$0x1D000] =	vst v63  }
0x15d: {  	_ = 	snop  }
0x15e: {  	[tilespmem:s20], [sflag:$0x1] =	stream.indirect.gather [hbm4b:s5+s18], $0x80, s29, s18, $0xb8;
	[tilespmem:$0x1D000] =	vst v63  }
0x15f: {  	_ =	swait.ge [sflag:s21], $0x4000  }
0x160: {  	[sflag:s21] =	ssyncset.done $0x0  }
0x161: {  	[sflag:s21] =	ssyncadd.s32 $0xFFFFC000  }
0x162: {  	[spmem:s3] =	stream.indirect.scatter.add.f32 [tilespmem:s19], [sflag:$0x2], $0x80, s30, s18, $0xb8;
	[tilespmem:$0x1D000] =	vst v63  }
0x163: {  	_ =	swait.ge [sflag:s21], $0x4000  }
0x164: {  	[sflag:s21] =	ssyncset.done $0x0  }
0x165: {  	[sflag:s21] =	ssyncadd.s32 $0xFFFFC000  }
0x166: {  	[spmem:s3] =	stream.indirect.scatter.add.f32 [tilespmem:s20], [sflag:$0x2], $0x80, s31, s18, $0xb8;
	[tilespmem:$0x1D000] =	vst v63  }
0x167: {  	_ =	swait.ge [sflag:s22], $0x4000  }
0x168: {  	[sflag:s22] =	ssyncset.done $0x0  }
0x169: {  	[sflag:s22] =	ssyncadd.s32 $0xFFFFC000  }
0x16a: {  	_ =	swait.ge [sflag:s22], $0x4000  }
0x16b: {  	[sflag:s22] =	ssyncset.done $0x0  }
0x16c: {  	p0 =	sne.s32 s9, $0x400;
	[sflag:s22] =	ssyncadd.s32 $0xFFFFC000  }
.Ltmp0:
0x16d: {  	_ =	swait.ge [sflag:s23], $0x400;
	(pc) =	sbr.rel @p0 .LBB2_2-.Ltmp0, $4  }
0x16e: {  	[sflag:s23] =	ssyncset.done $0x0  }
0x16f: {  	[sflag:s23] =	ssyncadd.s32 $0xFFFFFC00  }
0x170: {  	s9 =	sadd.s32 $0x100, s9;
	_ =	swait.ge [sflag:s23], $0x400  }
0x171: {  	s7 =	sadd.s32 $0x10, s7;
	s11 =	rddreg [dreg:$0x5];
	[sflag:s23] =	ssyncset.done $0x0  }
0x172: {  	s9 =	rddreg [dreg:$0x6];
	[sflag:s23] =	ssyncadd.s32 $0xFFFFFC00;
	s10 =	sadd.s32 s0, s11  }
0x173: {  	[tilespmem:s16], [sflag:$0x3] =	stream.linear.gather [hbm4b:s10+s4], $0x400, $0x38;
	[tilespmem:$0x1D000] =	vst v63  }
0x174: {  	s9 =	sadd.s32 s0, s9  }
0x175: {  	[tilespmem:s17], [sflag:$0x3] =	stream.linear.gather [hbm4b:s9+s4], $0x400, $0x38;
	[tilespmem:$0x1D000] =	vst v63  }
0x176: {  	_ = 	snop  }
0x177: {  	[tilespmem:s19], [sflag:$0x1] =	stream.indirect.gather [hbm4b:s5+s18], $0x80, s4, s18, $0xb8;
	[tilespmem:$0x1D000] =	vst v63  }
0x178: {  	_ = 	snop  }
0x179: {  	[tilespmem:s20], [sflag:$0x1] =	stream.indirect.gather [hbm4b:s5+s18], $0x80, s18, s18, $0xb8;
	[tilespmem:$0x1D000] =	vst v63  }
0x17a: {  	_ =	swait.ge [sflag:s21], $0x4000  }
0x17b: {  	[sflag:s21] =	ssyncset.done $0x0  }
0x17c: {  	[sflag:s21] =	ssyncadd.s32 $0xFFFFC000  }
0x17d: {  	[spmem:s3] =	stream.indirect.scatter.add.f32 [tilespmem:s19], [sflag:$0x2], $0x80, s15, s18, $0xb8;
	[tilespmem:$0x1D000] =	vst v63  }
0x17e: {  	_ =	swait.ge [sflag:s21], $0x4000  }
0x17f: {  	[sflag:s21] =	ssyncset.done $0x0  }
0x180: {  	s10 =	rddreg [dreg:$0x7];
	[sflag:s21] =	ssyncadd.s32 $0xFFFFC000  }
0x181: {  	[spmem:s3] =	stream.indirect.scatter.add.f32 [tilespmem:s20], [sflag:$0x2], $0x80, s10, s18, $0xb8;
	[tilespmem:$0x1D000] =	vst v63  }
0x182: {  	_ =	swait.ge [sflag:s22], $0x4000  }
0x183: {  	[sflag:s22] =	ssyncset.done $0x0  }
0x184: {  	[sflag:s22] =	ssyncadd.s32 $0xFFFFC000  }
0x185: {  	_ =	swait.ge [sflag:s22], $0x4000  }
0x186: {  	[sflag:s22] =	ssyncset.done $0x0  }
0x187: {  	s11 =	rddreg [dreg:$0x8];
	[sflag:s22] =	ssyncadd.s32 $0xFFFFC000  }
0x188: {  	[tilespmem:s19], [sflag:$0x1] =	stream.indirect.gather [hbm4b:s5+s18], $0x80, s11, s18, $0xb8;
	[tilespmem:$0x1D000] =	vst v63  }
0x189: {  	s12 =	rddreg [dreg:$0x9]  }
0x18a: {  	[tilespmem:s20], [sflag:$0x1] =	stream.indirect.gather [hbm4b:s5+s18], $0x80, s12, s18, $0xb8;
	[tilespmem:$0x1D000] =	vst v63  }
0x18b: {  	_ =	swait.ge [sflag:s21], $0x4000  }
0x18c: {  	[sflag:s21] =	ssyncset.done $0x0  }
0x18d: {  	s11 =	rddreg [dreg:$0xa];
	[sflag:s21] =	ssyncadd.s32 $0xFFFFC000  }
0x18e: {  	[spmem:s3] =	stream.indirect.scatter.add.f32 [tilespmem:s19], [sflag:$0x2], $0x80, s11, s18, $0xb8;
	[tilespmem:$0x1D000] =	vst v63  }
0x18f: {  	_ =	swait.ge [sflag:s21], $0x4000  }
0x190: {  	[sflag:s21] =	ssyncset.done $0x0  }
0x191: {  	s12 =	rddreg [dreg:$0xb];
	[sflag:s21] =	ssyncadd.s32 $0xFFFFC000  }
0x192: {  	[spmem:s3] =	stream.indirect.scatter.add.f32 [tilespmem:s20], [sflag:$0x2], $0x80, s12, s18, $0xb8;
	[tilespmem:$0x1D000] =	vst v63  }
0x193: {  	_ =	swait.ge [sflag:s22], $0x4000  }
0x194: {  	[sflag:s22] =	ssyncset.done $0x0  }
0x195: {  	[sflag:s22] =	ssyncadd.s32 $0xFFFFC000  }
0x196: {  	_ =	swait.ge [sflag:s22], $0x4000  }
0x197: {  	[sflag:s22] =	ssyncset.done $0x0  }
0x198: {  	s10 =	rddreg [dreg:$0xc];
	[sflag:s22] =	ssyncadd.s32 $0xFFFFC000  }
0x199: {  	[tilespmem:s19], [sflag:$0x1] =	stream.indirect.gather [hbm4b:s5+s18], $0x80, s10, s18, $0xb8;
	[tilespmem:$0x1D000] =	vst v63  }
0x19a: {  	s11 =	rddreg [dreg:$0xd]  }
0x19b: {  	[tilespmem:s20], [sflag:$0x1] =	stream.indirect.gather [hbm4b:s5+s18], $0x80, s11, s18, $0xb8;
	[tilespmem:$0x1D000] =	vst v63  }
0x19c: {  	_ =	swait.ge [sflag:s21], $0x4000  }
0x19d: {  	[sflag:s21] =	ssyncset.done $0x0  }
0x19e: {  	s12 =	rddreg [dreg:$0xe];
	[sflag:s21] =	ssyncadd.s32 $0xFFFFC000  }
0x19f: {  	[spmem:s3] =	stream.indirect.scatter.add.f32 [tilespmem:s19], [sflag:$0x2], $0x80, s12, s18, $0xb8;
	[tilespmem:$0x1D000] =	vst v63  }
0x1a0: {  	_ =	swait.ge [sflag:s21], $0x4000  }
0x1a1: {  	[sflag:s21] =	ssyncset.done $0x0  }
0x1a2: {  	s10 =	rddreg [dreg:$0xf];
	[sflag:s21] =	ssyncadd.s32 $0xFFFFC000  }
0x1a3: {  	[spmem:s3] =	stream.indirect.scatter.add.f32 [tilespmem:s20], [sflag:$0x2], $0x80, s10, s18, $0xb8;
	[tilespmem:$0x1D000] =	vst v63  }
0x1a4: {  	_ =	swait.ge [sflag:s22], $0x4000  }
0x1a5: {  	[sflag:s22] =	ssyncset.done $0x0  }
0x1a6: {  	[sflag:s22] =	ssyncadd.s32 $0xFFFFC000  }
0x1a7: {  	_ =	swait.ge [sflag:s22], $0x4000  }
0x1a8: {  	[sflag:s22] =	ssyncset.done $0x0  }
0x1a9: {  	s11 =	rddreg [dreg:$0x10];
	[sflag:s22] =	ssyncadd.s32 $0xFFFFC000  }
0x1aa: {  	[tilespmem:s19], [sflag:$0x1] =	stream.indirect.gather [hbm4b:s5+s18], $0x80, s11, s18, $0xb8;
	[tilespmem:$0x1D000] =	vst v63  }
0x1ab: {  	s12 =	rddreg [dreg:$0x11]  }
0x1ac: {  	[tilespmem:s20], [sflag:$0x1] =	stream.indirect.gather [hbm4b:s5+s18], $0x80, s12, s18, $0xb8;
	[tilespmem:$0x1D000] =	vst v63  }
0x1ad: {  	_ =	swait.ge [sflag:s21], $0x4000  }
0x1ae: {  	[sflag:s21] =	ssyncset.done $0x0  }
0x1af: {  	s11 =	rddreg [dreg:$0x12];
	[sflag:s21] =	ssyncadd.s32 $0xFFFFC000  }
0x1b0: {  	[spmem:s3] =	stream.indirect.scatter.add.f32 [tilespmem:s19], [sflag:$0x2], $0x80, s11, s18, $0xb8;
	[tilespmem:$0x1D000] =	vst v63  }
0x1b1: {  	_ =	swait.ge [sflag:s21], $0x4000  }
0x1b2: {  	[sflag:s21] =	ssyncset.done $0x0  }
0x1b3: {  	s12 =	rddreg [dreg:$0x13];
	[sflag:s21] =	ssyncadd.s32 $0xFFFFC000  }
0x1b4: {  	[spmem:s3] =	stream.indirect.scatter.add.f32 [tilespmem:s20], [sflag:$0x2], $0x80, s12, s18, $0xb8;
	[tilespmem:$0x1D000] =	vst v63  }
0x1b5: {  	_ =	swait.ge [sflag:s22], $0x4000  }
0x1b6: {  	[sflag:s22] =	ssyncset.done $0x0  }
0x1b7: {  	[sflag:s22] =	ssyncadd.s32 $0xFFFFC000  }
0x1b8: {  	_ =	swait.ge [sflag:s22], $0x4000  }
0x1b9: {  	[sflag:s22] =	ssyncset.done $0x0  }
0x1ba: {  	[sflag:s22] =	ssyncadd.s32 $0xFFFFC000  }
0x1bb: {  	_ =	swait.ge [sflag:s23], $0x400  }
0x1bc: {  	[sflag:s23] =	ssyncset.done $0x0  }
0x1bd: {  	[sflag:s23] =	ssyncadd.s32 $0xFFFFFC00  }
0x1be: {  	p0 =	seq.s32 s0, $0x400;
	_ =	swait.ge [sflag:s23], $0x400  }
0x1bf: {  	s7 =	simm.s32 @p0 $0x0;
	s10 =	rddreg [dreg:$0x4]  }
0x1c0: {  	s11 =	sadd.s32 s10, s7  }
0x1c1: {  	[sflag:s23] =	ssyncset.done $0x0;
	s0 =	sshll.u32 s11, $0x4  }
0x1c2: {  	[sflag:s23] =	ssyncadd.s32 $0xFFFFFC00;
	s12 =	sadd.s32 s2, s0  }
0x1c3: {  	[tilespmem:s4], [sflag:$0x3] =	stream.linear.gather [hbm4b:s12+s4], $0x400, $0x38;
	[tilespmem:$0x1D000] =	vst v63  }
0x1c4: {  	s0 =	sadd.s32 s6, s0  }
0x1c5: {  	[tilespmem:s15], [sflag:$0x3] =	stream.linear.gather [hbm4b:s0+s4], $0x400, $0x38;
	[tilespmem:$0x1D000] =	vst v63  }
0x1c6: {  	_ = 	snop  }
0x1c7: {  	[tilespmem:s19], [sflag:$0x1] =	stream.indirect.gather [hbm4b:s5+s18], $0x80, s16, s18, $0xb8;
	[tilespmem:$0x1D000] =	vst v63  }
0x1c8: {  	s9 =	rddreg [dreg:$0x14]  }
0x1c9: {  	[tilespmem:s20], [sflag:$0x1] =	stream.indirect.gather [hbm4b:s5+s18], $0x80, s9, s18, $0xb8;
	[tilespmem:$0x1D000] =	vst v63  }
0x1ca: {  	_ =	swait.ge [sflag:s21], $0x4000  }
0x1cb: {  	[sflag:s21] =	ssyncset.done $0x0  }
0x1cc: {  	[sflag:s21] =	ssyncadd.s32 $0xFFFFC000  }
0x1cd: {  	[spmem:s3] =	stream.indirect.scatter.add.f32 [tilespmem:s19], [sflag:$0x2], $0x80, s17, s18, $0xb8;
	[tilespmem:$0x1D000] =	vst v63  }
0x1ce: {  	_ =	swait.ge [sflag:s21], $0x4000  }
0x1cf: {  	[sflag:s21] =	ssyncset.done $0x0  }
0x1d0: {  	s10 =	rddreg [dreg:$0x15];
	[sflag:s21] =	ssyncadd.s32 $0xFFFFC000  }
0x1d1: {  	[spmem:s3] =	stream.indirect.scatter.add.f32 [tilespmem:s20], [sflag:$0x2], $0x80, s10, s18, $0xb8;
	[tilespmem:$0x1D000] =	vst v63  }
0x1d2: {  	_ =	swait.ge [sflag:s22], $0x4000  }
0x1d3: {  	[sflag:s22] =	ssyncset.done $0x0  }
0x1d4: {  	[sflag:s22] =	ssyncadd.s32 $0xFFFFC000  }
0x1d5: {  	_ =	swait.ge [sflag:s22], $0x4000  }
0x1d6: {  	[sflag:s22] =	ssyncset.done $0x0  }
0x1d7: {  	s11 =	rddreg [dreg:$0x16];
	[sflag:s22] =	ssyncadd.s32 $0xFFFFC000  }
0x1d8: {  	[tilespmem:s19], [sflag:$0x1] =	stream.indirect.gather [hbm4b:s5+s18], $0x80, s11, s18, $0xb8;
	[tilespmem:$0x1D000] =	vst v63  }
0x1d9: {  	s12 =	rddreg [dreg:$0x17]  }
0x1da: {  	[tilespmem:s20], [sflag:$0x1] =	stream.indirect.gather [hbm4b:s5+s18], $0x80, s12, s18, $0xb8;
	[tilespmem:$0x1D000] =	vst v63  }
0x1db: {  	_ =	swait.ge [sflag:s21], $0x4000  }
0x1dc: {  	[sflag:s21] =	ssyncset.done $0x0  }
0x1dd: {  	s7 =	rddreg [dreg:$0x18];
	[sflag:s21] =	ssyncadd.s32 $0xFFFFC000  }
0x1de: {  	[spmem:s3] =	stream.indirect.scatter.add.f32 [tilespmem:s19], [sflag:$0x2], $0x80, s7, s18, $0xb8;
	[tilespmem:$0x1D000] =	vst v63  }
0x1df: {  	_ =	swait.ge [sflag:s21], $0x4000  }
0x1e0: {  	[sflag:s21] =	ssyncset.done $0x0  }
0x1e1: {  	s9 =	rddreg [dreg:$0x19];
	[sflag:s21] =	ssyncadd.s32 $0xFFFFC000  }
0x1e2: {  	[spmem:s3] =	stream.indirect.scatter.add.f32 [tilespmem:s20], [sflag:$0x2], $0x80, s9, s18, $0xb8;
	[tilespmem:$0x1D000] =	vst v63  }
0x1e3: {  	_ =	swait.ge [sflag:s22], $0x4000  }
0x1e4: {  	[sflag:s22] =	ssyncset.done $0x0  }
0x1e5: {  	[sflag:s22] =	ssyncadd.s32 $0xFFFFC000  }
0x1e6: {  	_ =	swait.ge [sflag:s22], $0x4000  }
0x1e7: {  	[sflag:s22] =	ssyncset.done $0x0  }
0x1e8: {  	s10 =	rddreg [dreg:$0x1a];
	[sflag:s22] =	ssyncadd.s32 $0xFFFFC000  }
0x1e9: {  	[tilespmem:s19], [sflag:$0x1] =	stream.indirect.gather [hbm4b:s5+s18], $0x80, s10, s18, $0xb8;
	[tilespmem:$0x1D000] =	vst v63  }
0x1ea: {  	_ = 	snop  }
0x1eb: {  	[tilespmem:s20], [sflag:$0x1] =	stream.indirect.gather [hbm4b:s5+s18], $0x80, s24, s18, $0xb8;
	[tilespmem:$0x1D000] =	vst v63  }
0x1ec: {  	_ =	swait.ge [sflag:s21], $0x4000  }
0x1ed: {  	[sflag:s21] =	ssyncset.done $0x0  }
0x1ee: {  	[sflag:s21] =	ssyncadd.s32 $0xFFFFC000  }
0x1ef: {  	[spmem:s3] =	stream.indirect.scatter.add.f32 [tilespmem:s19], [sflag:$0x2], $0x80, s25, s18, $0xb8;
	[tilespmem:$0x1D000] =	vst v63  }
0x1f0: {  	_ =	swait.ge [sflag:s21], $0x4000  }
0x1f1: {  	[sflag:s21] =	ssyncset.done $0x0  }
0x1f2: {  	[sflag:s21] =	ssyncadd.s32 $0xFFFFC000  }
0x1f3: {  	[spmem:s3] =	stream.indirect.scatter.add.f32 [tilespmem:s20], [sflag:$0x2], $0x80, s26, s18, $0xb8;
	[tilespmem:$0x1D000] =	vst v63  }
0x1f4: {  	_ =	swait.ge [sflag:s22], $0x4000  }
0x1f5: {  	[sflag:s22] =	ssyncset.done $0x0  }
0x1f6: {  	[sflag:s22] =	ssyncadd.s32 $0xFFFFC000  }
0x1f7: {  	_ =	swait.ge [sflag:s22], $0x4000  }
0x1f8: {  	[sflag:s22] =	ssyncset.done $0x0  }
0x1f9: {  	[sflag:s22] =	ssyncadd.s32 $0xFFFFC000  }
0x1fa: {  	[tilespmem:s19], [sflag:$0x1] =	stream.indirect.gather [hbm4b:s5+s18], $0x80, s28, s18, $0xb8;
	[tilespmem:$0x1D000] =	vst v63  }
0x1fb: {  	_ = 	snop  }
0x1fc: {  	[tilespmem:s20], [sflag:$0x1] =	stream.indirect.gather [hbm4b:s5+s18], $0x80, s29, s18, $0xb8;
	[tilespmem:$0x1D000] =	vst v63  }
0x1fd: {  	_ =	swait.ge [sflag:s21], $0x4000  }
0x1fe: {  	[sflag:s21] =	ssyncset.done $0x0  }
0x1ff: {  	[sflag:s21] =	ssyncadd.s32 $0xFFFFC000  }
0x200: {  	[spmem:s3] =	stream.indirect.scatter.add.f32 [tilespmem:s19], [sflag:$0x2], $0x80, s30, s18, $0xb8;
	[tilespmem:$0x1D000] =	vst v63  }
0x201: {  	_ =	swait.ge [sflag:s21], $0x4000  }
0x202: {  	[sflag:s21] =	ssyncset.done $0x0  }
0x203: {  	[sflag:s21] =	ssyncadd.s32 $0xFFFFC000  }
0x204: {  	[spmem:s3] =	stream.indirect.scatter.add.f32 [tilespmem:s20], [sflag:$0x2], $0x80, s31, s18, $0xb8;
	[tilespmem:$0x1D000] =	vst v63  }
0x205: {  	_ =	swait.ge [sflag:s22], $0x4000  }
0x206: {  	[sflag:s22] =	ssyncset.done $0x0  }
0x207: {  	[sflag:s22] =	ssyncadd.s32 $0xFFFFC000  }
0x208: {  	_ =	swait.ge [sflag:s22], $0x4000  }
0x209: {  	[sflag:s22] =	ssyncset.done $0x0  }
0x20a: {  	[sflag:s22] =	ssyncadd.s32 $0xFFFFC000  }
0x20b: {  	_ =	swait.ge [sflag:s23], $0x400  }
0x20c: {  	[sflag:s23] =	ssyncset.done $0x0  }
0x20d: {  	[sflag:s23] =	ssyncadd.s32 $0xFFFFFC00  }
0x20e: {  	_ =	swait.ge [sflag:s23], $0x400  }
0x20f: {  	[sflag:s23] =	ssyncset.done $0x0  }
0x210: {  	[sflag:s23] =	ssyncadd.s32 $0xFFFFFC00  }
0x211: {  	[bflag:$0x0] =	sbarrier.arrive $0xFFFF  }
0x212: {  	s11 =	rddreg [dreg:$0x1e]  }
0x213: {  	[hbm:s11], [sflag:s8] =	dma.local [spmem:s13], $0x2800  }
0x214: {  	_ =	swait.ge [sflag:s14], $0x2800  }
0x215: {  	s1 =	sadd.s32 $0x1, s1;
	s12 =	rddreg [dreg:$0x1f]  }
0x216: {  	p0 =	sne.s32 s1, s12  }
.Ltmp1:
0x217: {  	_ = 	snop;
	(pc) =	sbr.rel @p0 .LBB2_1-.Ltmp1, $3  }
0x218: {  	_ =	sdelay $0x1  }
0x219: {  	[sflag:s14] =	ssyncset.done $0x0  }
0x21a: {  	[sflag:s14] =	ssyncadd.s32 $0xFFFFD800  }
0x21b: {  	_ =	sfence.sel $0x180000  }
0x21c: {  	[bflag:$0x0] =	sbarrier.arrive $0xFFFF  }
0x21d: {  	_ =	strace $0x9000004D  }
0x21e: {  	s0 =	stileid.u32;
	[bflag:$0x2] =	sbarrier.arrive $0xFFFF  }
0x21f: {  	p0 =	sne.s32 s0, $0x0;
	s0 =	rddreg [dreg:$0x3]  }
0x220: {  	s0 =	sadd.s32 @!p0 $0x100000, s0  }
0x221: {  	[sflag:s0] =	ssyncadd.tile.s32 @!p0 $0x1;
	_ =	shalt  }
.Lfunc_end2:
_tile_overlayer_lowered:
.L_overlay_start_2:
0x222: {  	(tag) =	ssettag $0x2  }
0x223: {  	s0 =	rddreg [dreg:$0x0];
	s2 =	stileid.u32  }
0x224: {  	s1 =	rddreg [dreg:$0x1];
	p0 =	sne.s32 s2, $0x0  }
0x225: {  	s3 =	rddreg [dreg:$0x2];
	[bflag:$0x3] =	sbarrier.arrive $0xFFFF;
	s2 =	simm.s32 @!p0 $0x1C04  }
0x226: {  	[timem:s3], [sflag:s2] =	dma.local @!p0 [hbm:s0], s1  }
0x227: {  	s0 =	simm.s32 @!p0 $0x4  }
0x228: {  	_ =	swait.ge @!p0 [sflag:s0], s1  }
0x229: {  	s1 =	ssub.s32 @!p0 $0x0, s1;
	[sflag:s0] =	ssyncset.done @!p0 $0x0  }
0x22a: {  	[sflag:s0] =	ssyncadd.s32 @!p0 s1  }
0x22b: {  	[bflag:$0x3] =	sbarrier.arrive $0xFFFF  }
0x22c: {  	_ =	shalt  }

// kernel: kernel.20.cloned.1.call-start
scs
__scs_entry_jumppad:
0x0: {  	(pc) =	sbr.rel $0x88, $3  }
0x1: {  	(tag) =	ssettag $0x0;
	lr =	simm.s32 $0x1  }
0x2: {  	[smem:$0x3F97] =	sst lr;
	_ =	strace $0xD0000000  }
0x3: {  	_ = 	snop  }
0x4: {  	_ = 	snop  }
0x5: {  	_ = 	snop  }
0x6: {  	_ = 	snop  }
0x7: {  	_ = 	snop  }
__scs_overlays_trampoline_lowered:
0x8: {  	[smem:$0x3FA6] =	sst s0  }
0x9: {  	[smem:$0x3FA7] =	sst s1  }
0xa: {  	[smem:$0x3FA8] =	sst s2  }
0xb: {  	[smem:$0x3FA9] =	sst s3  }
0xc: {  	[smem:$0x3FAA] =	sst s4  }
0xd: {  	[smem:$0x3FAB] =	sst s5  }
0xe: {  	[smem:$0x3FAC] =	sst s6  }
0xf: {  	[smem:$0x3FAD] =	sst s7  }
0x10: {  	[smem:$0x3FAE] =	sst s8  }
0x11: {  	[smem:$0x3FAF] =	sst s9;
	s0 =	simm.s32 @!p0 $0x0  }
0x12: {  	s1 =	sld [smem:$0x3F95];
	s0 =	simm.s32 @p0 $0x1  }
0x13: {  	[smem:$0x3FB0] =	sst s0;
	s0 =	simm.s32 @!p1 $0x0  }
0x14: {  	s2 =	sld [smem:$0x3F94];
	s0 =	simm.s32 @p1 $0x1  }
0x15: {  	[smem:$0x3FB1] =	sst s0;
	s0 =	simm.s32 @!p2 $0x0  }
0x16: {  	s3 =	sld [smem:$0x3FDB];
	s0 =	simm.s32 @p2 $0x1  }
0x17: {  	s4 =	simm.s32 $0x1BF5;
	[smem:$0x3FB3] =	sst s0  }
0x18: {  	s0 =	sld [smem:$0x3F96];
	_ =	swait.ge [sflag:s4], $0x0  }
0x19: {  	s7 =	sld [smem:$0x3F97]  }
0x1a: {  	s8 =	sadd.s32 $0xFFFFE003, lr  }
0x1b: {  	s9 =	sadd.s32 $0xFFFFFEF7, lr;
	s5 =	simm.s32 $0xFFFFFFFF;
	p2 =	slt.u32 s8, $0xFFFFF086  }
0x1c: {  	p1 =	slt.u32 s9, $0xF7A;
	s5 =	simm.s32 @!p2 $0x0  }
0x1d: {  	s5 =	simm.s32 @p1 $0x1;
	p0 =	seq.s32 s7, s2  }
0x1e: {  	s7 =	smul.u32 @!p0 $0xF7A, s2;
	p2 =	seq.s32 @!p0 s5, $0x0  }
0x1f: {  	s9 =	smul.u32 $0xF7A, s1;
	s8 =	simm.s32 @!p0 $0x1BF5;
	p2 =	por !p2, p0  }
0x20: {  	[sflag:s8] =	ssyncset.s32 @!p0 $0xFFFFF086;
	s6 =	sadd.s32 @!p0 s3, s7;
	s7 =	simm.s32 @!p0 $0x108  }
0x21: {  	s3 =	sadd.s32 s3, s9;
	s6 =	sadd.s32 @!p0 $0x88, s6;
	s7 =	simm.s32 @p2 $0x1082  }
0x22: {  	[simem:s7], [sflag:s8] =	dma.local @!p0 [hbm:s6], $0xF7A  }
0x23: {  	s9 =	sor.u32 $0xD0000000, s2;
	s6 =	simm.s32 $0x108;
	_ =	swait.ge @!p0 [sflag:s8], $0x0  }
0x24: {  	s3 =	sadd.s32 $0x88, s3;
	s6 =	simm.s32 @!p1 $0x1082;
	[sflag:s4] =	ssyncset.s32 $0xFFFFF086  }
0x25: {  	[simem:s6], [sflag:s4] =	dma.local [hbm:s3], $0xF7A  }
0x26: {  	[smem:$0x3F97] =	sst s1;
	(tag) =	ssettag s2;
	_ =	strace s9  }
0x27: {  	s1 =	sld [smem:$0x3FA7]  }
0x28: {  	s2 =	sld [smem:$0x3FA8]  }
0x29: {  	s4 =	sld [smem:$0x3FAA]  }
0x2a: {  	p0 =	seq.s32 s5, $0x0;
	s5 =	sld [smem:$0x3FAB]  }
0x2b: {  	s6 =	sld [smem:$0x3FAC]  }
0x2c: {  	s7 =	sld [smem:$0x3FAD]  }
0x2d: {  	s3 =	simm.s32 $0x108;
	s8 =	sld [smem:$0x3FAE]  }
0x2e: {  	s3 =	simm.s32 @!p0 $0x1082;
	s9 =	sld [smem:$0x3FAF]  }
0x2f: {  	lr =	sadd.s32 s0, s3;
	s0 =	sld [smem:$0x3FA6]  }
0x30: {  	s3 =	sld [smem:$0x3FA9]  }
0x31: {  	[smem:$0x3FB2] =	sst s10  }
0x32: {  	s10 =	sld [smem:$0x3FB0];
	_ =	sdelay $0x3  }
0x33: {  	p0 =	seq.s32 s10, $0x1;
	s10 =	sld [smem:$0x3FB2];
	_ =	sdelay $0x3  }
0x34: {  	[smem:$0x3FB2] =	sst s10  }
0x35: {  	s10 =	sld [smem:$0x3FB1];
	_ =	sdelay $0x3  }
0x36: {  	p1 =	seq.s32 s10, $0x1;
	s10 =	sld [smem:$0x3FB2];
	_ =	sdelay $0x3  }
0x37: {  	[smem:$0x3FB2] =	sst s10  }
0x38: {  	s10 =	sld [smem:$0x3FB3]  }
0x39: {  	_ = 	snop;
	(pc) =	sbr.ind lr, $3  }
0x3a: {  	_ = 	snop  }
0x3b: {  	_ = 	snop  }
0x3c: {  	p2 =	seq.s32 s10, $0x1;
	s10 =	sld [smem:$0x3FB2]  }
0x3d: {  	_ =	shalt  }
0x3e: {  	_ =	shalt  }
0x3f: {  	_ =	shalt  }
0x40: {  	_ =	shalt  }
0x41: {  	_ =	shalt  }
0x42: {  	_ =	shalt  }
0x43: {  	_ =	shalt  }
0x44: {  	_ =	shalt  }
0x45: {  	_ =	shalt  }
0x46: {  	_ =	shalt  }
0x47: {  	_ =	shalt  }
0x48: {  	_ =	shalt  }
0x49: {  	_ =	shalt  }
0x4a: {  	_ =	shalt  }
0x4b: {  	_ =	shalt  }
0x4c: {  	_ =	shalt  }
0x4d: {  	_ =	shalt  }
0x4e: {  	_ =	shalt  }
0x4f: {  	_ =	shalt  }
0x50: {  	_ =	shalt  }
0x51: {  	_ =	shalt  }
0x52: {  	_ =	shalt  }
0x53: {  	_ =	shalt  }
0x54: {  	_ =	shalt  }
0x55: {  	_ =	shalt  }
0x56: {  	_ =	shalt  }
0x57: {  	_ =	shalt  }
0x58: {  	_ =	shalt  }
0x59: {  	_ =	shalt  }
0x5a: {  	_ =	shalt  }
0x5b: {  	_ =	shalt  }
0x5c: {  	_ =	shalt  }
0x5d: {  	_ =	shalt  }
0x5e: {  	_ =	shalt  }
0x5f: {  	_ =	shalt  }
0x60: {  	_ =	shalt  }
0x61: {  	_ =	shalt  }
0x62: {  	_ =	shalt  }
0x63: {  	_ =	shalt  }
0x64: {  	_ =	shalt  }
0x65: {  	_ =	shalt  }
0x66: {  	_ =	shalt  }
0x67: {  	_ =	shalt  }
0x68: {  	_ =	shalt  }
0x69: {  	_ =	shalt  }
0x6a: {  	_ =	shalt  }
0x6b: {  	_ =	shalt  }
0x6c: {  	_ =	shalt  }
0x6d: {  	_ =	shalt  }
0x6e: {  	_ =	shalt  }
0x6f: {  	_ =	shalt  }
0x70: {  	_ =	shalt  }
0x71: {  	_ =	shalt  }
0x72: {  	_ =	shalt  }
0x73: {  	_ =	shalt  }
0x74: {  	_ =	shalt  }
0x75: {  	_ =	shalt  }
0x76: {  	_ =	shalt  }
0x77: {  	_ =	shalt  }
0x78: {  	_ =	shalt  }
0x79: {  	_ =	shalt  }
0x7a: {  	_ =	shalt  }
0x7b: {  	_ =	shalt  }
0x7c: {  	_ =	shalt  }
0x7d: {  	_ =	shalt  }
0x7e: {  	_ =	shalt  }
0x7f: {  	_ =	shalt  }
0x80: {  	_ =	shalt  }
0x81: {  	_ =	shalt  }
0x82: {  	_ =	shalt  }
0x83: {  	_ =	shalt  }
0x84: {  	_ =	shalt  }
0x85: {  	_ =	shalt  }
0x86: {  	_ =	shalt  }
0x87: {  	_ =	shalt  }
.Lfunc_end0:
.L_simem_size_0:
called_computation.3_lowered:
.L_overlay_start_0:
0x88: {  	s2 =	sld [smem:$0x3FD9]  }
0x89: {  	s3 =	sld [smem:$0x3FFE];
	_ =	sdelay $0x1  }
0x8a: {  	s1 =	srdreg.scid  }
0x8b: {  	s0 =	sand.u32 $0x1, s1  }
0x8c: {  	s17 =	sshll.u32 s0, $0xA;
	s2 =	sadd.s32 s3, s2  }
0x8d: {  	s2 =	sadd.s32 s2, s17  }
0x8e: {  	[smem:$0x3FBE] =	sst s2  }
0x8f: {  	_ = 	snop  }
0x90: {  	s2 =	sld [smem:$0x3FD0];
	(tm) =	ssettm $0x1  }
0x91: {  	s18 =	sld [smem:$0x3FFB];
	_ =	sdelay $0x3  }
0x92: {  	_ =	strace s18  }
0x93: {  	s3 =	sld [smem:$0x3FFC];
	_ =	sdelay $0x3  }
0x94: {  	_ =	strace s3  }
0x95: {  	s3 =	sld [smem:$0x3FFD];
	_ =	sdelay $0x3  }
0x96: {  	_ =	strace s3  }
0x97: {  	_ =	strace $0x8FFFFFFF  }
0x98: {  	s19 =	sld [smem:$0x3FDB];
	_ =	sdelay $0x1  }
0x99: {  	s4 =	simm.s32 $_scs_section_size  }
0x9a: {  	s5 =	simm.s32 $_size__tile_overlayer_lowered;
	s6 =	simm.s32 $_tile_overlayer_lowered  }
0x9b: {  	s22 =	simm.s32 $0x1BFF;
	s21 =	sshll.u32 s6, $0x1;
	s3 =	sadd.s32 s4, s19  }
0x9c: {  	s7 =	simm.s32 $0x0;
	s20 =	sshll.u32 s5, $0x1;
	s5 =	sadd.s32 s21, s3  }
0x9d: {  	[timem:s7], [sflag:s22] =	dma.local [hbm:s5], s20  }
0x9e: {  	_ =	swait.ge [sflag:s22], s20  }
0x9f: {  	s4 =	ssub.s32 $0x0, s20;
	[sflag:s22] =	ssyncset.done $0x0  }
0xa0: {  	[sflag:s22] =	ssyncadd.s32 s4;
	_ =	sdelay $0x1  }
0xa1: {  	s23 =	simm.s32 $0x1B8B  }
0xa2: {  	_ =	swait.ge [sflag:s23], $0x1  }
0xa3: {  	[sflag:s23] =	ssyncset.done $0x0  }
0xa4: {  	s25 =	simm.s32 $0x1B8E;
	s24 =	sld [smem:$0x3FFE];
	[sflag:s23] =	ssyncadd.s32 $0xFFFFFFFF  }
0xa5: {  	s26 =	simm.s32 $execute0_lowered;
	[smem:$0x3FD2] =	sst s25  }
0xa6: {  	s5 =	sshll.u32 s26, $0x1;
	_ =	strace $0x8000004F;
	[dreg:$0x1] =	wrdreg $0xFFFFFFFF  }
0xa7: {  	s28 =	simm.s32 $_size_execute0_lowered;
	s3 =	sadd.s32 s3, s5;
	[dreg:$0x0] =	wrdreg $0x0  }
0xa8: {  	s5 =	sshll.u32 s28, $0x1;
	[dreg:$0x2] =	wrdreg s3  }
0xa9: {  	[dreg:$0x3] =	wrdreg s5  }
0xaa: {  	[dreg:$0x4] =	wrdreg $0xC0  }
0xab: {  	_ =	task [dreg:s7], $0x5FFFF  }
0xac: {  	[dreg:$0x1] =	wrdreg $0xFFFFFFFF  }
0xad: {  	[dreg:$0x0] =	wrdreg $0x60  }
0xae: {  	[dreg:$0x2] =	wrdreg s24  }
0xaf: {  	[dreg:$0x3] =	wrdreg s2  }
0xb0: {  	[dreg:$0x4] =	wrdreg $0x90000  }
0xb1: {  	[dreg:$0x5] =	wrdreg $0x9  }
0xb2: {  	_ =	task.clear_ibuf [dreg:s7], $0x6FFFF;
	_ =	strace $0x9000004F  }
0xb3: {  	s29 =	simm.s32 $0x9;
	_ =	strace $0x80000051  }
0xb4: {  	_ =	swait.ge [sflag:s29], $0x1  }
0xb5: {  	[sflag:s29] =	ssyncadd.s32 $0xFFFFFFFF  }
0xb6: {  	_ =	strace $0x90000051  }
0xb7: {  	_ =	sfence  }
0xb8: {  	s30 =	sld [smem:$0x0];
	_ =	sdelay $0x2  }
0xb9: {  	s31 =	sshll.u32 s1, $0xD;
	s1 =	sshrl.u32 s1, $0x2  }
0xba: {  	s3 =	sand.u32 $0x4000, s31;
	s1 =	sadd.s32 s1, s30  }
0xbb: {  	s0 =	sor.u32 s3, s0;
	s1 =	sshll.u32 s1, $0x11  }
0xbc: {  	s0 =	sor.u32 s1, s0  }
0xbd: {  	s0 =	sadd.s32 $0x8F2B, s0  }
0xbe: {  	[sflag:s0] =	ssyncadd.remote.s32 $0x1  }
0xbf: {  	_ =	sfence.sel $0xFFFF  }
0xc0: {  	[dreg:$0x0] =	wrdreg $0xFFFFFFFF;
	(pc) =	sbr.abs _section_cstart, $3  }
0xc1: {  	[dreg:$0x1] =	wrdreg $0xFFFFFFFF  }
0xc2: {  	_ =	task.clear_ibuf [dreg:s7], $0x2FFFF;
	_ =	strace $0x9FFFFFFF  }
0xc3: {  	(tm) =	ssettm $0x7FFFFFFF  }
tec
execute0_lowered:
.L_overlay_start_1:
0x0: {  	(tag) =	ssettag $0x1  }
0x1: {  	s0 =	rddreg [dreg:$0x0]  }
0x2: {  	s2 =	rddreg [dreg:$0x1];
	s14 =	stileid.u32  }
0x3: {  	s1 =	srdreg.scid;
	s3 =	rddreg [dreg:$0x2]  }
0x4: {  	s4 =	simm.s32 $0x0;
	s20 =	simm.s32 $0x880;
	s21 =	simm.s32 $0x100  }
0x5: {  	s23 =	simm.s32 $0x180;
	s24 =	simm.s32 $0x900;
	s25 =	simm.s32 $0x980  }
0x6: {  	s28 =	simm.s32 $0x700;
	s29 =	simm.s32 $0x780;
	s30 =	simm.s32 $0xF00  }
0x7: {  	s31 =	simm.s32 $0xF80;
	s6 =	smul.u32 $0x14000, s14;
	[smem:$0x7FF] =	sst s4  }
0x8: {  	s11 =	smul.u32 $0x500, s14;
	_ =	strace $0x80000050;
	[dreg:$0x7] =	wrdreg s20  }
0x9: {  	s1 =	sand.u32 $0x1, s1;
	s13 =	smul.u32 $0x50000, s14;
	[dreg:$0x8] =	wrdreg s21  }
0xa: {  	s22 =	sshll.u32 s14, $0x6;
	s5 =	smul.u32 $0x140000, s1;
	[dreg:$0x9] =	wrdreg s23  }
0xb: {  	s15 =	ssub.s32 $0x2, s1;
	s9 =	sshll.u32 s1, $0x4;
	[dreg:$0xa] =	wrdreg s24  }
0xc: {  	s1 =	smul.u32 $0x5000, s1;
	[dreg:$0xb] =	wrdreg s25;
	s20 =	simm.s32 $0x480  }
0xd: {  	s21 =	simm.s32 $0xC80;
	s23 =	simm.s32 $0x580;
	s24 =	simm.s32 $0xD00  }
0xe: {  	s25 =	simm.s32 $0xD80;
	s8 =	sshrl.u32 s6, $0x3;
	[dreg:$0x14] =	wrdreg s20  }
0xf: {  	s10 =	sshrl.u32 s15, $0x1;
	s9 =	sor.u32 s14, s9;
	[dreg:$0x15] =	wrdreg s21  }
0x10: {  	s18 =	sshrl.u32 s13, $0x2;
	s13 =	simm.s32 $0xA00;
	[dreg:$0x17] =	wrdreg s23  }
0x11: {  	s20 =	simm.s32 $0x5000;
	s21 =	simm.s32 $0x1;
	[dreg:$0x18] =	wrdreg s24  }
0x12: {  	s23 =	simm.s32 $0x3;
	[dreg:$0x19] =	wrdreg s25;
	s24 =	simm.s32 $0x680  }
0x13: {  	s25 =	simm.s32 $0xE00;
	s7 =	sadd.s32 s6, s5;
	s5 =	sadd.s32 $0xE200, s0  }
0x14: {  	s6 =	sadd.s32 $0x4200, s0;
	s8 =	sadd.s32 s8, s0;
	s16 =	smul.u32 $0x50, s9  }
0x15: {  	s19 =	sadd.s32 s18, s3;
	[dreg:$0xe] =	wrdreg s13;
	s18 =	simm.s32 $0xB00  }
0x16: {  	s12 =	sadd.s32 s1, s2;
	s9 =	smul.u32 $0x500, s9;
	[dreg:$0x12] =	wrdreg s18  }
0x17: {  	s12 =	sadd.s32 s11, s12;
	s8 =	sadd.s32 $0x36200, s8;
	[dreg:$0x4] =	wrdreg s16  }
0x18: {  	s13 =	sshrl.u32 s19, $0x3;
	s19 =	simm.s32 $0xB80;
	[dreg:$0x1b] =	wrdreg s8  }
0x19: {  	s7 =	sshrl.u32 s7, $0x3;
	s17 =	sadd.s32 $0x80, s12;
	[dreg:$0x13] =	wrdreg s19  }
0x1a: {  	s1 =	sadd.s32 s1, s6;
	s26 =	sadd.s32 s2, s9;
	[dreg:$0x5] =	wrdreg s17  }
0x1b: {  	s18 =	simm.s32 $0x80;
	s9 =	sadd.s32 s6, s9;
	[dreg:$0x1c] =	wrdreg s26  }
0x1c: {  	s1 =	sadd.s32 s11, s1;
	s11 =	simm.s32 $0x200;
	[dreg:$0x1d] =	wrdreg s9  }
0x1d: {  	s0 =	sadd.s32 s7, s0;
	s12 =	simm.s32 $0x280;
	[dreg:$0xc] =	wrdreg s11  }
0x1e: {  	s7 =	ssub.s32 s15, s10;
	s15 =	simm.s32 $0xA80;
	[dreg:$0xd] =	wrdreg s12  }
0x1f: {  	s8 =	sor.u32 $0x1C04, s22;
	s16 =	simm.s32 $0x300;
	[dreg:$0xf] =	wrdreg s15  }
0x20: {  	s19 =	simm.s32 $0x1000;
	s22 =	simm.s32 $0x500;
	[dreg:$0x10] =	wrdreg s16  }
0x21: {  	s1 =	sadd.s32 $0x80, s1;
	s0 =	sadd.s32 $0x86200, s0;
	[dreg:$0x16] =	wrdreg s22  }
0x22: {  	s14 =	smax.u32 s7, $0x1;
	s17 =	simm.s32 $0x380;
	[dreg:$0x6] =	wrdreg s1  }
0x23: {  	s15 =	simm.s32 $0x800;
	s16 =	simm.s32 $0x400;
	[dreg:$0x1e] =	wrdreg s0  }
0x24: {  	s22 =	simm.s32 $0x2;
	s26 =	simm.s32 $0x600;
	[dreg:$0x1f] =	wrdreg s14  }
0x25: {  	s14 =	simm.s32 $0x4;
	[dreg:$0x11] =	wrdreg s17;
	s17 =	simm.s32 $0xC00  }
0x26: {  	[dreg:$0x1a] =	wrdreg s26;
	s26 =	simm.s32 $0xE80;
	s1 =	simm.s32 $0x0  }
.LBB2_1:
0x27: {  	s0 =	rddreg [dreg:$0x1b]  }
0x28: {  	[spmem:s13], [sflag:s8] =	dma.local [hbm:s0], $0x2800  }
0x29: {  	_ =	swait.ge [sflag:s14], $0x2800  }
0x2a: {  	[sflag:s14] =	ssyncset.done $0x0  }
0x2b: {  	s10 =	rddreg [dreg:$0x1c];
	[sflag:s14] =	ssyncadd.s32 $0xFFFFD800  }
0x2c: {  	[tilespmem:s4], [sflag:$0x4] =	stream.linear.gather [hbm4b:s10+s4], $0x400, $0x38;
	[tilespmem:$0x1D000] =	vst v63  }
0x2d: {  	_ =	swait.ge [sflag:s14], $0x400  }
0x2e: {  	[sflag:s14] =	ssyncset.done $0x0  }
0x2f: {  	s11 =	rddreg [dreg:$0x1d];
	[sflag:s14] =	ssyncadd.s32 $0xFFFFFC00  }
0x30: {  	[tilespmem:s15], [sflag:$0x4] =	stream.linear.gather [hbm4b:s11+s4], $0x400, $0x38;
	[tilespmem:$0x1D000] =	vst v63  }
0x31: {  	_ =	swait.ge [sflag:s14], $0x400  }
0x32: {  	[sflag:s14] =	ssyncset.done $0x0  }
0x33: {  	[sflag:s14] =	ssyncadd.s32 $0xFFFFFC00  }
0x34: {  	[bflag:$0x0] =	sbarrier.arrive $0xFFFF  }
0x35: {  	s12 =	rddreg [dreg:$0x5]  }
0x36: {  	s7 =	rddreg [dreg:$0x6];
	s0 =	sadd.s32 $0x0, s12  }
0x37: {  	[tilespmem:s16], [sflag:$0x3] =	stream.linear.gather [hbm4b:s0+s4], $0x400, $0x38;
	[tilespmem:$0x1D000] =	vst v63  }
0x38: {  	s9 =	sadd.s32 $0x0, s7  }
0x39: {  	[tilespmem:s17], [sflag:$0x3] =	stream.linear.gather [hbm4b:s9+s4], $0x400, $0x38;
	[tilespmem:$0x1D000] =	vst v63  }
0x3a: {  	_ = 	snop  }
0x3b: {  	[tilespmem:s19], [sflag:$0x1] =	stream.indirect.gather [hbm4b:s5+s18], $0x80, s4, s18, $0xb8;
	[tilespmem:$0x1D000] =	vst v63  }
0x3c: {  	_ = 	snop  }
0x3d: {  	[tilespmem:s20], [sflag:$0x1] =	stream.indirect.gather [hbm4b:s5+s18], $0x80, s18, s18, $0xb8;
	[tilespmem:$0x1D000] =	vst v63  }
0x3e: {  	_ =	swait.ge [sflag:s21], $0x4000  }
0x3f: {  	[sflag:s21] =	ssyncset.done $0x0  }
0x40: {  	[sflag:s21] =	ssyncadd.s32 $0xFFFFC000  }
0x41: {  	[spmem:s3] =	stream.indirect.scatter.add.f32 [tilespmem:s19], [sflag:$0x2], $0x80, s15, s18, $0xb8;
	[tilespmem:$0x1D000] =	vst v63  }
0x42: {  	_ =	swait.ge [sflag:s21], $0x4000  }
0x43: {  	[sflag:s21] =	ssyncset.done $0x0  }
0x44: {  	s10 =	rddreg [dreg:$0x7];
	[sflag:s21] =	ssyncadd.s32 $0xFFFFC000  }
0x45: {  	[spmem:s3] =	stream.indirect.scatter.add.f32 [tilespmem:s20], [sflag:$0x2], $0x80, s10, s18, $0xb8;
	[tilespmem:$0x1D000] =	vst v63  }
0x46: {  	_ =	swait.ge [sflag:s22], $0x4000  }
0x47: {  	[sflag:s22] =	ssyncset.done $0x0  }
0x48: {  	[sflag:s22] =	ssyncadd.s32 $0xFFFFC000  }
0x49: {  	_ =	swait.ge [sflag:s22], $0x4000  }
0x4a: {  	[sflag:s22] =	ssyncset.done $0x0  }
0x4b: {  	s11 =	rddreg [dreg:$0x8];
	[sflag:s22] =	ssyncadd.s32 $0xFFFFC000  }
0x4c: {  	[tilespmem:s19], [sflag:$0x1] =	stream.indirect.gather [hbm4b:s5+s18], $0x80, s11, s18, $0xb8;
	[tilespmem:$0x1D000] =	vst v63  }
0x4d: {  	s12 =	rddreg [dreg:$0x9]  }
0x4e: {  	[tilespmem:s20], [sflag:$0x1] =	stream.indirect.gather [hbm4b:s5+s18], $0x80, s12, s18, $0xb8;
	[tilespmem:$0x1D000] =	vst v63  }
0x4f: {  	_ =	swait.ge [sflag:s21], $0x4000  }
0x50: {  	[sflag:s21] =	ssyncset.done $0x0  }
0x51: {  	s9 =	rddreg [dreg:$0xa];
	[sflag:s21] =	ssyncadd.s32 $0xFFFFC000  }
0x52: {  	[spmem:s3] =	stream.indirect.scatter.add.f32 [tilespmem:s19], [sflag:$0x2], $0x80, s9, s18, $0xb8;
	[tilespmem:$0x1D000] =	vst v63  }
0x53: {  	_ =	swait.ge [sflag:s21], $0x4000  }
0x54: {  	[sflag:s21] =	ssyncset.done $0x0  }
0x55: {  	s10 =	rddreg [dreg:$0xb];
	[sflag:s21] =	ssyncadd.s32 $0xFFFFC000  }
0x56: {  	[spmem:s3] =	stream.indirect.scatter.add.f32 [tilespmem:s20], [sflag:$0x2], $0x80, s10, s18, $0xb8;
	[tilespmem:$0x1D000] =	vst v63  }
0x57: {  	_ =	swait.ge [sflag:s22], $0x4000  }
0x58: {  	[sflag:s22] =	ssyncset.done $0x0  }
0x59: {  	[sflag:s22] =	ssyncadd.s32 $0xFFFFC000  }
0x5a: {  	_ =	swait.ge [sflag:s22], $0x4000  }
0x5b: {  	[sflag:s22] =	ssyncset.done $0x0  }
0x5c: {  	s11 =	rddreg [dreg:$0xc];
	[sflag:s22] =	ssyncadd.s32 $0xFFFFC000  }
0x5d: {  	[tilespmem:s19], [sflag:$0x1] =	stream.indirect.gather [hbm4b:s5+s18], $0x80, s11, s18, $0xb8;
	[tilespmem:$0x1D000] =	vst v63  }
0x5e: {  	s12 =	rddreg [dreg:$0xd]  }
0x5f: {  	[tilespmem:s20], [sflag:$0x1] =	stream.indirect.gather [hbm4b:s5+s18], $0x80, s12, s18, $0xb8;
	[tilespmem:$0x1D000] =	vst v63  }
0x60: {  	_ =	swait.ge [sflag:s21], $0x4000  }
0x61: {  	[sflag:s21] =	ssyncset.done $0x0  }
0x62: {  	s7 =	rddreg [dreg:$0xe];
	[sflag:s21] =	ssyncadd.s32 $0xFFFFC000  }
0x63: {  	[spmem:s3] =	stream.indirect.scatter.add.f32 [tilespmem:s19], [sflag:$0x2], $0x80, s7, s18, $0xb8;
	[tilespmem:$0x1D000] =	vst v63  }
0x64: {  	_ =	swait.ge [sflag:s21], $0x4000  }
0x65: {  	[sflag:s21] =	ssyncset.done $0x0  }
0x66: {  	s9 =	rddreg [dreg:$0xf];
	[sflag:s21] =	ssyncadd.s32 $0xFFFFC000  }
0x67: {  	[spmem:s3] =	stream.indirect.scatter.add.f32 [tilespmem:s20], [sflag:$0x2], $0x80, s9, s18, $0xb8;
	[tilespmem:$0x1D000] =	vst v63  }
0x68: {  	_ =	swait.ge [sflag:s22], $0x4000  }
0x69: {  	[sflag:s22] =	ssyncset.done $0x0  }
0x6a: {  	[sflag:s22] =	ssyncadd.s32 $0xFFFFC000  }
0x6b: {  	_ =	swait.ge [sflag:s22], $0x4000  }
0x6c: {  	[sflag:s22] =	ssyncset.done $0x0  }
0x6d: {  	s10 =	rddreg [dreg:$0x10];
	[sflag:s22] =	ssyncadd.s32 $0xFFFFC000  }
0x6e: {  	[tilespmem:s19], [sflag:$0x1] =	stream.indirect.gather [hbm4b:s5+s18], $0x80, s10, s18, $0xb8;
	[tilespmem:$0x1D000] =	vst v63  }
0x6f: {  	s11 =	rddreg [dreg:$0x11]  }
0x70: {  	[tilespmem:s20], [sflag:$0x1] =	stream.indirect.gather [hbm4b:s5+s18], $0x80, s11, s18, $0xb8;
	[tilespmem:$0x1D000] =	vst v63  }
0x71: {  	_ =	swait.ge [sflag:s21], $0x4000  }
0x72: {  	[sflag:s21] =	ssyncset.done $0x0  }
0x73: {  	s12 =	rddreg [dreg:$0x12];
	[sflag:s21] =	ssyncadd.s32 $0xFFFFC000  }
0x74: {  	[spmem:s3] =	stream.indirect.scatter.add.f32 [tilespmem:s19], [sflag:$0x2], $0x80, s12, s18, $0xb8;
	[tilespmem:$0x1D000] =	vst v63  }
0x75: {  	_ =	swait.ge [sflag:s21], $0x4000  }
0x76: {  	[sflag:s21] =	ssyncset.done $0x0  }
0x77: {  	s7 =	rddreg [dreg:$0x13];
	[sflag:s21] =	ssyncadd.s32 $0xFFFFC000  }
0x78: {  	[spmem:s3] =	stream.indirect.scatter.add.f32 [tilespmem:s20], [sflag:$0x2], $0x80, s7, s18, $0xb8;
	[tilespmem:$0x1D000] =	vst v63  }
0x79: {  	_ =	swait.ge [sflag:s22], $0x4000  }
0x7a: {  	[sflag:s22] =	ssyncset.done $0x0  }
0x7b: {  	[sflag:s22] =	ssyncadd.s32 $0xFFFFC000  }
0x7c: {  	_ =	swait.ge [sflag:s22], $0x4000  }
0x7d: {  	[sflag:s22] =	ssyncset.done $0x0  }
0x7e: {  	[sflag:s22] =	ssyncadd.s32 $0xFFFFC000  }
0x7f: {  	_ =	swait.ge [sflag:s23], $0x400  }
0x80: {  	[sflag:s23] =	ssyncset.done $0x0  }
0x81: {  	[sflag:s23] =	ssyncadd.s32 $0xFFFFFC00  }
0x82: {  	p0 =	por $0x0, $0x0;
	s7 =	simm.s32 $0x10;
	_ =	swait.ge [sflag:s23], $0x400  }
0x83: {  	s7 =	simm.s32 @p0 $0x0;
	s9 =	rddreg [dreg:$0x4]  }
0x84: {  	s0 =	sadd.s32 s9, s7  }
0x85: {  	[sflag:s23] =	ssyncset.done $0x0;
	s0 =	sshll.u32 s0, $0x4  }
0x86: {  	[sflag:s23] =	ssyncadd.s32 $0xFFFFFC00;
	s10 =	sadd.s32 s2, s0  }
0x87: {  	[tilespmem:s4], [sflag:$0x3] =	stream.linear.gather [hbm4b:s10+s4], $0x400, $0x38;
	[tilespmem:$0x1D000] =	vst v63  }
0x88: {  	s0 =	sadd.s32 s6, s0  }
0x89: {  	[tilespmem:s15], [sflag:$0x3] =	stream.linear.gather [hbm4b:s0+s4], $0x400, $0x38;
	[tilespmem:$0x1D000] =	vst v63  }
0x8a: {  	_ = 	snop  }
0x8b: {  	[tilespmem:s19], [sflag:$0x1] =	stream.indirect.gather [hbm4b:s5+s18], $0x80, s16, s18, $0xb8;
	[tilespmem:$0x1D000] =	vst v63  }
0x8c: {  	s11 =	rddreg [dreg:$0x14]  }
0x8d: {  	[tilespmem:s20], [sflag:$0x1] =	stream.indirect.gather [hbm4b:s5+s18], $0x80, s11, s18, $0xb8;
	[tilespmem:$0x1D000] =	vst v63  }
0x8e: {  	_ =	swait.ge [sflag:s21], $0x4000  }
0x8f: {  	[sflag:s21] =	ssyncset.done $0x0  }
0x90: {  	[sflag:s21] =	ssyncadd.s32 $0xFFFFC000  }
0x91: {  	[spmem:s3] =	stream.indirect.scatter.add.f32 [tilespmem:s19], [sflag:$0x2], $0x80, s17, s18, $0xb8;
	[tilespmem:$0x1D000] =	vst v63  }
0x92: {  	_ =	swait.ge [sflag:s21], $0x4000  }
0x93: {  	[sflag:s21] =	ssyncset.done $0x0  }
0x94: {  	s12 =	rddreg [dreg:$0x15];
	[sflag:s21] =	ssyncadd.s32 $0xFFFFC000  }
0x95: {  	[spmem:s3] =	stream.indirect.scatter.add.f32 [tilespmem:s20], [sflag:$0x2], $0x80, s12, s18, $0xb8;
	[tilespmem:$0x1D000] =	vst v63  }
0x96: {  	_ =	swait.ge [sflag:s22], $0x4000  }
0x97: {  	[sflag:s22] =	ssyncset.done $0x0  }
0x98: {  	[sflag:s22] =	ssyncadd.s32 $0xFFFFC000  }
0x99: {  	_ =	swait.ge [sflag:s22], $0x4000  }
0x9a: {  	[sflag:s22] =	ssyncset.done $0x0  }
0x9b: {  	s7 =	rddreg [dreg:$0x16];
	[sflag:s22] =	ssyncadd.s32 $0xFFFFC000  }
0x9c: {  	[tilespmem:s19], [sflag:$0x1] =	stream.indirect.gather [hbm4b:s5+s18], $0x80, s7, s18, $0xb8;
	[tilespmem:$0x1D000] =	vst v63  }
0x9d: {  	s9 =	rddreg [dreg:$0x17]  }
0x9e: {  	[tilespmem:s20], [sflag:$0x1] =	stream.indirect.gather [hbm4b:s5+s18], $0x80, s9, s18, $0xb8;
	[tilespmem:$0x1D000] =	vst v63  }
0x9f: {  	_ =	swait.ge [sflag:s21], $0x4000  }
0xa0: {  	[sflag:s21] =	ssyncset.done $0x0  }
0xa1: {  	s10 =	rddreg [dreg:$0x18];
	[sflag:s21] =	ssyncadd.s32 $0xFFFFC000  }
0xa2: {  	[spmem:s3] =	stream.indirect.scatter.add.f32 [tilespmem:s19], [sflag:$0x2], $0x80, s10, s18, $0xb8;
	[tilespmem:$0x1D000] =	vst v63  }
0xa3: {  	_ =	swait.ge [sflag:s21], $0x4000  }
0xa4: {  	[sflag:s21] =	ssyncset.done $0x0  }
0xa5: {  	s11 =	rddreg [dreg:$0x19];
	[sflag:s21] =	ssyncadd.s32 $0xFFFFC000  }
0xa6: {  	[spmem:s3] =	stream.indirect.scatter.add.f32 [tilespmem:s20], [sflag:$0x2], $0x80, s11, s18, $0xb8;
	[tilespmem:$0x1D000] =	vst v63  }
0xa7: {  	_ =	swait.ge [sflag:s22], $0x4000  }
0xa8: {  	[sflag:s22] =	ssyncset.done $0x0  }
0xa9: {  	[sflag:s22] =	ssyncadd.s32 $0xFFFFC000  }
0xaa: {  	_ =	swait.ge [sflag:s22], $0x4000  }
0xab: {  	[sflag:s22] =	ssyncset.done $0x0  }
0xac: {  	s12 =	rddreg [dreg:$0x1a];
	[sflag:s22] =	ssyncadd.s32 $0xFFFFC000  }
0xad: {  	[tilespmem:s19], [sflag:$0x1] =	stream.indirect.gather [hbm4b:s5+s18], $0x80, s12, s18, $0xb8;
	[tilespmem:$0x1D000] =	vst v63  }
0xae: {  	_ = 	snop  }
0xaf: {  	[tilespmem:s20], [sflag:$0x1] =	stream.indirect.gather [hbm4b:s5+s18], $0x80, s24, s18, $0xb8;
	[tilespmem:$0x1D000] =	vst v63  }
0xb0: {  	_ =	swait.ge [sflag:s21], $0x4000  }
0xb1: {  	[sflag:s21] =	ssyncset.done $0x0  }
0xb2: {  	[sflag:s21] =	ssyncadd.s32 $0xFFFFC000  }
0xb3: {  	[spmem:s3] =	stream.indirect.scatter.add.f32 [tilespmem:s19], [sflag:$0x2], $0x80, s25, s18, $0xb8;
	[tilespmem:$0x1D000] =	vst v63  }
0xb4: {  	_ =	swait.ge [sflag:s21], $0x4000  }
0xb5: {  	[sflag:s21] =	ssyncset.done $0x0  }
0xb6: {  	[sflag:s21] =	ssyncadd.s32 $0xFFFFC000  }
0xb7: {  	[spmem:s3] =	stream.indirect.scatter.add.f32 [tilespmem:s20], [sflag:$0x2], $0x80, s26, s18, $0xb8;
	[tilespmem:$0x1D000] =	vst v63  }
0xb8: {  	_ =	swait.ge [sflag:s22], $0x4000  }
0xb9: {  	[sflag:s22] =	ssyncset.done $0x0  }
0xba: {  	[sflag:s22] =	ssyncadd.s32 $0xFFFFC000  }
0xbb: {  	_ =	swait.ge [sflag:s22], $0x4000  }
0xbc: {  	[sflag:s22] =	ssyncset.done $0x0  }
0xbd: {  	[sflag:s22] =	ssyncadd.s32 $0xFFFFC000  }
0xbe: {  	[tilespmem:s19], [sflag:$0x1] =	stream.indirect.gather [hbm4b:s5+s18], $0x80, s28, s18, $0xb8;
	[tilespmem:$0x1D000] =	vst v63  }
0xbf: {  	_ = 	snop  }
0xc0: {  	[tilespmem:s20], [sflag:$0x1] =	stream.indirect.gather [hbm4b:s5+s18], $0x80, s29, s18, $0xb8;
	[tilespmem:$0x1D000] =	vst v63  }
0xc1: {  	_ =	swait.ge [sflag:s21], $0x4000  }
0xc2: {  	[sflag:s21] =	ssyncset.done $0x0  }
0xc3: {  	[sflag:s21] =	ssyncadd.s32 $0xFFFFC000  }
0xc4: {  	[spmem:s3] =	stream.indirect.scatter.add.f32 [tilespmem:s19], [sflag:$0x2], $0x80, s30, s18, $0xb8;
	[tilespmem:$0x1D000] =	vst v63  }
0xc5: {  	_ =	swait.ge [sflag:s21], $0x4000  }
0xc6: {  	[sflag:s21] =	ssyncset.done $0x0  }
0xc7: {  	[sflag:s21] =	ssyncadd.s32 $0xFFFFC000  }
0xc8: {  	[spmem:s3] =	stream.indirect.scatter.add.f32 [tilespmem:s20], [sflag:$0x2], $0x80, s31, s18, $0xb8;
	[tilespmem:$0x1D000] =	vst v63  }
0xc9: {  	_ =	swait.ge [sflag:s22], $0x4000  }
0xca: {  	[sflag:s22] =	ssyncset.done $0x0  }
0xcb: {  	[sflag:s22] =	ssyncadd.s32 $0xFFFFC000  }
0xcc: {  	_ =	swait.ge [sflag:s22], $0x4000  }
0xcd: {  	[sflag:s22] =	ssyncset.done $0x0  }
0xce: {  	[sflag:s22] =	ssyncadd.s32 $0xFFFFC000  }
0xcf: {  	_ =	swait.ge [sflag:s23], $0x400  }
0xd0: {  	[sflag:s23] =	ssyncset.done $0x0  }
0xd1: {  	[sflag:s23] =	ssyncadd.s32 $0xFFFFFC00  }
0xd2: {  	s0 =	simm.s32 $0x100;
	s7 =	simm.s32 $0x20;
	_ =	swait.ge [sflag:s23], $0x400  }
0xd3: {  	s9 =	simm.s32 $0x200;
	s11 =	rddreg [dreg:$0x5];
	[sflag:s23] =	ssyncset.done $0x0  }
.LBB2_2:
0xd4: {  	[sflag:s23] =	ssyncadd.s32 $0xFFFFFC00;
	s12 =	rddreg [dreg:$0x6];
	s11 =	sadd.s32 s0, s11  }
0xd5: {  	[tilespmem:s16], [sflag:$0x3] =	stream.linear.gather [hbm4b:s11+s4], $0x400, $0x38;
	[tilespmem:$0x1D000] =	vst v63  }
0xd6: {  	s12 =	sadd.s32 s0, s12  }
0xd7: {  	[tilespmem:s17], [sflag:$0x3] =	stream.linear.gather [hbm4b:s12+s4], $0x400, $0x38;
	[tilespmem:$0x1D000] =	vst v63  }
0xd8: {  	_ = 	snop  }
0xd9: {  	[tilespmem:s19], [sflag:$0x1] =	stream.indirect.gather [hbm4b:s5+s18], $0x80, s4, s18, $0xb8;
	[tilespmem:$0x1D000] =	vst v63  }
0xda: {  	_ = 	snop  }
0xdb: {  	[tilespmem:s20], [sflag:$0x1] =	stream.indirect.gather [hbm4b:s5+s18], $0x80, s18, s18, $0xb8;
	[tilespmem:$0x1D000] =	vst v63  }
0xdc: {  	_ =	swait.ge [sflag:s21], $0x4000  }
0xdd: {  	[sflag:s21] =	ssyncset.done $0x0  }
0xde: {  	[sflag:s21] =	ssyncadd.s32 $0xFFFFC000  }
0xdf: {  	[spmem:s3] =	stream.indirect.scatter.add.f32 [tilespmem:s19], [sflag:$0x2], $0x80, s15, s18, $0xb8;
	[tilespmem:$0x1D000] =	vst v63  }
0xe0: {  	_ =	swait.ge [sflag:s21], $0x4000  }
0xe1: {  	[sflag:s21] =	ssyncset.done $0x0  }
0xe2: {  	s12 =	rddreg [dreg:$0x7];
	[sflag:s21] =	ssyncadd.s32 $0xFFFFC000  }
0xe3: {  	[spmem:s3] =	stream.indirect.scatter.add.f32 [tilespmem:s20], [sflag:$0x2], $0x80, s12, s18, $0xb8;
	[tilespmem:$0x1D000] =	vst v63  }
0xe4: {  	_ =	swait.ge [sflag:s22], $0x4000  }
0xe5: {  	[sflag:s22] =	ssyncset.done $0x0  }
0xe6: {  	[sflag:s22] =	ssyncadd.s32 $0xFFFFC000  }
0xe7: {  	_ =	swait.ge [sflag:s22], $0x4000  }
0xe8: {  	[sflag:s22] =	ssyncset.done $0x0  }
0xe9: {  	s11 =	rddreg [dreg:$0x8];
	[sflag:s22] =	ssyncadd.s32 $0xFFFFC000  }
0xea: {  	[tilespmem:s19], [sflag:$0x1] =	stream.indirect.gather [hbm4b:s5+s18], $0x80, s11, s18, $0xb8;
	[tilespmem:$0x1D000] =	vst v63  }
0xeb: {  	s12 =	rddreg [dreg:$0x9]  }
0xec: {  	[tilespmem:s20], [sflag:$0x1] =	stream.indirect.gather [hbm4b:s5+s18], $0x80, s12, s18, $0xb8;
	[tilespmem:$0x1D000] =	vst v63  }
0xed: {  	_ =	swait.ge [sflag:s21], $0x4000  }
0xee: {  	[sflag:s21] =	ssyncset.done $0x0  }
0xef: {  	s12 =	rddreg [dreg:$0xa];
	[sflag:s21] =	ssyncadd.s32 $0xFFFFC000  }
0xf0: {  	[spmem:s3] =	stream.indirect.scatter.add.f32 [tilespmem:s19], [sflag:$0x2], $0x80, s12, s18, $0xb8;
	[tilespmem:$0x1D000] =	vst v63  }
0xf1: {  	_ =	swait.ge [sflag:s21], $0x4000  }
0xf2: {  	[sflag:s21] =	ssyncset.done $0x0  }
0xf3: {  	s12 =	rddreg [dreg:$0xb];
	[sflag:s21] =	ssyncadd.s32 $0xFFFFC000  }
0xf4: {  	[spmem:s3] =	stream.indirect.scatter.add.f32 [tilespmem:s20], [sflag:$0x2], $0x80, s12, s18, $0xb8;
	[tilespmem:$0x1D000] =	vst v63  }
0xf5: {  	_ =	swait.ge [sflag:s22], $0x4000  }
0xf6: {  	[sflag:s22] =	ssyncset.done $0x0  }
0xf7: {  	[sflag:s22] =	ssyncadd.s32 $0xFFFFC000  }
0xf8: {  	_ =	swait.ge [sflag:s22], $0x4000  }
0xf9: {  	[sflag:s22] =	ssyncset.done $0x0  }
0xfa: {  	s11 =	rddreg [dreg:$0xc];
	[sflag:s22] =	ssyncadd.s32 $0xFFFFC000  }
0xfb: {  	[tilespmem:s19], [sflag:$0x1] =	stream.indirect.gather [hbm4b:s5+s18], $0x80, s11, s18, $0xb8;
	[tilespmem:$0x1D000] =	vst v63  }
0xfc: {  	s12 =	rddreg [dreg:$0xd]  }
0xfd: {  	[tilespmem:s20], [sflag:$0x1] =	stream.indirect.gather [hbm4b:s5+s18], $0x80, s12, s18, $0xb8;
	[tilespmem:$0x1D000] =	vst v63  }
0xfe: {  	_ =	swait.ge [sflag:s21], $0x4000  }
0xff: {  	[sflag:s21] =	ssyncset.done $0x0  }
0x100: {  	s12 =	rddreg [dreg:$0xe];
	[sflag:s21] =	ssyncadd.s32 $0xFFFFC000  }
0x101: {  	[spmem:s3] =	stream.indirect.scatter.add.f32 [tilespmem:s19], [sflag:$0x2], $0x80, s12, s18, $0xb8;
	[tilespmem:$0x1D000] =	vst v63  }
0x102: {  	_ =	swait.ge [sflag:s21], $0x4000  }
0x103: {  	[sflag:s21] =	ssyncset.done $0x0  }
0x104: {  	s12 =	rddreg [dreg:$0xf];
	[sflag:s21] =	ssyncadd.s32 $0xFFFFC000  }
0x105: {  	[spmem:s3] =	stream.indirect.scatter.add.f32 [tilespmem:s20], [sflag:$0x2], $0x80, s12, s18, $0xb8;
	[tilespmem:$0x1D000] =	vst v63  }
0x106: {  	_ =	swait.ge [sflag:s22], $0x4000  }
0x107: {  	[sflag:s22] =	ssyncset.done $0x0  }
0x108: {  	[sflag:s22] =	ssyncadd.s32 $0xFFFFC000  }
0x109: {  	_ =	swait.ge [sflag:s22], $0x4000  }
0x10a: {  	[sflag:s22] =	ssyncset.done $0x0  }
0x10b: {  	s11 =	rddreg [dreg:$0x10];
	[sflag:s22] =	ssyncadd.s32 $0xFFFFC000  }
0x10c: {  	[tilespmem:s19], [sflag:$0x1] =	stream.indirect.gather [hbm4b:s5+s18], $0x80, s11, s18, $0xb8;
	[tilespmem:$0x1D000] =	vst v63  }
0x10d: {  	s12 =	rddreg [dreg:$0x11]  }
0x10e: {  	[tilespmem:s20], [sflag:$0x1] =	stream.indirect.gather [hbm4b:s5+s18], $0x80, s12, s18, $0xb8;
	[tilespmem:$0x1D000] =	vst v63  }
0x10f: {  	_ =	swait.ge [sflag:s21], $0x4000  }
0x110: {  	[sflag:s21] =	ssyncset.done $0x0  }
0x111: {  	s12 =	rddreg [dreg:$0x12];
	[sflag:s21] =	ssyncadd.s32 $0xFFFFC000  }
0x112: {  	[spmem:s3] =	stream.indirect.scatter.add.f32 [tilespmem:s19], [sflag:$0x2], $0x80, s12, s18, $0xb8;
	[tilespmem:$0x1D000] =	vst v63  }
0x113: {  	_ =	swait.ge [sflag:s21], $0x4000  }
0x114: {  	[sflag:s21] =	ssyncset.done $0x0  }
0x115: {  	s12 =	rddreg [dreg:$0x13];
	[sflag:s21] =	ssyncadd.s32 $0xFFFFC000  }
0x116: {  	[spmem:s3] =	stream.indirect.scatter.add.f32 [tilespmem:s20], [sflag:$0x2], $0x80, s12, s18, $0xb8;
	[tilespmem:$0x1D000] =	vst v63  }
0x117: {  	_ =	swait.ge [sflag:s22], $0x4000  }
0x118: {  	[sflag:s22] =	ssyncset.done $0x0  }
0x119: {  	[sflag:s22] =	ssyncadd.s32 $0xFFFFC000  }
0x11a: {  	_ =	swait.ge [sflag:s22], $0x4000  }
0x11b: {  	[sflag:s22] =	ssyncset.done $0x0  }
0x11c: {  	[sflag:s22] =	ssyncadd.s32 $0xFFFFC000  }
0x11d: {  	_ =	swait.ge [sflag:s23], $0x400  }
0x11e: {  	[sflag:s23] =	ssyncset.done $0x0  }
0x11f: {  	s10 =	smov.u32 s9;
	p1 =	seq.s32 s0, $0x400;
	[sflag:s23] =	ssyncadd.s32 $0xFFFFFC00  }
0x120: {  	s0 =	smov.u32 s10;
	s10 =	smov.u32 s7;
	_ =	swait.ge [sflag:s23], $0x400  }
0x121: {  	s10 =	simm.s32 @p1 $0x0;
	s12 =	rddreg [dreg:$0x4]  }
0x122: {  	s10 =	sadd.s32 s12, s10  }
0x123: {  	[sflag:s23] =	ssyncset.done $0x0;
	s10 =	sshll.u32 s10, $0x4  }
0x124: {  	[sflag:s23] =	ssyncadd.s32 $0xFFFFFC00;
	s12 =	sadd.s32 s2, s10  }
0x125: {  	[tilespmem:s4], [sflag:$0x3] =	stream.linear.gather [hbm4b:s12+s4], $0x400, $0x38;
	[tilespmem:$0x1D000] =	vst v63  }
0x126: {  	s10 =	sadd.s32 s6, s10  }
0x127: {  	[tilespmem:s15], [sflag:$0x3] =	stream.linear.gather [hbm4b:s10+s4], $0x400, $0x38;
	[tilespmem:$0x1D000] =	vst v63  }
0x128: {  	_ = 	snop  }
0x129: {  	[tilespmem:s19], [sflag:$0x1] =	stream.indirect.gather [hbm4b:s5+s18], $0x80, s16, s18, $0xb8;
	[tilespmem:$0x1D000] =	vst v63  }
0x12a: {  	s11 =	rddreg [dreg:$0x14]  }
0x12b: {  	[tilespmem:s20], [sflag:$0x1] =	stream.indirect.gather [hbm4b:s5+s18], $0x80, s11, s18, $0xb8;
	[tilespmem:$0x1D000] =	vst v63  }
0x12c: {  	_ =	swait.ge [sflag:s21], $0x4000  }
0x12d: {  	[sflag:s21] =	ssyncset.done $0x0  }
0x12e: {  	[sflag:s21] =	ssyncadd.s32 $0xFFFFC000  }
0x12f: {  	[spmem:s3] =	stream.indirect.scatter.add.f32 [tilespmem:s19], [sflag:$0x2], $0x80, s17, s18, $0xb8;
	[tilespmem:$0x1D000] =	vst v63  }
0x130: {  	_ =	swait.ge [sflag:s21], $0x4000  }
0x131: {  	[sflag:s21] =	ssyncset.done $0x0  }
0x132: {  	s12 =	rddreg [dreg:$0x15];
	[sflag:s21] =	ssyncadd.s32 $0xFFFFC000  }
0x133: {  	[spmem:s3] =	stream.indirect.scatter.add.f32 [tilespmem:s20], [sflag:$0x2], $0x80, s12, s18, $0xb8;
	[tilespmem:$0x1D000] =	vst v63  }
0x134: {  	_ =	swait.ge [sflag:s22], $0x4000  }
0x135: {  	[sflag:s22] =	ssyncset.done $0x0  }
0x136: {  	[sflag:s22] =	ssyncadd.s32 $0xFFFFC000  }
0x137: {  	_ =	swait.ge [sflag:s22], $0x4000  }
0x138: {  	[sflag:s22] =	ssyncset.done $0x0  }
0x139: {  	s11 =	rddreg [dreg:$0x16];
	[sflag:s22] =	ssyncadd.s32 $0xFFFFC000  }
0x13a: {  	[tilespmem:s19], [sflag:$0x1] =	stream.indirect.gather [hbm4b:s5+s18], $0x80, s11, s18, $0xb8;
	[tilespmem:$0x1D000] =	vst v63  }
0x13b: {  	s12 =	rddreg [dreg:$0x17]  }
0x13c: {  	[tilespmem:s20], [sflag:$0x1] =	stream.indirect.gather [hbm4b:s5+s18], $0x80, s12, s18, $0xb8;
	[tilespmem:$0x1D000] =	vst v63  }
0x13d: {  	_ =	swait.ge [sflag:s21], $0x4000  }
0x13e: {  	[sflag:s21] =	ssyncset.done $0x0  }
0x13f: {  	s12 =	rddreg [dreg:$0x18];
	[sflag:s21] =	ssyncadd.s32 $0xFFFFC000  }
0x140: {  	[spmem:s3] =	stream.indirect.scatter.add.f32 [tilespmem:s19], [sflag:$0x2], $0x80, s12, s18, $0xb8;
	[tilespmem:$0x1D000] =	vst v63  }
0x141: {  	_ =	swait.ge [sflag:s21], $0x4000  }
0x142: {  	[sflag:s21] =	ssyncset.done $0x0  }
0x143: {  	s11 =	rddreg [dreg:$0x19];
	[sflag:s21] =	ssyncadd.s32 $0xFFFFC000  }
0x144: {  	[spmem:s3] =	stream.indirect.scatter.add.f32 [tilespmem:s20], [sflag:$0x2], $0x80, s11, s18, $0xb8;
	[tilespmem:$0x1D000] =	vst v63  }
0x145: {  	_ =	swait.ge [sflag:s22], $0x4000  }
0x146: {  	[sflag:s22] =	ssyncset.done $0x0  }
0x147: {  	[sflag:s22] =	ssyncadd.s32 $0xFFFFC000  }
0x148: {  	_ =	swait.ge [sflag:s22], $0x4000  }
0x149: {  	[sflag:s22] =	ssyncset.done $0x0  }
0x14a: {  	s12 =	rddreg [dreg:$0x1a];
	[sflag:s22] =	ssyncadd.s32 $0xFFFFC000  }
0x14b: {  	[tilespmem:s19], [sflag:$0x1] =	stream.indirect.gather [hbm4b:s5+s18], $0x80, s12, s18, $0xb8;
	[tilespmem:$0x1D000] =	vst v63  }
0x14c: {  	_ = 	snop  }
0x14d: {  	[tilespmem:s20], [sflag:$0x1] =	stream.indirect.gather [hbm4b:s5+s18], $0x80, s24, s18, $0xb8;
	[tilespmem:$0x1D000] =	vst v63  }
0x14e: {  	_ =	swait.ge [sflag:s21], $0x4000  }
0x14f: {  	[sflag:s21] =	ssyncset.done $0x0  }
0x150: {  	[sflag:s21] =	ssyncadd.s32 $0xFFFFC000  }
0x151: {  	[spmem:s3] =	stream.indirect.scatter.add.f32 [tilespmem:s19], [sflag:$0x2], $0x80, s25, s18, $0xb8;
	[tilespmem:$0x1D000] =	vst v63  }
0x152: {  	_ =	swait.ge [sflag:s21], $0x4000  }
0x153: {  	[sflag:s21] =	ssyncset.done $0x0  }
0x154: {  	[sflag:s21] =	ssyncadd.s32 $0xFFFFC000  }
0x155: {  	[spmem:s3] =	stream.indirect.scatter.add.f32 [tilespmem:s20], [sflag:$0x2], $0x80, s26, s18, $0xb8;
	[tilespmem:$0x1D000] =	vst v63  }
0x156: {  	_ =	swait.ge [sflag:s22], $0x4000  }
0x157: {  	[sflag:s22] =	ssyncset.done $0x0  }
0x158: {  	[sflag:s22] =	ssyncadd.s32 $0xFFFFC000  }
0x159: {  	_ =	swait.ge [sflag:s22], $0x4000  }
0x15a: {  	[sflag:s22] =	ssyncset.done $0x0  }
0x15b: {  	[sflag:s22] =	ssyncadd.s32 $0xFFFFC000  }
0x15c: {  	[tilespmem:s19], [sflag:$0x1] =	stream.indirect.gather [hbm4b:s5+s18], $0x80, s28, s18, $0xb8;
	[tilespmem:$0x1D000] =	vst v63  }
0x15d: {  	_ = 	snop  }
0x15e: {  	[tilespmem:s20], [sflag:$0x1] =	stream.indirect.gather [hbm4b:s5+s18], $0x80, s29, s18, $0xb8;
	[tilespmem:$0x1D000] =	vst v63  }
0x15f: {  	_ =	swait.ge [sflag:s21], $0x4000  }
0x160: {  	[sflag:s21] =	ssyncset.done $0x0  }
0x161: {  	[sflag:s21] =	ssyncadd.s32 $0xFFFFC000  }
0x162: {  	[spmem:s3] =	stream.indirect.scatter.add.f32 [tilespmem:s19], [sflag:$0x2], $0x80, s30, s18, $0xb8;
	[tilespmem:$0x1D000] =	vst v63  }
0x163: {  	_ =	swait.ge [sflag:s21], $0x4000  }
0x164: {  	[sflag:s21] =	ssyncset.done $0x0  }
0x165: {  	[sflag:s21] =	ssyncadd.s32 $0xFFFFC000  }
0x166: {  	[spmem:s3] =	stream.indirect.scatter.add.f32 [tilespmem:s20], [sflag:$0x2], $0x80, s31, s18, $0xb8;
	[tilespmem:$0x1D000] =	vst v63  }
0x167: {  	_ =	swait.ge [sflag:s22], $0x4000  }
0x168: {  	[sflag:s22] =	ssyncset.done $0x0  }
0x169: {  	[sflag:s22] =	ssyncadd.s32 $0xFFFFC000  }
0x16a: {  	_ =	swait.ge [sflag:s22], $0x4000  }
0x16b: {  	[sflag:s22] =	ssyncset.done $0x0  }
0x16c: {  	p0 =	sne.s32 s9, $0x400;
	[sflag:s22] =	ssyncadd.s32 $0xFFFFC000  }
.Ltmp0:
0x16d: {  	_ =	swait.ge [sflag:s23], $0x400;
	(pc) =	sbr.rel @p0 .LBB2_2-.Ltmp0, $4  }
0x16e: {  	[sflag:s23] =	ssyncset.done $0x0  }
0x16f: {  	[sflag:s23] =	ssyncadd.s32 $0xFFFFFC00  }
0x170: {  	s9 =	sadd.s32 $0x100, s9;
	_ =	swait.ge [sflag:s23], $0x400  }
0x171: {  	s7 =	sadd.s32 $0x10, s7;
	s11 =	rddreg [dreg:$0x5];
	[sflag:s23] =	ssyncset.done $0x0  }
0x172: {  	s9 =	rddreg [dreg:$0x6];
	[sflag:s23] =	ssyncadd.s32 $0xFFFFFC00;
	s10 =	sadd.s32 s0, s11  }
0x173: {  	[tilespmem:s16], [sflag:$0x3] =	stream.linear.gather [hbm4b:s10+s4], $0x400, $0x38;
	[tilespmem:$0x1D000] =	vst v63  }
0x174: {  	s9 =	sadd.s32 s0, s9  }
0x175: {  	[tilespmem:s17], [sflag:$0x3] =	stream.linear.gather [hbm4b:s9+s4], $0x400, $0x38;
	[tilespmem:$0x1D000] =	vst v63  }
0x176: {  	_ = 	snop  }
0x177: {  	[tilespmem:s19], [sflag:$0x1] =	stream.indirect.gather [hbm4b:s5+s18], $0x80, s4, s18, $0xb8;
	[tilespmem:$0x1D000] =	vst v63  }
0x178: {  	_ = 	snop  }
0x179: {  	[tilespmem:s20], [sflag:$0x1] =	stream.indirect.gather [hbm4b:s5+s18], $0x80, s18, s18, $0xb8;
	[tilespmem:$0x1D000] =	vst v63  }
0x17a: {  	_ =	swait.ge [sflag:s21], $0x4000  }
0x17b: {  	[sflag:s21] =	ssyncset.done $0x0  }
0x17c: {  	[sflag:s21] =	ssyncadd.s32 $0xFFFFC000  }
0x17d: {  	[spmem:s3] =	stream.indirect.scatter.add.f32 [tilespmem:s19], [sflag:$0x2], $0x80, s15, s18, $0xb8;
	[tilespmem:$0x1D000] =	vst v63  }
0x17e: {  	_ =	swait.ge [sflag:s21], $0x4000  }
0x17f: {  	[sflag:s21] =	ssyncset.done $0x0  }
0x180: {  	s10 =	rddreg [dreg:$0x7];
	[sflag:s21] =	ssyncadd.s32 $0xFFFFC000  }
0x181: {  	[spmem:s3] =	stream.indirect.scatter.add.f32 [tilespmem:s20], [sflag:$0x2], $0x80, s10, s18, $0xb8;
	[tilespmem:$0x1D000] =	vst v63  }
0x182: {  	_ =	swait.ge [sflag:s22], $0x4000  }
0x183: {  	[sflag:s22] =	ssyncset.done $0x0  }
0x184: {  	[sflag:s22] =	ssyncadd.s32 $0xFFFFC000  }
0x185: {  	_ =	swait.ge [sflag:s22], $0x4000  }
0x186: {  	[sflag:s22] =	ssyncset.done $0x0  }
0x187: {  	s11 =	rddreg [dreg:$0x8];
	[sflag:s22] =	ssyncadd.s32 $0xFFFFC000  }
0x188: {  	[tilespmem:s19], [sflag:$0x1] =	stream.indirect.gather [hbm4b:s5+s18], $0x80, s11, s18, $0xb8;
	[tilespmem:$0x1D000] =	vst v63  }
0x189: {  	s12 =	rddreg [dreg:$0x9]  }
0x18a: {  	[tilespmem:s20], [sflag:$0x1] =	stream.indirect.gather [hbm4b:s5+s18], $0x80, s12, s18, $0xb8;
	[tilespmem:$0x1D000] =	vst v63  }
0x18b: {  	_ =	swait.ge [sflag:s21], $0x4000  }
0x18c: {  	[sflag:s21] =	ssyncset.done $0x0  }
0x18d: {  	s11 =	rddreg [dreg:$0xa];
	[sflag:s21] =	ssyncadd.s32 $0xFFFFC000  }
0x18e: {  	[spmem:s3] =	stream.indirect.scatter.add.f32 [tilespmem:s19], [sflag:$0x2], $0x80, s11, s18, $0xb8;
	[tilespmem:$0x1D000] =	vst v63  }
0x18f: {  	_ =	swait.ge [sflag:s21], $0x4000  }
0x190: {  	[sflag:s21] =	ssyncset.done $0x0  }
0x191: {  	s12 =	rddreg [dreg:$0xb];
	[sflag:s21] =	ssyncadd.s32 $0xFFFFC000  }
0x192: {  	[spmem:s3] =	stream.indirect.scatter.add.f32 [tilespmem:s20], [sflag:$0x2], $0x80, s12, s18, $0xb8;
	[tilespmem:$0x1D000] =	vst v63  }
0x193: {  	_ =	swait.ge [sflag:s22], $0x4000  }
0x194: {  	[sflag:s22] =	ssyncset.done $0x0  }
0x195: {  	[sflag:s22] =	ssyncadd.s32 $0xFFFFC000  }
0x196: {  	_ =	swait.ge [sflag:s22], $0x4000  }
0x197: {  	[sflag:s22] =	ssyncset.done $0x0  }
0x198: {  	s10 =	rddreg [dreg:$0xc];
	[sflag:s22] =	ssyncadd.s32 $0xFFFFC000  }
0x199: {  	[tilespmem:s19], [sflag:$0x1] =	stream.indirect.gather [hbm4b:s5+s18], $0x80, s10, s18, $0xb8;
	[tilespmem:$0x1D000] =	vst v63  }
0x19a: {  	s11 =	rddreg [dreg:$0xd]  }
0x19b: {  	[tilespmem:s20], [sflag:$0x1] =	stream.indirect.gather [hbm4b:s5+s18], $0x80, s11, s18, $0xb8;
	[tilespmem:$0x1D000] =	vst v63  }
0x19c: {  	_ =	swait.ge [sflag:s21], $0x4000  }
0x19d: {  	[sflag:s21] =	ssyncset.done $0x0  }
0x19e: {  	s12 =	rddreg [dreg:$0xe];
	[sflag:s21] =	ssyncadd.s32 $0xFFFFC000  }
0x19f: {  	[spmem:s3] =	stream.indirect.scatter.add.f32 [tilespmem:s19], [sflag:$0x2], $0x80, s12, s18, $0xb8;
	[tilespmem:$0x1D000] =	vst v63  }
0x1a0: {  	_ =	swait.ge [sflag:s21], $0x4000  }
0x1a1: {  	[sflag:s21] =	ssyncset.done $0x0  }
0x1a2: {  	s10 =	rddreg [dreg:$0xf];
	[sflag:s21] =	ssyncadd.s32 $0xFFFFC000  }
0x1a3: {  	[spmem:s3] =	stream.indirect.scatter.add.f32 [tilespmem:s20], [sflag:$0x2], $0x80, s10, s18, $0xb8;
	[tilespmem:$0x1D000] =	vst v63  }
0x1a4: {  	_ =	swait.ge [sflag:s22], $0x4000  }
0x1a5: {  	[sflag:s22] =	ssyncset.done $0x0  }
0x1a6: {  	[sflag:s22] =	ssyncadd.s32 $0xFFFFC000  }
0x1a7: {  	_ =	swait.ge [sflag:s22], $0x4000  }
0x1a8: {  	[sflag:s22] =	ssyncset.done $0x0  }
0x1a9: {  	s11 =	rddreg [dreg:$0x10];
	[sflag:s22] =	ssyncadd.s32 $0xFFFFC000  }
0x1aa: {  	[tilespmem:s19], [sflag:$0x1] =	stream.indirect.gather [hbm4b:s5+s18], $0x80, s11, s18, $0xb8;
	[tilespmem:$0x1D000] =	vst v63  }
0x1ab: {  	s12 =	rddreg [dreg:$0x11]  }
0x1ac: {  	[tilespmem:s20], [sflag:$0x1] =	stream.indirect.gather [hbm4b:s5+s18], $0x80, s12, s18, $0xb8;
	[tilespmem:$0x1D000] =	vst v63  }
0x1ad: {  	_ =	swait.ge [sflag:s21], $0x4000  }
0x1ae: {  	[sflag:s21] =	ssyncset.done $0x0  }
0x1af: {  	s11 =	rddreg [dreg:$0x12];
	[sflag:s21] =	ssyncadd.s32 $0xFFFFC000  }
0x1b0: {  	[spmem:s3] =	stream.indirect.scatter.add.f32 [tilespmem:s19], [sflag:$0x2], $0x80, s11, s18, $0xb8;
	[tilespmem:$0x1D000] =	vst v63  }
0x1b1: {  	_ =	swait.ge [sflag:s21], $0x4000  }
0x1b2: {  	[sflag:s21] =	ssyncset.done $0x0  }
0x1b3: {  	s12 =	rddreg [dreg:$0x13];
	[sflag:s21] =	ssyncadd.s32 $0xFFFFC000  }
0x1b4: {  	[spmem:s3] =	stream.indirect.scatter.add.f32 [tilespmem:s20], [sflag:$0x2], $0x80, s12, s18, $0xb8;
	[tilespmem:$0x1D000] =	vst v63  }
0x1b5: {  	_ =	swait.ge [sflag:s22], $0x4000  }
0x1b6: {  	[sflag:s22] =	ssyncset.done $0x0  }
0x1b7: {  	[sflag:s22] =	ssyncadd.s32 $0xFFFFC000  }
0x1b8: {  	_ =	swait.ge [sflag:s22], $0x4000  }
0x1b9: {  	[sflag:s22] =	ssyncset.done $0x0  }
0x1ba: {  	[sflag:s22] =	ssyncadd.s32 $0xFFFFC000  }
0x1bb: {  	_ =	swait.ge [sflag:s23], $0x400  }
0x1bc: {  	[sflag:s23] =	ssyncset.done $0x0  }
0x1bd: {  	[sflag:s23] =	ssyncadd.s32 $0xFFFFFC00  }
0x1be: {  	p0 =	seq.s32 s0, $0x400;
	_ =	swait.ge [sflag:s23], $0x400  }
0x1bf: {  	s7 =	simm.s32 @p0 $0x0;
	s10 =	rddreg [dreg:$0x4]  }
0x1c0: {  	s11 =	sadd.s32 s10, s7  }
0x1c1: {  	[sflag:s23] =	ssyncset.done $0x0;
	s0 =	sshll.u32 s11, $0x4  }
0x1c2: {  	[sflag:s23] =	ssyncadd.s32 $0xFFFFFC00;
	s12 =	sadd.s32 s2, s0  }
0x1c3: {  	[tilespmem:s4], [sflag:$0x3] =	stream.linear.gather [hbm4b:s12+s4], $0x400, $0x38;
	[tilespmem:$0x1D000] =	vst v63  }
0x1c4: {  	s0 =	sadd.s32 s6, s0  }
0x1c5: {  	[tilespmem:s15], [sflag:$0x3] =	stream.linear.gather [hbm4b:s0+s4], $0x400, $0x38;
	[tilespmem:$0x1D000] =	vst v63  }
0x1c6: {  	_ = 	snop  }
0x1c7: {  	[tilespmem:s19], [sflag:$0x1] =	stream.indirect.gather [hbm4b:s5+s18], $0x80, s16, s18, $0xb8;
	[tilespmem:$0x1D000] =	vst v63  }
0x1c8: {  	s9 =	rddreg [dreg:$0x14]  }
0x1c9: {  	[tilespmem:s20], [sflag:$0x1] =	stream.indirect.gather [hbm4b:s5+s18], $0x80, s9, s18, $0xb8;
	[tilespmem:$0x1D000] =	vst v63  }
0x1ca: {  	_ =	swait.ge [sflag:s21], $0x4000  }
0x1cb: {  	[sflag:s21] =	ssyncset.done $0x0  }
0x1cc: {  	[sflag:s21] =	ssyncadd.s32 $0xFFFFC000  }
0x1cd: {  	[spmem:s3] =	stream.indirect.scatter.add.f32 [tilespmem:s19], [sflag:$0x2], $0x80, s17, s18, $0xb8;
	[tilespmem:$0x1D000] =	vst v63  }
0x1ce: {  	_ =	swait.ge [sflag:s21], $0x4000  }
0x1cf: {  	[sflag:s21] =	ssyncset.done $0x0  }
0x1d0: {  	s10 =	rddreg [dreg:$0x15];
	[sflag:s21] =	ssyncadd.s32 $0xFFFFC000  }
0x1d1: {  	[spmem:s3] =	stream.indirect.scatter.add.f32 [tilespmem:s20], [sflag:$0x2], $0x80, s10, s18, $0xb8;
	[tilespmem:$0x1D000] =	vst v63  }
0x1d2: {  	_ =	swait.ge [sflag:s22], $0x4000  }
0x1d3: {  	[sflag:s22] =	ssyncset.done $0x0  }
0x1d4: {  	[sflag:s22] =	ssyncadd.s32 $0xFFFFC000  }
0x1d5: {  	_ =	swait.ge [sflag:s22], $0x4000  }
0x1d6: {  	[sflag:s22] =	ssyncset.done $0x0  }
0x1d7: {  	s11 =	rddreg [dreg:$0x16];
	[sflag:s22] =	ssyncadd.s32 $0xFFFFC000  }
0x1d8: {  	[tilespmem:s19], [sflag:$0x1] =	stream.indirect.gather [hbm4b:s5+s18], $0x80, s11, s18, $0xb8;
	[tilespmem:$0x1D000] =	vst v63  }
0x1d9: {  	s12 =	rddreg [dreg:$0x17]  }
0x1da: {  	[tilespmem:s20], [sflag:$0x1] =	stream.indirect.gather [hbm4b:s5+s18], $0x80, s12, s18, $0xb8;
	[tilespmem:$0x1D000] =	vst v63  }
0x1db: {  	_ =	swait.ge [sflag:s21], $0x4000  }
0x1dc: {  	[sflag:s21] =	ssyncset.done $0x0  }
0x1dd: {  	s7 =	rddreg [dreg:$0x18];
	[sflag:s21] =	ssyncadd.s32 $0xFFFFC000  }
0x1de: {  	[spmem:s3] =	stream.indirect.scatter.add.f32 [tilespmem:s19], [sflag:$0x2], $0x80, s7, s18, $0xb8;
	[tilespmem:$0x1D000] =	vst v63  }
0x1df: {  	_ =	swait.ge [sflag:s21], $0x4000  }
0x1e0: {  	[sflag:s21] =	ssyncset.done $0x0  }
0x1e1: {  	s9 =	rddreg [dreg:$0x19];
	[sflag:s21] =	ssyncadd.s32 $0xFFFFC000  }
0x1e2: {  	[spmem:s3] =	stream.indirect.scatter.add.f32 [tilespmem:s20], [sflag:$0x2], $0x80, s9, s18, $0xb8;
	[tilespmem:$0x1D000] =	vst v63  }
0x1e3: {  	_ =	swait.ge [sflag:s22], $0x4000  }
0x1e4: {  	[sflag:s22] =	ssyncset.done $0x0  }
0x1e5: {  	[sflag:s22] =	ssyncadd.s32 $0xFFFFC000  }
0x1e6: {  	_ =	swait.ge [sflag:s22], $0x4000  }
0x1e7: {  	[sflag:s22] =	ssyncset.done $0x0  }
0x1e8: {  	s10 =	rddreg [dreg:$0x1a];
	[sflag:s22] =	ssyncadd.s32 $0xFFFFC000  }
0x1e9: {  	[tilespmem:s19], [sflag:$0x1] =	stream.indirect.gather [hbm4b:s5+s18], $0x80, s10, s18, $0xb8;
	[tilespmem:$0x1D000] =	vst v63  }
0x1ea: {  	_ = 	snop  }
0x1eb: {  	[tilespmem:s20], [sflag:$0x1] =	stream.indirect.gather [hbm4b:s5+s18], $0x80, s24, s18, $0xb8;
	[tilespmem:$0x1D000] =	vst v63  }
0x1ec: {  	_ =	swait.ge [sflag:s21], $0x4000  }
0x1ed: {  	[sflag:s21] =	ssyncset.done $0x0  }
0x1ee: {  	[sflag:s21] =	ssyncadd.s32 $0xFFFFC000  }
0x1ef: {  	[spmem:s3] =	stream.indirect.scatter.add.f32 [tilespmem:s19], [sflag:$0x2], $0x80, s25, s18, $0xb8;
	[tilespmem:$0x1D000] =	vst v63  }
0x1f0: {  	_ =	swait.ge [sflag:s21], $0x4000  }
0x1f1: {  	[sflag:s21] =	ssyncset.done $0x0  }
0x1f2: {  	[sflag:s21] =	ssyncadd.s32 $0xFFFFC000  }
0x1f3: {  	[spmem:s3] =	stream.indirect.scatter.add.f32 [tilespmem:s20], [sflag:$0x2], $0x80, s26, s18, $0xb8;
	[tilespmem:$0x1D000] =	vst v63  }
0x1f4: {  	_ =	swait.ge [sflag:s22], $0x4000  }
0x1f5: {  	[sflag:s22] =	ssyncset.done $0x0  }
0x1f6: {  	[sflag:s22] =	ssyncadd.s32 $0xFFFFC000  }
0x1f7: {  	_ =	swait.ge [sflag:s22], $0x4000  }
0x1f8: {  	[sflag:s22] =	ssyncset.done $0x0  }
0x1f9: {  	[sflag:s22] =	ssyncadd.s32 $0xFFFFC000  }
0x1fa: {  	[tilespmem:s19], [sflag:$0x1] =	stream.indirect.gather [hbm4b:s5+s18], $0x80, s28, s18, $0xb8;
	[tilespmem:$0x1D000] =	vst v63  }
0x1fb: {  	_ = 	snop  }
0x1fc: {  	[tilespmem:s20], [sflag:$0x1] =	stream.indirect.gather [hbm4b:s5+s18], $0x80, s29, s18, $0xb8;
	[tilespmem:$0x1D000] =	vst v63  }
0x1fd: {  	_ =	swait.ge [sflag:s21], $0x4000  }
0x1fe: {  	[sflag:s21] =	ssyncset.done $0x0  }
0x1ff: {  	[sflag:s21] =	ssyncadd.s32 $0xFFFFC000  }
0x200: {  	[spmem:s3] =	stream.indirect.scatter.add.f32 [tilespmem:s19], [sflag:$0x2], $0x80, s30, s18, $0xb8;
	[tilespmem:$0x1D000] =	vst v63  }
0x201: {  	_ =	swait.ge [sflag:s21], $0x4000  }
0x202: {  	[sflag:s21] =	ssyncset.done $0x0  }
0x203: {  	[sflag:s21] =	ssyncadd.s32 $0xFFFFC000  }
0x204: {  	[spmem:s3] =	stream.indirect.scatter.add.f32 [tilespmem:s20], [sflag:$0x2], $0x80, s31, s18, $0xb8;
	[tilespmem:$0x1D000] =	vst v63  }
0x205: {  	_ =	swait.ge [sflag:s22], $0x4000  }
0x206: {  	[sflag:s22] =	ssyncset.done $0x0  }
0x207: {  	[sflag:s22] =	ssyncadd.s32 $0xFFFFC000  }
0x208: {  	_ =	swait.ge [sflag:s22], $0x4000  }
0x209: {  	[sflag:s22] =	ssyncset.done $0x0  }
0x20a: {  	[sflag:s22] =	ssyncadd.s32 $0xFFFFC000  }
0x20b: {  	_ =	swait.ge [sflag:s23], $0x400  }
0x20c: {  	[sflag:s23] =	ssyncset.done $0x0  }
0x20d: {  	[sflag:s23] =	ssyncadd.s32 $0xFFFFFC00  }
0x20e: {  	_ =	swait.ge [sflag:s23], $0x400  }
0x20f: {  	[sflag:s23] =	ssyncset.done $0x0  }
0x210: {  	[sflag:s23] =	ssyncadd.s32 $0xFFFFFC00  }
0x211: {  	[bflag:$0x0] =	sbarrier.arrive $0xFFFF  }
0x212: {  	s11 =	rddreg [dreg:$0x1e]  }
0x213: {  	[hbm:s11], [sflag:s8] =	dma.local [spmem:s13], $0x2800  }
0x214: {  	_ =	swait.ge [sflag:s14], $0x2800  }
0x215: {  	s1 =	sadd.s32 $0x1, s1;
	s12 =	rddreg [dreg:$0x1f]  }
0x216: {  	p0 =	sne.s32 s1, s12  }
.Ltmp1:
0x217: {  	_ = 	snop;
	(pc) =	sbr.rel @p0 .LBB2_1-.Ltmp1, $3  }
0x218: {  	_ =	sdelay $0x1  }
0x219: {  	[sflag:s14] =	ssyncset.done $0x0  }
0x21a: {  	[sflag:s14] =	ssyncadd.s32 $0xFFFFD800  }
0x21b: {  	_ =	sfence.sel $0x180000  }
0x21c: {  	[bflag:$0x0] =	sbarrier.arrive $0xFFFF  }
0x21d: {  	_ =	strace $0x90000050  }
0x21e: {  	s0 =	stileid.u32;
	[bflag:$0x2] =	sbarrier.arrive $0xFFFF  }
0x21f: {  	p0 =	sne.s32 s0, $0x0;
	s0 =	rddreg [dreg:$0x3]  }
0x220: {  	s0 =	sadd.s32 @!p0 $0x100000, s0  }
0x221: {  	[sflag:s0] =	ssyncadd.tile.s32 @!p0 $0x1;
	_ =	shalt  }
.Lfunc_end2:
_tile_overlayer_lowered:
.L_overlay_start_2:
0x222: {  	(tag) =	ssettag $0x2  }
0x223: {  	s0 =	rddreg [dreg:$0x0];
	s2 =	stileid.u32  }
0x224: {  	s1 =	rddreg [dreg:$0x1];
	p0 =	sne.s32 s2, $0x0  }
0x225: {  	s3 =	rddreg [dreg:$0x2];
	[bflag:$0x3] =	sbarrier.arrive $0xFFFF;
	s2 =	simm.s32 @!p0 $0x1C04  }
0x226: {  	[timem:s3], [sflag:s2] =	dma.local @!p0 [hbm:s0], s1  }
0x227: {  	s0 =	simm.s32 @!p0 $0x4  }
0x228: {  	_ =	swait.ge @!p0 [sflag:s0], s1  }
0x229: {  	s1 =	ssub.s32 @!p0 $0x0, s1;
	[sflag:s0] =	ssyncset.done @!p0 $0x0  }
0x22a: {  	[sflag:s0] =	ssyncadd.s32 @!p0 s1  }
0x22b: {  	[bflag:$0x3] =	sbarrier.arrive $0xFFFF  }
0x22c: {  	_ =	shalt  }

</sc_bundles>
